<compile_context>
chip_gen: v7x
topology: tpu7x:2x2x1
jax: 0.10.2.dev20260603
libtpu: 0.0.44.dev20260713+nightly
codegen_flags: <defaults>
</compile_context>

<pallas_src>
import functools

import jax
import jax.numpy as jnp
import numpy as np
from jax import lax
from jax.experimental import pallas as pl
from jax.experimental.pallas import tpu as pltpu
from jax.experimental.pallas import tpu_sc as plsc

N = 5000
C = 81
NCLS = C - 1
NP = 5120
K = 512
CBUF = K + 48
SEL = 128
SELBUF = SEL + 32
DETS = 100
DETS_PAD = 112
IMG_W = 1333.0
IMG_H = 800.0
SCORE_THRESH = 0.05
NMS_THRESH = 0.5
BBOX_XFORM_CLIP = float(np.log(1000.0 / 16.0))
NEG = -1e30


def _scalar(v):
  return jnp.max(v)


def _dense_body(ltf, ltn, dxr, dyr, dwr, dhr, pbr,
                sc_o, x1_o, y1_o, x2_o, y2_o):
  lt = ltf[...]
  m = jnp.max(lt, axis=0, keepdims=True)
  den = jnp.sum(jnp.exp(lt - m), axis=0, keepdims=True)
  sc_o[...] = jnp.exp(ltn[...] - m) / den

  pb = pbr[...]
  px1 = pb[0:1]
  py1 = pb[1:2]
  px2 = pb[2:3]
  py2 = pb[3:4]
  w = px2 - px1 + 1.0
  h = py2 - py1 + 1.0
  cx = px1 + 0.5 * w
  cy = py1 + 0.5 * h
  dx = dxr[...] / 10.0
  dy = dyr[...] / 10.0
  dw = jnp.minimum(dwr[...] / 5.0, BBOX_XFORM_CLIP)
  dh = jnp.minimum(dhr[...] / 5.0, BBOX_XFORM_CLIP)
  pcx = dx * w + cx
  pcy = dy * h + cy
  pw = jnp.exp(dw) * w
  ph = jnp.exp(dh) * h
  x1_o[...] = jnp.clip(pcx - 0.5 * pw, 0.0, IMG_W - 1.0)
  y1_o[...] = jnp.clip(pcy - 0.5 * ph, 0.0, IMG_H - 1.0)
  x2_o[...] = jnp.clip(pcx + 0.5 * pw - 1.0, 0.0, IMG_W - 1.0)
  y2_o[...] = jnp.clip(pcy + 0.5 * ph - 1.0, 0.0, IMG_H - 1.0)


def _dense_stage(lt_full, lt_nb, dxt, dyt, dwt, dht, pbt):
  LC = 1280
  grid = (NP // LC,)
  full = lambda r: pl.BlockSpec((r, LC), lambda i: (0, i))
  return pl.pallas_call(
      _dense_body,
      grid=grid,
      in_specs=[full(88), full(NCLS), full(NCLS), full(NCLS), full(NCLS),
                full(NCLS), full(8)],
      out_specs=[full(NCLS)] * 5,
      out_shape=[jax.ShapeDtypeStruct((NCLS, NP), jnp.float32)] * 5,
  )(lt_full, lt_nb, dxt, dyt, dwt, dht, pbt)


def _compact_body(sc_h, x1_h, y1_h, x2_h, y2_h,
                  scc_h, x1c_h, y1c_h, x2c_h, y2c_h, idxc_h,
                  srow, r1, r2, r3, r4, cs, c1, c2, c3, c4, ci):
  wid = lax.axis_index("s") * 2 + lax.axis_index("c")
  lane = lax.iota(jnp.int32, 16)

  def do_class(j):
    pltpu.sync_copy(sc_h.at[j], srow)
    pltpu.sync_copy(x1_h.at[j], r1)
    pltpu.sync_copy(y1_h.at[j], r2)
    pltpu.sync_copy(x2_h.at[j], r3)
    pltpu.sync_copy(y2_h.at[j], r4)

    def init(k, _):
      cs[pl.ds(k * 16, 16)] = jnp.full((16,), -1.0, jnp.float32)
      return 0
    lax.fori_loop(0, CBUF // 16, init, 0)

    def chunk(k, cnt):
      base = k * 16
      sv = srow[pl.ds(base, 16)]
      msk = (sv > SCORE_THRESH) & (base + lane < N)
      csum = plsc.cumsum(jnp.where(msk, 1, 0))
      off = jnp.minimum(cnt, K)
      pos = jnp.where(msk, off + csum - 1, K + 32 + lane)
      plsc.store_scatter(cs, [pos], sv)
      plsc.store_scatter(c1, [pos], r1[pl.ds(base, 16)])
      plsc.store_scatter(c2, [pos], r2[pl.ds(base, 16)])
      plsc.store_scatter(c3, [pos], r3[pl.ds(base, 16)])
      plsc.store_scatter(c4, [pos], r4[pl.ds(base, 16)])
      plsc.store_scatter(ci, [pos], base + lane)
      return cnt + _scalar(csum)

    lax.fori_loop(0, 313, chunk, jnp.int32(0))
    pltpu.sync_copy(cs.at[pl.ds(0, K)], scc_h.at[j])
    pltpu.sync_copy(c1.at[pl.ds(0, K)], x1c_h.at[j])
    pltpu.sync_copy(c2.at[pl.ds(0, K)], y1c_h.at[j])
    pltpu.sync_copy(c3.at[pl.ds(0, K)], x2c_h.at[j])
    pltpu.sync_copy(c4.at[pl.ds(0, K)], y2c_h.at[j])
    pltpu.sync_copy(ci.at[pl.ds(0, K)], idxc_h.at[j])

  for t in range(3):
    j = wid + t * 32
    @pl.when(j < NCLS)
    def _():
      do_class(j)


_SC_PARAMS = pltpu.CompilerParams(use_tc_tiling_on_sc=False,
                                  needs_layout_passes=False)


def _compact_stage(scores, x1, y1, x2, y2):
  mesh = plsc.VectorSubcoreMesh(core_axis_name="c", subcore_axis_name="s")
  f32 = jnp.float32
  kern = functools.partial(
      pl.kernel,
      mesh=mesh,
      out_type=[jax.ShapeDtypeStruct((NCLS, K), f32)] * 5
      + [jax.ShapeDtypeStruct((NCLS, K), jnp.int32)],
      scratch_types=[pltpu.VMEM((NP,), f32)] * 5
      + [pltpu.VMEM((CBUF,), f32)] * 5
      + [pltpu.VMEM((CBUF,), jnp.int32)],
      compiler_params=_SC_PARAMS,
  )(_compact_body)
  return kern(scores, x1, y1, x2, y2)


G = 8


def _nms_body(sc_r, x1_r, y1_r, x2_r, y2_r, kept_o):
  s = sc_r[...]
  x1 = x1_r[...]
  y1 = y1_r[...]
  x2 = x2_r[...]
  y2 = y2_r[...]
  valid = s > SCORE_THRESH
  area = (x2 - x1 + 1.0) * (y2 - y1 + 1.0)

  xx1 = jnp.maximum(x1[:, :, None], x1[:, None, :])
  yy1 = jnp.maximum(y1[:, :, None], y1[:, None, :])
  xx2 = jnp.minimum(x2[:, :, None], x2[:, None, :])
  yy2 = jnp.minimum(y2[:, :, None], y2[:, None, :])
  inter = (jnp.maximum(xx2 - xx1 + 1.0, 0.0)
           * jnp.maximum(yy2 - yy1 + 1.0, 0.0))
  iou = inter / (area[:, :, None] + area[:, None, :] - inter)

  pos = lax.broadcasted_iota(jnp.int32, (K, K), 0)
  posj = lax.broadcasted_iota(jnp.int32, (K, K), 1)
  better = ((s[:, None, :] > s[:, :, None])
            | ((s[:, None, :] == s[:, :, None]) & (posj < pos)[None]))
  msup = jnp.where(better & (iou > NMS_THRESH), 1.0, 0.0)

  keep0 = jnp.where(valid, 1.0, 0.0)

  def cond(c):
    return c[1]

  def body(c):
    keep, _ = c
    sup = lax.dot_general(msup, keep, (((2,), (1,)), ((0,), (0,))),
                          preferred_element_type=jnp.float32)
    new = jnp.where(valid & (sup < 0.5), 1.0, 0.0)
    return new, jnp.any(new != keep)

  keep, _ = lax.while_loop(cond, body, (keep0, jnp.bool_(True)))
  kept_o[...] = jnp.where(keep > 0.5, s, -1.0)


def _nms_stage(scc, x1c, y1c, x2c, y2c):
  spec = pl.BlockSpec((G, K), lambda i: (i, 0))
  return pl.pallas_call(
      _nms_body,
      grid=(NCLS // G,),
      in_specs=[spec] * 5,
      out_specs=spec,
      out_shape=jax.ShapeDtypeStruct((NCLS, K), jnp.float32),
  )(scc, x1c, y1c, x2c, y2c)


def _kth_body(kept_r, tau_o):
  s = kept_r[...]

  def body(_, c):
    lo, hi = c
    mid = (lo + hi) * 0.5
    cnt = jnp.sum(jnp.where(s > mid, 1, 0))
    take = cnt >= DETS
    return jnp.where(take, mid, lo), jnp.where(take, hi, mid)

  lo, _ = lax.fori_loop(0, 48, body, (jnp.float32(0.0), jnp.float32(1.01)))
  tau_o[...] = jnp.full((8, 128), lo, jnp.float32)


def _kth_stage(kept):
  return pl.pallas_call(
      _kth_body,
      out_shape=jax.ShapeDtypeStruct((8, 128), jnp.float32),
  )(kept)


def _final_body(kept_h, idxc_h, tau_h, br_h, qbr_h, pb_h,
                ob_h, oq_h, os_h, ol_h,
                kept_v, idxc_v, tau_v, pbf_v,
                sel_s, sel_c, sel_i,
                ord_s, ord_c, ord_i, ord_row,
                bi0, bi1, bi2, bi3, qi0, qi1, qi2, qi3, qi4, qi5, qi6, qi7,
                bv0, bv1, bv2, bv3, qv0, qv1, qv2, qv3, qv4, qv5, qv6, qv7,
                ob_v, oq_v, ol_v, sem):
  wid = lax.axis_index("s") * 2 + lax.axis_index("c")
  lane = lax.iota(jnp.int32, 16)

  @pl.when(wid == 0)
  def _():
    pltpu.sync_copy(kept_h, kept_v)
    pltpu.sync_copy(idxc_h, idxc_v)
    pltpu.sync_copy(tau_h.at[pl.ds(0, 16)], tau_v)
    pltpu.sync_copy(pb_h, pbf_v)
    tau = _scalar(tau_v[...])

    def init(k, _):
      sel_s[pl.ds(k * 16, 16)] = jnp.full((16,), NEG, jnp.float32)
      return 0
    lax.fori_loop(0, SELBUF // 16, init, 0)

    def init2(k, _):
      ord_s[pl.ds(k * 16, 16)] = jnp.zeros((16,), jnp.float32)
      ord_c[pl.ds(k * 16, 16)] = jnp.zeros((16,), jnp.int32)
      ord_i[pl.ds(k * 16, 16)] = jnp.zeros((16,), jnp.int32)
      return 0
    lax.fori_loop(0, (SEL + 16) // 16, init2, 0)

    def sel_chunk(g, cnt):
      cg = g // (K // 16)
      base = (g % (K // 16)) * 16
      sv = kept_v[cg, pl.ds(base, 16)]
      iv = idxc_v[cg, pl.ds(base, 16)]
      msk = sv > tau
      csum = plsc.cumsum(jnp.where(msk, 1, 0))
      off = jnp.minimum(cnt, SEL)
      pos = jnp.where(msk, off + csum - 1, SEL + 16 + lane)
      plsc.store_scatter(sel_s, [pos], sv)
      plsc.store_scatter(sel_c, [pos], jnp.full((16,), cg, jnp.int32))
      plsc.store_scatter(sel_i, [pos], iv)
      return cnt + _scalar(csum)

    lax.fori_loop(0, NCLS * (K // 16), sel_chunk, jnp.int32(0))

    def rank_one(a, _):
      ac = (a // 16) * 16
      al = a % 16
      lmask = lane == al
      av = sel_s[pl.ds(ac, 16)]
      sa = jnp.max(jnp.where(lmask, av, NEG))
      r = jnp.int32(0)
      for bc in range(SEL // 16):
        bv = sel_s[pl.ds(bc * 16, 16)]
        bpos = bc * 16 + lane
        better = (bv > sa) | ((bv == sa) & (bpos < a))
        r = r + _scalar(plsc.cumsum(jnp.where(better, 1, 0)))
      cv = sel_c[pl.ds(ac, 16)]
      iv = sel_i[pl.ds(ac, 16)]
      ca = _scalar(jnp.where(lmask, cv, 0))
      ia = _scalar(jnp.where(lmask, iv, 0))
      ridx = jnp.where(lmask, jnp.minimum(r, SEL - 1), SEL + lane)
      plsc.store_scatter(ord_s, [ridx], jnp.full((16,), sa, jnp.float32))
      plsc.store_scatter(ord_c, [ridx], jnp.full((16,), ca, jnp.int32))
      plsc.store_scatter(ord_i, [ridx], jnp.full((16,), ia, jnp.int32))
      return 0
    lax.fori_loop(0, SEL, rank_one, 0)

    bis = [bi0, bi1, bi2, bi3]
    qis = [qi0, qi1, qi2, qi3, qi4, qi5, qi6, qi7]
    bvs = [bv0, bv1, bv2, bv3]
    qvs = [qv0, qv1, qv2, qv3, qv4, qv5, qv6, qv7]

    def rowk(k, _):
      base = k * 16
      iv = ord_i[pl.ds(base, 16)]
      cv = ord_c[pl.ds(base, 16)]
      row = iv * C + cv + 1
      ord_row[pl.ds(base, 16)] = row
      for t in range(4):
        bis[t][pl.ds(base, 16)] = row * 4 + t
      for t in range(8):
        qis[t][pl.ds(base, 16)] = row * 8 + t
      return 0
    lax.fori_loop(0, SEL // 16, rowk, 0)

    copies = []
    for t in range(4):
      copies.append(pltpu.async_copy(br_h.at[bis[t]], bvs[t], sem))
    for t in range(8):
      copies.append(pltpu.async_copy(qbr_h.at[qis[t]], qvs[t], sem))
    for cp in copies:
      cp.wait()

    def slot_chunk(k, _):
      base = k * 16
      sl = base + lane
      i_v = ord_i[pl.ds(base, 16)]
      c_v = ord_c[pl.ds(base, 16)]
      s_v = ord_s[pl.ds(base, 16)]
      bx1 = plsc.load_gather(pbf_v, [i_v * 4])
      by1 = plsc.load_gather(pbf_v, [i_v * 4 + 1])
      bx2 = plsc.load_gather(pbf_v, [i_v * 4 + 2])
      by2 = plsc.load_gather(pbf_v, [i_v * 4 + 3])
      w = bx2 - bx1 + 1.0
      h = by2 - by1 + 1.0
      cx = bx1 + 0.5 * w
      cy = by1 + 0.5 * h
      d0 = bv0[pl.ds(base, 16)]
      d1 = bv1[pl.ds(base, 16)]
      d2 = bv2[pl.ds(base, 16)]
      d3 = bv3[pl.ds(base, 16)]
      dx = d0 / 10.0
      dy = d1 / 10.0
      dw = jnp.minimum(d2 / 5.0, BBOX_XFORM_CLIP)
      dh = jnp.minimum(d3 / 5.0, BBOX_XFORM_CLIP)
      pcx = dx * w + cx
      pcy = dy * h + cy
      pw = jnp.exp(dw) * w
      ph = jnp.exp(dh) * h
      ox1 = jnp.clip(pcx - 0.5 * pw, 0.0, IMG_W - 1.0)
      oy1 = jnp.clip(pcy - 0.5 * ph, 0.0, IMG_H - 1.0)
      ox2 = jnp.clip(pcx + 0.5 * pw - 1.0, 0.0, IMG_W - 1.0)
      oy2 = jnp.clip(pcy + 0.5 * ph - 1.0, 0.0, IMG_H - 1.0)
      plsc.store_scatter(ob_v, [sl * 8], ox1)
      plsc.store_scatter(ob_v, [sl * 8 + 1], oy1)
      plsc.store_scatter(ob_v, [sl * 8 + 2], ox2)
      plsc.store_scatter(ob_v, [sl * 8 + 3], oy2)
      for t in range(8):
        qt = qvs[t][pl.ds(base, 16)]
        if t % 2 == 0:
          ov = jnp.clip((qt / 10.0) * w + cx, 0.0, IMG_W - 1.0)
        else:
          ov = jnp.clip((qt / 10.0) * h + cy, 0.0, IMG_H - 1.0)
        plsc.store_scatter(oq_v, [sl * 8 + t], ov)
      ol_v[pl.ds(base, 16)] = jnp.where(s_v > 0.0, c_v + 1, 0)
      return 0
    lax.fori_loop(0, DETS_PAD // 16, slot_chunk, 0)

    pltpu.sync_copy(ob_v.at[pl.ds(0, DETS_PAD * 8)], ob_h)
    pltpu.sync_copy(oq_v.at[pl.ds(0, DETS_PAD * 8)], oq_h)
    pltpu.sync_copy(ord_s.at[pl.ds(0, DETS_PAD)], os_h)
    pltpu.sync_copy(ol_v.at[pl.ds(0, DETS_PAD)], ol_h)


def _selrank_body(kept_h, idxc_h, tau_h,
                  os_h, oc_h, oi_h,
                  kept_v, idxc_v, tau_v,
                  sel_s, sel_c, sel_i,
                  ord_s, ord_c, ord_i):
  wid = lax.axis_index("s") * 2 + lax.axis_index("c")
  lane = lax.iota(jnp.int32, 16)

  @pl.when(wid == 0)
  def _():
    pltpu.sync_copy(kept_h, kept_v)
    pltpu.sync_copy(idxc_h, idxc_v)
    pltpu.sync_copy(tau_h.at[pl.ds(0, 16)], tau_v)
    tau = _scalar(tau_v[...])

    def init(k, _):
      sel_s[pl.ds(k * 16, 16)] = jnp.full((16,), NEG, jnp.float32)
      return 0
    lax.fori_loop(0, SELBUF // 16, init, 0)

    def init2(k, _):
      ord_s[pl.ds(k * 16, 16)] = jnp.zeros((16,), jnp.float32)
      ord_c[pl.ds(k * 16, 16)] = jnp.zeros((16,), jnp.int32)
      ord_i[pl.ds(k * 16, 16)] = jnp.zeros((16,), jnp.int32)
      return 0
    lax.fori_loop(0, (SEL + 16) // 16, init2, 0)

    def sel_chunk(g, cnt):
      cg = g // (K // 16)
      base = (g % (K // 16)) * 16
      sv = kept_v[cg, pl.ds(base, 16)]
      iv = idxc_v[cg, pl.ds(base, 16)]
      msk = sv > tau
      csum = plsc.cumsum(jnp.where(msk, 1, 0))
      off = jnp.minimum(cnt, SEL)
      pos = jnp.where(msk, off + csum - 1, SEL + 16 + lane)
      plsc.store_scatter(sel_s, [pos], sv)
      plsc.store_scatter(sel_c, [pos], jnp.full((16,), cg, jnp.int32))
      plsc.store_scatter(sel_i, [pos], iv)
      return cnt + _scalar(csum)

    lax.fori_loop(0, NCLS * (K // 16), sel_chunk, jnp.int32(0))

    def rank_one(a, _):
      ac = (a // 16) * 16
      al = a % 16
      lmask = lane == al
      av = sel_s[pl.ds(ac, 16)]
      sa = jnp.max(jnp.where(lmask, av, NEG))
      r = jnp.int32(0)
      for bc in range(SEL // 16):
        bv = sel_s[pl.ds(bc * 16, 16)]
        bpos = bc * 16 + lane
        better = (bv > sa) | ((bv == sa) & (bpos < a))
        r = r + _scalar(plsc.cumsum(jnp.where(better, 1, 0)))
      cv = sel_c[pl.ds(ac, 16)]
      iv = sel_i[pl.ds(ac, 16)]
      ca = _scalar(jnp.where(lmask, cv, 0))
      ia = _scalar(jnp.where(lmask, iv, 0))
      ridx = jnp.where(lmask, jnp.minimum(r, SEL - 1), SEL + lane)
      plsc.store_scatter(ord_s, [ridx], jnp.full((16,), sa, jnp.float32))
      plsc.store_scatter(ord_c, [ridx], jnp.full((16,), ca, jnp.int32))
      plsc.store_scatter(ord_i, [ridx], jnp.full((16,), ia, jnp.int32))
      return 0
    lax.fori_loop(0, SEL, rank_one, 0)

    pltpu.sync_copy(ord_s.at[pl.ds(0, SEL)], os_h)
    pltpu.sync_copy(ord_c.at[pl.ds(0, SEL)], oc_h)
    pltpu.sync_copy(ord_i.at[pl.ds(0, SEL)], oi_h)


def _selrank_stage(kept, idxc, tau_flat):
  mesh = plsc.VectorSubcoreMesh(core_axis_name="c", subcore_axis_name="s")
  f32 = jnp.float32
  i32 = jnp.int32
  kern = functools.partial(
      pl.kernel,
      mesh=mesh,
      out_type=[
          jax.ShapeDtypeStruct((SEL,), f32),
          jax.ShapeDtypeStruct((SEL,), i32),
          jax.ShapeDtypeStruct((SEL,), i32),
      ],
      scratch_types=[
          pltpu.VMEM((NCLS, K), f32),
          pltpu.VMEM((NCLS, K), i32),
          pltpu.VMEM((16,), f32),
          pltpu.VMEM((SELBUF,), f32),
          pltpu.VMEM((SELBUF,), i32),
          pltpu.VMEM((SELBUF,), i32),
          pltpu.VMEM((SEL + 16,), f32),
          pltpu.VMEM((SEL + 16,), i32),
          pltpu.VMEM((SEL + 16,), i32),
      ],
      compiler_params=_SC_PARAMS,
  )(_selrank_body)
  return kern(kept, idxc, tau_flat)


def _final_stage(kept, idxc, tau_flat, br2, qbr2, pb):
  mesh = plsc.VectorSubcoreMesh(core_axis_name="c", subcore_axis_name="s")
  f32 = jnp.float32
  i32 = jnp.int32
  kern = functools.partial(
      pl.kernel,
      mesh=mesh,
      out_type=[
          jax.ShapeDtypeStruct((DETS_PAD * 8,), f32),
          jax.ShapeDtypeStruct((DETS_PAD * 8,), f32),
          jax.ShapeDtypeStruct((DETS_PAD,), f32),
          jax.ShapeDtypeStruct((DETS_PAD,), i32),
      ],
      scratch_types=[
          pltpu.VMEM((NCLS, K), f32),
          pltpu.VMEM((NCLS, K), i32),
          pltpu.VMEM((16,), f32),
          pltpu.VMEM((N * 4,), f32),
          pltpu.VMEM((SELBUF,), f32),
          pltpu.VMEM((SELBUF,), i32),
          pltpu.VMEM((SELBUF,), i32),
          pltpu.VMEM((SEL + 16,), f32),
          pltpu.VMEM((SEL + 16,), i32),
          pltpu.VMEM((SEL + 16,), i32),
          pltpu.VMEM((SEL,), i32),
      ]
      + [pltpu.VMEM((SEL,), i32)] * 12
      + [pltpu.VMEM((SEL,), f32)] * 12
      + [
          pltpu.VMEM((DETS_PAD * 8,), f32),
          pltpu.VMEM((DETS_PAD * 8,), f32),
          pltpu.VMEM((SEL,), i32),
          pltpu.SemaphoreType.DMA,
      ],
      compiler_params=_SC_PARAMS,
  )(_final_body)
  return kern(kept, idxc, tau_flat, br2, qbr2, pb)


def kernel(class_logits, box_regression, quad_box_regression, proposal_boxes):
  ltf = jnp.pad(class_logits.T, ((0, 88 - C), (0, NP - N)),
                constant_values=NEG)
  ltn = ltf[1:C]
  br3 = box_regression.reshape(N, C, 4)
  padp = lambda a: jnp.pad(a.T, ((0, 0), (0, NP - N)))
  dxt = padp(br3[:, 1:, 0])
  dyt = padp(br3[:, 1:, 1])
  dwt = padp(br3[:, 1:, 2])
  dht = padp(br3[:, 1:, 3])
  pbt = jnp.pad(proposal_boxes.T, ((0, 4), (0, NP - N)))

  scores, x1, y1, x2, y2 = _dense_stage(ltf, ltn, dxt, dyt, dwt, dht, pbt)
  scc, x1c, y1c, x2c, y2c, idxc = _compact_stage(scores, x1, y1, x2, y2)
  kept = _nms_stage(scc, x1c, y1c, x2c, y2c)
  tau = _kth_stage(kept).reshape(-1)
  brf = box_regression.reshape(N * C * 4)
  qbrf = quad_box_regression.reshape(N * C * 8)
  pbf = proposal_boxes.reshape(N * 4)
  obf, oqf, osc, olb = _final_stage(kept, idxc, tau, brf, qbrf, pbf)
  ob = obf.reshape(DETS_PAD, 8)
  oq = oqf.reshape(DETS_PAD, 8)
  return (ob[:DETS, :4], oq[:DETS], osc[:DETS], olb[:DETS])

# --- scband reference (transcript-rebuilt; emitter-appended) ---
"""Pipeline reference for scband-post-processor-22969485099775 (READ-ONLY COPY).

The authoritative reference and input builder live on the scoring server;
editing this copy changes nothing except your own understanding.
"""

import jax, jax.numpy as jnp
import numpy as np

N = 5000
C = 81
IMG_W = 1333
IMG_H = 800
SCORE_THRESH = 0.05
NMS_THRESH = 0.5
DETS_PER_IMG = 100
BBOX_XFORM_CLIP = float(np.log(1000.0 / 16.0))


def setup_inputs(seed: int = 0):
    key = jax.random.key(seed)
    ks = jax.random.split(key, 7)
    class_logits = jax.random.normal(ks[0], (N, C), dtype=jnp.float32) * 2.0
    box_regression = jax.random.normal(ks[1], (N, C * 4), dtype=jnp.float32) * 0.5
    quad_box_regression = jax.random.normal(ks[2], (N, C * 8), dtype=jnp.float32) * 0.5
    x1 = jax.random.uniform(ks[3], (N,), minval=0.0, maxval=IMG_W * 0.7)
    y1 = jax.random.uniform(ks[4], (N,), minval=0.0, maxval=IMG_H * 0.7)
    bw = jax.random.uniform(ks[5], (N,), minval=16.0, maxval=IMG_W * 0.3)
    bh = jax.random.uniform(ks[6], (N,), minval=16.0, maxval=IMG_H * 0.3)
    proposal_boxes = jnp.stack([x1, y1, x1 + bw, y1 + bh], axis=1).astype(jnp.float32)
    return {"class_logits": class_logits, "box_regression": box_regression,
            "quad_box_regression": quad_box_regression, "proposal_boxes": proposal_boxes}


def _decode_boxes(rel, boxes):
    wx, wy, ww, wh = 10.0, 10.0, 5.0, 5.0
    widths = boxes[:, 2] - boxes[:, 0] + 1.0
    heights = boxes[:, 3] - boxes[:, 1] + 1.0
    ctr_x = boxes[:, 0] + 0.5 * widths
    ctr_y = boxes[:, 1] + 0.5 * heights
    dx = rel[:, 0::4] / wx
    dy = rel[:, 1::4] / wy
    dw = jnp.minimum(rel[:, 2::4] / ww, BBOX_XFORM_CLIP)
    dh = jnp.minimum(rel[:, 3::4] / wh, BBOX_XFORM_CLIP)
    pred_ctr_x = dx * widths[:, None] + ctr_x[:, None]
    pred_ctr_y = dy * heights[:, None] + ctr_y[:, None]
    pred_w = jnp.exp(dw) * widths[:, None]
    pred_h = jnp.exp(dh) * heights[:, None]
    px1 = pred_ctr_x - 0.5 * pred_w
    py1 = pred_ctr_y - 0.5 * pred_h
    px2 = pred_ctr_x + 0.5 * pred_w - 1.0
    py2 = pred_ctr_y + 0.5 * pred_h - 1.0
    return jnp.stack([px1, py1, px2, py2], axis=2).reshape(rel.shape[0], -1)


def _decode_quads(rel, boxes):
    w = 10.0
    widths = boxes[:, 2] - boxes[:, 0] + 1.0
    heights = boxes[:, 3] - boxes[:, 1] + 1.0
    ctr_x = boxes[:, 0] + 0.5 * widths
    ctr_y = boxes[:, 1] + 0.5 * heights
    rel3 = rel.reshape(rel.shape[0], -1, 8)
    dx = rel3[:, :, 0::2] / w
    dy = rel3[:, :, 1::2] / w
    px = dx * widths[:, None, None] + ctr_x[:, None, None]
    py = dy * heights[:, None, None] + ctr_y[:, None, None]
    quad = jnp.stack([px, py], axis=3).reshape(rel.shape[0], -1, 8)
    return quad.reshape(rel.shape[0], -1)


def _clip4(b):
    return jnp.stack([jnp.clip(b[..., 0], 0.0, IMG_W - 1.0),
                      jnp.clip(b[..., 1], 0.0, IMG_H - 1.0),
                      jnp.clip(b[..., 2], 0.0, IMG_W - 1.0),
                      jnp.clip(b[..., 3], 0.0, IMG_H - 1.0)], axis=-1)


def _clip8(q):
    xs = jnp.clip(q[..., 0::2], 0.0, IMG_W - 1.0)
    ys = jnp.clip(q[..., 1::2], 0.0, IMG_H - 1.0)
    return jnp.stack([xs, ys], axis=-1).reshape(q.shape)


def _nms_keep(boxes_j, scores_j):
    n = boxes_j.shape[0]
    valid = scores_j > SCORE_THRESH
    sc = jnp.where(valid, scores_j, -1.0)
    order = jnp.argsort(-sc)
    b = jax.lax.stop_gradient(boxes_j[order])
    v = valid[order]
    x1, y1, x2, y2 = b[:, 0], b[:, 1], b[:, 2], b[:, 3]
    areas = (x2 - x1 + 1.0) * (y2 - y1 + 1.0)
    xx1 = jnp.maximum(x1[:, None], x1[None, :])
    yy1 = jnp.maximum(y1[:, None], y1[None, :])
    xx2 = jnp.minimum(x2[:, None], x2[None, :])
    yy2 = jnp.minimum(y2[:, None], y2[None, :])
    inter = jnp.maximum(xx2 - xx1 + 1.0, 0.0) * jnp.maximum(yy2 - yy1 + 1.0, 0.0)
    iou = inter / (areas[:, None] + areas[None, :] - inter)
    idx = jnp.arange(n)

    def body(keep, i):
        active = keep[i] & v[i]
        supp = active & (iou[i] > NMS_THRESH) & (idx > i)
        return keep & jnp.logical_not(supp), 0

    keep_sorted, _ = jax.lax.scan(body, jnp.ones((n,), dtype=bool), jnp.arange(n))
    keep_sorted = keep_sorted & v
    return jnp.zeros((n,), dtype=bool).at[order].set(keep_sorted)


def _forward(class_logits, box_regression, quad_box_regression, proposal_boxes):
    class_prob = jax.nn.softmax(class_logits, axis=-1)
    proposals = _decode_boxes(box_regression, proposal_boxes)
    quad_proposals = _decode_quads(quad_box_regression, proposal_boxes)
    boxes_c = _clip4(proposals.reshape(N, C, 4))
    quads_c = _clip8(quad_proposals.reshape(N, C, 8))
    boxes_t = jnp.transpose(boxes_c, (1, 0, 2))[1:]
    quads_t = jnp.transpose(quads_c, (1, 0, 2))[1:]
    scores_t = class_prob.T[1:]

    def per_class(args):
        bj, sj = args
        keep = _nms_keep(bj, sj)
        return jnp.where(keep, sj, -1.0)

    kept_scores = jax.lax.map(per_class, (boxes_t, scores_t))
    flat_scores = kept_scores.reshape(-1)
    top_scores, top_idx = jax.lax.top_k(flat_scores, DETS_PER_IMG)
    out_boxes = boxes_t.reshape(-1, 4)[top_idx]
    out_quads = quads_t.reshape(-1, 8)[top_idx]
    labels_full = jnp.repeat(jnp.arange(1, C, dtype=jnp.int32), N)
    out_labels = jnp.where(top_scores > 0.0, labels_full[top_idx], 0)
    return out_boxes, out_quads, top_scores, out_labels


def reference(class_logits, box_regression, quad_box_regression, proposal_boxes):
    return _forward(class_logits, box_regression, quad_box_regression, proposal_boxes)

if __name__ == "__main__":
    import jax
    _d = setup_inputs()
    print(jax.jit(kernel)(*tuple(_d.values())))

</pallas_src>

<mosaic_0001>
#map = affine_map<(d0, d1) -> (0, 0)>
module attributes {stable_mosaic.version = 14 : i64} {
  func.func @_compact_body(%arg0: i32, %arg1: i32, %arg2: memref<80x5120xf32, #tpu.memory_space<hbm>>, %arg3: memref<80x5120xf32, #tpu.memory_space<hbm>>, %arg4: memref<80x5120xf32, #tpu.memory_space<hbm>>, %arg5: memref<80x5120xf32, #tpu.memory_space<hbm>>, %arg6: memref<80x5120xf32, #tpu.memory_space<hbm>>, %arg7: memref<80x512xf32, #tpu.memory_space<hbm>>, %arg8: memref<80x512xf32, #tpu.memory_space<hbm>>, %arg9: memref<80x512xf32, #tpu.memory_space<hbm>>, %arg10: memref<80x512xf32, #tpu.memory_space<hbm>>, %arg11: memref<80x512xf32, #tpu.memory_space<hbm>>, %arg12: memref<80x512xi32, #tpu.memory_space<hbm>>, %arg13: memref<5120xf32, #tpu.memory_space<vmem>>, %arg14: memref<5120xf32, #tpu.memory_space<vmem>>, %arg15: memref<5120xf32, #tpu.memory_space<vmem>>, %arg16: memref<5120xf32, #tpu.memory_space<vmem>>, %arg17: memref<5120xf32, #tpu.memory_space<vmem>>, %arg18: memref<560xf32, #tpu.memory_space<vmem>>, %arg19: memref<560xf32, #tpu.memory_space<vmem>>, %arg20: memref<560xf32, #tpu.memory_space<vmem>>, %arg21: memref<560xf32, #tpu.memory_space<vmem>>, %arg22: memref<560xf32, #tpu.memory_space<vmem>>, %arg23: memref<560xi32, #tpu.memory_space<vmem>>) attributes {dimension_semantics = [#tpu.dimension_semantics<core_parallel>, #tpu.dimension_semantics<subcore_parallel>], iteration_bounds = array<i64: 2, 16>, scalar_prefetch = 0 : i64, scratch_operands = 11 : i64, tpu.core_type = #tpu.core_type<sc_vector_subcore>, window_params = [{transform_indices = #map}, {transform_indices = #map}, {transform_indices = #map}, {transform_indices = #map}, {transform_indices = #map}, {transform_indices = #map}, {transform_indices = #map}, {transform_indices = #map}, {transform_indices = #map}, {transform_indices = #map}, {transform_indices = #map}]} {
    %mul3A = arith.constant 2 : i32
    %mul3A_0 = arith.muli %arg1, %mul3A : i32
    %add3A = arith.addi %mul3A_0, %arg0 : i32
    %iota3A = tpu.iota {dimensions = array<i32: 0>} : vector<16xi32>
    %add3A_1 = arith.constant 0 : i32
    %add3A_2 = arith.addi %add3A, %add3A_1 : i32
    %lt3A = arith.constant 80 : i32
    %lt3A_3 = arith.cmpi slt, %add3A_2, %lt3A : i32
    %convert_element_type3A = arith.extui %lt3A_3 : i1 to i32
    %cond3A = arith.constant 0 : i32
    %cond3A_4 = arith.cmpi ne, %convert_element_type3A, %cond3A : i32
    scf.if %cond3A_4 {
      "tpu.region"() ({
        %run_scoped3A = tpu.sem_alloc : memref<!tpu.dma_semaphore, #tpu.memory_space<semaphore_mem>>
        %dma_start3A = arith.constant 0 : i32
        %dma_start3A_32 = tpu.memref_slice %arg2[%add3A_2, %dma_start3A] : memref<80x5120xf32, #tpu.memory_space<hbm>> -> memref<1x5120xf32, #tpu.memory_space<hbm>>
        %dma_start3A_33 = tpu.memref_squeeze %dma_start3A_32 : memref<1x5120xf32, #tpu.memory_space<hbm>> -> memref<5120xf32, #tpu.memory_space<hbm>>
        %dma_start3A_34 = arith.constant 0 : i32
        %dma_start3A_35 = tpu.memref_slice %arg2[%add3A_2, %dma_start3A_34] : memref<80x5120xf32, #tpu.memory_space<hbm>> -> memref<1x5120xf32, #tpu.memory_space<hbm>>
        %dma_start3A_36 = tpu.memref_squeeze %dma_start3A_35 : memref<1x5120xf32, #tpu.memory_space<hbm>> -> memref<5120xf32, #tpu.memory_space<hbm>>
        tpu.enqueue_dma source(%dma_start3A_36 : memref<5120xf32, #tpu.memory_space<hbm>>) target(%arg13 : memref<5120xf32, #tpu.memory_space<vmem>>) target_semaphore(%run_scoped3A : memref<!tpu.dma_semaphore, #tpu.memory_space<semaphore_mem>>)
        %dma_wait3A = arith.constant 0 : i32
        %dma_wait3A_37 = tpu.memref_slice %arg2[%add3A_2, %dma_wait3A] : memref<80x5120xf32, #tpu.memory_space<hbm>> -> memref<1x5120xf32, #tpu.memory_space<hbm>>
        %dma_wait3A_38 = tpu.memref_squeeze %dma_wait3A_37 : memref<1x5120xf32, #tpu.memory_space<hbm>> -> memref<5120xf32, #tpu.memory_space<hbm>>
        %dma_wait3A_39 = arith.constant 0 : i32
        %dma_wait3A_40 = tpu.memref_slice %arg2[%add3A_2, %dma_wait3A_39] : memref<80x5120xf32, #tpu.memory_space<hbm>> -> memref<1x5120xf32, #tpu.memory_space<hbm>>
        %dma_wait3A_41 = tpu.memref_squeeze %dma_wait3A_40 : memref<1x5120xf32, #tpu.memory_space<hbm>> -> memref<5120xf32, #tpu.memory_space<hbm>>
        tpu.wait_dma2 semaphore(%run_scoped3A : memref<!tpu.dma_semaphore, #tpu.memory_space<semaphore_mem>>) src(%dma_wait3A_41 : memref<5120xf32, #tpu.memory_space<hbm>>) dst(%arg13 : memref<5120xf32, #tpu.memory_space<vmem>>)
        tpu.yield
      }) : () -> ()
      "tpu.region"() ({
        %run_scoped3A = tpu.sem_alloc : memref<!tpu.dma_semaphore, #tpu.memory_space<semaphore_mem>>
        %dma_start3A = arith.constant 0 : i32
        %dma_start3A_32 = tpu.memref_slice %arg3[%add3A_2, %dma_start3A] : memref<80x5120xf32, #tpu.memory_space<hbm>> -> memref<1x5120xf32, #tpu.memory_space<hbm>>
        %dma_start3A_33 = tpu.memref_squeeze %dma_start3A_32 : memref<1x5120xf32, #tpu.memory_space<hbm>> -> memref<5120xf32, #tpu.memory_space<hbm>>
        %dma_start3A_34 = arith.constant 0 : i32
        %dma_start3A_35 = tpu.memref_slice %arg3[%add3A_2, %dma_start3A_34] : memref<80x5120xf32, #tpu.memory_space<hbm>> -> memref<1x5120xf32, #tpu.memory_space<hbm>>
        %dma_start3A_36 = tpu.memref_squeeze %dma_start3A_35 : memref<1x5120xf32, #tpu.memory_space<hbm>> -> memref<5120xf32, #tpu.memory_space<hbm>>
        tpu.enqueue_dma source(%dma_start3A_36 : memref<5120xf32, #tpu.memory_space<hbm>>) target(%arg14 : memref<5120xf32, #tpu.memory_space<vmem>>) target_semaphore(%run_scoped3A : memref<!tpu.dma_semaphore, #tpu.memory_space<semaphore_mem>>)
        %dma_wait3A = arith.constant 0 : i32
        %dma_wait3A_37 = tpu.memref_slice %arg3[%add3A_2, %dma_wait3A] : memref<80x5120xf32, #tpu.memory_space<hbm>> -> memref<1x5120xf32, #tpu.memory_space<hbm>>
        %dma_wait3A_38 = tpu.memref_squeeze %dma_wait3A_37 : memref<1x5120xf32, #tpu.memory_space<hbm>> -> memref<5120xf32, #tpu.memory_space<hbm>>
        %dma_wait3A_39 = arith.constant 0 : i32
        %dma_wait3A_40 = tpu.memref_slice %arg3[%add3A_2, %dma_wait3A_39] : memref<80x5120xf32, #tpu.memory_space<hbm>> -> memref<1x5120xf32, #tpu.memory_space<hbm>>
        %dma_wait3A_41 = tpu.memref_squeeze %dma_wait3A_40 : memref<1x5120xf32, #tpu.memory_space<hbm>> -> memref<5120xf32, #tpu.memory_space<hbm>>
        tpu.wait_dma2 semaphore(%run_scoped3A : memref<!tpu.dma_semaphore, #tpu.memory_space<semaphore_mem>>) src(%dma_wait3A_41 : memref<5120xf32, #tpu.memory_space<hbm>>) dst(%arg14 : memref<5120xf32, #tpu.memory_space<vmem>>)
        tpu.yield
      }) : () -> ()
      "tpu.region"() ({
        %run_scoped3A = tpu.sem_alloc : memref<!tpu.dma_semaphore, #tpu.memory_space<semaphore_mem>>
        %dma_start3A = arith.constant 0 : i32
        %dma_start3A_32 = tpu.memref_slice %arg4[%add3A_2, %dma_start3A] : memref<80x5120xf32, #tpu.memory_space<hbm>> -> memref<1x5120xf32, #tpu.memory_space<hbm>>
        %dma_start3A_33 = tpu.memref_squeeze %dma_start3A_32 : memref<1x5120xf32, #tpu.memory_space<hbm>> -> memref<5120xf32, #tpu.memory_space<hbm>>
        %dma_start3A_34 = arith.constant 0 : i32
        %dma_start3A_35 = tpu.memref_slice %arg4[%add3A_2, %dma_start3A_34] : memref<80x5120xf32, #tpu.memory_space<hbm>> -> memref<1x5120xf32, #tpu.memory_space<hbm>>
        %dma_start3A_36 = tpu.memref_squeeze %dma_start3A_35 : memref<1x5120xf32, #tpu.memory_space<hbm>> -> memref<5120xf32, #tpu.memory_space<hbm>>
        tpu.enqueue_dma source(%dma_start3A_36 : memref<5120xf32, #tpu.memory_space<hbm>>) target(%arg15 : memref<5120xf32, #tpu.memory_space<vmem>>) target_semaphore(%run_scoped3A : memref<!tpu.dma_semaphore, #tpu.memory_space<semaphore_mem>>)
        %dma_wait3A = arith.constant 0 : i32
        %dma_wait3A_37 = tpu.memref_slice %arg4[%add3A_2, %dma_wait3A] : memref<80x5120xf32, #tpu.memory_space<hbm>> -> memref<1x5120xf32, #tpu.memory_space<hbm>>
        %dma_wait3A_38 = tpu.memref_squeeze %dma_wait3A_37 : memref<1x5120xf32, #tpu.memory_space<hbm>> -> memref<5120xf32, #tpu.memory_space<hbm>>
        %dma_wait3A_39 = arith.constant 0 : i32
        %dma_wait3A_40 = tpu.memref_slice %arg4[%add3A_2, %dma_wait3A_39] : memref<80x5120xf32, #tpu.memory_space<hbm>> -> memref<1x5120xf32, #tpu.memory_space<hbm>>
        %dma_wait3A_41 = tpu.memref_squeeze %dma_wait3A_40 : memref<1x5120xf32, #tpu.memory_space<hbm>> -> memref<5120xf32, #tpu.memory_space<hbm>>
        tpu.wait_dma2 semaphore(%run_scoped3A : memref<!tpu.dma_semaphore, #tpu.memory_space<semaphore_mem>>) src(%dma_wait3A_41 : memref<5120xf32, #tpu.memory_space<hbm>>) dst(%arg15 : memref<5120xf32, #tpu.memory_space<vmem>>)
        tpu.yield
      }) : () -> ()
      "tpu.region"() ({
        %run_scoped3A = tpu.sem_alloc : memref<!tpu.dma_semaphore, #tpu.memory_space<semaphore_mem>>
        %dma_start3A = arith.constant 0 : i32
        %dma_start3A_32 = tpu.memref_slice %arg5[%add3A_2, %dma_start3A] : memref<80x5120xf32, #tpu.memory_space<hbm>> -> memref<1x5120xf32, #tpu.memory_space<hbm>>
        %dma_start3A_33 = tpu.memref_squeeze %dma_start3A_32 : memref<1x5120xf32, #tpu.memory_space<hbm>> -> memref<5120xf32, #tpu.memory_space<hbm>>
        %dma_start3A_34 = arith.constant 0 : i32
        %dma_start3A_35 = tpu.memref_slice %arg5[%add3A_2, %dma_start3A_34] : memref<80x5120xf32, #tpu.memory_space<hbm>> -> memref<1x5120xf32, #tpu.memory_space<hbm>>
        %dma_start3A_36 = tpu.memref_squeeze %dma_start3A_35 : memref<1x5120xf32, #tpu.memory_space<hbm>> -> memref<5120xf32, #tpu.memory_space<hbm>>
        tpu.enqueue_dma source(%dma_start3A_36 : memref<5120xf32, #tpu.memory_space<hbm>>) target(%arg16 : memref<5120xf32, #tpu.memory_space<vmem>>) target_semaphore(%run_scoped3A : memref<!tpu.dma_semaphore, #tpu.memory_space<semaphore_mem>>)
        %dma_wait3A = arith.constant 0 : i32
        %dma_wait3A_37 = tpu.memref_slice %arg5[%add3A_2, %dma_wait3A] : memref<80x5120xf32, #tpu.memory_space<hbm>> -> memref<1x5120xf32, #tpu.memory_space<hbm>>
        %dma_wait3A_38 = tpu.memref_squeeze %dma_wait3A_37 : memref<1x5120xf32, #tpu.memory_space<hbm>> -> memref<5120xf32, #tpu.memory_space<hbm>>
        %dma_wait3A_39 = arith.constant 0 : i32
        %dma_wait3A_40 = tpu.memref_slice %arg5[%add3A_2, %dma_wait3A_39] : memref<80x5120xf32, #tpu.memory_space<hbm>> -> memref<1x5120xf32, #tpu.memory_space<hbm>>
        %dma_wait3A_41 = tpu.memref_squeeze %dma_wait3A_40 : memref<1x5120xf32, #tpu.memory_space<hbm>> -> memref<5120xf32, #tpu.memory_space<hbm>>
        tpu.wait_dma2 semaphore(%run_scoped3A : memref<!tpu.dma_semaphore, #tpu.memory_space<semaphore_mem>>) src(%dma_wait3A_41 : memref<5120xf32, #tpu.memory_space<hbm>>) dst(%arg16 : memref<5120xf32, #tpu.memory_space<vmem>>)
        tpu.yield
      }) : () -> ()
      "tpu.region"() ({
        %run_scoped3A = tpu.sem_alloc : memref<!tpu.dma_semaphore, #tpu.memory_space<semaphore_mem>>
        %dma_start3A = arith.constant 0 : i32
        %dma_start3A_32 = tpu.memref_slice %arg6[%add3A_2, %dma_start3A] : memref<80x5120xf32, #tpu.memory_space<hbm>> -> memref<1x5120xf32, #tpu.memory_space<hbm>>
        %dma_start3A_33 = tpu.memref_squeeze %dma_start3A_32 : memref<1x5120xf32, #tpu.memory_space<hbm>> -> memref<5120xf32, #tpu.memory_space<hbm>>
        %dma_start3A_34 = arith.constant 0 : i32
        %dma_start3A_35 = tpu.memref_slice %arg6[%add3A_2, %dma_start3A_34] : memref<80x5120xf32, #tpu.memory_space<hbm>> -> memref<1x5120xf32, #tpu.memory_space<hbm>>
        %dma_start3A_36 = tpu.memref_squeeze %dma_start3A_35 : memref<1x5120xf32, #tpu.memory_space<hbm>> -> memref<5120xf32, #tpu.memory_space<hbm>>
        tpu.enqueue_dma source(%dma_start3A_36 : memref<5120xf32, #tpu.memory_space<hbm>>) target(%arg17 : memref<5120xf32, #tpu.memory_space<vmem>>) target_semaphore(%run_scoped3A : memref<!tpu.dma_semaphore, #tpu.memory_space<semaphore_mem>>)
        %dma_wait3A = arith.constant 0 : i32
        %dma_wait3A_37 = tpu.memref_slice %arg6[%add3A_2, %dma_wait3A] : memref<80x5120xf32, #tpu.memory_space<hbm>> -> memref<1x5120xf32, #tpu.memory_space<hbm>>
        %dma_wait3A_38 = tpu.memref_squeeze %dma_wait3A_37 : memref<1x5120xf32, #tpu.memory_space<hbm>> -> memref<5120xf32, #tpu.memory_space<hbm>>
        %dma_wait3A_39 = arith.constant 0 : i32
        %dma_wait3A_40 = tpu.memref_slice %arg6[%add3A_2, %dma_wait3A_39] : memref<80x5120xf32, #tpu.memory_space<hbm>> -> memref<1x5120xf32, #tpu.memory_space<hbm>>
        %dma_wait3A_41 = tpu.memref_squeeze %dma_wait3A_40 : memref<1x5120xf32, #tpu.memory_space<hbm>> -> memref<5120xf32, #tpu.memory_space<hbm>>
        tpu.wait_dma2 semaphore(%run_scoped3A : memref<!tpu.dma_semaphore, #tpu.memory_space<semaphore_mem>>) src(%dma_wait3A_41 : memref<5120xf32, #tpu.memory_space<hbm>>) dst(%arg17 : memref<5120xf32, #tpu.memory_space<vmem>>)
        tpu.yield
      }) : () -> ()
      %scan3A = arith.constant 0 : i32
      %scan3A_19 = arith.constant 0 : i32
      %scan3A_20 = arith.constant 35 : i32
      %scan3A_21 = arith.addi %scan3A_19, %scan3A_20 : i32
      %scan3A_22 = arith.constant 1 : i32
      %scan3A_23 = scf.for %scan3A_32 = %scan3A_19 to %scan3A_21 step %scan3A_22 iter_args(%scan3A_33 = %scan3A) -> (i32)  : i32 {
        %broadcast_in_dim3A = arith.constant -1.000000e+00 : f32
        %broadcast_in_dim3A_34 = vector.broadcast %broadcast_in_dim3A : f32 to vector<16xf32>
        %mul3A_35 = arith.constant 16 : i32
        %mul3A_36 = arith.muli %scan3A_32, %mul3A_35 : i32
        %swap3A = arith.index_cast %mul3A_36 : i32 to index
        %swap3A_37 = tpu.vector_load %arg18[%swap3A] {strides = array<i32>} : memref<560xf32, #tpu.memory_space<vmem>>, vector<16xf32>,
        tpu.vector_store %arg18[%swap3A], %broadcast_in_dim3A_34 {strides = array<i32>} : memref<560xf32, #tpu.memory_space<vmem>>, vector<16xf32>,
        %scan3A_38 = arith.constant 0 : i32
        scf.yield %scan3A_38 : i32
      }
      %scan3A_24 = arith.constant 35 : i32
      %scan3A_25 = arith.constant 0 : i32
      %scan3A_26 = arith.constant 0 : i32
      %scan3A_27 = arith.constant 313 : i32
      %scan3A_28 = arith.addi %scan3A_26, %scan3A_27 : i32
      %scan3A_29 = arith.constant 1 : i32
      %scan3A_30 = scf.for %scan3A_32 = %scan3A_26 to %scan3A_28 step %scan3A_29 iter_args(%scan3A_33 = %scan3A_25) -> (i32)  : i32 {
        %mul3A_34 = arith.constant 16 : i32
        %mul3A_35 = arith.muli %scan3A_32, %mul3A_34 : i32
        %get3A = arith.index_cast %mul3A_35 : i32 to index
        %get3A_36 = tpu.vector_load %arg13[%get3A] {strides = array<i32>} : memref<5120xf32, #tpu.memory_space<vmem>>, vector<16xf32>,
        %gt3A = arith.constant 5.000000e-02 : f32
        %gt3A_37 = vector.broadcast %gt3A : f32 to vector<16xf32>
        %gt3A_38 = arith.cmpf ogt, %get3A_36, %gt3A_37 : vector<16xf32>
        %add3A_39 = vector.broadcast %mul3A_35 : i32 to vector<16xi32>
        %add3A_40 = arith.addi %add3A_39, %iota3A : vector<16xi32>
        %lt3A_41 = arith.constant 5000 : i32
        %lt3A_42 = vector.broadcast %lt3A_41 : i32 to vector<16xi32>
        %lt3A_43 = arith.cmpi slt, %add3A_40, %lt3A_42 : vector<16xi32>
        %and3A = arith.andi %gt3A_38, %lt3A_43 : vector<16xi1>
        %jit3A = arith.constant 1 : i32
        %jit3A_44 = arith.constant 0 : i32
        %broadcast_in_dim3A = vector.broadcast %jit3A : i32 to vector<16xi32>
        %broadcast_in_dim3A_45 = vector.broadcast %jit3A_44 : i32 to vector<16xi32>
        %select_n3A = arith.select %and3A, %broadcast_in_dim3A, %broadcast_in_dim3A_45 : vector<16xi1>, vector<16xi32>
        %broadcast_in_dim3A_46 = arith.constant true
        %broadcast_in_dim3A_47 = vector.broadcast %broadcast_in_dim3A_46 : i1 to vector<16xi1>
        %masked_cumsum3A = tpu.scan <sum>, %select_n3A masked %broadcast_in_dim3A_47 : vector<16xi32>, vector<16xi1> -> vector<16xi32>
        %min3A = arith.constant 512 : i32
        %min3A_48 = arith.minsi %scan3A_33, %min3A : i32
        %add3A_49 = vector.broadcast %min3A_48 : i32 to vector<16xi32>
        %add3A_50 = arith.addi %add3A_49, %masked_cumsum3A : vector<16xi32>
        %sub3A = arith.constant 1 : i32
        %sub3A_51 = vector.broadcast %sub3A : i32 to vector<16xi32>
        %sub3A_52 = arith.subi %add3A_50, %sub3A_51 : vector<16xi32>
        %add3A_53 = arith.constant 544 : i32
        %add3A_54 = vector.broadcast %add3A_53 : i32 to vector<16xi32>
        %add3A_55 = arith.addi %add3A_54, %iota3A : vector<16xi32>
        %select_n3A_56 = arith.select %and3A, %sub3A_52, %add3A_55 : vector<16xi1>, vector<16xi32>
        tpu.vector_store_idx %arg18[%select_n3A_56], %get3A_36 : memref<560xf32, #tpu.memory_space<vmem>>[vector<16xi32>], vector<16xf32>,
        %get3A_57 = arith.index_cast %mul3A_35 : i32 to index
        %get3A_58 = tpu.vector_load %arg14[%get3A_57] {strides = array<i32>} : memref<5120xf32, #tpu.memory_space<vmem>>, vector<16xf32>,
        tpu.vector_store_idx %arg19[%select_n3A_56], %get3A_58 : memref<560xf32, #tpu.memory_space<vmem>>[vector<16xi32>], vector<16xf32>,
        %get3A_59 = arith.index_cast %mul3A_35 : i32 to index
        %get3A_60 = tpu.vector_load %arg15[%get3A_59] {strides = array<i32>} : memref<5120xf32, #tpu.memory_space<vmem>>, vector<16xf32>,
        tpu.vector_store_idx %arg20[%select_n3A_56], %get3A_60 : memref<560xf32, #tpu.memory_space<vmem>>[vector<16xi32>], vector<16xf32>,
        %get3A_61 = arith.index_cast %mul3A_35 : i32 to index
        %get3A_62 = tpu.vector_load %arg16[%get3A_61] {strides = array<i32>} : memref<5120xf32, #tpu.memory_space<vmem>>, vector<16xf32>,
        tpu.vector_store_idx %arg21[%select_n3A_56], %get3A_62 : memref<560xf32, #tpu.memory_space<vmem>>[vector<16xi32>], vector<16xf32>,
        %get3A_63 = arith.index_cast %mul3A_35 : i32 to index
        %get3A_64 = tpu.vector_load %arg17[%get3A_63] {strides = array<i32>} : memref<5120xf32, #tpu.memory_space<vmem>>, vector<16xf32>,
        tpu.vector_store_idx %arg22[%select_n3A_56], %get3A_64 : memref<560xf32, #tpu.memory_space<vmem>>[vector<16xi32>], vector<16xf32>,
        %add3A_65 = vector.broadcast %mul3A_35 : i32 to vector<16xi32>
        %add3A_66 = arith.addi %add3A_65, %iota3A : vector<16xi32>
        tpu.vector_store_idx %arg23[%select_n3A_56], %add3A_66 : memref<560xi32, #tpu.memory_space<vmem>>[vector<16xi32>], vector<16xi32>,
        %reduce_max3A = arith.constant true
        %reduce_max3A_67 = vector.broadcast %reduce_max3A : i1 to vector<16xi1>
        %reduce_max3A_68 = arith.constant -2147483648 : i32
        %reduce_max3A_69 = vector.broadcast %reduce_max3A_68 : i32 to vector<16xi32>
        %reduce_max3A_70 = arith.xori %masked_cumsum3A, %reduce_max3A_69 : vector<16xi32>
        %reduce_max3A_71 = tpu.scan <max>, %reduce_max3A_70 masked %reduce_max3A_67 : vector<16xi32>, vector<16xi1> -> vector<16xi32>
        %reduce_max3A_72 = arith.xori %reduce_max3A_71, %reduce_max3A_69 : vector<16xi32>
        %reduce_max3A_73 = vector.extract %reduce_max3A_72[15] : i32 from vector<16xi32>
        %add3A_74 = arith.addi %scan3A_33, %reduce_max3A_73 : i32
        scf.yield %add3A_74 : i32
      }
      %scan3A_31 = arith.constant 313 : i32
      "tpu.region"() ({
        %run_scoped3A = tpu.sem_alloc : memref<!tpu.dma_semaphore, #tpu.memory_space<semaphore_mem>>
        %dma_start3A = arith.constant 0 : i32
        %dma_start3A_32 = tpu.memref_slice %arg18[%dma_start3A] : memref<560xf32, #tpu.memory_space<vmem>> -> memref<512xf32, #tpu.memory_space<vmem>>
        %dma_start3A_33 = arith.constant 0 : i32
        %dma_start3A_34 = tpu.memref_slice %arg7[%add3A_2, %dma_start3A_33] : memref<80x512xf32, #tpu.memory_space<hbm>> -> memref<1x512xf32, #tpu.memory_space<hbm>>
        %dma_start3A_35 = tpu.memref_squeeze %dma_start3A_34 : memref<1x512xf32, #tpu.memory_space<hbm>> -> memref<512xf32, #tpu.memory_space<hbm>>
        %dma_start3A_36 = arith.constant 0 : i32
        %dma_start3A_37 = tpu.memref_slice %arg7[%add3A_2, %dma_start3A_36] : memref<80x512xf32, #tpu.memory_space<hbm>> -> memref<1x512xf32, #tpu.memory_space<hbm>>
        %dma_start3A_38 = tpu.memref_squeeze %dma_start3A_37 : memref<1x512xf32, #tpu.memory_space<hbm>> -> memref<512xf32, #tpu.memory_space<hbm>>
        %dma_start3A_39 = arith.constant 0 : i32
        %dma_start3A_40 = tpu.memref_slice %arg18[%dma_start3A_39] : memref<560xf32, #tpu.memory_space<vmem>> -> memref<512xf32, #tpu.memory_space<vmem>>
        tpu.enqueue_dma source(%dma_start3A_40 : memref<512xf32, #tpu.memory_space<vmem>>) target(%dma_start3A_38 : memref<512xf32, #tpu.memory_space<hbm>>) target_semaphore(%run_scoped3A : memref<!tpu.dma_semaphore, #tpu.memory_space<semaphore_mem>>)
        %dma_wait3A = arith.constant 0 : i32
        %dma_wait3A_41 = tpu.memref_slice %arg18[%dma_wait3A] : memref<560xf32, #tpu.memory_space<vmem>> -> memref<512xf32, #tpu.memory_space<vmem>>
        %dma_wait3A_42 = arith.constant 0 : i32
        %dma_wait3A_43 = tpu.memref_slice %arg7[%add3A_2, %dma_wait3A_42] : memref<80x512xf32, #tpu.memory_space<hbm>> -> memref<1x512xf32, #tpu.memory_space<hbm>>
        %dma_wait3A_44 = tpu.memref_squeeze %dma_wait3A_43 : memref<1x512xf32, #tpu.memory_space<hbm>> -> memref<512xf32, #tpu.memory_space<hbm>>
        %dma_wait3A_45 = arith.constant 0 : i32
        %dma_wait3A_46 = tpu.memref_slice %arg7[%add3A_2, %dma_wait3A_45] : memref<80x512xf32, #tpu.memory_space<hbm>> -> memref<1x512xf32, #tpu.memory_space<hbm>>
        %dma_wait3A_47 = tpu.memref_squeeze %dma_wait3A_46 : memref<1x512xf32, #tpu.memory_space<hbm>> -> memref<512xf32, #tpu.memory_space<hbm>>
        %dma_wait3A_48 = arith.constant 0 : i32
        %dma_wait3A_49 = tpu.memref_slice %arg18[%dma_wait3A_48] : memref<560xf32, #tpu.memory_space<vmem>> -> memref<512xf32, #tpu.memory_space<vmem>>
        tpu.wait_dma2 semaphore(%run_scoped3A : memref<!tpu.dma_semaphore, #tpu.memory_space<semaphore_mem>>) src(%dma_wait3A_49 : memref<512xf32, #tpu.memory_space<vmem>>) dst(%dma_wait3A_47 : memref<512xf32, #tpu.memory_space<hbm>>)
        tpu.yield
      }) : () -> ()
      "tpu.region"() ({
        %run_scoped3A = tpu.sem_alloc : memref<!tpu.dma_semaphore, #tpu.memory_space<semaphore_mem>>
        %dma_start3A = arith.constant 0 : i32
        %dma_start3A_32 = tpu.memref_slice %arg19[%dma_start3A] : memref<560xf32, #tpu.memory_space<vmem>> -> memref<512xf32, #tpu.memory_space<vmem>>
        %dma_start3A_33 = arith.constant 0 : i32
        %dma_start3A_34 = tpu.memref_slice %arg8[%add3A_2, %dma_start3A_33] : memref<80x512xf32, #tpu.memory_space<hbm>> -> memref<1x512xf32, #tpu.memory_space<hbm>>
        %dma_start3A_35 = tpu.memref_squeeze %dma_start3A_34 : memref<1x512xf32, #tpu.memory_space<hbm>> -> memref<512xf32, #tpu.memory_space<hbm>>
        %dma_start3A_36 = arith.constant 0 : i32
        %dma_start3A_37 = tpu.memref_slice %arg8[%add3A_2, %dma_start3A_36] : memref<80x512xf32, #tpu.memory_space<hbm>> -> memref<1x512xf32, #tpu.memory_space<hbm>>
        %dma_start3A_38 = tpu.memref_squeeze %dma_start3A_37 : memref<1x512xf32, #tpu.memory_space<hbm>> -> memref<512xf32, #tpu.memory_space<hbm>>
        %dma_start3A_39 = arith.constant 0 : i32
        %dma_start3A_40 = tpu.memref_slice %arg19[%dma_start3A_39] : memref<560xf32, #tpu.memory_space<vmem>> -> memref<512xf32, #tpu.memory_space<vmem>>
        tpu.enqueue_dma source(%dma_start3A_40 : memref<512xf32, #tpu.memory_space<vmem>>) target(%dma_start3A_38 : memref<512xf32, #tpu.memory_space<hbm>>) target_semaphore(%run_scoped3A : memref<!tpu.dma_semaphore, #tpu.memory_space<semaphore_mem>>)
        %dma_wait3A = arith.constant 0 : i32
        %dma_wait3A_41 = tpu.memref_slice %arg19[%dma_wait3A] : memref<560xf32, #tpu.memory_space<vmem>> -> memref<512xf32, #tpu.memory_space<vmem>>
        %dma_wait3A_42 = arith.constant 0 : i32
        %dma_wait3A_43 = tpu.memref_slice %arg8[%add3A_2, %dma_wait3A_42] : memref<80x512xf32, #tpu.memory_space<hbm>> -> memref<1x512xf32, #tpu.memory_space<hbm>>
        %dma_wait3A_44 = tpu.memref_squeeze %dma_wait3A_43 : memref<1x512xf32, #tpu.memory_space<hbm>> -> memref<512xf32, #tpu.memory_space<hbm>>
        %dma_wait3A_45 = arith.constant 0 : i32
        %dma_wait3A_46 = tpu.memref_slice %arg8[%add3A_2, %dma_wait3A_45] : memref<80x512xf32, #tpu.memory_space<hbm>> -> memref<1x512xf32, #tpu.memory_space<hbm>>
        %dma_wait3A_47 = tpu.memref_squeeze %dma_wait3A_46 : memref<1x512xf32, #tpu.memory_space<hbm>> -> memref<512xf32, #tpu.memory_space<hbm>>
        %dma_wait3A_48 = arith.constant 0 : i32
        %dma_wait3A_49 = tpu.memref_slice %arg19[%dma_wait3A_48] : memref<560xf32, #tpu.memory_space<vmem>> -> memref<512xf32, #tpu.memory_space<vmem>>
        tpu.wait_dma2 semaphore(%run_scoped3A : memref<!tpu.dma_semaphore, #tpu.memory_space<semaphore_mem>>) src(%dma_wait3A_49 : memref<512xf32, #tpu.memory_space<vmem>>) dst(%dma_wait3A_47 : memref<512xf32, #tpu.memory_space<hbm>>)
        tpu.yield
      }) : () -> ()
      "tpu.region"() ({
        %run_scoped3A = tpu.sem_alloc : memref<!tpu.dma_semaphore, #tpu.memory_space<semaphore_mem>>
        %dma_start3A = arith.constant 0 : i32
        %dma_start3A_32 = tpu.memref_slice %arg20[%dma_start3A] : memref<560xf32, #tpu.memory_space<vmem>> -> memref<512xf32, #tpu.memory_space<vmem>>
        %dma_start3A_33 = arith.constant 0 : i32
        %dma_start3A_34 = tpu.memref_slice %arg9[%add3A_2, %dma_start3A_33] : memref<80x512xf32, #tpu.memory_space<hbm>> -> memref<1x512xf32, #tpu.memory_space<hbm>>
        %dma_start3A_35 = tpu.memref_squeeze %dma_start3A_34 : memref<1x512xf32, #tpu.memory_space<hbm>> -> memref<512xf32, #tpu.memory_space<hbm>>
        %dma_start3A_36 = arith.constant 0 : i32
        %dma_start3A_37 = tpu.memref_slice %arg9[%add3A_2, %dma_start3A_36] : memref<80x512xf32, #tpu.memory_space<hbm>> -> memref<1x512xf32, #tpu.memory_space<hbm>>
        %dma_start3A_38 = tpu.memref_squeeze %dma_start3A_37 : memref<1x512xf32, #tpu.memory_space<hbm>> -> memref<512xf32, #tpu.memory_space<hbm>>
        %dma_start3A_39 = arith.constant 0 : i32
        %dma_start3A_40 = tpu.memref_slice %arg20[%dma_start3A_39] : memref<560xf32, #tpu.memory_space<vmem>> -> memref<512xf32, #tpu.memory_space<vmem>>
        tpu.enqueue_dma source(%dma_start3A_40 : memref<512xf32, #tpu.memory_space<vmem>>) target(%dma_start3A_38 : memref<512xf32, #tpu.memory_space<hbm>>) target_semaphore(%run_scoped3A : memref<!tpu.dma_semaphore, #tpu.memory_space<semaphore_mem>>)
        %dma_wait3A = arith.constant 0 : i32
        %dma_wait3A_41 = tpu.memref_slice %arg20[%dma_wait3A] : memref<560xf32, #tpu.memory_space<vmem>> -> memref<512xf32, #tpu.memory_space<vmem>>
        %dma_wait3A_42 = arith.constant 0 : i32
        %dma_wait3A_43 = tpu.memref_slice %arg9[%add3A_2, %dma_wait3A_42] : memref<80x512xf32, #tpu.memory_space<hbm>> -> memref<1x512xf32, #tpu.memory_space<hbm>>
        %dma_wait3A_44 = tpu.memref_squeeze %dma_wait3A_43 : memref<1x512xf32, #tpu.memory_space<hbm>> -> memref<512xf32, #tpu.memory_space<hbm>>
        %dma_wait3A_45 = arith.constant 0 : i32
        %dma_wait3A_46 = tpu.memref_slice %arg9[%add3A_2, %dma_wait3A_45] : memref<80x512xf32, #tpu.memory_space<hbm>> -> memref<1x512xf32, #tpu.memory_space<hbm>>
        %dma_wait3A_47 = tpu.memref_squeeze %dma_wait3A_46 : memref<1x512xf32, #tpu.memory_space<hbm>> -> memref<512xf32, #tpu.memory_space<hbm>>
        %dma_wait3A_48 = arith.constant 0 : i32
        %dma_wait3A_49 = tpu.memref_slice %arg20[%dma_wait3A_48] : memref<560xf32, #tpu.memory_space<vmem>> -> memref<512xf32, #tpu.memory_space<vmem>>
        tpu.wait_dma2 semaphore(%run_scoped3A : memref<!tpu.dma_semaphore, #tpu.memory_space<semaphore_mem>>) src(%dma_wait3A_49 : memref<512xf32, #tpu.memory_space<vmem>>) dst(%dma_wait3A_47 : memref<512xf32, #tpu.memory_space<hbm>>)
        tpu.yield
      }) : () -> ()
      "tpu.region"() ({
        %run_scoped3A = tpu.sem_alloc : memref<!tpu.dma_semaphore, #tpu.memory_space<semaphore_mem>>
        %dma_start3A = arith.constant 0 : i32
        %dma_start3A_32 = tpu.memref_slice %arg21[%dma_start3A] : memref<560xf32, #tpu.memory_space<vmem>> -> memref<512xf32, #tpu.memory_space<vmem>>
        %dma_start3A_33 = arith.constant 0 : i32
        %dma_start3A_34 = tpu.memref_slice %arg10[%add3A_2, %dma_start3A_33] : memref<80x512xf32, #tpu.memory_space<hbm>> -> memref<1x512xf32, #tpu.memory_space<hbm>>
        %dma_start3A_35 = tpu.memref_squeeze %dma_start3A_34 : memref<1x512xf32, #tpu.memory_space<hbm>> -> memref<512xf32, #tpu.memory_space<hbm>>
        %dma_start3A_36 = arith.constant 0 : i32
        %dma_start3A_37 = tpu.memref_slice %arg10[%add3A_2, %dma_start3A_36] : memref<80x512xf32, #tpu.memory_space<hbm>> -> memref<1x512xf32, #tpu.memory_space<hbm>>
        %dma_start3A_38 = tpu.memref_squeeze %dma_start3A_37 : memref<1x512xf32, #tpu.memory_space<hbm>> -> memref<512xf32, #tpu.memory_space<hbm>>
        %dma_start3A_39 = arith.constant 0 : i32
        %dma_start3A_40 = tpu.memref_slice %arg21[%dma_start3A_39] : memref<560xf32, #tpu.memory_space<vmem>> -> memref<512xf32, #tpu.memory_space<vmem>>
        tpu.enqueue_dma source(%dma_start3A_40 : memref<512xf32, #tpu.memory_space<vmem>>) target(%dma_start3A_38 : memref<512xf32, #tpu.memory_space<hbm>>) target_semaphore(%run_scoped3A : memref<!tpu.dma_semaphore, #tpu.memory_space<semaphore_mem>>)
        %dma_wait3A = arith.constant 0 : i32
        %dma_wait3A_41 = tpu.memref_slice %arg21[%dma_wait3A] : memref<560xf32, #tpu.memory_space<vmem>> -> memref<512xf32, #tpu.memory_space<vmem>>
        %dma_wait3A_42 = arith.constant 0 : i32
        %dma_wait3A_43 = tpu.memref_slice %arg10[%add3A_2, %dma_wait3A_42] : memref<80x512xf32, #tpu.memory_space<hbm>> -> memref<1x512xf32, #tpu.memory_space<hbm>>
        %dma_wait3A_44 = tpu.memref_squeeze %dma_wait3A_43 : memref<1x512xf32, #tpu.memory_space<hbm>> -> memref<512xf32, #tpu.memory_space<hbm>>
        %dma_wait3A_45 = arith.constant 0 : i32
        %dma_wait3A_46 = tpu.memref_slice %arg10[%add3A_2, %dma_wait3A_45] : memref<80x512xf32, #tpu.memory_space<hbm>> -> memref<1x512xf32, #tpu.memory_space<hbm>>
        %dma_wait3A_47 = tpu.memref_squeeze %dma_wait3A_46 : memref<1x512xf32, #tpu.memory_space<hbm>> -> memref<512xf32, #tpu.memory_space<hbm>>
        %dma_wait3A_48 = arith.constant 0 : i32
        %dma_wait3A_49 = tpu.memref_slice %arg21[%dma_wait3A_48] : memref<560xf32, #tpu.memory_space<vmem>> -> memref<512xf32, #tpu.memory_space<vmem>>
        tpu.wait_dma2 semaphore(%run_scoped3A : memref<!tpu.dma_semaphore, #tpu.memory_space<semaphore_mem>>) src(%dma_wait3A_49 : memref<512xf32, #tpu.memory_space<vmem>>) dst(%dma_wait3A_47 : memref<512xf32, #tpu.memory_space<hbm>>)
        tpu.yield
      }) : () -> ()
      "tpu.region"() ({
        %run_scoped3A = tpu.sem_alloc : memref<!tpu.dma_semaphore, #tpu.memory_space<semaphore_mem>>
        %dma_start3A = arith.constant 0 : i32
        %dma_start3A_32 = tpu.memref_slice %arg22[%dma_start3A] : memref<560xf32, #tpu.memory_space<vmem>> -> memref<512xf32, #tpu.memory_space<vmem>>
        %dma_start3A_33 = arith.constant 0 : i32
        %dma_start3A_34 = tpu.memref_slice %arg11[%add3A_2, %dma_start3A_33] : memref<80x512xf32, #tpu.memory_space<hbm>> -> memref<1x512xf32, #tpu.memory_space<hbm>>
        %dma_start3A_35 = tpu.memref_squeeze %dma_start3A_34 : memref<1x512xf32, #tpu.memory_space<hbm>> -> memref<512xf32, #tpu.memory_space<hbm>>
        %dma_start3A_36 = arith.constant 0 : i32
        %dma_start3A_37 = tpu.memref_slice %arg11[%add3A_2, %dma_start3A_36] : memref<80x512xf32, #tpu.memory_space<hbm>> -> memref<1x512xf32, #tpu.memory_space<hbm>>
        %dma_start3A_38 = tpu.memref_squeeze %dma_start3A_37 : memref<1x512xf32, #tpu.memory_space<hbm>> -> memref<512xf32, #tpu.memory_space<hbm>>
        %dma_start3A_39 = arith.constant 0 : i32
        %dma_start3A_40 = tpu.memref_slice %arg22[%dma_start3A_39] : memref<560xf32, #tpu.memory_space<vmem>> -> memref<512xf32, #tpu.memory_space<vmem>>
        tpu.enqueue_dma source(%dma_start3A_40 : memref<512xf32, #tpu.memory_space<vmem>>) target(%dma_start3A_38 : memref<512xf32, #tpu.memory_space<hbm>>) target_semaphore(%run_scoped3A : memref<!tpu.dma_semaphore, #tpu.memory_space<semaphore_mem>>)
        %dma_wait3A = arith.constant 0 : i32
        %dma_wait3A_41 = tpu.memref_slice %arg22[%dma_wait3A] : memref<560xf32, #tpu.memory_space<vmem>> -> memref<512xf32, #tpu.memory_space<vmem>>
        %dma_wait3A_42 = arith.constant 0 : i32
        %dma_wait3A_43 = tpu.memref_slice %arg11[%add3A_2, %dma_wait3A_42] : memref<80x512xf32, #tpu.memory_space<hbm>> -> memref<1x512xf32, #tpu.memory_space<hbm>>
        %dma_wait3A_44 = tpu.memref_squeeze %dma_wait3A_43 : memref<1x512xf32, #tpu.memory_space<hbm>> -> memref<512xf32, #tpu.memory_space<hbm>>
        %dma_wait3A_45 = arith.constant 0 : i32
        %dma_wait3A_46 = tpu.memref_slice %arg11[%add3A_2, %dma_wait3A_45] : memref<80x512xf32, #tpu.memory_space<hbm>> -> memref<1x512xf32, #tpu.memory_space<hbm>>
        %dma_wait3A_47 = tpu.memref_squeeze %dma_wait3A_46 : memref<1x512xf32, #tpu.memory_space<hbm>> -> memref<512xf32, #tpu.memory_space<hbm>>
        %dma_wait3A_48 = arith.constant 0 : i32
        %dma_wait3A_49 = tpu.memref_slice %arg22[%dma_wait3A_48] : memref<560xf32, #tpu.memory_space<vmem>> -> memref<512xf32, #tpu.memory_space<vmem>>
        tpu.wait_dma2 semaphore(%run_scoped3A : memref<!tpu.dma_semaphore, #tpu.memory_space<semaphore_mem>>) src(%dma_wait3A_49 : memref<512xf32, #tpu.memory_space<vmem>>) dst(%dma_wait3A_47 : memref<512xf32, #tpu.memory_space<hbm>>)
        tpu.yield
      }) : () -> ()
      "tpu.region"() ({
        %run_scoped3A = tpu.sem_alloc : memref<!tpu.dma_semaphore, #tpu.memory_space<semaphore_mem>>
        %dma_start3A = arith.constant 0 : i32
        %dma_start3A_32 = tpu.memref_slice %arg23[%dma_start3A] : memref<560xi32, #tpu.memory_space<vmem>> -> memref<512xi32, #tpu.memory_space<vmem>>
        %dma_start3A_33 = arith.constant 0 : i32
        %dma_start3A_34 = tpu.memref_slice %arg12[%add3A_2, %dma_start3A_33] : memref<80x512xi32, #tpu.memory_space<hbm>> -> memref<1x512xi32, #tpu.memory_space<hbm>>
        %dma_start3A_35 = tpu.memref_squeeze %dma_start3A_34 : memref<1x512xi32, #tpu.memory_space<hbm>> -> memref<512xi32, #tpu.memory_space<hbm>>
        %dma_start3A_36 = arith.constant 0 : i32
        %dma_start3A_37 = tpu.memref_slice %arg12[%add3A_2, %dma_start3A_36] : memref<80x512xi32, #tpu.memory_space<hbm>> -> memref<1x512xi32, #tpu.memory_space<hbm>>
        %dma_start3A_38 = tpu.memref_squeeze %dma_start3A_37 : memref<1x512xi32, #tpu.memory_space<hbm>> -> memref<512xi32, #tpu.memory_space<hbm>>
        %dma_start3A_39 = arith.constant 0 : i32
        %dma_start3A_40 = tpu.memref_slice %arg23[%dma_start3A_39] : memref<560xi32, #tpu.memory_space<vmem>> -> memref<512xi32, #tpu.memory_space<vmem>>
        tpu.enqueue_dma source(%dma_start3A_40 : memref<512xi32, #tpu.memory_space<vmem>>) target(%dma_start3A_38 : memref<512xi32, #tpu.memory_space<hbm>>) target_semaphore(%run_scoped3A : memref<!tpu.dma_semaphore, #tpu.memory_space<semaphore_mem>>)
        %dma_wait3A = arith.constant 0 : i32
        %dma_wait3A_41 = tpu.memref_slice %arg23[%dma_wait3A] : memref<560xi32, #tpu.memory_space<vmem>> -> memref<512xi32, #tpu.memory_space<vmem>>
        %dma_wait3A_42 = arith.constant 0 : i32
        %dma_wait3A_43 = tpu.memref_slice %arg12[%add3A_2, %dma_wait3A_42] : memref<80x512xi32, #tpu.memory_space<hbm>> -> memref<1x512xi32, #tpu.memory_space<hbm>>
        %dma_wait3A_44 = tpu.memref_squeeze %dma_wait3A_43 : memref<1x512xi32, #tpu.memory_space<hbm>> -> memref<512xi32, #tpu.memory_space<hbm>>
        %dma_wait3A_45 = arith.constant 0 : i32
        %dma_wait3A_46 = tpu.memref_slice %arg12[%add3A_2, %dma_wait3A_45] : memref<80x512xi32, #tpu.memory_space<hbm>> -> memref<1x512xi32, #tpu.memory_space<hbm>>
        %dma_wait3A_47 = tpu.memref_squeeze %dma_wait3A_46 : memref<1x512xi32, #tpu.memory_space<hbm>> -> memref<512xi32, #tpu.memory_space<hbm>>
        %dma_wait3A_48 = arith.constant 0 : i32
        %dma_wait3A_49 = tpu.memref_slice %arg23[%dma_wait3A_48] : memref<560xi32, #tpu.memory_space<vmem>> -> memref<512xi32, #tpu.memory_space<vmem>>
        tpu.wait_dma2 semaphore(%run_scoped3A : memref<!tpu.dma_semaphore, #tpu.memory_space<semaphore_mem>>) src(%dma_wait3A_49 : memref<512xi32, #tpu.memory_space<vmem>>) dst(%dma_wait3A_47 : memref<512xi32, #tpu.memory_space<hbm>>)
        tpu.yield
      }) : () -> ()
    } else {
    }
    %add3A_5 = arith.constant 32 : i32
    %add3A_6 = arith.addi %add3A, %add3A_5 : i32
    %lt3A_7 = arith.constant 80 : i32
    %lt3A_8 = arith.cmpi slt, %add3A_6, %lt3A_7 : i32
    %convert_element_type3A_9 = arith.extui %lt3A_8 : i1 to i32
    %cond3A_10 = arith.constant 0 : i32
    %cond3A_11 = arith.cmpi ne, %convert_element_type3A_9, %cond3A_10 : i32
    scf.if %cond3A_11 {
      "tpu.region"() ({
        %run_scoped3A = tpu.sem_alloc : memref<!tpu.dma_semaphore, #tpu.memory_space<semaphore_mem>>
        %dma_start3A = arith.constant 0 : i32
        %dma_start3A_32 = tpu.memref_slice %arg2[%add3A_6, %dma_start3A] : memref<80x5120xf32, #tpu.memory_space<hbm>> -> memref<1x5120xf32, #tpu.memory_space<hbm>>
        %dma_start3A_33 = tpu.memref_squeeze %dma_start3A_32 : memref<1x5120xf32, #tpu.memory_space<hbm>> -> memref<5120xf32, #tpu.memory_space<hbm>>
        %dma_start3A_34 = arith.constant 0 : i32
        %dma_start3A_35 = tpu.memref_slice %arg2[%add3A_6, %dma_start3A_34] : memref<80x5120xf32, #tpu.memory_space<hbm>> -> memref<1x5120xf32, #tpu.memory_space<hbm>>
        %dma_start3A_36 = tpu.memref_squeeze %dma_start3A_35 : memref<1x5120xf32, #tpu.memory_space<hbm>> -> memref<5120xf32, #tpu.memory_space<hbm>>
        tpu.enqueue_dma source(%dma_start3A_36 : memref<5120xf32, #tpu.memory_space<hbm>>) target(%arg13 : memref<5120xf32, #tpu.memory_space<vmem>>) target_semaphore(%run_scoped3A : memref<!tpu.dma_semaphore, #tpu.memory_space<semaphore_mem>>)
        %dma_wait3A = arith.constant 0 : i32
        %dma_wait3A_37 = tpu.memref_slice %arg2[%add3A_6, %dma_wait3A] : memref<80x5120xf32, #tpu.memory_space<hbm>> -> memref<1x5120xf32, #tpu.memory_space<hbm>>
        %dma_wait3A_38 = tpu.memref_squeeze %dma_wait3A_37 : memref<1x5120xf32, #tpu.memory_space<hbm>> -> memref<5120xf32, #tpu.memory_space<hbm>>
        %dma_wait3A_39 = arith.constant 0 : i32
        %dma_wait3A_40 = tpu.memref_slice %arg2[%add3A_6, %dma_wait3A_39] : memref<80x5120xf32, #tpu.memory_space<hbm>> -> memref<1x5120xf32, #tpu.memory_space<hbm>>
        %dma_wait3A_41 = tpu.memref_squeeze %dma_wait3A_40 : memref<1x5120xf32, #tpu.memory_space<hbm>> -> memref<5120xf32, #tpu.memory_space<hbm>>
        tpu.wait_dma2 semaphore(%run_scoped3A : memref<!tpu.dma_semaphore, #tpu.memory_space<semaphore_mem>>) src(%dma_wait3A_41 : memref<5120xf32, #tpu.memory_space<hbm>>) dst(%arg13 : memref<5120xf32, #tpu.memory_space<vmem>>)
        tpu.yield
      }) : () -> ()
      "tpu.region"() ({
        %run_scoped3A = tpu.sem_alloc : memref<!tpu.dma_semaphore, #tpu.memory_space<semaphore_mem>>
        %dma_start3A = arith.constant 0 : i32
        %dma_start3A_32 = tpu.memref_slice %arg3[%add3A_6, %dma_start3A] : memref<80x5120xf32, #tpu.memory_space<hbm>> -> memref<1x5120xf32, #tpu.memory_space<hbm>>
        %dma_start3A_33 = tpu.memref_squeeze %dma_start3A_32 : memref<1x5120xf32, #tpu.memory_space<hbm>> -> memref<5120xf32, #tpu.memory_space<hbm>>
        %dma_start3A_34 = arith.constant 0 : i32
        %dma_start3A_35 = tpu.memref_slice %arg3[%add3A_6, %dma_start3A_34] : memref<80x5120xf32, #tpu.memory_space<hbm>> -> memref<1x5120xf32, #tpu.memory_space<hbm>>
        %dma_start3A_36 = tpu.memref_squeeze %dma_start3A_35 : memref<1x5120xf32, #tpu.memory_space<hbm>> -> memref<5120xf32, #tpu.memory_space<hbm>>
        tpu.enqueue_dma source(%dma_start3A_36 : memref<5120xf32, #tpu.memory_space<hbm>>) target(%arg14 : memref<5120xf32, #tpu.memory_space<vmem>>) target_semaphore(%run_scoped3A : memref<!tpu.dma_semaphore, #tpu.memory_space<semaphore_mem>>)
        %dma_wait3A = arith.constant 0 : i32
        %dma_wait3A_37 = tpu.memref_slice %arg3[%add3A_6, %dma_wait3A] : memref<80x5120xf32, #tpu.memory_space<hbm>> -> memref<1x5120xf32, #tpu.memory_space<hbm>>
        %dma_wait3A_38 = tpu.memref_squeeze %dma_wait3A_37 : memref<1x5120xf32, #tpu.memory_space<hbm>> -> memref<5120xf32, #tpu.memory_space<hbm>>
        %dma_wait3A_39 = arith.constant 0 : i32
        %dma_wait3A_40 = tpu.memref_slice %arg3[%add3A_6, %dma_wait3A_39] : memref<80x5120xf32, #tpu.memory_space<hbm>> -> memref<1x5120xf32, #tpu.memory_space<hbm>>
        %dma_wait3A_41 = tpu.memref_squeeze %dma_wait3A_40 : memref<1x5120xf32, #tpu.memory_space<hbm>> -> memref<5120xf32, #tpu.memory_space<hbm>>
        tpu.wait_dma2 semaphore(%run_scoped3A : memref<!tpu.dma_semaphore, #tpu.memory_space<semaphore_mem>>) src(%dma_wait3A_41 : memref<5120xf32, #tpu.memory_space<hbm>>) dst(%arg14 : memref<5120xf32, #tpu.memory_space<vmem>>)
        tpu.yield
      }) : () -> ()
      "tpu.region"() ({
        %run_scoped3A = tpu.sem_alloc : memref<!tpu.dma_semaphore, #tpu.memory_space<semaphore_mem>>
        %dma_start3A = arith.constant 0 : i32
        %dma_start3A_32 = tpu.memref_slice %arg4[%add3A_6, %dma_start3A] : memref<80x5120xf32, #tpu.memory_space<hbm>> -> memref<1x5120xf32, #tpu.memory_space<hbm>>
        %dma_start3A_33 = tpu.memref_squeeze %dma_start3A_32 : memref<1x5120xf32, #tpu.memory_space<hbm>> -> memref<5120xf32, #tpu.memory_space<hbm>>
        %dma_start3A_34 = arith.constant 0 : i32
        %dma_start3A_35 = tpu.memref_slice %arg4[%add3A_6, %dma_start3A_34] : memref<80x5120xf32, #tpu.memory_space<hbm>> -> memref<1x5120xf32, #tpu.memory_space<hbm>>
        %dma_start3A_36 = tpu.memref_squeeze %dma_start3A_35 : memref<1x5120xf32, #tpu.memory_space<hbm>> -> memref<5120xf32, #tpu.memory_space<hbm>>
        tpu.enqueue_dma source(%dma_start3A_36 : memref<5120xf32, #tpu.memory_space<hbm>>) target(%arg15 : memref<5120xf32, #tpu.memory_space<vmem>>) target_semaphore(%run_scoped3A : memref<!tpu.dma_semaphore, #tpu.memory_space<semaphore_mem>>)
        %dma_wait3A = arith.constant 0 : i32
        %dma_wait3A_37 = tpu.memref_slice %arg4[%add3A_6, %dma_wait3A] : memref<80x5120xf32, #tpu.memory_space<hbm>> -> memref<1x5120xf32, #tpu.memory_space<hbm>>
        %dma_wait3A_38 = tpu.memref_squeeze %dma_wait3A_37 : memref<1x5120xf32, #tpu.memory_space<hbm>> -> memref<5120xf32, #tpu.memory_space<hbm>>
        %dma_wait3A_39 = arith.constant 0 : i32
        %dma_wait3A_40 = tpu.memref_slice %arg4[%add3A_6, %dma_wait3A_39] : memref<80x5120xf32, #tpu.memory_space<hbm>> -> memref<1x5120xf32, #tpu.memory_space<hbm>>
        %dma_wait3A_41 = tpu.memref_squeeze %dma_wait3A_40 : memref<1x5120xf32, #tpu.memory_space<hbm>> -> memref<5120xf32, #tpu.memory_space<hbm>>
        tpu.wait_dma2 semaphore(%run_scoped3A : memref<!tpu.dma_semaphore, #tpu.memory_space<semaphore_mem>>) src(%dma_wait3A_41 : memref<5120xf32, #tpu.memory_space<hbm>>) dst(%arg15 : memref<5120xf32, #tpu.memory_space<vmem>>)
        tpu.yield
      }) : () -> ()
      "tpu.region"() ({
        %run_scoped3A = tpu.sem_alloc : memref<!tpu.dma_semaphore, #tpu.memory_space<semaphore_mem>>
        %dma_start3A = arith.constant 0 : i32
        %dma_start3A_32 = tpu.memref_slice %arg5[%add3A_6, %dma_start3A] : memref<80x5120xf32, #tpu.memory_space<hbm>> -> memref<1x5120xf32, #tpu.memory_space<hbm>>
        %dma_start3A_33 = tpu.memref_squeeze %dma_start3A_32 : memref<1x5120xf32, #tpu.memory_space<hbm>> -> memref<5120xf32, #tpu.memory_space<hbm>>
        %dma_start3A_34 = arith.constant 0 : i32
        %dma_start3A_35 = tpu.memref_slice %arg5[%add3A_6, %dma_start3A_34] : memref<80x5120xf32, #tpu.memory_space<hbm>> -> memref<1x5120xf32, #tpu.memory_space<hbm>>
        %dma_start3A_36 = tpu.memref_squeeze %dma_start3A_35 : memref<1x5120xf32, #tpu.memory_space<hbm>> -> memref<5120xf32, #tpu.memory_space<hbm>>
        tpu.enqueue_dma source(%dma_start3A_36 : memref<5120xf32, #tpu.memory_space<hbm>>) target(%arg16 : memref<5120xf32, #tpu.memory_space<vmem>>) target_semaphore(%run_scoped3A : memref<!tpu.dma_semaphore, #tpu.memory_space<semaphore_mem>>)
        %dma_wait3A = arith.constant 0 : i32
        %dma_wait3A_37 = tpu.memref_slice %arg5[%add3A_6, %dma_wait3A] : memref<80x5120xf32, #tpu.memory_space<hbm>> -> memref<1x5120xf32, #tpu.memory_space<hbm>>
        %dma_wait3A_38 = tpu.memref_squeeze %dma_wait3A_37 : memref<1x5120xf32, #tpu.memory_space<hbm>> -> memref<5120xf32, #tpu.memory_space<hbm>>
        %dma_wait3A_39 = arith.constant 0 : i32
        %dma_wait3A_40 = tpu.memref_slice %arg5[%add3A_6, %dma_wait3A_39] : memref<80x5120xf32, #tpu.memory_space<hbm>> -> memref<1x5120xf32, #tpu.memory_space<hbm>>
        %dma_wait3A_41 = tpu.memref_squeeze %dma_wait3A_40 : memref<1x5120xf32, #tpu.memory_space<hbm>> -> memref<5120xf32, #tpu.memory_space<hbm>>
        tpu.wait_dma2 semaphore(%run_scoped3A : memref<!tpu.dma_semaphore, #tpu.memory_space<semaphore_mem>>) src(%dma_wait3A_41 : memref<5120xf32, #tpu.memory_space<hbm>>) dst(%arg16 : memref<5120xf32, #tpu.memory_space<vmem>>)
        tpu.yield
      }) : () -> ()
      "tpu.region"() ({
        %run_scoped3A = tpu.sem_alloc : memref<!tpu.dma_semaphore, #tpu.memory_space<semaphore_mem>>
        %dma_start3A = arith.constant 0 : i32
        %dma_start3A_32 = tpu.memref_slice %arg6[%add3A_6, %dma_start3A] : memref<80x5120xf32, #tpu.memory_space<hbm>> -> memref<1x5120xf32, #tpu.memory_space<hbm>>
        %dma_start3A_33 = tpu.memref_squeeze %dma_start3A_32 : memref<1x5120xf32, #tpu.memory_space<hbm>> -> memref<5120xf32, #tpu.memory_space<hbm>>
        %dma_start3A_34 = arith.constant 0 : i32
        %dma_start3A_35 = tpu.memref_slice %arg6[%add3A_6, %dma_start3A_34] : memref<80x5120xf32, #tpu.memory_space<hbm>> -> memref<1x5120xf32, #tpu.memory_space<hbm>>
        %dma_start3A_36 = tpu.memref_squeeze %dma_start3A_35 : memref<1x5120xf32, #tpu.memory_space<hbm>> -> memref<5120xf32, #tpu.memory_space<hbm>>
        tpu.enqueue_dma source(%dma_start3A_36 : memref<5120xf32, #tpu.memory_space<hbm>>) target(%arg17 : memref<5120xf32, #tpu.memory_space<vmem>>) target_semaphore(%run_scoped3A : memref<!tpu.dma_semaphore, #tpu.memory_space<semaphore_mem>>)
        %dma_wait3A = arith.constant 0 : i32
        %dma_wait3A_37 = tpu.memref_slice %arg6[%add3A_6, %dma_wait3A] : memref<80x5120xf32, #tpu.memory_space<hbm>> -> memref<1x5120xf32, #tpu.memory_space<hbm>>
        %dma_wait3A_38 = tpu.memref_squeeze %dma_wait3A_37 : memref<1x5120xf32, #tpu.memory_space<hbm>> -> memref<5120xf32, #tpu.memory_space<hbm>>
        %dma_wait3A_39 = arith.constant 0 : i32
        %dma_wait3A_40 = tpu.memref_slice %arg6[%add3A_6, %dma_wait3A_39] : memref<80x5120xf32, #tpu.memory_space<hbm>> -> memref<1x5120xf32, #tpu.memory_space<hbm>>
        %dma_wait3A_41 = tpu.memref_squeeze %dma_wait3A_40 : memref<1x5120xf32, #tpu.memory_space<hbm>> -> memref<5120xf32, #tpu.memory_space<hbm>>
        tpu.wait_dma2 semaphore(%run_scoped3A : memref<!tpu.dma_semaphore, #tpu.memory_space<semaphore_mem>>) src(%dma_wait3A_41 : memref<5120xf32, #tpu.memory_space<hbm>>) dst(%arg17 : memref<5120xf32, #tpu.memory_space<vmem>>)
        tpu.yield
      }) : () -> ()
      %scan3A = arith.constant 0 : i32
      %scan3A_19 = arith.constant 0 : i32
      %scan3A_20 = arith.constant 35 : i32
      %scan3A_21 = arith.addi %scan3A_19, %scan3A_20 : i32
      %scan3A_22 = arith.constant 1 : i32
      %scan3A_23 = scf.for %scan3A_32 = %scan3A_19 to %scan3A_21 step %scan3A_22 iter_args(%scan3A_33 = %scan3A) -> (i32)  : i32 {
        %broadcast_in_dim3A = arith.constant -1.000000e+00 : f32
        %broadcast_in_dim3A_34 = vector.broadcast %broadcast_in_dim3A : f32 to vector<16xf32>
        %mul3A_35 = arith.constant 16 : i32
        %mul3A_36 = arith.muli %scan3A_32, %mul3A_35 : i32
        %swap3A = arith.index_cast %mul3A_36 : i32 to index
        %swap3A_37 = tpu.vector_load %arg18[%swap3A] {strides = array<i32>} : memref<560xf32, #tpu.memory_space<vmem>>, vector<16xf32>,
        tpu.vector_store %arg18[%swap3A], %broadcast_in_dim3A_34 {strides = array<i32>} : memref<560xf32, #tpu.memory_space<vmem>>, vector<16xf32>,
        %scan3A_38 = arith.constant 0 : i32
        scf.yield %scan3A_38 : i32
      }
      %scan3A_24 = arith.constant 35 : i32
      %scan3A_25 = arith.constant 0 : i32
      %scan3A_26 = arith.constant 0 : i32
      %scan3A_27 = arith.constant 313 : i32
      %scan3A_28 = arith.addi %scan3A_26, %scan3A_27 : i32
      %scan3A_29 = arith.constant 1 : i32
      %scan3A_30 = scf.for %scan3A_32 = %scan3A_26 to %scan3A_28 step %scan3A_29 iter_args(%scan3A_33 = %scan3A_25) -> (i32)  : i32 {
        %mul3A_34 = arith.constant 16 : i32
        %mul3A_35 = arith.muli %scan3A_32, %mul3A_34 : i32
        %get3A = arith.index_cast %mul3A_35 : i32 to index
        %get3A_36 = tpu.vector_load %arg13[%get3A] {strides = array<i32>} : memref<5120xf32, #tpu.memory_space<vmem>>, vector<16xf32>,
        %gt3A = arith.constant 5.000000e-02 : f32
        %gt3A_37 = vector.broadcast %gt3A : f32 to vector<16xf32>
        %gt3A_38 = arith.cmpf ogt, %get3A_36, %gt3A_37 : vector<16xf32>
        %add3A_39 = vector.broadcast %mul3A_35 : i32 to vector<16xi32>
        %add3A_40 = arith.addi %add3A_39, %iota3A : vector<16xi32>
        %lt3A_41 = arith.constant 5000 : i32
        %lt3A_42 = vector.broadcast %lt3A_41 : i32 to vector<16xi32>
        %lt3A_43 = arith.cmpi slt, %add3A_40, %lt3A_42 : vector<16xi32>
        %and3A = arith.andi %gt3A_38, %lt3A_43 : vector<16xi1>
        %jit3A = arith.constant 1 : i32
        %jit3A_44 = arith.constant 0 : i32
        %broadcast_in_dim3A = vector.broadcast %jit3A : i32 to vector<16xi32>
        %broadcast_in_dim3A_45 = vector.broadcast %jit3A_44 : i32 to vector<16xi32>
        %select_n3A = arith.select %and3A, %broadcast_in_dim3A, %broadcast_in_dim3A_45 : vector<16xi1>, vector<16xi32>
        %broadcast_in_dim3A_46 = arith.constant true
        %broadcast_in_dim3A_47 = vector.broadcast %broadcast_in_dim3A_46 : i1 to vector<16xi1>
        %masked_cumsum3A = tpu.scan <sum>, %select_n3A masked %broadcast_in_dim3A_47 : vector<16xi32>, vector<16xi1> -> vector<16xi32>
        %min3A = arith.constant 512 : i32
        %min3A_48 = arith.minsi %scan3A_33, %min3A : i32
        %add3A_49 = vector.broadcast %min3A_48 : i32 to vector<16xi32>
        %add3A_50 = arith.addi %add3A_49, %masked_cumsum3A : vector<16xi32>
        %sub3A = arith.constant 1 : i32
        %sub3A_51 = vector.broadcast %sub3A : i32 to vector<16xi32>
        %sub3A_52 = arith.subi %add3A_50, %sub3A_51 : vector<16xi32>
        %add3A_53 = arith.constant 544 : i32
        %add3A_54 = vector.broadcast %add3A_53 : i32 to vector<16xi32>
        %add3A_55 = arith.addi %add3A_54, %iota3A : vector<16xi32>
        %select_n3A_56 = arith.select %and3A, %sub3A_52, %add3A_55 : vector<16xi1>, vector<16xi32>
        tpu.vector_store_idx %arg18[%select_n3A_56], %get3A_36 : memref<560xf32, #tpu.memory_space<vmem>>[vector<16xi32>], vector<16xf32>,
        %get3A_57 = arith.index_cast %mul3A_35 : i32 to index
        %get3A_58 = tpu.vector_load %arg14[%get3A_57] {strides = array<i32>} : memref<5120xf32, #tpu.memory_space<vmem>>, vector<16xf32>,
        tpu.vector_store_idx %arg19[%select_n3A_56], %get3A_58 : memref<560xf32, #tpu.memory_space<vmem>>[vector<16xi32>], vector<16xf32>,
        %get3A_59 = arith.index_cast %mul3A_35 : i32 to index
        %get3A_60 = tpu.vector_load %arg15[%get3A_59] {strides = array<i32>} : memref<5120xf32, #tpu.memory_space<vmem>>, vector<16xf32>,
        tpu.vector_store_idx %arg20[%select_n3A_56], %get3A_60 : memref<560xf32, #tpu.memory_space<vmem>>[vector<16xi32>], vector<16xf32>,
        %get3A_61 = arith.index_cast %mul3A_35 : i32 to index
        %get3A_62 = tpu.vector_load %arg16[%get3A_61] {strides = array<i32>} : memref<5120xf32, #tpu.memory_space<vmem>>, vector<16xf32>,
        tpu.vector_store_idx %arg21[%select_n3A_56], %get3A_62 : memref<560xf32, #tpu.memory_space<vmem>>[vector<16xi32>], vector<16xf32>,
        %get3A_63 = arith.index_cast %mul3A_35 : i32 to index
        %get3A_64 = tpu.vector_load %arg17[%get3A_63] {strides = array<i32>} : memref<5120xf32, #tpu.memory_space<vmem>>, vector<16xf32>,
        tpu.vector_store_idx %arg22[%select_n3A_56], %get3A_64 : memref<560xf32, #tpu.memory_space<vmem>>[vector<16xi32>], vector<16xf32>,
        %add3A_65 = vector.broadcast %mul3A_35 : i32 to vector<16xi32>
        %add3A_66 = arith.addi %add3A_65, %iota3A : vector<16xi32>
        tpu.vector_store_idx %arg23[%select_n3A_56], %add3A_66 : memref<560xi32, #tpu.memory_space<vmem>>[vector<16xi32>], vector<16xi32>,
        %reduce_max3A = arith.constant true
        %reduce_max3A_67 = vector.broadcast %reduce_max3A : i1 to vector<16xi1>
        %reduce_max3A_68 = arith.constant -2147483648 : i32
        %reduce_max3A_69 = vector.broadcast %reduce_max3A_68 : i32 to vector<16xi32>
        %reduce_max3A_70 = arith.xori %masked_cumsum3A, %reduce_max3A_69 : vector<16xi32>
        %reduce_max3A_71 = tpu.scan <max>, %reduce_max3A_70 masked %reduce_max3A_67 : vector<16xi32>, vector<16xi1> -> vector<16xi32>
        %reduce_max3A_72 = arith.xori %reduce_max3A_71, %reduce_max3A_69 : vector<16xi32>
        %reduce_max3A_73 = vector.extract %reduce_max3A_72[15] : i32 from vector<16xi32>
        %add3A_74 = arith.addi %scan3A_33, %reduce_max3A_73 : i32
        scf.yield %add3A_74 : i32
      }
      %scan3A_31 = arith.constant 313 : i32
      "tpu.region"() ({
        %run_scoped3A = tpu.sem_alloc : memref<!tpu.dma_semaphore, #tpu.memory_space<semaphore_mem>>
        %dma_start3A = arith.constant 0 : i32
        %dma_start3A_32 = tpu.memref_slice %arg18[%dma_start3A] : memref<560xf32, #tpu.memory_space<vmem>> -> memref<512xf32, #tpu.memory_space<vmem>>
        %dma_start3A_33 = arith.constant 0 : i32
        %dma_start3A_34 = tpu.memref_slice %arg7[%add3A_6, %dma_start3A_33] : memref<80x512xf32, #tpu.memory_space<hbm>> -> memref<1x512xf32, #tpu.memory_space<hbm>>
        %dma_start3A_35 = tpu.memref_squeeze %dma_start3A_34 : memref<1x512xf32, #tpu.memory_space<hbm>> -> memref<512xf32, #tpu.memory_space<hbm>>
        %dma_start3A_36 = arith.constant 0 : i32
        %dma_start3A_37 = tpu.memref_slice %arg7[%add3A_6, %dma_start3A_36] : memref<80x512xf32, #tpu.memory_space<hbm>> -> memref<1x512xf32, #tpu.memory_space<hbm>>
        %dma_start3A_38 = tpu.memref_squeeze %dma_start3A_37 : memref<1x512xf32, #tpu.memory_space<hbm>> -> memref<512xf32, #tpu.memory_space<hbm>>
        %dma_start3A_39 = arith.constant 0 : i32
        %dma_start3A_40 = tpu.memref_slice %arg18[%dma_start3A_39] : memref<560xf32, #tpu.memory_space<vmem>> -> memref<512xf32, #tpu.memory_space<vmem>>
        tpu.enqueue_dma source(%dma_start3A_40 : memref<512xf32, #tpu.memory_space<vmem>>) target(%dma_start3A_38 : memref<512xf32, #tpu.memory_space<hbm>>) target_semaphore(%run_scoped3A : memref<!tpu.dma_semaphore, #tpu.memory_space<semaphore_mem>>)
        %dma_wait3A = arith.constant 0 : i32
        %dma_wait3A_41 = tpu.memref_slice %arg18[%dma_wait3A] : memref<560xf32, #tpu.memory_space<vmem>> -> memref<512xf32, #tpu.memory_space<vmem>>
        %dma_wait3A_42 = arith.constant 0 : i32
        %dma_wait3A_43 = tpu.memref_slice %arg7[%add3A_6, %dma_wait3A_42] : memref<80x512xf32, #tpu.memory_space<hbm>> -> memref<1x512xf32, #tpu.memory_space<hbm>>
        %dma_wait3A_44 = tpu.memref_squeeze %dma_wait3A_43 : memref<1x512xf32, #tpu.memory_space<hbm>> -> memref<512xf32, #tpu.memory_space<hbm>>
        %dma_wait3A_45 = arith.constant 0 : i32
        %dma_wait3A_46 = tpu.memref_slice %arg7[%add3A_6, %dma_wait3A_45] : memref<80x512xf32, #tpu.memory_space<hbm>> -> memref<1x512xf32, #tpu.memory_space<hbm>>
        %dma_wait3A_47 = tpu.memref_squeeze %dma_wait3A_46 : memref<1x512xf32, #tpu.memory_space<hbm>> -> memref<512xf32, #tpu.memory_space<hbm>>
        %dma_wait3A_48 = arith.constant 0 : i32
        %dma_wait3A_49 = tpu.memref_slice %arg18[%dma_wait3A_48] : memref<560xf32, #tpu.memory_space<vmem>> -> memref<512xf32, #tpu.memory_space<vmem>>
        tpu.wait_dma2 semaphore(%run_scoped3A : memref<!tpu.dma_semaphore, #tpu.memory_space<semaphore_mem>>) src(%dma_wait3A_49 : memref<512xf32, #tpu.memory_space<vmem>>) dst(%dma_wait3A_47 : memref<512xf32, #tpu.memory_space<hbm>>)
        tpu.yield
      }) : () -> ()
      "tpu.region"() ({
        %run_scoped3A = tpu.sem_alloc : memref<!tpu.dma_semaphore, #tpu.memory_space<semaphore_mem>>
        %dma_start3A = arith.constant 0 : i32
        %dma_start3A_32 = tpu.memref_slice %arg19[%dma_start3A] : memref<560xf32, #tpu.memory_space<vmem>> -> memref<512xf32, #tpu.memory_space<vmem>>
        %dma_start3A_33 = arith.constant 0 : i32
        %dma_start3A_34 = tpu.memref_slice %arg8[%add3A_6, %dma_start3A_33] : memref<80x512xf32, #tpu.memory_space<hbm>> -> memref<1x512xf32, #tpu.memory_space<hbm>>
        %dma_start3A_35 = tpu.memref_squeeze %dma_start3A_34 : memref<1x512xf32, #tpu.memory_space<hbm>> -> memref<512xf32, #tpu.memory_space<hbm>>
        %dma_start3A_36 = arith.constant 0 : i32
        %dma_start3A_37 = tpu.memref_slice %arg8[%add3A_6, %dma_start3A_36] : memref<80x512xf32, #tpu.memory_space<hbm>> -> memref<1x512xf32, #tpu.memory_space<hbm>>
        %dma_start3A_38 = tpu.memref_squeeze %dma_start3A_37 : memref<1x512xf32, #tpu.memory_space<hbm>> -> memref<512xf32, #tpu.memory_space<hbm>>
        %dma_start3A_39 = arith.constant 0 : i32
        %dma_start3A_40 = tpu.memref_slice %arg19[%dma_start3A_39] : memref<560xf32, #tpu.memory_space<vmem>> -> memref<512xf32, #tpu.memory_space<vmem>>
        tpu.enqueue_dma source(%dma_start3A_40 : memref<512xf32, #tpu.memory_space<vmem>>) target(%dma_start3A_38 : memref<512xf32, #tpu.memory_space<hbm>>) target_semaphore(%run_scoped3A : memref<!tpu.dma_semaphore, #tpu.memory_space<semaphore_mem>>)
        %dma_wait3A = arith.constant 0 : i32
        %dma_wait3A_41 = tpu.memref_slice %arg19[%dma_wait3A] : memref<560xf32, #tpu.memory_space<vmem>> -> memref<512xf32, #tpu.memory_space<vmem>>
        %dma_wait3A_42 = arith.constant 0 : i32
        %dma_wait3A_43 = tpu.memref_slice %arg8[%add3A_6, %dma_wait3A_42] : memref<80x512xf32, #tpu.memory_space<hbm>> -> memref<1x512xf32, #tpu.memory_space<hbm>>
        %dma_wait3A_44 = tpu.memref_squeeze %dma_wait3A_43 : memref<1x512xf32, #tpu.memory_space<hbm>> -> memref<512xf32, #tpu.memory_space<hbm>>
        %dma_wait3A_45 = arith.constant 0 : i32
        %dma_wait3A_46 = tpu.memref_slice %arg8[%add3A_6, %dma_wait3A_45] : memref<80x512xf32, #tpu.memory_space<hbm>> -> memref<1x512xf32, #tpu.memory_space<hbm>>
        %dma_wait3A_47 = tpu.memref_squeeze %dma_wait3A_46 : memref<1x512xf32, #tpu.memory_space<hbm>> -> memref<512xf32, #tpu.memory_space<hbm>>
        %dma_wait3A_48 = arith.constant 0 : i32
        %dma_wait3A_49 = tpu.memref_slice %arg19[%dma_wait3A_48] : memref<560xf32, #tpu.memory_space<vmem>> -> memref<512xf32, #tpu.memory_space<vmem>>
        tpu.wait_dma2 semaphore(%run_scoped3A : memref<!tpu.dma_semaphore, #tpu.memory_space<semaphore_mem>>) src(%dma_wait3A_49 : memref<512xf32, #tpu.memory_space<vmem>>) dst(%dma_wait3A_47 : memref<512xf32, #tpu.memory_space<hbm>>)
        tpu.yield
      }) : () -> ()
      "tpu.region"() ({
        %run_scoped3A = tpu.sem_alloc : memref<!tpu.dma_semaphore, #tpu.memory_space<semaphore_mem>>
        %dma_start3A = arith.constant 0 : i32
        %dma_start3A_32 = tpu.memref_slice %arg20[%dma_start3A] : memref<560xf32, #tpu.memory_space<vmem>> -> memref<512xf32, #tpu.memory_space<vmem>>
        %dma_start3A_33 = arith.constant 0 : i32
        %dma_start3A_34 = tpu.memref_slice %arg9[%add3A_6, %dma_start3A_33] : memref<80x512xf32, #tpu.memory_space<hbm>> -> memref<1x512xf32, #tpu.memory_space<hbm>>
        %dma_start3A_35 = tpu.memref_squeeze %dma_start3A_34 : memref<1x512xf32, #tpu.memory_space<hbm>> -> memref<512xf32, #tpu.memory_space<hbm>>
        %dma_start3A_36 = arith.constant 0 : i32
        %dma_start3A_37 = tpu.memref_slice %arg9[%add3A_6, %dma_start3A_36] : memref<80x512xf32, #tpu.memory_space<hbm>> -> memref<1x512xf32, #tpu.memory_space<hbm>>
        %dma_start3A_38 = tpu.memref_squeeze %dma_start3A_37 : memref<1x512xf32, #tpu.memory_space<hbm>> -> memref<512xf32, #tpu.memory_space<hbm>>
        %dma_start3A_39 = arith.constant 0 : i32
        %dma_start3A_40 = tpu.memref_slice %arg20[%dma_start3A_39] : memref<560xf32, #tpu.memory_space<vmem>> -> memref<512xf32, #tpu.memory_space<vmem>>
        tpu.enqueue_dma source(%dma_start3A_40 : memref<512xf32, #tpu.memory_space<vmem>>) target(%dma_start3A_38 : memref<512xf32, #tpu.memory_space<hbm>>) target_semaphore(%run_scoped3A : memref<!tpu.dma_semaphore, #tpu.memory_space<semaphore_mem>>)
        %dma_wait3A = arith.constant 0 : i32
        %dma_wait3A_41 = tpu.memref_slice %arg20[%dma_wait3A] : memref<560xf32, #tpu.memory_space<vmem>> -> memref<512xf32, #tpu.memory_space<vmem>>
        %dma_wait3A_42 = arith.constant 0 : i32
        %dma_wait3A_43 = tpu.memref_slice %arg9[%add3A_6, %dma_wait3A_42] : memref<80x512xf32, #tpu.memory_space<hbm>> -> memref<1x512xf32, #tpu.memory_space<hbm>>
        %dma_wait3A_44 = tpu.memref_squeeze %dma_wait3A_43 : memref<1x512xf32, #tpu.memory_space<hbm>> -> memref<512xf32, #tpu.memory_space<hbm>>
        %dma_wait3A_45 = arith.constant 0 : i32
        %dma_wait3A_46 = tpu.memref_slice %arg9[%add3A_6, %dma_wait3A_45] : memref<80x512xf32, #tpu.memory_space<hbm>> -> memref<1x512xf32, #tpu.memory_space<hbm>>
        %dma_wait3A_47 = tpu.memref_squeeze %dma_wait3A_46 : memref<1x512xf32, #tpu.memory_space<hbm>> -> memref<512xf32, #tpu.memory_space<hbm>>
        %dma_wait3A_48 = arith.constant 0 : i32
        %dma_wait3A_49 = tpu.memref_slice %arg20[%dma_wait3A_48] : memref<560xf32, #tpu.memory_space<vmem>> -> memref<512xf32, #tpu.memory_space<vmem>>
        tpu.wait_dma2 semaphore(%run_scoped3A : memref<!tpu.dma_semaphore, #tpu.memory_space<semaphore_mem>>) src(%dma_wait3A_49 : memref<512xf32, #tpu.memory_space<vmem>>) dst(%dma_wait3A_47 : memref<512xf32, #tpu.memory_space<hbm>>)
        tpu.yield
      }) : () -> ()
      "tpu.region"() ({
        %run_scoped3A = tpu.sem_alloc : memref<!tpu.dma_semaphore, #tpu.memory_space<semaphore_mem>>
        %dma_start3A = arith.constant 0 : i32
        %dma_start3A_32 = tpu.memref_slice %arg21[%dma_start3A] : memref<560xf32, #tpu.memory_space<vmem>> -> memref<512xf32, #tpu.memory_space<vmem>>
        %dma_start3A_33 = arith.constant 0 : i32
        %dma_start3A_34 = tpu.memref_slice %arg10[%add3A_6, %dma_start3A_33] : memref<80x512xf32, #tpu.memory_space<hbm>> -> memref<1x512xf32, #tpu.memory_space<hbm>>
        %dma_start3A_35 = tpu.memref_squeeze %dma_start3A_34 : memref<1x512xf32, #tpu.memory_space<hbm>> -> memref<512xf32, #tpu.memory_space<hbm>>
        %dma_start3A_36 = arith.constant 0 : i32
        %dma_start3A_37 = tpu.memref_slice %arg10[%add3A_6, %dma_start3A_36] : memref<80x512xf32, #tpu.memory_space<hbm>> -> memref<1x512xf32, #tpu.memory_space<hbm>>
        %dma_start3A_38 = tpu.memref_squeeze %dma_start3A_37 : memref<1x512xf32, #tpu.memory_space<hbm>> -> memref<512xf32, #tpu.memory_space<hbm>>
        %dma_start3A_39 = arith.constant 0 : i32
        %dma_start3A_40 = tpu.memref_slice %arg21[%dma_start3A_39] : memref<560xf32, #tpu.memory_space<vmem>> -> memref<512xf32, #tpu.memory_space<vmem>>
        tpu.enqueue_dma source(%dma_start3A_40 : memref<512xf32, #tpu.memory_space<vmem>>) target(%dma_start3A_38 : memref<512xf32, #tpu.memory_space<hbm>>) target_semaphore(%run_scoped3A : memref<!tpu.dma_semaphore, #tpu.memory_space<semaphore_mem>>)
        %dma_wait3A = arith.constant 0 : i32
        %dma_wait3A_41 = tpu.memref_slice %arg21[%dma_wait3A] : memref<560xf32, #tpu.memory_space<vmem>> -> memref<512xf32, #tpu.memory_space<vmem>>
        %dma_wait3A_42 = arith.constant 0 : i32
        %dma_wait3A_43 = tpu.memref_slice %arg10[%add3A_6, %dma_wait3A_42] : memref<80x512xf32, #tpu.memory_space<hbm>> -> memref<1x512xf32, #tpu.memory_space<hbm>>
        %dma_wait3A_44 = tpu.memref_squeeze %dma_wait3A_43 : memref<1x512xf32, #tpu.memory_space<hbm>> -> memref<512xf32, #tpu.memory_space<hbm>>
        %dma_wait3A_45 = arith.constant 0 : i32
        %dma_wait3A_46 = tpu.memref_slice %arg10[%add3A_6, %dma_wait3A_45] : memref<80x512xf32, #tpu.memory_space<hbm>> -> memref<1x512xf32, #tpu.memory_space<hbm>>
        %dma_wait3A_47 = tpu.memref_squeeze %dma_wait3A_46 : memref<1x512xf32, #tpu.memory_space<hbm>> -> memref<512xf32, #tpu.memory_space<hbm>>
        %dma_wait3A_48 = arith.constant 0 : i32
        %dma_wait3A_49 = tpu.memref_slice %arg21[%dma_wait3A_48] : memref<560xf32, #tpu.memory_space<vmem>> -> memref<512xf32, #tpu.memory_space<vmem>>
        tpu.wait_dma2 semaphore(%run_scoped3A : memref<!tpu.dma_semaphore, #tpu.memory_space<semaphore_mem>>) src(%dma_wait3A_49 : memref<512xf32, #tpu.memory_space<vmem>>) dst(%dma_wait3A_47 : memref<512xf32, #tpu.memory_space<hbm>>)
        tpu.yield
      }) : () -> ()
      "tpu.region"() ({
        %run_scoped3A = tpu.sem_alloc : memref<!tpu.dma_semaphore, #tpu.memory_space<semaphore_mem>>
        %dma_start3A = arith.constant 0 : i32
        %dma_start3A_32 = tpu.memref_slice %arg22[%dma_start3A] : memref<560xf32, #tpu.memory_space<vmem>> -> memref<512xf32, #tpu.memory_space<vmem>>
        %dma_start3A_33 = arith.constant 0 : i32
        %dma_start3A_34 = tpu.memref_slice %arg11[%add3A_6, %dma_start3A_33] : memref<80x512xf32, #tpu.memory_space<hbm>> -> memref<1x512xf32, #tpu.memory_space<hbm>>
        %dma_start3A_35 = tpu.memref_squeeze %dma_start3A_34 : memref<1x512xf32, #tpu.memory_space<hbm>> -> memref<512xf32, #tpu.memory_space<hbm>>
        %dma_start3A_36 = arith.constant 0 : i32
        %dma_start3A_37 = tpu.memref_slice %arg11[%add3A_6, %dma_start3A_36] : memref<80x512xf32, #tpu.memory_space<hbm>> -> memref<1x512xf32, #tpu.memory_space<hbm>>
        %dma_start3A_38 = tpu.memref_squeeze %dma_start3A_37 : memref<1x512xf32, #tpu.memory_space<hbm>> -> memref<512xf32, #tpu.memory_space<hbm>>
        %dma_start3A_39 = arith.constant 0 : i32
        %dma_start3A_40 = tpu.memref_slice %arg22[%dma_start3A_39] : memref<560xf32, #tpu.memory_space<vmem>> -> memref<512xf32, #tpu.memory_space<vmem>>
        tpu.enqueue_dma source(%dma_start3A_40 : memref<512xf32, #tpu.memory_space<vmem>>) target(%dma_start3A_38 : memref<512xf32, #tpu.memory_space<hbm>>) target_semaphore(%run_scoped3A : memref<!tpu.dma_semaphore, #tpu.memory_space<semaphore_mem>>)
        %dma_wait3A = arith.constant 0 : i32
        %dma_wait3A_41 = tpu.memref_slice %arg22[%dma_wait3A] : memref<560xf32, #tpu.memory_space<vmem>> -> memref<512xf32, #tpu.memory_space<vmem>>
        %dma_wait3A_42 = arith.constant 0 : i32
        %dma_wait3A_43 = tpu.memref_slice %arg11[%add3A_6, %dma_wait3A_42] : memref<80x512xf32, #tpu.memory_space<hbm>> -> memref<1x512xf32, #tpu.memory_space<hbm>>
        %dma_wait3A_44 = tpu.memref_squeeze %dma_wait3A_43 : memref<1x512xf32, #tpu.memory_space<hbm>> -> memref<512xf32, #tpu.memory_space<hbm>>
        %dma_wait3A_45 = arith.constant 0 : i32
        %dma_wait3A_46 = tpu.memref_slice %arg11[%add3A_6, %dma_wait3A_45] : memref<80x512xf32, #tpu.memory_space<hbm>> -> memref<1x512xf32, #tpu.memory_space<hbm>>
        %dma_wait3A_47 = tpu.memref_squeeze %dma_wait3A_46 : memref<1x512xf32, #tpu.memory_space<hbm>> -> memref<512xf32, #tpu.memory_space<hbm>>
        %dma_wait3A_48 = arith.constant 0 : i32
        %dma_wait3A_49 = tpu.memref_slice %arg22[%dma_wait3A_48] : memref<560xf32, #tpu.memory_space<vmem>> -> memref<512xf32, #tpu.memory_space<vmem>>
        tpu.wait_dma2 semaphore(%run_scoped3A : memref<!tpu.dma_semaphore, #tpu.memory_space<semaphore_mem>>) src(%dma_wait3A_49 : memref<512xf32, #tpu.memory_space<vmem>>) dst(%dma_wait3A_47 : memref<512xf32, #tpu.memory_space<hbm>>)
        tpu.yield
      }) : () -> ()
      "tpu.region"() ({
        %run_scoped3A = tpu.sem_alloc : memref<!tpu.dma_semaphore, #tpu.memory_space<semaphore_mem>>
        %dma_start3A = arith.constant 0 : i32
        %dma_start3A_32 = tpu.memref_slice %arg23[%dma_start3A] : memref<560xi32, #tpu.memory_space<vmem>> -> memref<512xi32, #tpu.memory_space<vmem>>
        %dma_start3A_33 = arith.constant 0 : i32
        %dma_start3A_34 = tpu.memref_slice %arg12[%add3A_6, %dma_start3A_33] : memref<80x512xi32, #tpu.memory_space<hbm>> -> memref<1x512xi32, #tpu.memory_space<hbm>>
        %dma_start3A_35 = tpu.memref_squeeze %dma_start3A_34 : memref<1x512xi32, #tpu.memory_space<hbm>> -> memref<512xi32, #tpu.memory_space<hbm>>
        %dma_start3A_36 = arith.constant 0 : i32
        %dma_start3A_37 = tpu.memref_slice %arg12[%add3A_6, %dma_start3A_36] : memref<80x512xi32, #tpu.memory_space<hbm>> -> memref<1x512xi32, #tpu.memory_space<hbm>>
        %dma_start3A_38 = tpu.memref_squeeze %dma_start3A_37 : memref<1x512xi32, #tpu.memory_space<hbm>> -> memref<512xi32, #tpu.memory_space<hbm>>
        %dma_start3A_39 = arith.constant 0 : i32
        %dma_start3A_40 = tpu.memref_slice %arg23[%dma_start3A_39] : memref<560xi32, #tpu.memory_space<vmem>> -> memref<512xi32, #tpu.memory_space<vmem>>
        tpu.enqueue_dma source(%dma_start3A_40 : memref<512xi32, #tpu.memory_space<vmem>>) target(%dma_start3A_38 : memref<512xi32, #tpu.memory_space<hbm>>) target_semaphore(%run_scoped3A : memref<!tpu.dma_semaphore, #tpu.memory_space<semaphore_mem>>)
        %dma_wait3A = arith.constant 0 : i32
        %dma_wait3A_41 = tpu.memref_slice %arg23[%dma_wait3A] : memref<560xi32, #tpu.memory_space<vmem>> -> memref<512xi32, #tpu.memory_space<vmem>>
        %dma_wait3A_42 = arith.constant 0 : i32
        %dma_wait3A_43 = tpu.memref_slice %arg12[%add3A_6, %dma_wait3A_42] : memref<80x512xi32, #tpu.memory_space<hbm>> -> memref<1x512xi32, #tpu.memory_space<hbm>>
        %dma_wait3A_44 = tpu.memref_squeeze %dma_wait3A_43 : memref<1x512xi32, #tpu.memory_space<hbm>> -> memref<512xi32, #tpu.memory_space<hbm>>
        %dma_wait3A_45 = arith.constant 0 : i32
        %dma_wait3A_46 = tpu.memref_slice %arg12[%add3A_6, %dma_wait3A_45] : memref<80x512xi32, #tpu.memory_space<hbm>> -> memref<1x512xi32, #tpu.memory_space<hbm>>
        %dma_wait3A_47 = tpu.memref_squeeze %dma_wait3A_46 : memref<1x512xi32, #tpu.memory_space<hbm>> -> memref<512xi32, #tpu.memory_space<hbm>>
        %dma_wait3A_48 = arith.constant 0 : i32
        %dma_wait3A_49 = tpu.memref_slice %arg23[%dma_wait3A_48] : memref<560xi32, #tpu.memory_space<vmem>> -> memref<512xi32, #tpu.memory_space<vmem>>
        tpu.wait_dma2 semaphore(%run_scoped3A : memref<!tpu.dma_semaphore, #tpu.memory_space<semaphore_mem>>) src(%dma_wait3A_49 : memref<512xi32, #tpu.memory_space<vmem>>) dst(%dma_wait3A_47 : memref<512xi32, #tpu.memory_space<hbm>>)
        tpu.yield
      }) : () -> ()
    } else {
    }
    %add3A_12 = arith.constant 64 : i32
    %add3A_13 = arith.addi %add3A, %add3A_12 : i32
    %lt3A_14 = arith.constant 80 : i32
    %lt3A_15 = arith.cmpi slt, %add3A_13, %lt3A_14 : i32
    %convert_element_type3A_16 = arith.extui %lt3A_15 : i1 to i32
    %cond3A_17 = arith.constant 0 : i32
    %cond3A_18 = arith.cmpi ne, %convert_element_type3A_16, %cond3A_17 : i32
    scf.if %cond3A_18 {
      "tpu.region"() ({
        %run_scoped3A = tpu.sem_alloc : memref<!tpu.dma_semaphore, #tpu.memory_space<semaphore_mem>>
        %dma_start3A = arith.constant 0 : i32
        %dma_start3A_32 = tpu.memref_slice %arg2[%add3A_13, %dma_start3A] : memref<80x5120xf32, #tpu.memory_space<hbm>> -> memref<1x5120xf32, #tpu.memory_space<hbm>>
        %dma_start3A_33 = tpu.memref_squeeze %dma_start3A_32 : memref<1x5120xf32, #tpu.memory_space<hbm>> -> memref<5120xf32, #tpu.memory_space<hbm>>
        %dma_start3A_34 = arith.constant 0 : i32
        %dma_start3A_35 = tpu.memref_slice %arg2[%add3A_13, %dma_start3A_34] : memref<80x5120xf32, #tpu.memory_space<hbm>> -> memref<1x5120xf32, #tpu.memory_space<hbm>>
        %dma_start3A_36 = tpu.memref_squeeze %dma_start3A_35 : memref<1x5120xf32, #tpu.memory_space<hbm>> -> memref<5120xf32, #tpu.memory_space<hbm>>
        tpu.enqueue_dma source(%dma_start3A_36 : memref<5120xf32, #tpu.memory_space<hbm>>) target(%arg13 : memref<5120xf32, #tpu.memory_space<vmem>>) target_semaphore(%run_scoped3A : memref<!tpu.dma_semaphore, #tpu.memory_space<semaphore_mem>>)
        %dma_wait3A = arith.constant 0 : i32
        %dma_wait3A_37 = tpu.memref_slice %arg2[%add3A_13, %dma_wait3A] : memref<80x5120xf32, #tpu.memory_space<hbm>> -> memref<1x5120xf32, #tpu.memory_space<hbm>>
        %dma_wait3A_38 = tpu.memref_squeeze %dma_wait3A_37 : memref<1x5120xf32, #tpu.memory_space<hbm>> -> memref<5120xf32, #tpu.memory_space<hbm>>
        %dma_wait3A_39 = arith.constant 0 : i32
        %dma_wait3A_40 = tpu.memref_slice %arg2[%add3A_13, %dma_wait3A_39] : memref<80x5120xf32, #tpu.memory_space<hbm>> -> memref<1x5120xf32, #tpu.memory_space<hbm>>
        %dma_wait3A_41 = tpu.memref_squeeze %dma_wait3A_40 : memref<1x5120xf32, #tpu.memory_space<hbm>> -> memref<5120xf32, #tpu.memory_space<hbm>>
        tpu.wait_dma2 semaphore(%run_scoped3A : memref<!tpu.dma_semaphore, #tpu.memory_space<semaphore_mem>>) src(%dma_wait3A_41 : memref<5120xf32, #tpu.memory_space<hbm>>) dst(%arg13 : memref<5120xf32, #tpu.memory_space<vmem>>)
        tpu.yield
      }) : () -> ()
      "tpu.region"() ({
        %run_scoped3A = tpu.sem_alloc : memref<!tpu.dma_semaphore, #tpu.memory_space<semaphore_mem>>
        %dma_start3A = arith.constant 0 : i32
        %dma_start3A_32 = tpu.memref_slice %arg3[%add3A_13, %dma_start3A] : memref<80x5120xf32, #tpu.memory_space<hbm>> -> memref<1x5120xf32, #tpu.memory_space<hbm>>
        %dma_start3A_33 = tpu.memref_squeeze %dma_start3A_32 : memref<1x5120xf32, #tpu.memory_space<hbm>> -> memref<5120xf32, #tpu.memory_space<hbm>>
        %dma_start3A_34 = arith.constant 0 : i32
        %dma_start3A_35 = tpu.memref_slice %arg3[%add3A_13, %dma_start3A_34] : memref<80x5120xf32, #tpu.memory_space<hbm>> -> memref<1x5120xf32, #tpu.memory_space<hbm>>
        %dma_start3A_36 = tpu.memref_squeeze %dma_start3A_35 : memref<1x5120xf32, #tpu.memory_space<hbm>> -> memref<5120xf32, #tpu.memory_space<hbm>>
        tpu.enqueue_dma source(%dma_start3A_36 : memref<5120xf32, #tpu.memory_space<hbm>>) target(%arg14 : memref<5120xf32, #tpu.memory_space<vmem>>) target_semaphore(%run_scoped3A : memref<!tpu.dma_semaphore, #tpu.memory_space<semaphore_mem>>)
        %dma_wait3A = arith.constant 0 : i32
        %dma_wait3A_37 = tpu.memref_slice %arg3[%add3A_13, %dma_wait3A] : memref<80x5120xf32, #tpu.memory_space<hbm>> -> memref<1x5120xf32, #tpu.memory_space<hbm>>
        %dma_wait3A_38 = tpu.memref_squeeze %dma_wait3A_37 : memref<1x5120xf32, #tpu.memory_space<hbm>> -> memref<5120xf32, #tpu.memory_space<hbm>>
        %dma_wait3A_39 = arith.constant 0 : i32
        %dma_wait3A_40 = tpu.memref_slice %arg3[%add3A_13, %dma_wait3A_39] : memref<80x5120xf32, #tpu.memory_space<hbm>> -> memref<1x5120xf32, #tpu.memory_space<hbm>>
        %dma_wait3A_41 = tpu.memref_squeeze %dma_wait3A_40 : memref<1x5120xf32, #tpu.memory_space<hbm>> -> memref<5120xf32, #tpu.memory_space<hbm>>
        tpu.wait_dma2 semaphore(%run_scoped3A : memref<!tpu.dma_semaphore, #tpu.memory_space<semaphore_mem>>) src(%dma_wait3A_41 : memref<5120xf32, #tpu.memory_space<hbm>>) dst(%arg14 : memref<5120xf32, #tpu.memory_space<vmem>>)
        tpu.yield
      }) : () -> ()
      "tpu.region"() ({
        %run_scoped3A = tpu.sem_alloc : memref<!tpu.dma_semaphore, #tpu.memory_space<semaphore_mem>>
        %dma_start3A = arith.constant 0 : i32
        %dma_start3A_32 = tpu.memref_slice %arg4[%add3A_13, %dma_start3A] : memref<80x5120xf32, #tpu.memory_space<hbm>> -> memref<1x5120xf32, #tpu.memory_space<hbm>>
        %dma_start3A_33 = tpu.memref_squeeze %dma_start3A_32 : memref<1x5120xf32, #tpu.memory_space<hbm>> -> memref<5120xf32, #tpu.memory_space<hbm>>
        %dma_start3A_34 = arith.constant 0 : i32
        %dma_start3A_35 = tpu.memref_slice %arg4[%add3A_13, %dma_start3A_34] : memref<80x5120xf32, #tpu.memory_space<hbm>> -> memref<1x5120xf32, #tpu.memory_space<hbm>>
        %dma_start3A_36 = tpu.memref_squeeze %dma_start3A_35 : memref<1x5120xf32, #tpu.memory_space<hbm>> -> memref<5120xf32, #tpu.memory_space<hbm>>
        tpu.enqueue_dma source(%dma_start3A_36 : memref<5120xf32, #tpu.memory_space<hbm>>) target(%arg15 : memref<5120xf32, #tpu.memory_space<vmem>>) target_semaphore(%run_scoped3A : memref<!tpu.dma_semaphore, #tpu.memory_space<semaphore_mem>>)
        %dma_wait3A = arith.constant 0 : i32
        %dma_wait3A_37 = tpu.memref_slice %arg4[%add3A_13, %dma_wait3A] : memref<80x5120xf32, #tpu.memory_space<hbm>> -> memref<1x5120xf32, #tpu.memory_space<hbm>>
        %dma_wait3A_38 = tpu.memref_squeeze %dma_wait3A_37 : memref<1x5120xf32, #tpu.memory_space<hbm>> -> memref<5120xf32, #tpu.memory_space<hbm>>
        %dma_wait3A_39 = arith.constant 0 : i32
        %dma_wait3A_40 = tpu.memref_slice %arg4[%add3A_13, %dma_wait3A_39] : memref<80x5120xf32, #tpu.memory_space<hbm>> -> memref<1x5120xf32, #tpu.memory_space<hbm>>
        %dma_wait3A_41 = tpu.memref_squeeze %dma_wait3A_40 : memref<1x5120xf32, #tpu.memory_space<hbm>> -> memref<5120xf32, #tpu.memory_space<hbm>>
        tpu.wait_dma2 semaphore(%run_scoped3A : memref<!tpu.dma_semaphore, #tpu.memory_space<semaphore_mem>>) src(%dma_wait3A_41 : memref<5120xf32, #tpu.memory_space<hbm>>) dst(%arg15 : memref<5120xf32, #tpu.memory_space<vmem>>)
        tpu.yield
      }) : () -> ()
      "tpu.region"() ({
        %run_scoped3A = tpu.sem_alloc : memref<!tpu.dma_semaphore, #tpu.memory_space<semaphore_mem>>
        %dma_start3A = arith.constant 0 : i32
        %dma_start3A_32 = tpu.memref_slice %arg5[%add3A_13, %dma_start3A] : memref<80x5120xf32, #tpu.memory_space<hbm>> -> memref<1x5120xf32, #tpu.memory_space<hbm>>
        %dma_start3A_33 = tpu.memref_squeeze %dma_start3A_32 : memref<1x5120xf32, #tpu.memory_space<hbm>> -> memref<5120xf32, #tpu.memory_space<hbm>>
        %dma_start3A_34 = arith.constant 0 : i32
        %dma_start3A_35 = tpu.memref_slice %arg5[%add3A_13, %dma_start3A_34] : memref<80x5120xf32, #tpu.memory_space<hbm>> -> memref<1x5120xf32, #tpu.memory_space<hbm>>
        %dma_start3A_36 = tpu.memref_squeeze %dma_start3A_35 : memref<1x5120xf32, #tpu.memory_space<hbm>> -> memref<5120xf32, #tpu.memory_space<hbm>>
        tpu.enqueue_dma source(%dma_start3A_36 : memref<5120xf32, #tpu.memory_space<hbm>>) target(%arg16 : memref<5120xf32, #tpu.memory_space<vmem>>) target_semaphore(%run_scoped3A : memref<!tpu.dma_semaphore, #tpu.memory_space<semaphore_mem>>)
        %dma_wait3A = arith.constant 0 : i32
        %dma_wait3A_37 = tpu.memref_slice %arg5[%add3A_13, %dma_wait3A] : memref<80x5120xf32, #tpu.memory_space<hbm>> -> memref<1x5120xf32, #tpu.memory_space<hbm>>
        %dma_wait3A_38 = tpu.memref_squeeze %dma_wait3A_37 : memref<1x5120xf32, #tpu.memory_space<hbm>> -> memref<5120xf32, #tpu.memory_space<hbm>>
        %dma_wait3A_39 = arith.constant 0 : i32
        %dma_wait3A_40 = tpu.memref_slice %arg5[%add3A_13, %dma_wait3A_39] : memref<80x5120xf32, #tpu.memory_space<hbm>> -> memref<1x5120xf32, #tpu.memory_space<hbm>>
        %dma_wait3A_41 = tpu.memref_squeeze %dma_wait3A_40 : memref<1x5120xf32, #tpu.memory_space<hbm>> -> memref<5120xf32, #tpu.memory_space<hbm>>
        tpu.wait_dma2 semaphore(%run_scoped3A : memref<!tpu.dma_semaphore, #tpu.memory_space<semaphore_mem>>) src(%dma_wait3A_41 : memref<5120xf32, #tpu.memory_space<hbm>>) dst(%arg16 : memref<5120xf32, #tpu.memory_space<vmem>>)
        tpu.yield
      }) : () -> ()
      "tpu.region"() ({
        %run_scoped3A = tpu.sem_alloc : memref<!tpu.dma_semaphore, #tpu.memory_space<semaphore_mem>>
        %dma_start3A = arith.constant 0 : i32
        %dma_start3A_32 = tpu.memref_slice %arg6[%add3A_13, %dma_start3A] : memref<80x5120xf32, #tpu.memory_space<hbm>> -> memref<1x5120xf32, #tpu.memory_space<hbm>>
        %dma_start3A_33 = tpu.memref_squeeze %dma_start3A_32 : memref<1x5120xf32, #tpu.memory_space<hbm>> -> memref<5120xf32, #tpu.memory_space<hbm>>
        %dma_start3A_34 = arith.constant 0 : i32
        %dma_start3A_35 = tpu.memref_slice %arg6[%add3A_13, %dma_start3A_34] : memref<80x5120xf32, #tpu.memory_space<hbm>> -> memref<1x5120xf32, #tpu.memory_space<hbm>>
        %dma_start3A_36 = tpu.memref_squeeze %dma_start3A_35 : memref<1x5120xf32, #tpu.memory_space<hbm>> -> memref<5120xf32, #tpu.memory_space<hbm>>
        tpu.enqueue_dma source(%dma_start3A_36 : memref<5120xf32, #tpu.memory_space<hbm>>) target(%arg17 : memref<5120xf32, #tpu.memory_space<vmem>>) target_semaphore(%run_scoped3A : memref<!tpu.dma_semaphore, #tpu.memory_space<semaphore_mem>>)
        %dma_wait3A = arith.constant 0 : i32
        %dma_wait3A_37 = tpu.memref_slice %arg6[%add3A_13, %dma_wait3A] : memref<80x5120xf32, #tpu.memory_space<hbm>> -> memref<1x5120xf32, #tpu.memory_space<hbm>>
        %dma_wait3A_38 = tpu.memref_squeeze %dma_wait3A_37 : memref<1x5120xf32, #tpu.memory_space<hbm>> -> memref<5120xf32, #tpu.memory_space<hbm>>
        %dma_wait3A_39 = arith.constant 0 : i32
        %dma_wait3A_40 = tpu.memref_slice %arg6[%add3A_13, %dma_wait3A_39] : memref<80x5120xf32, #tpu.memory_space<hbm>> -> memref<1x5120xf32, #tpu.memory_space<hbm>>
        %dma_wait3A_41 = tpu.memref_squeeze %dma_wait3A_40 : memref<1x5120xf32, #tpu.memory_space<hbm>> -> memref<5120xf32, #tpu.memory_space<hbm>>
        tpu.wait_dma2 semaphore(%run_scoped3A : memref<!tpu.dma_semaphore, #tpu.memory_space<semaphore_mem>>) src(%dma_wait3A_41 : memref<5120xf32, #tpu.memory_space<hbm>>) dst(%arg17 : memref<5120xf32, #tpu.memory_space<vmem>>)
        tpu.yield
      }) : () -> ()
      %scan3A = arith.constant 0 : i32
      %scan3A_19 = arith.constant 0 : i32
      %scan3A_20 = arith.constant 35 : i32
      %scan3A_21 = arith.addi %scan3A_19, %scan3A_20 : i32
      %scan3A_22 = arith.constant 1 : i32
      %scan3A_23 = scf.for %scan3A_32 = %scan3A_19 to %scan3A_21 step %scan3A_22 iter_args(%scan3A_33 = %scan3A) -> (i32)  : i32 {
        %broadcast_in_dim3A = arith.constant -1.000000e+00 : f32
        %broadcast_in_dim3A_34 = vector.broadcast %broadcast_in_dim3A : f32 to vector<16xf32>
        %mul3A_35 = arith.constant 16 : i32
        %mul3A_36 = arith.muli %scan3A_32, %mul3A_35 : i32
        %swap3A = arith.index_cast %mul3A_36 : i32 to index
        %swap3A_37 = tpu.vector_load %arg18[%swap3A] {strides = array<i32>} : memref<560xf32, #tpu.memory_space<vmem>>, vector<16xf32>,
        tpu.vector_store %arg18[%swap3A], %broadcast_in_dim3A_34 {strides = array<i32>} : memref<560xf32, #tpu.memory_space<vmem>>, vector<16xf32>,
        %scan3A_38 = arith.constant 0 : i32
        scf.yield %scan3A_38 : i32
      }
      %scan3A_24 = arith.constant 35 : i32
      %scan3A_25 = arith.constant 0 : i32
      %scan3A_26 = arith.constant 0 : i32
      %scan3A_27 = arith.constant 313 : i32
      %scan3A_28 = arith.addi %scan3A_26, %scan3A_27 : i32
      %scan3A_29 = arith.constant 1 : i32
      %scan3A_30 = scf.for %scan3A_32 = %scan3A_26 to %scan3A_28 step %scan3A_29 iter_args(%scan3A_33 = %scan3A_25) -> (i32)  : i32 {
        %mul3A_34 = arith.constant 16 : i32
        %mul3A_35 = arith.muli %scan3A_32, %mul3A_34 : i32
        %get3A = arith.index_cast %mul3A_35 : i32 to index
        %get3A_36 = tpu.vector_load %arg13[%get3A] {strides = array<i32>} : memref<5120xf32, #tpu.memory_space<vmem>>, vector<16xf32>,
        %gt3A = arith.constant 5.000000e-02 : f32
        %gt3A_37 = vector.broadcast %gt3A : f32 to vector<16xf32>
        %gt3A_38 = arith.cmpf ogt, %get3A_36, %gt3A_37 : vector<16xf32>
        %add3A_39 = vector.broadcast %mul3A_35 : i32 to vector<16xi32>
        %add3A_40 = arith.addi %add3A_39, %iota3A : vector<16xi32>
        %lt3A_41 = arith.constant 5000 : i32
        %lt3A_42 = vector.broadcast %lt3A_41 : i32 to vector<16xi32>
        %lt3A_43 = arith.cmpi slt, %add3A_40, %lt3A_42 : vector<16xi32>
        %and3A = arith.andi %gt3A_38, %lt3A_43 : vector<16xi1>
        %jit3A = arith.constant 1 : i32
        %jit3A_44 = arith.constant 0 : i32
        %broadcast_in_dim3A = vector.broadcast %jit3A : i32 to vector<16xi32>
        %broadcast_in_dim3A_45 = vector.broadcast %jit3A_44 : i32 to vector<16xi32>
        %select_n3A = arith.select %and3A, %broadcast_in_dim3A, %broadcast_in_dim3A_45 : vector<16xi1>, vector<16xi32>
        %broadcast_in_dim3A_46 = arith.constant true
        %broadcast_in_dim3A_47 = vector.broadcast %broadcast_in_dim3A_46 : i1 to vector<16xi1>
        %masked_cumsum3A = tpu.scan <sum>, %select_n3A masked %broadcast_in_dim3A_47 : vector<16xi32>, vector<16xi1> -> vector<16xi32>
        %min3A = arith.constant 512 : i32
        %min3A_48 = arith.minsi %scan3A_33, %min3A : i32
        %add3A_49 = vector.broadcast %min3A_48 : i32 to vector<16xi32>
        %add3A_50 = arith.addi %add3A_49, %masked_cumsum3A : vector<16xi32>
        %sub3A = arith.constant 1 : i32
        %sub3A_51 = vector.broadcast %sub3A : i32 to vector<16xi32>
        %sub3A_52 = arith.subi %add3A_50, %sub3A_51 : vector<16xi32>
        %add3A_53 = arith.constant 544 : i32
        %add3A_54 = vector.broadcast %add3A_53 : i32 to vector<16xi32>
        %add3A_55 = arith.addi %add3A_54, %iota3A : vector<16xi32>
        %select_n3A_56 = arith.select %and3A, %sub3A_52, %add3A_55 : vector<16xi1>, vector<16xi32>
        tpu.vector_store_idx %arg18[%select_n3A_56], %get3A_36 : memref<560xf32, #tpu.memory_space<vmem>>[vector<16xi32>], vector<16xf32>,
        %get3A_57 = arith.index_cast %mul3A_35 : i32 to index
        %get3A_58 = tpu.vector_load %arg14[%get3A_57] {strides = array<i32>} : memref<5120xf32, #tpu.memory_space<vmem>>, vector<16xf32>,
        tpu.vector_store_idx %arg19[%select_n3A_56], %get3A_58 : memref<560xf32, #tpu.memory_space<vmem>>[vector<16xi32>], vector<16xf32>,
        %get3A_59 = arith.index_cast %mul3A_35 : i32 to index
        %get3A_60 = tpu.vector_load %arg15[%get3A_59] {strides = array<i32>} : memref<5120xf32, #tpu.memory_space<vmem>>, vector<16xf32>,
        tpu.vector_store_idx %arg20[%select_n3A_56], %get3A_60 : memref<560xf32, #tpu.memory_space<vmem>>[vector<16xi32>], vector<16xf32>,
        %get3A_61 = arith.index_cast %mul3A_35 : i32 to index
        %get3A_62 = tpu.vector_load %arg16[%get3A_61] {strides = array<i32>} : memref<5120xf32, #tpu.memory_space<vmem>>, vector<16xf32>,
        tpu.vector_store_idx %arg21[%select_n3A_56], %get3A_62 : memref<560xf32, #tpu.memory_space<vmem>>[vector<16xi32>], vector<16xf32>,
        %get3A_63 = arith.index_cast %mul3A_35 : i32 to index
        %get3A_64 = tpu.vector_load %arg17[%get3A_63] {strides = array<i32>} : memref<5120xf32, #tpu.memory_space<vmem>>, vector<16xf32>,
        tpu.vector_store_idx %arg22[%select_n3A_56], %get3A_64 : memref<560xf32, #tpu.memory_space<vmem>>[vector<16xi32>], vector<16xf32>,
        %add3A_65 = vector.broadcast %mul3A_35 : i32 to vector<16xi32>
        %add3A_66 = arith.addi %add3A_65, %iota3A : vector<16xi32>
        tpu.vector_store_idx %arg23[%select_n3A_56], %add3A_66 : memref<560xi32, #tpu.memory_space<vmem>>[vector<16xi32>], vector<16xi32>,
        %reduce_max3A = arith.constant true
        %reduce_max3A_67 = vector.broadcast %reduce_max3A : i1 to vector<16xi1>
        %reduce_max3A_68 = arith.constant -2147483648 : i32
        %reduce_max3A_69 = vector.broadcast %reduce_max3A_68 : i32 to vector<16xi32>
        %reduce_max3A_70 = arith.xori %masked_cumsum3A, %reduce_max3A_69 : vector<16xi32>
        %reduce_max3A_71 = tpu.scan <max>, %reduce_max3A_70 masked %reduce_max3A_67 : vector<16xi32>, vector<16xi1> -> vector<16xi32>
        %reduce_max3A_72 = arith.xori %reduce_max3A_71, %reduce_max3A_69 : vector<16xi32>
        %reduce_max3A_73 = vector.extract %reduce_max3A_72[15] : i32 from vector<16xi32>
        %add3A_74 = arith.addi %scan3A_33, %reduce_max3A_73 : i32
        scf.yield %add3A_74 : i32
      }
      %scan3A_31 = arith.constant 313 : i32
      "tpu.region"() ({
        %run_scoped3A = tpu.sem_alloc : memref<!tpu.dma_semaphore, #tpu.memory_space<semaphore_mem>>
        %dma_start3A = arith.constant 0 : i32
        %dma_start3A_32 = tpu.memref_slice %arg18[%dma_start3A] : memref<560xf32, #tpu.memory_space<vmem>> -> memref<512xf32, #tpu.memory_space<vmem>>
        %dma_start3A_33 = arith.constant 0 : i32
        %dma_start3A_34 = tpu.memref_slice %arg7[%add3A_13, %dma_start3A_33] : memref<80x512xf32, #tpu.memory_space<hbm>> -> memref<1x512xf32, #tpu.memory_space<hbm>>
        %dma_start3A_35 = tpu.memref_squeeze %dma_start3A_34 : memref<1x512xf32, #tpu.memory_space<hbm>> -> memref<512xf32, #tpu.memory_space<hbm>>
        %dma_start3A_36 = arith.constant 0 : i32
        %dma_start3A_37 = tpu.memref_slice %arg7[%add3A_13, %dma_start3A_36] : memref<80x512xf32, #tpu.memory_space<hbm>> -> memref<1x512xf32, #tpu.memory_space<hbm>>
        %dma_start3A_38 = tpu.memref_squeeze %dma_start3A_37 : memref<1x512xf32, #tpu.memory_space<hbm>> -> memref<512xf32, #tpu.memory_space<hbm>>
        %dma_start3A_39 = arith.constant 0 : i32
        %dma_start3A_40 = tpu.memref_slice %arg18[%dma_start3A_39] : memref<560xf32, #tpu.memory_space<vmem>> -> memref<512xf32, #tpu.memory_space<vmem>>
        tpu.enqueue_dma source(%dma_start3A_40 : memref<512xf32, #tpu.memory_space<vmem>>) target(%dma_start3A_38 : memref<512xf32, #tpu.memory_space<hbm>>) target_semaphore(%run_scoped3A : memref<!tpu.dma_semaphore, #tpu.memory_space<semaphore_mem>>)
        %dma_wait3A = arith.constant 0 : i32
        %dma_wait3A_41 = tpu.memref_slice %arg18[%dma_wait3A] : memref<560xf32, #tpu.memory_space<vmem>> -> memref<512xf32, #tpu.memory_space<vmem>>
        %dma_wait3A_42 = arith.constant 0 : i32
        %dma_wait3A_43 = tpu.memref_slice %arg7[%add3A_13, %dma_wait3A_42] : memref<80x512xf32, #tpu.memory_space<hbm>> -> memref<1x512xf32, #tpu.memory_space<hbm>>
        %dma_wait3A_44 = tpu.memref_squeeze %dma_wait3A_43 : memref<1x512xf32, #tpu.memory_space<hbm>> -> memref<512xf32, #tpu.memory_space<hbm>>
        %dma_wait3A_45 = arith.constant 0 : i32
        %dma_wait3A_46 = tpu.memref_slice %arg7[%add3A_13, %dma_wait3A_45] : memref<80x512xf32, #tpu.memory_space<hbm>> -> memref<1x512xf32, #tpu.memory_space<hbm>>
        %dma_wait3A_47 = tpu.memref_squeeze %dma_wait3A_46 : memref<1x512xf32, #tpu.memory_space<hbm>> -> memref<512xf32, #tpu.memory_space<hbm>>
        %dma_wait3A_48 = arith.constant 0 : i32
        %dma_wait3A_49 = tpu.memref_slice %arg18[%dma_wait3A_48] : memref<560xf32, #tpu.memory_space<vmem>> -> memref<512xf32, #tpu.memory_space<vmem>>
        tpu.wait_dma2 semaphore(%run_scoped3A : memref<!tpu.dma_semaphore, #tpu.memory_space<semaphore_mem>>) src(%dma_wait3A_49 : memref<512xf32, #tpu.memory_space<vmem>>) dst(%dma_wait3A_47 : memref<512xf32, #tpu.memory_space<hbm>>)
        tpu.yield
      }) : () -> ()
      "tpu.region"() ({
        %run_scoped3A = tpu.sem_alloc : memref<!tpu.dma_semaphore, #tpu.memory_space<semaphore_mem>>
        %dma_start3A = arith.constant 0 : i32
        %dma_start3A_32 = tpu.memref_slice %arg19[%dma_start3A] : memref<560xf32, #tpu.memory_space<vmem>> -> memref<512xf32, #tpu.memory_space<vmem>>
        %dma_start3A_33 = arith.constant 0 : i32
        %dma_start3A_34 = tpu.memref_slice %arg8[%add3A_13, %dma_start3A_33] : memref<80x512xf32, #tpu.memory_space<hbm>> -> memref<1x512xf32, #tpu.memory_space<hbm>>
        %dma_start3A_35 = tpu.memref_squeeze %dma_start3A_34 : memref<1x512xf32, #tpu.memory_space<hbm>> -> memref<512xf32, #tpu.memory_space<hbm>>
        %dma_start3A_36 = arith.constant 0 : i32
        %dma_start3A_37 = tpu.memref_slice %arg8[%add3A_13, %dma_start3A_36] : memref<80x512xf32, #tpu.memory_space<hbm>> -> memref<1x512xf32, #tpu.memory_space<hbm>>
        %dma_start3A_38 = tpu.memref_squeeze %dma_start3A_37 : memref<1x512xf32, #tpu.memory_space<hbm>> -> memref<512xf32, #tpu.memory_space<hbm>>
        %dma_start3A_39 = arith.constant 0 : i32
        %dma_start3A_40 = tpu.memref_slice %arg19[%dma_start3A_39] : memref<560xf32, #tpu.memory_space<vmem>> -> memref<512xf32, #tpu.memory_space<vmem>>
        tpu.enqueue_dma source(%dma_start3A_40 : memref<512xf32, #tpu.memory_space<vmem>>) target(%dma_start3A_38 : memref<512xf32, #tpu.memory_space<hbm>>) target_semaphore(%run_scoped3A : memref<!tpu.dma_semaphore, #tpu.memory_space<semaphore_mem>>)
        %dma_wait3A = arith.constant 0 : i32
        %dma_wait3A_41 = tpu.memref_slice %arg19[%dma_wait3A] : memref<560xf32, #tpu.memory_space<vmem>> -> memref<512xf32, #tpu.memory_space<vmem>>
        %dma_wait3A_42 = arith.constant 0 : i32
        %dma_wait3A_43 = tpu.memref_slice %arg8[%add3A_13, %dma_wait3A_42] : memref<80x512xf32, #tpu.memory_space<hbm>> -> memref<1x512xf32, #tpu.memory_space<hbm>>
        %dma_wait3A_44 = tpu.memref_squeeze %dma_wait3A_43 : memref<1x512xf32, #tpu.memory_space<hbm>> -> memref<512xf32, #tpu.memory_space<hbm>>
        %dma_wait3A_45 = arith.constant 0 : i32
        %dma_wait3A_46 = tpu.memref_slice %arg8[%add3A_13, %dma_wait3A_45] : memref<80x512xf32, #tpu.memory_space<hbm>> -> memref<1x512xf32, #tpu.memory_space<hbm>>
        %dma_wait3A_47 = tpu.memref_squeeze %dma_wait3A_46 : memref<1x512xf32, #tpu.memory_space<hbm>> -> memref<512xf32, #tpu.memory_space<hbm>>
        %dma_wait3A_48 = arith.constant 0 : i32
        %dma_wait3A_49 = tpu.memref_slice %arg19[%dma_wait3A_48] : memref<560xf32, #tpu.memory_space<vmem>> -> memref<512xf32, #tpu.memory_space<vmem>>
        tpu.wait_dma2 semaphore(%run_scoped3A : memref<!tpu.dma_semaphore, #tpu.memory_space<semaphore_mem>>) src(%dma_wait3A_49 : memref<512xf32, #tpu.memory_space<vmem>>) dst(%dma_wait3A_47 : memref<512xf32, #tpu.memory_space<hbm>>)
        tpu.yield
      }) : () -> ()
      "tpu.region"() ({
        %run_scoped3A = tpu.sem_alloc : memref<!tpu.dma_semaphore, #tpu.memory_space<semaphore_mem>>
        %dma_start3A = arith.constant 0 : i32
        %dma_start3A_32 = tpu.memref_slice %arg20[%dma_start3A] : memref<560xf32, #tpu.memory_space<vmem>> -> memref<512xf32, #tpu.memory_space<vmem>>
        %dma_start3A_33 = arith.constant 0 : i32
        %dma_start3A_34 = tpu.memref_slice %arg9[%add3A_13, %dma_start3A_33] : memref<80x512xf32, #tpu.memory_space<hbm>> -> memref<1x512xf32, #tpu.memory_space<hbm>>
        %dma_start3A_35 = tpu.memref_squeeze %dma_start3A_34 : memref<1x512xf32, #tpu.memory_space<hbm>> -> memref<512xf32, #tpu.memory_space<hbm>>
        %dma_start3A_36 = arith.constant 0 : i32
        %dma_start3A_37 = tpu.memref_slice %arg9[%add3A_13, %dma_start3A_36] : memref<80x512xf32, #tpu.memory_space<hbm>> -> memref<1x512xf32, #tpu.memory_space<hbm>>
        %dma_start3A_38 = tpu.memref_squeeze %dma_start3A_37 : memref<1x512xf32, #tpu.memory_space<hbm>> -> memref<512xf32, #tpu.memory_space<hbm>>
        %dma_start3A_39 = arith.constant 0 : i32
        %dma_start3A_40 = tpu.memref_slice %arg20[%dma_start3A_39] : memref<560xf32, #tpu.memory_space<vmem>> -> memref<512xf32, #tpu.memory_space<vmem>>
        tpu.enqueue_dma source(%dma_start3A_40 : memref<512xf32, #tpu.memory_space<vmem>>) target(%dma_start3A_38 : memref<512xf32, #tpu.memory_space<hbm>>) target_semaphore(%run_scoped3A : memref<!tpu.dma_semaphore, #tpu.memory_space<semaphore_mem>>)
        %dma_wait3A = arith.constant 0 : i32
        %dma_wait3A_41 = tpu.memref_slice %arg20[%dma_wait3A] : memref<560xf32, #tpu.memory_space<vmem>> -> memref<512xf32, #tpu.memory_space<vmem>>
        %dma_wait3A_42 = arith.constant 0 : i32
        %dma_wait3A_43 = tpu.memref_slice %arg9[%add3A_13, %dma_wait3A_42] : memref<80x512xf32, #tpu.memory_space<hbm>> -> memref<1x512xf32, #tpu.memory_space<hbm>>
        %dma_wait3A_44 = tpu.memref_squeeze %dma_wait3A_43 : memref<1x512xf32, #tpu.memory_space<hbm>> -> memref<512xf32, #tpu.memory_space<hbm>>
        %dma_wait3A_45 = arith.constant 0 : i32
        %dma_wait3A_46 = tpu.memref_slice %arg9[%add3A_13, %dma_wait3A_45] : memref<80x512xf32, #tpu.memory_space<hbm>> -> memref<1x512xf32, #tpu.memory_space<hbm>>
        %dma_wait3A_47 = tpu.memref_squeeze %dma_wait3A_46 : memref<1x512xf32, #tpu.memory_space<hbm>> -> memref<512xf32, #tpu.memory_space<hbm>>
        %dma_wait3A_48 = arith.constant 0 : i32
        %dma_wait3A_49 = tpu.memref_slice %arg20[%dma_wait3A_48] : memref<560xf32, #tpu.memory_space<vmem>> -> memref<512xf32, #tpu.memory_space<vmem>>
        tpu.wait_dma2 semaphore(%run_scoped3A : memref<!tpu.dma_semaphore, #tpu.memory_space<semaphore_mem>>) src(%dma_wait3A_49 : memref<512xf32, #tpu.memory_space<vmem>>) dst(%dma_wait3A_47 : memref<512xf32, #tpu.memory_space<hbm>>)
        tpu.yield
      }) : () -> ()
      "tpu.region"() ({
        %run_scoped3A = tpu.sem_alloc : memref<!tpu.dma_semaphore, #tpu.memory_space<semaphore_mem>>
        %dma_start3A = arith.constant 0 : i32
        %dma_start3A_32 = tpu.memref_slice %arg21[%dma_start3A] : memref<560xf32, #tpu.memory_space<vmem>> -> memref<512xf32, #tpu.memory_space<vmem>>
        %dma_start3A_33 = arith.constant 0 : i32
        %dma_start3A_34 = tpu.memref_slice %arg10[%add3A_13, %dma_start3A_33] : memref<80x512xf32, #tpu.memory_space<hbm>> -> memref<1x512xf32, #tpu.memory_space<hbm>>
        %dma_start3A_35 = tpu.memref_squeeze %dma_start3A_34 : memref<1x512xf32, #tpu.memory_space<hbm>> -> memref<512xf32, #tpu.memory_space<hbm>>
        %dma_start3A_36 = arith.constant 0 : i32
        %dma_start3A_37 = tpu.memref_slice %arg10[%add3A_13, %dma_start3A_36] : memref<80x512xf32, #tpu.memory_space<hbm>> -> memref<1x512xf32, #tpu.memory_space<hbm>>
        %dma_start3A_38 = tpu.memref_squeeze %dma_start3A_37 : memref<1x512xf32, #tpu.memory_space<hbm>> -> memref<512xf32, #tpu.memory_space<hbm>>
        %dma_start3A_39 = arith.constant 0 : i32
        %dma_start3A_40 = tpu.memref_slice %arg21[%dma_start3A_39] : memref<560xf32, #tpu.memory_space<vmem>> -> memref<512xf32, #tpu.memory_space<vmem>>
        tpu.enqueue_dma source(%dma_start3A_40 : memref<512xf32, #tpu.memory_space<vmem>>) target(%dma_start3A_38 : memref<512xf32, #tpu.memory_space<hbm>>) target_semaphore(%run_scoped3A : memref<!tpu.dma_semaphore, #tpu.memory_space<semaphore_mem>>)
        %dma_wait3A = arith.constant 0 : i32
        %dma_wait3A_41 = tpu.memref_slice %arg21[%dma_wait3A] : memref<560xf32, #tpu.memory_space<vmem>> -> memref<512xf32, #tpu.memory_space<vmem>>
        %dma_wait3A_42 = arith.constant 0 : i32
        %dma_wait3A_43 = tpu.memref_slice %arg10[%add3A_13, %dma_wait3A_42] : memref<80x512xf32, #tpu.memory_space<hbm>> -> memref<1x512xf32, #tpu.memory_space<hbm>>
        %dma_wait3A_44 = tpu.memref_squeeze %dma_wait3A_43 : memref<1x512xf32, #tpu.memory_space<hbm>> -> memref<512xf32, #tpu.memory_space<hbm>>
        %dma_wait3A_45 = arith.constant 0 : i32
        %dma_wait3A_46 = tpu.memref_slice %arg10[%add3A_13, %dma_wait3A_45] : memref<80x512xf32, #tpu.memory_space<hbm>> -> memref<1x512xf32, #tpu.memory_space<hbm>>
        %dma_wait3A_47 = tpu.memref_squeeze %dma_wait3A_46 : memref<1x512xf32, #tpu.memory_space<hbm>> -> memref<512xf32, #tpu.memory_space<hbm>>
        %dma_wait3A_48 = arith.constant 0 : i32
        %dma_wait3A_49 = tpu.memref_slice %arg21[%dma_wait3A_48] : memref<560xf32, #tpu.memory_space<vmem>> -> memref<512xf32, #tpu.memory_space<vmem>>
        tpu.wait_dma2 semaphore(%run_scoped3A : memref<!tpu.dma_semaphore, #tpu.memory_space<semaphore_mem>>) src(%dma_wait3A_49 : memref<512xf32, #tpu.memory_space<vmem>>) dst(%dma_wait3A_47 : memref<512xf32, #tpu.memory_space<hbm>>)
        tpu.yield
      }) : () -> ()
      "tpu.region"() ({
        %run_scoped3A = tpu.sem_alloc : memref<!tpu.dma_semaphore, #tpu.memory_space<semaphore_mem>>
        %dma_start3A = arith.constant 0 : i32
        %dma_start3A_32 = tpu.memref_slice %arg22[%dma_start3A] : memref<560xf32, #tpu.memory_space<vmem>> -> memref<512xf32, #tpu.memory_space<vmem>>
        %dma_start3A_33 = arith.constant 0 : i32
        %dma_start3A_34 = tpu.memref_slice %arg11[%add3A_13, %dma_start3A_33] : memref<80x512xf32, #tpu.memory_space<hbm>> -> memref<1x512xf32, #tpu.memory_space<hbm>>
        %dma_start3A_35 = tpu.memref_squeeze %dma_start3A_34 : memref<1x512xf32, #tpu.memory_space<hbm>> -> memref<512xf32, #tpu.memory_space<hbm>>
        %dma_start3A_36 = arith.constant 0 : i32
        %dma_start3A_37 = tpu.memref_slice %arg11[%add3A_13, %dma_start3A_36] : memref<80x512xf32, #tpu.memory_space<hbm>> -> memref<1x512xf32, #tpu.memory_space<hbm>>
        %dma_start3A_38 = tpu.memref_squeeze %dma_start3A_37 : memref<1x512xf32, #tpu.memory_space<hbm>> -> memref<512xf32, #tpu.memory_space<hbm>>
        %dma_start3A_39 = arith.constant 0 : i32
        %dma_start3A_40 = tpu.memref_slice %arg22[%dma_start3A_39] : memref<560xf32, #tpu.memory_space<vmem>> -> memref<512xf32, #tpu.memory_space<vmem>>
        tpu.enqueue_dma source(%dma_start3A_40 : memref<512xf32, #tpu.memory_space<vmem>>) target(%dma_start3A_38 : memref<512xf32, #tpu.memory_space<hbm>>) target_semaphore(%run_scoped3A : memref<!tpu.dma_semaphore, #tpu.memory_space<semaphore_mem>>)
        %dma_wait3A = arith.constant 0 : i32
        %dma_wait3A_41 = tpu.memref_slice %arg22[%dma_wait3A] : memref<560xf32, #tpu.memory_space<vmem>> -> memref<512xf32, #tpu.memory_space<vmem>>
        %dma_wait3A_42 = arith.constant 0 : i32
        %dma_wait3A_43 = tpu.memref_slice %arg11[%add3A_13, %dma_wait3A_42] : memref<80x512xf32, #tpu.memory_space<hbm>> -> memref<1x512xf32, #tpu.memory_space<hbm>>
        %dma_wait3A_44 = tpu.memref_squeeze %dma_wait3A_43 : memref<1x512xf32, #tpu.memory_space<hbm>> -> memref<512xf32, #tpu.memory_space<hbm>>
        %dma_wait3A_45 = arith.constant 0 : i32
        %dma_wait3A_46 = tpu.memref_slice %arg11[%add3A_13, %dma_wait3A_45] : memref<80x512xf32, #tpu.memory_space<hbm>> -> memref<1x512xf32, #tpu.memory_space<hbm>>
        %dma_wait3A_47 = tpu.memref_squeeze %dma_wait3A_46 : memref<1x512xf32, #tpu.memory_space<hbm>> -> memref<512xf32, #tpu.memory_space<hbm>>
        %dma_wait3A_48 = arith.constant 0 : i32
        %dma_wait3A_49 = tpu.memref_slice %arg22[%dma_wait3A_48] : memref<560xf32, #tpu.memory_space<vmem>> -> memref<512xf32, #tpu.memory_space<vmem>>
        tpu.wait_dma2 semaphore(%run_scoped3A : memref<!tpu.dma_semaphore, #tpu.memory_space<semaphore_mem>>) src(%dma_wait3A_49 : memref<512xf32, #tpu.memory_space<vmem>>) dst(%dma_wait3A_47 : memref<512xf32, #tpu.memory_space<hbm>>)
        tpu.yield
      }) : () -> ()
      "tpu.region"() ({
        %run_scoped3A = tpu.sem_alloc : memref<!tpu.dma_semaphore, #tpu.memory_space<semaphore_mem>>
        %dma_start3A = arith.constant 0 : i32
        %dma_start3A_32 = tpu.memref_slice %arg23[%dma_start3A] : memref<560xi32, #tpu.memory_space<vmem>> -> memref<512xi32, #tpu.memory_space<vmem>>
        %dma_start3A_33 = arith.constant 0 : i32
        %dma_start3A_34 = tpu.memref_slice %arg12[%add3A_13, %dma_start3A_33] : memref<80x512xi32, #tpu.memory_space<hbm>> -> memref<1x512xi32, #tpu.memory_space<hbm>>
        %dma_start3A_35 = tpu.memref_squeeze %dma_start3A_34 : memref<1x512xi32, #tpu.memory_space<hbm>> -> memref<512xi32, #tpu.memory_space<hbm>>
        %dma_start3A_36 = arith.constant 0 : i32
        %dma_start3A_37 = tpu.memref_slice %arg12[%add3A_13, %dma_start3A_36] : memref<80x512xi32, #tpu.memory_space<hbm>> -> memref<1x512xi32, #tpu.memory_space<hbm>>
        %dma_start3A_38 = tpu.memref_squeeze %dma_start3A_37 : memref<1x512xi32, #tpu.memory_space<hbm>> -> memref<512xi32, #tpu.memory_space<hbm>>
        %dma_start3A_39 = arith.constant 0 : i32
        %dma_start3A_40 = tpu.memref_slice %arg23[%dma_start3A_39] : memref<560xi32, #tpu.memory_space<vmem>> -> memref<512xi32, #tpu.memory_space<vmem>>
        tpu.enqueue_dma source(%dma_start3A_40 : memref<512xi32, #tpu.memory_space<vmem>>) target(%dma_start3A_38 : memref<512xi32, #tpu.memory_space<hbm>>) target_semaphore(%run_scoped3A : memref<!tpu.dma_semaphore, #tpu.memory_space<semaphore_mem>>)
        %dma_wait3A = arith.constant 0 : i32
        %dma_wait3A_41 = tpu.memref_slice %arg23[%dma_wait3A] : memref<560xi32, #tpu.memory_space<vmem>> -> memref<512xi32, #tpu.memory_space<vmem>>
        %dma_wait3A_42 = arith.constant 0 : i32
        %dma_wait3A_43 = tpu.memref_slice %arg12[%add3A_13, %dma_wait3A_42] : memref<80x512xi32, #tpu.memory_space<hbm>> -> memref<1x512xi32, #tpu.memory_space<hbm>>
        %dma_wait3A_44 = tpu.memref_squeeze %dma_wait3A_43 : memref<1x512xi32, #tpu.memory_space<hbm>> -> memref<512xi32, #tpu.memory_space<hbm>>
        %dma_wait3A_45 = arith.constant 0 : i32
        %dma_wait3A_46 = tpu.memref_slice %arg12[%add3A_13, %dma_wait3A_45] : memref<80x512xi32, #tpu.memory_space<hbm>> -> memref<1x512xi32, #tpu.memory_space<hbm>>
        %dma_wait3A_47 = tpu.memref_squeeze %dma_wait3A_46 : memref<1x512xi32, #tpu.memory_space<hbm>> -> memref<512xi32, #tpu.memory_space<hbm>>
        %dma_wait3A_48 = arith.constant 0 : i32
        %dma_wait3A_49 = tpu.memref_slice %arg23[%dma_wait3A_48] : memref<560xi32, #tpu.memory_space<vmem>> -> memref<512xi32, #tpu.memory_space<vmem>>
        tpu.wait_dma2 semaphore(%run_scoped3A : memref<!tpu.dma_semaphore, #tpu.memory_space<semaphore_mem>>) src(%dma_wait3A_49 : memref<512xi32, #tpu.memory_space<vmem>>) dst(%dma_wait3A_47 : memref<512xi32, #tpu.memory_space<hbm>>)
        tpu.yield
      }) : () -> ()
    } else {
    }
    return
  }
}

#map = affine_map<(d0, d1) -> (0, 0)>
#map1 = affine_map<(d0, d1) -> (0)>
module attributes {stable_mosaic.version = 14 : i64} {
  func.func @_final_body(%arg0: i32, %arg1: i32, %arg2: memref<80x512xf32, #tpu.memory_space<hbm>>, %arg3: memref<80x512xi32, #tpu.memory_space<hbm>>, %arg4: memref<1024xf32, #tpu.memory_space<hbm>>, %arg5: memref<1620000xf32, #tpu.memory_space<hbm>>, %arg6: memref<3240000xf32, #tpu.memory_space<hbm>>, %arg7: memref<20000xf32, #tpu.memory_space<hbm>>, %arg8: memref<896xf32, #tpu.memory_space<hbm>>, %arg9: memref<896xf32, #tpu.memory_space<hbm>>, %arg10: memref<112xf32, #tpu.memory_space<hbm>>, %arg11: memref<112xi32, #tpu.memory_space<hbm>>, %arg12: memref<80x512xf32, #tpu.memory_space<vmem>>, %arg13: memref<80x512xi32, #tpu.memory_space<vmem>>, %arg14: memref<16xf32, #tpu.memory_space<vmem>>, %arg15: memref<20000xf32, #tpu.memory_space<vmem>>, %arg16: memref<160xf32, #tpu.memory_space<vmem>>, %arg17: memref<160xi32, #tpu.memory_space<vmem>>, %arg18: memref<160xi32, #tpu.memory_space<vmem>>, %arg19: memref<144xf32, #tpu.memory_space<vmem>>, %arg20: memref<144xi32, #tpu.memory_space<vmem>>, %arg21: memref<144xi32, #tpu.memory_space<vmem>>, %arg22: memref<128xi32, #tpu.memory_space<vmem>>, %arg23: memref<128xi32, #tpu.memory_space<vmem>>, %arg24: memref<128xi32, #tpu.memory_space<vmem>>, %arg25: memref<128xi32, #tpu.memory_space<vmem>>, %arg26: memref<128xi32, #tpu.memory_space<vmem>>, %arg27: memref<128xi32, #tpu.memory_space<vmem>>, %arg28: memref<128xi32, #tpu.memory_space<vmem>>, %arg29: memref<128xi32, #tpu.memory_space<vmem>>, %arg30: memref<128xi32, #tpu.memory_space<vmem>>, %arg31: memref<128xi32, #tpu.memory_space<vmem>>, %arg32: memref<128xi32, #tpu.memory_space<vmem>>, %arg33: memref<128xi32, #tpu.memory_space<vmem>>, %arg34: memref<128xi32, #tpu.memory_space<vmem>>, %arg35: memref<128xf32, #tpu.memory_space<vmem>>, %arg36: memref<128xf32, #tpu.memory_space<vmem>>, %arg37: memref<128xf32, #tpu.memory_space<vmem>>, %arg38: memref<128xf32, #tpu.memory_space<vmem>>, %arg39: memref<128xf32, #tpu.memory_space<vmem>>, %arg40: memref<128xf32, #tpu.memory_space<vmem>>, %arg41: memref<128xf32, #tpu.memory_space<vmem>>, %arg42: memref<128xf32, #tpu.memory_space<vmem>>, %arg43: memref<128xf32, #tpu.memory_space<vmem>>, %arg44: memref<128xf32, #tpu.memory_space<vmem>>, %arg45: memref<128xf32, #tpu.memory_space<vmem>>, %arg46: memref<128xf32, #tpu.memory_space<vmem>>, %arg47: memref<896xf32, #tpu.memory_space<vmem>>, %arg48: memref<896xf32, #tpu.memory_space<vmem>>, %arg49: memref<128xi32, #tpu.memory_space<vmem>>, %arg50: memref<!tpu.dma_semaphore, #tpu.memory_space<semaphore_mem>>) attributes {dimension_semantics = [#tpu.dimension_semantics<core_parallel>, #tpu.dimension_semantics<subcore_parallel>], iteration_bounds = array<i64: 2, 16>, scalar_prefetch = 0 : i64, scratch_operands = 39 : i64, tpu.core_type = #tpu.core_type<sc_vector_subcore>, window_params = [{transform_indices = #map}, {transform_indices = #map}, {transform_indices = #map1}, {transform_indices = #map1}, {transform_indices = #map1}, {transform_indices = #map1}, {transform_indices = #map1}, {transform_indices = #map1}, {transform_indices = #map1}, {transform_indices = #map1}]} {
    %mul3A = arith.constant 2 : i32
    %mul3A_0 = arith.muli %arg1, %mul3A : i32
    %add3A = arith.addi %mul3A_0, %arg0 : i32
    %iota3A = tpu.iota {dimensions = array<i32: 0>} : vector<16xi32>
    %eq3A = arith.constant 0 : i32
    %eq3A_1 = arith.cmpi eq, %add3A, %eq3A : i32
    %convert_element_type3A = arith.extui %eq3A_1 : i1 to i32
    %cond3A = arith.constant 0 : i32
    %cond3A_2 = arith.cmpi ne, %convert_element_type3A, %cond3A : i32
    scf.if %cond3A_2 {
      "tpu.region"() ({
        %run_scoped3A = tpu.sem_alloc : memref<!tpu.dma_semaphore, #tpu.memory_space<semaphore_mem>>
        tpu.enqueue_dma source(%arg2 : memref<80x512xf32, #tpu.memory_space<hbm>>) target(%arg12 : memref<80x512xf32, #tpu.memory_space<vmem>>) target_semaphore(%run_scoped3A : memref<!tpu.dma_semaphore, #tpu.memory_space<semaphore_mem>>)
        tpu.wait_dma2 semaphore(%run_scoped3A : memref<!tpu.dma_semaphore, #tpu.memory_space<semaphore_mem>>) src(%arg2 : memref<80x512xf32, #tpu.memory_space<hbm>>) dst(%arg12 : memref<80x512xf32, #tpu.memory_space<vmem>>)
        tpu.yield
      }) : () -> ()
      "tpu.region"() ({
        %run_scoped3A = tpu.sem_alloc : memref<!tpu.dma_semaphore, #tpu.memory_space<semaphore_mem>>
        tpu.enqueue_dma source(%arg3 : memref<80x512xi32, #tpu.memory_space<hbm>>) target(%arg13 : memref<80x512xi32, #tpu.memory_space<vmem>>) target_semaphore(%run_scoped3A : memref<!tpu.dma_semaphore, #tpu.memory_space<semaphore_mem>>)
        tpu.wait_dma2 semaphore(%run_scoped3A : memref<!tpu.dma_semaphore, #tpu.memory_space<semaphore_mem>>) src(%arg3 : memref<80x512xi32, #tpu.memory_space<hbm>>) dst(%arg13 : memref<80x512xi32, #tpu.memory_space<vmem>>)
        tpu.yield
      }) : () -> ()
      "tpu.region"() ({
        %run_scoped3A = tpu.sem_alloc : memref<!tpu.dma_semaphore, #tpu.memory_space<semaphore_mem>>
        %dma_start3A_94 = arith.constant 0 : i32
        %dma_start3A_95 = tpu.memref_slice %arg4[%dma_start3A_94] : memref<1024xf32, #tpu.memory_space<hbm>> -> memref<16xf32, #tpu.memory_space<hbm>>
        %dma_start3A_96 = arith.constant 0 : i32
        %dma_start3A_97 = tpu.memref_slice %arg4[%dma_start3A_96] : memref<1024xf32, #tpu.memory_space<hbm>> -> memref<16xf32, #tpu.memory_space<hbm>>
        tpu.enqueue_dma source(%dma_start3A_97 : memref<16xf32, #tpu.memory_space<hbm>>) target(%arg14 : memref<16xf32, #tpu.memory_space<vmem>>) target_semaphore(%run_scoped3A : memref<!tpu.dma_semaphore, #tpu.memory_space<semaphore_mem>>)
        %dma_wait3A_98 = arith.constant 0 : i32
        %dma_wait3A_99 = tpu.memref_slice %arg4[%dma_wait3A_98] : memref<1024xf32, #tpu.memory_space<hbm>> -> memref<16xf32, #tpu.memory_space<hbm>>
        %dma_wait3A_100 = arith.constant 0 : i32
        %dma_wait3A_101 = tpu.memref_slice %arg4[%dma_wait3A_100] : memref<1024xf32, #tpu.memory_space<hbm>> -> memref<16xf32, #tpu.memory_space<hbm>>
        tpu.wait_dma2 semaphore(%run_scoped3A : memref<!tpu.dma_semaphore, #tpu.memory_space<semaphore_mem>>) src(%dma_wait3A_101 : memref<16xf32, #tpu.memory_space<hbm>>) dst(%arg14 : memref<16xf32, #tpu.memory_space<vmem>>)
        tpu.yield
      }) : () -> ()
      "tpu.region"() ({
        %run_scoped3A = tpu.sem_alloc : memref<!tpu.dma_semaphore, #tpu.memory_space<semaphore_mem>>
        tpu.enqueue_dma source(%arg7 : memref<20000xf32, #tpu.memory_space<hbm>>) target(%arg15 : memref<20000xf32, #tpu.memory_space<vmem>>) target_semaphore(%run_scoped3A : memref<!tpu.dma_semaphore, #tpu.memory_space<semaphore_mem>>)
        tpu.wait_dma2 semaphore(%run_scoped3A : memref<!tpu.dma_semaphore, #tpu.memory_space<semaphore_mem>>) src(%arg7 : memref<20000xf32, #tpu.memory_space<hbm>>) dst(%arg15 : memref<20000xf32, #tpu.memory_space<vmem>>)
        tpu.yield
      }) : () -> ()
      %get3A = arith.constant 0 : index
      %get3A_3 = tpu.vector_load %arg14[%get3A] {strides = array<i32>} : memref<16xf32, #tpu.memory_space<vmem>>, vector<16xf32>,
      %reduce_max3A = arith.constant true
      %reduce_max3A_4 = vector.broadcast %reduce_max3A : i1 to vector<16xi1>
      %reduce_max3A_5 = tpu.scan <max>, %get3A_3 masked %reduce_max3A_4 : vector<16xf32>, vector<16xi1> -> vector<16xf32>
      %reduce_max3A_6 = vector.extract %reduce_max3A_5[15] : f32 from vector<16xf32>
      %scan3A = arith.constant 0 : i32
      %scan3A_7 = arith.constant 0 : i32
      %scan3A_8 = arith.constant 10 : i32
      %scan3A_9 = arith.addi %scan3A_7, %scan3A_8 : i32
      %scan3A_10 = arith.constant 1 : i32
      %scan3A_11 = scf.for %scan3A_94 = %scan3A_7 to %scan3A_9 step %scan3A_10 iter_args(%scan3A_95 = %scan3A) -> (i32)  : i32 {
        %broadcast_in_dim3A = arith.constant -1.000000e+30 : f32
        %broadcast_in_dim3A_96 = vector.broadcast %broadcast_in_dim3A : f32 to vector<16xf32>
        %mul3A_97 = arith.constant 16 : i32
        %mul3A_98 = arith.muli %scan3A_94, %mul3A_97 : i32
        %swap3A = arith.index_cast %mul3A_98 : i32 to index
        %swap3A_99 = tpu.vector_load %arg16[%swap3A] {strides = array<i32>} : memref<160xf32, #tpu.memory_space<vmem>>, vector<16xf32>,
        tpu.vector_store %arg16[%swap3A], %broadcast_in_dim3A_96 {strides = array<i32>} : memref<160xf32, #tpu.memory_space<vmem>>, vector<16xf32>,
        %scan3A_100 = arith.constant 0 : i32
        scf.yield %scan3A_100 : i32
      }
      %scan3A_12 = arith.constant 10 : i32
      %scan3A_13 = arith.constant 0 : i32
      %scan3A_14 = arith.constant 0 : i32
      %scan3A_15 = arith.constant 9 : i32
      %scan3A_16 = arith.addi %scan3A_14, %scan3A_15 : i32
      %scan3A_17 = arith.constant 1 : i32
      %scan3A_18 = scf.for %scan3A_94 = %scan3A_14 to %scan3A_16 step %scan3A_17 iter_args(%scan3A_95 = %scan3A_13) -> (i32)  : i32 {
        %broadcast_in_dim3A = arith.constant 0.000000e+00 : f32
        %broadcast_in_dim3A_96 = vector.broadcast %broadcast_in_dim3A : f32 to vector<16xf32>
        %mul3A_97 = arith.constant 16 : i32
        %mul3A_98 = arith.muli %scan3A_94, %mul3A_97 : i32
        %swap3A = arith.index_cast %mul3A_98 : i32 to index
        %swap3A_99 = tpu.vector_load %arg19[%swap3A] {strides = array<i32>} : memref<144xf32, #tpu.memory_space<vmem>>, vector<16xf32>,
        tpu.vector_store %arg19[%swap3A], %broadcast_in_dim3A_96 {strides = array<i32>} : memref<144xf32, #tpu.memory_space<vmem>>, vector<16xf32>,
        %broadcast_in_dim3A_100 = arith.constant 0 : i32
        %broadcast_in_dim3A_101 = vector.broadcast %broadcast_in_dim3A_100 : i32 to vector<16xi32>
        %mul3A_102 = arith.constant 16 : i32
        %mul3A_103 = arith.muli %scan3A_94, %mul3A_102 : i32
        %swap3A_104 = arith.index_cast %mul3A_103 : i32 to index
        %swap3A_105 = tpu.vector_load %arg20[%swap3A_104] {strides = array<i32>} : memref<144xi32, #tpu.memory_space<vmem>>, vector<16xi32>,
        tpu.vector_store %arg20[%swap3A_104], %broadcast_in_dim3A_101 {strides = array<i32>} : memref<144xi32, #tpu.memory_space<vmem>>, vector<16xi32>,
        %broadcast_in_dim3A_106 = arith.constant 0 : i32
        %broadcast_in_dim3A_107 = vector.broadcast %broadcast_in_dim3A_106 : i32 to vector<16xi32>
        %mul3A_108 = arith.constant 16 : i32
        %mul3A_109 = arith.muli %scan3A_94, %mul3A_108 : i32
        %swap3A_110 = arith.index_cast %mul3A_109 : i32 to index
        %swap3A_111 = tpu.vector_load %arg21[%swap3A_110] {strides = array<i32>} : memref<144xi32, #tpu.memory_space<vmem>>, vector<16xi32>,
        tpu.vector_store %arg21[%swap3A_110], %broadcast_in_dim3A_107 {strides = array<i32>} : memref<144xi32, #tpu.memory_space<vmem>>, vector<16xi32>,
        %scan3A_112 = arith.constant 0 : i32
        scf.yield %scan3A_112 : i32
      }
      %scan3A_19 = arith.constant 9 : i32
      %scan3A_20 = arith.constant 0 : i32
      %scan3A_21 = arith.constant 0 : i32
      %scan3A_22 = arith.constant 2560 : i32
      %scan3A_23 = arith.addi %scan3A_21, %scan3A_22 : i32
      %scan3A_24 = arith.constant 1 : i32
      %scan3A_25 = scf.for %scan3A_94 = %scan3A_21 to %scan3A_23 step %scan3A_24 iter_args(%scan3A_95 = %scan3A_20) -> (i32)  : i32 {
        %jit3A = arith.constant 32 : i32
        %div3A = arith.divsi %scan3A_94, %jit3A : i32
        %sign3A = arith.constant 0 : i32
        %sign3A_96 = arith.cmpi sgt, %scan3A_94, %sign3A : i32
        %sign3A_97 = arith.extui %sign3A_96 : i1 to i32
        %sign3A_98 = arith.constant 0 : i32
        %sign3A_99 = arith.cmpi slt, %scan3A_94, %sign3A_98 : i32
        %sign3A_100 = arith.extui %sign3A_99 : i1 to i32
        %sign3A_101 = arith.subi %sign3A_97, %sign3A_100 : i32
        %sign3A_102 = arith.constant 0 : i32
        %sign3A_103 = arith.cmpi sgt, %jit3A, %sign3A_102 : i32
        %sign3A_104 = arith.extui %sign3A_103 : i1 to i32
        %sign3A_105 = arith.constant 0 : i32
        %sign3A_106 = arith.cmpi slt, %jit3A, %sign3A_105 : i32
        %sign3A_107 = arith.extui %sign3A_106 : i1 to i32
        %sign3A_108 = arith.subi %sign3A_104, %sign3A_107 : i32
        %ne3A = arith.cmpi ne, %sign3A_101, %sign3A_108 : i32
        %rem3A = arith.remsi %scan3A_94, %jit3A : i32
        %ne3A_109 = arith.constant 0 : i32
        %ne3A_110 = arith.cmpi ne, %rem3A, %ne3A_109 : i32
        %and3A = arith.andi %ne3A, %ne3A_110 : i1
        %sub3A = arith.constant 1 : i32
        %sub3A_111 = arith.subi %div3A, %sub3A : i32
        %select_n3A = arith.select %and3A, %sub3A_111, %div3A : i32
        %jit3A_112 = arith.constant 32 : i32
        %eq3A_113 = arith.constant 0 : i32
        %eq3A_114 = arith.cmpi eq, %jit3A_112, %eq3A_113 : i32
        %jit3A_115 = arith.constant 1 : i32
        %select_n3A_116 = arith.select %eq3A_114, %jit3A_115, %jit3A_112 : i32
        %rem3A_117 = arith.remsi %scan3A_94, %select_n3A_116 : i32
        %ne3A_118 = arith.constant 0 : i32
        %ne3A_119 = arith.cmpi ne, %rem3A_117, %ne3A_118 : i32
        %lt3A = arith.constant 0 : i32
        %lt3A_120 = arith.cmpi slt, %rem3A_117, %lt3A : i32
        %lt3A_121 = arith.constant 0 : i32
        %lt3A_122 = arith.cmpi slt, %select_n3A_116, %lt3A_121 : i32
        %ne3A_123 = arith.xori %lt3A_120, %lt3A_122 : i1
        %and3A_124 = arith.andi %ne3A_123, %ne3A_119 : i1
        %add3A_125 = arith.addi %rem3A_117, %select_n3A_116 : i32
        %select_n3A_126 = arith.select %and3A_124, %add3A_125, %rem3A_117 : i32
        %mul3A_127 = arith.constant 16 : i32
        %mul3A_128 = arith.muli %select_n3A_126, %mul3A_127 : i32
        %get3A_129 = arith.index_cast %select_n3A : i32 to index
        %get3A_130 = arith.index_cast %mul3A_128 : i32 to index
        %get3A_131 = tpu.vector_load %arg12[%get3A_129, %get3A_130] {strides = array<i32>} : memref<80x512xf32, #tpu.memory_space<vmem>>, vector<16xf32>,
        %get3A_132 = arith.index_cast %select_n3A : i32 to index
        %get3A_133 = arith.index_cast %mul3A_128 : i32 to index
        %get3A_134 = tpu.vector_load %arg13[%get3A_132, %get3A_133] {strides = array<i32>} : memref<80x512xi32, #tpu.memory_space<vmem>>, vector<16xi32>,
        %gt3A = vector.broadcast %reduce_max3A_6 : f32 to vector<16xf32>
        %gt3A_135 = arith.cmpf ogt, %get3A_131, %gt3A : vector<16xf32>
        %jit3A_136 = arith.constant 1 : i32
        %jit3A_137 = arith.constant 0 : i32
        %broadcast_in_dim3A = vector.broadcast %jit3A_136 : i32 to vector<16xi32>
        %broadcast_in_dim3A_138 = vector.broadcast %jit3A_137 : i32 to vector<16xi32>
        %select_n3A_139 = arith.select %gt3A_135, %broadcast_in_dim3A, %broadcast_in_dim3A_138 : vector<16xi1>, vector<16xi32>
        %broadcast_in_dim3A_140 = arith.constant true
        %broadcast_in_dim3A_141 = vector.broadcast %broadcast_in_dim3A_140 : i1 to vector<16xi1>
        %masked_cumsum3A = tpu.scan <sum>, %select_n3A_139 masked %broadcast_in_dim3A_141 : vector<16xi32>, vector<16xi1> -> vector<16xi32>
        %min3A = arith.constant 128 : i32
        %min3A_142 = arith.minsi %scan3A_95, %min3A : i32
        %add3A_143 = vector.broadcast %min3A_142 : i32 to vector<16xi32>
        %add3A_144 = arith.addi %add3A_143, %masked_cumsum3A : vector<16xi32>
        %sub3A_145 = arith.constant 1 : i32
        %sub3A_146 = vector.broadcast %sub3A_145 : i32 to vector<16xi32>
        %sub3A_147 = arith.subi %add3A_144, %sub3A_146 : vector<16xi32>
        %add3A_148 = arith.constant 144 : i32
        %add3A_149 = vector.broadcast %add3A_148 : i32 to vector<16xi32>
        %add3A_150 = arith.addi %add3A_149, %iota3A : vector<16xi32>
        %select_n3A_151 = arith.select %gt3A_135, %sub3A_147, %add3A_150 : vector<16xi1>, vector<16xi32>
        tpu.vector_store_idx %arg16[%select_n3A_151], %get3A_131 : memref<160xf32, #tpu.memory_space<vmem>>[vector<16xi32>], vector<16xf32>,
        %broadcast_in_dim3A_152 = vector.broadcast %select_n3A : i32 to vector<16xi32>
        tpu.vector_store_idx %arg17[%select_n3A_151], %broadcast_in_dim3A_152 : memref<160xi32, #tpu.memory_space<vmem>>[vector<16xi32>], vector<16xi32>,
        tpu.vector_store_idx %arg18[%select_n3A_151], %get3A_134 : memref<160xi32, #tpu.memory_space<vmem>>[vector<16xi32>], vector<16xi32>,
        %reduce_max3A_153 = arith.constant true
        %reduce_max3A_154 = vector.broadcast %reduce_max3A_153 : i1 to vector<16xi1>
        %reduce_max3A_155 = arith.constant -2147483648 : i32
        %reduce_max3A_156 = vector.broadcast %reduce_max3A_155 : i32 to vector<16xi32>
        %reduce_max3A_157 = arith.xori %masked_cumsum3A, %reduce_max3A_156 : vector<16xi32>
        %reduce_max3A_158 = tpu.scan <max>, %reduce_max3A_157 masked %reduce_max3A_154 : vector<16xi32>, vector<16xi1> -> vector<16xi32>
        %reduce_max3A_159 = arith.xori %reduce_max3A_158, %reduce_max3A_156 : vector<16xi32>
        %reduce_max3A_160 = vector.extract %reduce_max3A_159[15] : i32 from vector<16xi32>
        %add3A_161 = arith.addi %scan3A_95, %reduce_max3A_160 : i32
        scf.yield %add3A_161 : i32
      }
      %scan3A_26 = arith.constant 2560 : i32
      %scan3A_27 = arith.constant 0 : i32
      %scan3A_28 = arith.constant 0 : i32
      %scan3A_29 = arith.constant 128 : i32
      %scan3A_30 = arith.addi %scan3A_28, %scan3A_29 : i32
      %scan3A_31 = arith.constant 1 : i32
      %scan3A_32 = scf.for %scan3A_94 = %scan3A_28 to %scan3A_30 step %scan3A_31 iter_args(%scan3A_95 = %scan3A_27) -> (i32)  : i32 {
        %jit3A = arith.constant 16 : i32
        %div3A = arith.divsi %scan3A_94, %jit3A : i32
        %sign3A = arith.constant 0 : i32
        %sign3A_96 = arith.cmpi sgt, %scan3A_94, %sign3A : i32
        %sign3A_97 = arith.extui %sign3A_96 : i1 to i32
        %sign3A_98 = arith.constant 0 : i32
        %sign3A_99 = arith.cmpi slt, %scan3A_94, %sign3A_98 : i32
        %sign3A_100 = arith.extui %sign3A_99 : i1 to i32
        %sign3A_101 = arith.subi %sign3A_97, %sign3A_100 : i32
        %sign3A_102 = arith.constant 0 : i32
        %sign3A_103 = arith.cmpi sgt, %jit3A, %sign3A_102 : i32
        %sign3A_104 = arith.extui %sign3A_103 : i1 to i32
        %sign3A_105 = arith.constant 0 : i32
        %sign3A_106 = arith.cmpi slt, %jit3A, %sign3A_105 : i32
        %sign3A_107 = arith.extui %sign3A_106 : i1 to i32
        %sign3A_108 = arith.subi %sign3A_104, %sign3A_107 : i32
        %ne3A = arith.cmpi ne, %sign3A_101, %sign3A_108 : i32
        %rem3A = arith.remsi %scan3A_94, %jit3A : i32
        %ne3A_109 = arith.constant 0 : i32
        %ne3A_110 = arith.cmpi ne, %rem3A, %ne3A_109 : i32
        %and3A = arith.andi %ne3A, %ne3A_110 : i1
        %sub3A = arith.constant 1 : i32
        %sub3A_111 = arith.subi %div3A, %sub3A : i32
        %select_n3A = arith.select %and3A, %sub3A_111, %div3A : i32
        %mul3A_112 = arith.constant 16 : i32
        %mul3A_113 = arith.muli %select_n3A, %mul3A_112 : i32
        %jit3A_114 = arith.constant 16 : i32
        %eq3A_115 = arith.constant 0 : i32
        %eq3A_116 = arith.cmpi eq, %jit3A_114, %eq3A_115 : i32
        %jit3A_117 = arith.constant 1 : i32
        %select_n3A_118 = arith.select %eq3A_116, %jit3A_117, %jit3A_114 : i32
        %rem3A_119 = arith.remsi %scan3A_94, %select_n3A_118 : i32
        %ne3A_120 = arith.constant 0 : i32
        %ne3A_121 = arith.cmpi ne, %rem3A_119, %ne3A_120 : i32
        %lt3A = arith.constant 0 : i32
        %lt3A_122 = arith.cmpi slt, %rem3A_119, %lt3A : i32
        %lt3A_123 = arith.constant 0 : i32
        %lt3A_124 = arith.cmpi slt, %select_n3A_118, %lt3A_123 : i32
        %ne3A_125 = arith.xori %lt3A_122, %lt3A_124 : i1
        %and3A_126 = arith.andi %ne3A_125, %ne3A_121 : i1
        %add3A_127 = arith.addi %rem3A_119, %select_n3A_118 : i32
        %select_n3A_128 = arith.select %and3A_126, %add3A_127, %rem3A_119 : i32
        %eq3A_129 = vector.broadcast %select_n3A_128 : i32 to vector<16xi32>
        %eq3A_130 = arith.cmpi eq, %iota3A, %eq3A_129 : vector<16xi32>
        %get3A_131 = arith.index_cast %mul3A_113 : i32 to index
        %get3A_132 = tpu.vector_load %arg16[%get3A_131] {strides = array<i32>} : memref<160xf32, #tpu.memory_space<vmem>>, vector<16xf32>,
        %jit3A_133 = arith.constant -1.000000e+30 : f32
        %broadcast_in_dim3A = vector.broadcast %jit3A_133 : f32 to vector<16xf32>
        %select_n3A_134 = arith.select %eq3A_130, %get3A_132, %broadcast_in_dim3A : vector<16xi1>, vector<16xf32>
        %reduce_max3A_135 = arith.constant true
        %reduce_max3A_136 = vector.broadcast %reduce_max3A_135 : i1 to vector<16xi1>
        %reduce_max3A_137 = tpu.scan <max>, %select_n3A_134 masked %reduce_max3A_136 : vector<16xf32>, vector<16xi1> -> vector<16xf32>
        %reduce_max3A_138 = vector.extract %reduce_max3A_137[15] : f32 from vector<16xf32>
        %get3A_139 = arith.constant 0 : index
        %get3A_140 = tpu.vector_load %arg16[%get3A_139] {strides = array<i32>} : memref<160xf32, #tpu.memory_space<vmem>>, vector<16xf32>,
        %add3A_141 = arith.constant 0 : i32
        %add3A_142 = vector.broadcast %add3A_141 : i32 to vector<16xi32>
        %add3A_143 = arith.addi %add3A_142, %iota3A : vector<16xi32>
        %gt3A = vector.broadcast %reduce_max3A_138 : f32 to vector<16xf32>
        %gt3A_144 = arith.cmpf ogt, %get3A_140, %gt3A : vector<16xf32>
        %eq3A_145 = vector.broadcast %reduce_max3A_138 : f32 to vector<16xf32>
        %eq3A_146 = arith.cmpf oeq, %get3A_140, %eq3A_145 : vector<16xf32>
        %lt3A_147 = vector.broadcast %scan3A_94 : i32 to vector<16xi32>
        %lt3A_148 = arith.cmpi slt, %add3A_143, %lt3A_147 : vector<16xi32>
        %and3A_149 = arith.andi %eq3A_146, %lt3A_148 : vector<16xi1>
        %or3A = arith.ori %gt3A_144, %and3A_149 : vector<16xi1>
        %jit3A_150 = arith.constant 1 : i32
        %jit3A_151 = arith.constant 0 : i32
        %broadcast_in_dim3A_152 = vector.broadcast %jit3A_150 : i32 to vector<16xi32>
        %broadcast_in_dim3A_153 = vector.broadcast %jit3A_151 : i32 to vector<16xi32>
        %select_n3A_154 = arith.select %or3A, %broadcast_in_dim3A_152, %broadcast_in_dim3A_153 : vector<16xi1>, vector<16xi32>
        %broadcast_in_dim3A_155 = arith.constant true
        %broadcast_in_dim3A_156 = vector.broadcast %broadcast_in_dim3A_155 : i1 to vector<16xi1>
        %masked_cumsum3A = tpu.scan <sum>, %select_n3A_154 masked %broadcast_in_dim3A_156 : vector<16xi32>, vector<16xi1> -> vector<16xi32>
        %reduce_max3A_157 = arith.constant true
        %reduce_max3A_158 = vector.broadcast %reduce_max3A_157 : i1 to vector<16xi1>
        %reduce_max3A_159 = arith.constant -2147483648 : i32
        %reduce_max3A_160 = vector.broadcast %reduce_max3A_159 : i32 to vector<16xi32>
        %reduce_max3A_161 = arith.xori %masked_cumsum3A, %reduce_max3A_160 : vector<16xi32>
        %reduce_max3A_162 = tpu.scan <max>, %reduce_max3A_161 masked %reduce_max3A_158 : vector<16xi32>, vector<16xi1> -> vector<16xi32>
        %reduce_max3A_163 = arith.xori %reduce_max3A_162, %reduce_max3A_160 : vector<16xi32>
        %reduce_max3A_164 = vector.extract %reduce_max3A_163[15] : i32 from vector<16xi32>
        %add3A_165 = arith.constant 0 : i32
        %add3A_166 = arith.addi %add3A_165, %reduce_max3A_164 : i32
        %get3A_167 = arith.constant 16 : index
        %get3A_168 = tpu.vector_load %arg16[%get3A_167] {strides = array<i32>} : memref<160xf32, #tpu.memory_space<vmem>>, vector<16xf32>,
        %add3A_169 = arith.constant 16 : i32
        %add3A_170 = vector.broadcast %add3A_169 : i32 to vector<16xi32>
        %add3A_171 = arith.addi %add3A_170, %iota3A : vector<16xi32>
        %gt3A_172 = vector.broadcast %reduce_max3A_138 : f32 to vector<16xf32>
        %gt3A_173 = arith.cmpf ogt, %get3A_168, %gt3A_172 : vector<16xf32>
        %eq3A_174 = vector.broadcast %reduce_max3A_138 : f32 to vector<16xf32>
        %eq3A_175 = arith.cmpf oeq, %get3A_168, %eq3A_174 : vector<16xf32>
        %lt3A_176 = vector.broadcast %scan3A_94 : i32 to vector<16xi32>
        %lt3A_177 = arith.cmpi slt, %add3A_171, %lt3A_176 : vector<16xi32>
        %and3A_178 = arith.andi %eq3A_175, %lt3A_177 : vector<16xi1>
        %or3A_179 = arith.ori %gt3A_173, %and3A_178 : vector<16xi1>
        %jit3A_180 = arith.constant 1 : i32
        %jit3A_181 = arith.constant 0 : i32
        %broadcast_in_dim3A_182 = vector.broadcast %jit3A_180 : i32 to vector<16xi32>
        %broadcast_in_dim3A_183 = vector.broadcast %jit3A_181 : i32 to vector<16xi32>
        %select_n3A_184 = arith.select %or3A_179, %broadcast_in_dim3A_182, %broadcast_in_dim3A_183 : vector<16xi1>, vector<16xi32>
        %broadcast_in_dim3A_185 = arith.constant true
        %broadcast_in_dim3A_186 = vector.broadcast %broadcast_in_dim3A_185 : i1 to vector<16xi1>
        %masked_cumsum3A_187 = tpu.scan <sum>, %select_n3A_184 masked %broadcast_in_dim3A_186 : vector<16xi32>, vector<16xi1> -> vector<16xi32>
        %reduce_max3A_188 = arith.constant true
        %reduce_max3A_189 = vector.broadcast %reduce_max3A_188 : i1 to vector<16xi1>
        %reduce_max3A_190 = arith.constant -2147483648 : i32
        %reduce_max3A_191 = vector.broadcast %reduce_max3A_190 : i32 to vector<16xi32>
        %reduce_max3A_192 = arith.xori %masked_cumsum3A_187, %reduce_max3A_191 : vector<16xi32>
        %reduce_max3A_193 = tpu.scan <max>, %reduce_max3A_192 masked %reduce_max3A_189 : vector<16xi32>, vector<16xi1> -> vector<16xi32>
        %reduce_max3A_194 = arith.xori %reduce_max3A_193, %reduce_max3A_191 : vector<16xi32>
        %reduce_max3A_195 = vector.extract %reduce_max3A_194[15] : i32 from vector<16xi32>
        %add3A_196 = arith.addi %add3A_166, %reduce_max3A_195 : i32
        %get3A_197 = arith.constant 32 : index
        %get3A_198 = tpu.vector_load %arg16[%get3A_197] {strides = array<i32>} : memref<160xf32, #tpu.memory_space<vmem>>, vector<16xf32>,
        %add3A_199 = arith.constant 32 : i32
        %add3A_200 = vector.broadcast %add3A_199 : i32 to vector<16xi32>
        %add3A_201 = arith.addi %add3A_200, %iota3A : vector<16xi32>
        %gt3A_202 = vector.broadcast %reduce_max3A_138 : f32 to vector<16xf32>
        %gt3A_203 = arith.cmpf ogt, %get3A_198, %gt3A_202 : vector<16xf32>
        %eq3A_204 = vector.broadcast %reduce_max3A_138 : f32 to vector<16xf32>
        %eq3A_205 = arith.cmpf oeq, %get3A_198, %eq3A_204 : vector<16xf32>
        %lt3A_206 = vector.broadcast %scan3A_94 : i32 to vector<16xi32>
        %lt3A_207 = arith.cmpi slt, %add3A_201, %lt3A_206 : vector<16xi32>
        %and3A_208 = arith.andi %eq3A_205, %lt3A_207 : vector<16xi1>
        %or3A_209 = arith.ori %gt3A_203, %and3A_208 : vector<16xi1>
        %jit3A_210 = arith.constant 1 : i32
        %jit3A_211 = arith.constant 0 : i32
        %broadcast_in_dim3A_212 = vector.broadcast %jit3A_210 : i32 to vector<16xi32>
        %broadcast_in_dim3A_213 = vector.broadcast %jit3A_211 : i32 to vector<16xi32>
        %select_n3A_214 = arith.select %or3A_209, %broadcast_in_dim3A_212, %broadcast_in_dim3A_213 : vector<16xi1>, vector<16xi32>
        %broadcast_in_dim3A_215 = arith.constant true
        %broadcast_in_dim3A_216 = vector.broadcast %broadcast_in_dim3A_215 : i1 to vector<16xi1>
        %masked_cumsum3A_217 = tpu.scan <sum>, %select_n3A_214 masked %broadcast_in_dim3A_216 : vector<16xi32>, vector<16xi1> -> vector<16xi32>
        %reduce_max3A_218 = arith.constant true
        %reduce_max3A_219 = vector.broadcast %reduce_max3A_218 : i1 to vector<16xi1>
        %reduce_max3A_220 = arith.constant -2147483648 : i32
        %reduce_max3A_221 = vector.broadcast %reduce_max3A_220 : i32 to vector<16xi32>
        %reduce_max3A_222 = arith.xori %masked_cumsum3A_217, %reduce_max3A_221 : vector<16xi32>
        %reduce_max3A_223 = tpu.scan <max>, %reduce_max3A_222 masked %reduce_max3A_219 : vector<16xi32>, vector<16xi1> -> vector<16xi32>
        %reduce_max3A_224 = arith.xori %reduce_max3A_223, %reduce_max3A_221 : vector<16xi32>
        %reduce_max3A_225 = vector.extract %reduce_max3A_224[15] : i32 from vector<16xi32>
        %add3A_226 = arith.addi %add3A_196, %reduce_max3A_225 : i32
        %get3A_227 = arith.constant 48 : index
        %get3A_228 = tpu.vector_load %arg16[%get3A_227] {strides = array<i32>} : memref<160xf32, #tpu.memory_space<vmem>>, vector<16xf32>,
        %add3A_229 = arith.constant 48 : i32
        %add3A_230 = vector.broadcast %add3A_229 : i32 to vector<16xi32>
        %add3A_231 = arith.addi %add3A_230, %iota3A : vector<16xi32>
        %gt3A_232 = vector.broadcast %reduce_max3A_138 : f32 to vector<16xf32>
        %gt3A_233 = arith.cmpf ogt, %get3A_228, %gt3A_232 : vector<16xf32>
        %eq3A_234 = vector.broadcast %reduce_max3A_138 : f32 to vector<16xf32>
        %eq3A_235 = arith.cmpf oeq, %get3A_228, %eq3A_234 : vector<16xf32>
        %lt3A_236 = vector.broadcast %scan3A_94 : i32 to vector<16xi32>
        %lt3A_237 = arith.cmpi slt, %add3A_231, %lt3A_236 : vector<16xi32>
        %and3A_238 = arith.andi %eq3A_235, %lt3A_237 : vector<16xi1>
        %or3A_239 = arith.ori %gt3A_233, %and3A_238 : vector<16xi1>
        %jit3A_240 = arith.constant 1 : i32
        %jit3A_241 = arith.constant 0 : i32
        %broadcast_in_dim3A_242 = vector.broadcast %jit3A_240 : i32 to vector<16xi32>
        %broadcast_in_dim3A_243 = vector.broadcast %jit3A_241 : i32 to vector<16xi32>
        %select_n3A_244 = arith.select %or3A_239, %broadcast_in_dim3A_242, %broadcast_in_dim3A_243 : vector<16xi1>, vector<16xi32>
        %broadcast_in_dim3A_245 = arith.constant true
        %broadcast_in_dim3A_246 = vector.broadcast %broadcast_in_dim3A_245 : i1 to vector<16xi1>
        %masked_cumsum3A_247 = tpu.scan <sum>, %select_n3A_244 masked %broadcast_in_dim3A_246 : vector<16xi32>, vector<16xi1> -> vector<16xi32>
        %reduce_max3A_248 = arith.constant true
        %reduce_max3A_249 = vector.broadcast %reduce_max3A_248 : i1 to vector<16xi1>
        %reduce_max3A_250 = arith.constant -2147483648 : i32
        %reduce_max3A_251 = vector.broadcast %reduce_max3A_250 : i32 to vector<16xi32>
        %reduce_max3A_252 = arith.xori %masked_cumsum3A_247, %reduce_max3A_251 : vector<16xi32>
        %reduce_max3A_253 = tpu.scan <max>, %reduce_max3A_252 masked %reduce_max3A_249 : vector<16xi32>, vector<16xi1> -> vector<16xi32>
        %reduce_max3A_254 = arith.xori %reduce_max3A_253, %reduce_max3A_251 : vector<16xi32>
        %reduce_max3A_255 = vector.extract %reduce_max3A_254[15] : i32 from vector<16xi32>
        %add3A_256 = arith.addi %add3A_226, %reduce_max3A_255 : i32
        %get3A_257 = arith.constant 64 : index
        %get3A_258 = tpu.vector_load %arg16[%get3A_257] {strides = array<i32>} : memref<160xf32, #tpu.memory_space<vmem>>, vector<16xf32>,
        %add3A_259 = arith.constant 64 : i32
        %add3A_260 = vector.broadcast %add3A_259 : i32 to vector<16xi32>
        %add3A_261 = arith.addi %add3A_260, %iota3A : vector<16xi32>
        %gt3A_262 = vector.broadcast %reduce_max3A_138 : f32 to vector<16xf32>
        %gt3A_263 = arith.cmpf ogt, %get3A_258, %gt3A_262 : vector<16xf32>
        %eq3A_264 = vector.broadcast %reduce_max3A_138 : f32 to vector<16xf32>
        %eq3A_265 = arith.cmpf oeq, %get3A_258, %eq3A_264 : vector<16xf32>
        %lt3A_266 = vector.broadcast %scan3A_94 : i32 to vector<16xi32>
        %lt3A_267 = arith.cmpi slt, %add3A_261, %lt3A_266 : vector<16xi32>
        %and3A_268 = arith.andi %eq3A_265, %lt3A_267 : vector<16xi1>
        %or3A_269 = arith.ori %gt3A_263, %and3A_268 : vector<16xi1>
        %jit3A_270 = arith.constant 1 : i32
        %jit3A_271 = arith.constant 0 : i32
        %broadcast_in_dim3A_272 = vector.broadcast %jit3A_270 : i32 to vector<16xi32>
        %broadcast_in_dim3A_273 = vector.broadcast %jit3A_271 : i32 to vector<16xi32>
        %select_n3A_274 = arith.select %or3A_269, %broadcast_in_dim3A_272, %broadcast_in_dim3A_273 : vector<16xi1>, vector<16xi32>
        %broadcast_in_dim3A_275 = arith.constant true
        %broadcast_in_dim3A_276 = vector.broadcast %broadcast_in_dim3A_275 : i1 to vector<16xi1>
        %masked_cumsum3A_277 = tpu.scan <sum>, %select_n3A_274 masked %broadcast_in_dim3A_276 : vector<16xi32>, vector<16xi1> -> vector<16xi32>
        %reduce_max3A_278 = arith.constant true
        %reduce_max3A_279 = vector.broadcast %reduce_max3A_278 : i1 to vector<16xi1>
        %reduce_max3A_280 = arith.constant -2147483648 : i32
        %reduce_max3A_281 = vector.broadcast %reduce_max3A_280 : i32 to vector<16xi32>
        %reduce_max3A_282 = arith.xori %masked_cumsum3A_277, %reduce_max3A_281 : vector<16xi32>
        %reduce_max3A_283 = tpu.scan <max>, %reduce_max3A_282 masked %reduce_max3A_279 : vector<16xi32>, vector<16xi1> -> vector<16xi32>
        %reduce_max3A_284 = arith.xori %reduce_max3A_283, %reduce_max3A_281 : vector<16xi32>
        %reduce_max3A_285 = vector.extract %reduce_max3A_284[15] : i32 from vector<16xi32>
        %add3A_286 = arith.addi %add3A_256, %reduce_max3A_285 : i32
        %get3A_287 = arith.constant 80 : index
        %get3A_288 = tpu.vector_load %arg16[%get3A_287] {strides = array<i32>} : memref<160xf32, #tpu.memory_space<vmem>>, vector<16xf32>,
        %add3A_289 = arith.constant 80 : i32
        %add3A_290 = vector.broadcast %add3A_289 : i32 to vector<16xi32>
        %add3A_291 = arith.addi %add3A_290, %iota3A : vector<16xi32>
        %gt3A_292 = vector.broadcast %reduce_max3A_138 : f32 to vector<16xf32>
        %gt3A_293 = arith.cmpf ogt, %get3A_288, %gt3A_292 : vector<16xf32>
        %eq3A_294 = vector.broadcast %reduce_max3A_138 : f32 to vector<16xf32>
        %eq3A_295 = arith.cmpf oeq, %get3A_288, %eq3A_294 : vector<16xf32>
        %lt3A_296 = vector.broadcast %scan3A_94 : i32 to vector<16xi32>
        %lt3A_297 = arith.cmpi slt, %add3A_291, %lt3A_296 : vector<16xi32>
        %and3A_298 = arith.andi %eq3A_295, %lt3A_297 : vector<16xi1>
        %or3A_299 = arith.ori %gt3A_293, %and3A_298 : vector<16xi1>
        %jit3A_300 = arith.constant 1 : i32
        %jit3A_301 = arith.constant 0 : i32
        %broadcast_in_dim3A_302 = vector.broadcast %jit3A_300 : i32 to vector<16xi32>
        %broadcast_in_dim3A_303 = vector.broadcast %jit3A_301 : i32 to vector<16xi32>
        %select_n3A_304 = arith.select %or3A_299, %broadcast_in_dim3A_302, %broadcast_in_dim3A_303 : vector<16xi1>, vector<16xi32>
        %broadcast_in_dim3A_305 = arith.constant true
        %broadcast_in_dim3A_306 = vector.broadcast %broadcast_in_dim3A_305 : i1 to vector<16xi1>
        %masked_cumsum3A_307 = tpu.scan <sum>, %select_n3A_304 masked %broadcast_in_dim3A_306 : vector<16xi32>, vector<16xi1> -> vector<16xi32>
        %reduce_max3A_308 = arith.constant true
        %reduce_max3A_309 = vector.broadcast %reduce_max3A_308 : i1 to vector<16xi1>
        %reduce_max3A_310 = arith.constant -2147483648 : i32
        %reduce_max3A_311 = vector.broadcast %reduce_max3A_310 : i32 to vector<16xi32>
        %reduce_max3A_312 = arith.xori %masked_cumsum3A_307, %reduce_max3A_311 : vector<16xi32>
        %reduce_max3A_313 = tpu.scan <max>, %reduce_max3A_312 masked %reduce_max3A_309 : vector<16xi32>, vector<16xi1> -> vector<16xi32>
        %reduce_max3A_314 = arith.xori %reduce_max3A_313, %reduce_max3A_311 : vector<16xi32>
        %reduce_max3A_315 = vector.extract %reduce_max3A_314[15] : i32 from vector<16xi32>
        %add3A_316 = arith.addi %add3A_286, %reduce_max3A_315 : i32
        %get3A_317 = arith.constant 96 : index
        %get3A_318 = tpu.vector_load %arg16[%get3A_317] {strides = array<i32>} : memref<160xf32, #tpu.memory_space<vmem>>, vector<16xf32>,
        %add3A_319 = arith.constant 96 : i32
        %add3A_320 = vector.broadcast %add3A_319 : i32 to vector<16xi32>
        %add3A_321 = arith.addi %add3A_320, %iota3A : vector<16xi32>
        %gt3A_322 = vector.broadcast %reduce_max3A_138 : f32 to vector<16xf32>
        %gt3A_323 = arith.cmpf ogt, %get3A_318, %gt3A_322 : vector<16xf32>
        %eq3A_324 = vector.broadcast %reduce_max3A_138 : f32 to vector<16xf32>
        %eq3A_325 = arith.cmpf oeq, %get3A_318, %eq3A_324 : vector<16xf32>
        %lt3A_326 = vector.broadcast %scan3A_94 : i32 to vector<16xi32>
        %lt3A_327 = arith.cmpi slt, %add3A_321, %lt3A_326 : vector<16xi32>
        %and3A_328 = arith.andi %eq3A_325, %lt3A_327 : vector<16xi1>
        %or3A_329 = arith.ori %gt3A_323, %and3A_328 : vector<16xi1>
        %jit3A_330 = arith.constant 1 : i32
        %jit3A_331 = arith.constant 0 : i32
        %broadcast_in_dim3A_332 = vector.broadcast %jit3A_330 : i32 to vector<16xi32>
        %broadcast_in_dim3A_333 = vector.broadcast %jit3A_331 : i32 to vector<16xi32>
        %select_n3A_334 = arith.select %or3A_329, %broadcast_in_dim3A_332, %broadcast_in_dim3A_333 : vector<16xi1>, vector<16xi32>
        %broadcast_in_dim3A_335 = arith.constant true
        %broadcast_in_dim3A_336 = vector.broadcast %broadcast_in_dim3A_335 : i1 to vector<16xi1>
        %masked_cumsum3A_337 = tpu.scan <sum>, %select_n3A_334 masked %broadcast_in_dim3A_336 : vector<16xi32>, vector<16xi1> -> vector<16xi32>
        %reduce_max3A_338 = arith.constant true
        %reduce_max3A_339 = vector.broadcast %reduce_max3A_338 : i1 to vector<16xi1>
        %reduce_max3A_340 = arith.constant -2147483648 : i32
        %reduce_max3A_341 = vector.broadcast %reduce_max3A_340 : i32 to vector<16xi32>
        %reduce_max3A_342 = arith.xori %masked_cumsum3A_337, %reduce_max3A_341 : vector<16xi32>
        %reduce_max3A_343 = tpu.scan <max>, %reduce_max3A_342 masked %reduce_max3A_339 : vector<16xi32>, vector<16xi1> -> vector<16xi32>
        %reduce_max3A_344 = arith.xori %reduce_max3A_343, %reduce_max3A_341 : vector<16xi32>
        %reduce_max3A_345 = vector.extract %reduce_max3A_344[15] : i32 from vector<16xi32>
        %add3A_346 = arith.addi %add3A_316, %reduce_max3A_345 : i32
        %get3A_347 = arith.constant 112 : index
        %get3A_348 = tpu.vector_load %arg16[%get3A_347] {strides = array<i32>} : memref<160xf32, #tpu.memory_space<vmem>>, vector<16xf32>,
        %add3A_349 = arith.constant 112 : i32
        %add3A_350 = vector.broadcast %add3A_349 : i32 to vector<16xi32>
        %add3A_351 = arith.addi %add3A_350, %iota3A : vector<16xi32>
        %gt3A_352 = vector.broadcast %reduce_max3A_138 : f32 to vector<16xf32>
        %gt3A_353 = arith.cmpf ogt, %get3A_348, %gt3A_352 : vector<16xf32>
        %eq3A_354 = vector.broadcast %reduce_max3A_138 : f32 to vector<16xf32>
        %eq3A_355 = arith.cmpf oeq, %get3A_348, %eq3A_354 : vector<16xf32>
        %lt3A_356 = vector.broadcast %scan3A_94 : i32 to vector<16xi32>
        %lt3A_357 = arith.cmpi slt, %add3A_351, %lt3A_356 : vector<16xi32>
        %and3A_358 = arith.andi %eq3A_355, %lt3A_357 : vector<16xi1>
        %or3A_359 = arith.ori %gt3A_353, %and3A_358 : vector<16xi1>
        %jit3A_360 = arith.constant 1 : i32
        %jit3A_361 = arith.constant 0 : i32
        %broadcast_in_dim3A_362 = vector.broadcast %jit3A_360 : i32 to vector<16xi32>
        %broadcast_in_dim3A_363 = vector.broadcast %jit3A_361 : i32 to vector<16xi32>
        %select_n3A_364 = arith.select %or3A_359, %broadcast_in_dim3A_362, %broadcast_in_dim3A_363 : vector<16xi1>, vector<16xi32>
        %broadcast_in_dim3A_365 = arith.constant true
        %broadcast_in_dim3A_366 = vector.broadcast %broadcast_in_dim3A_365 : i1 to vector<16xi1>
        %masked_cumsum3A_367 = tpu.scan <sum>, %select_n3A_364 masked %broadcast_in_dim3A_366 : vector<16xi32>, vector<16xi1> -> vector<16xi32>
        %reduce_max3A_368 = arith.constant true
        %reduce_max3A_369 = vector.broadcast %reduce_max3A_368 : i1 to vector<16xi1>
        %reduce_max3A_370 = arith.constant -2147483648 : i32
        %reduce_max3A_371 = vector.broadcast %reduce_max3A_370 : i32 to vector<16xi32>
        %reduce_max3A_372 = arith.xori %masked_cumsum3A_367, %reduce_max3A_371 : vector<16xi32>
        %reduce_max3A_373 = tpu.scan <max>, %reduce_max3A_372 masked %reduce_max3A_369 : vector<16xi32>, vector<16xi1> -> vector<16xi32>
        %reduce_max3A_374 = arith.xori %reduce_max3A_373, %reduce_max3A_371 : vector<16xi32>
        %reduce_max3A_375 = vector.extract %reduce_max3A_374[15] : i32 from vector<16xi32>
        %add3A_376 = arith.addi %add3A_346, %reduce_max3A_375 : i32
        %get3A_377 = arith.index_cast %mul3A_113 : i32 to index
        %get3A_378 = tpu.vector_load %arg17[%get3A_377] {strides = array<i32>} : memref<160xi32, #tpu.memory_space<vmem>>, vector<16xi32>,
        %get3A_379 = arith.index_cast %mul3A_113 : i32 to index
        %get3A_380 = tpu.vector_load %arg18[%get3A_379] {strides = array<i32>} : memref<160xi32, #tpu.memory_space<vmem>>, vector<16xi32>,
        %jit3A_381 = arith.constant 0 : i32
        %broadcast_in_dim3A_382 = vector.broadcast %jit3A_381 : i32 to vector<16xi32>
        %select_n3A_383 = arith.select %eq3A_130, %get3A_378, %broadcast_in_dim3A_382 : vector<16xi1>, vector<16xi32>
        %reduce_max3A_384 = arith.constant true
        %reduce_max3A_385 = vector.broadcast %reduce_max3A_384 : i1 to vector<16xi1>
        %reduce_max3A_386 = arith.constant -2147483648 : i32
        %reduce_max3A_387 = vector.broadcast %reduce_max3A_386 : i32 to vector<16xi32>
        %reduce_max3A_388 = arith.xori %select_n3A_383, %reduce_max3A_387 : vector<16xi32>
        %reduce_max3A_389 = tpu.scan <max>, %reduce_max3A_388 masked %reduce_max3A_385 : vector<16xi32>, vector<16xi1> -> vector<16xi32>
        %reduce_max3A_390 = arith.xori %reduce_max3A_389, %reduce_max3A_387 : vector<16xi32>
        %reduce_max3A_391 = vector.extract %reduce_max3A_390[15] : i32 from vector<16xi32>
        %jit3A_392 = arith.constant 0 : i32
        %broadcast_in_dim3A_393 = vector.broadcast %jit3A_392 : i32 to vector<16xi32>
        %select_n3A_394 = arith.select %eq3A_130, %get3A_380, %broadcast_in_dim3A_393 : vector<16xi1>, vector<16xi32>
        %reduce_max3A_395 = arith.constant true
        %reduce_max3A_396 = vector.broadcast %reduce_max3A_395 : i1 to vector<16xi1>
        %reduce_max3A_397 = arith.constant -2147483648 : i32
        %reduce_max3A_398 = vector.broadcast %reduce_max3A_397 : i32 to vector<16xi32>
        %reduce_max3A_399 = arith.xori %select_n3A_394, %reduce_max3A_398 : vector<16xi32>
        %reduce_max3A_400 = tpu.scan <max>, %reduce_max3A_399 masked %reduce_max3A_396 : vector<16xi32>, vector<16xi1> -> vector<16xi32>
        %reduce_max3A_401 = arith.xori %reduce_max3A_400, %reduce_max3A_398 : vector<16xi32>
        %reduce_max3A_402 = vector.extract %reduce_max3A_401[15] : i32 from vector<16xi32>
        %min3A = arith.constant 127 : i32
        %min3A_403 = arith.minsi %add3A_376, %min3A : i32
        %add3A_404 = arith.constant 128 : i32
        %add3A_405 = vector.broadcast %add3A_404 : i32 to vector<16xi32>
        %add3A_406 = arith.addi %add3A_405, %iota3A : vector<16xi32>
        %broadcast_in_dim3A_407 = vector.broadcast %min3A_403 : i32 to vector<16xi32>
        %select_n3A_408 = arith.select %eq3A_130, %broadcast_in_dim3A_407, %add3A_406 : vector<16xi1>, vector<16xi32>
        %broadcast_in_dim3A_409 = vector.broadcast %reduce_max3A_138 : f32 to vector<16xf32>
        tpu.vector_store_idx %arg19[%select_n3A_408], %broadcast_in_dim3A_409 : memref<144xf32, #tpu.memory_space<vmem>>[vector<16xi32>], vector<16xf32>,
        %broadcast_in_dim3A_410 = vector.broadcast %reduce_max3A_391 : i32 to vector<16xi32>
        tpu.vector_store_idx %arg20[%select_n3A_408], %broadcast_in_dim3A_410 : memref<144xi32, #tpu.memory_space<vmem>>[vector<16xi32>], vector<16xi32>,
        %broadcast_in_dim3A_411 = vector.broadcast %reduce_max3A_402 : i32 to vector<16xi32>
        tpu.vector_store_idx %arg21[%select_n3A_408], %broadcast_in_dim3A_411 : memref<144xi32, #tpu.memory_space<vmem>>[vector<16xi32>], vector<16xi32>,
        %scan3A_412 = arith.constant 0 : i32
        scf.yield %scan3A_412 : i32
      }
      %scan3A_33 = arith.constant 128 : i32
      %scan3A_34 = arith.constant 0 : i32
      %scan3A_35 = arith.constant 0 : i32
      %scan3A_36 = arith.constant 8 : i32
      %scan3A_37 = arith.addi %scan3A_35, %scan3A_36 : i32
      %scan3A_38 = arith.constant 1 : i32
      %scan3A_39 = scf.for %scan3A_94 = %scan3A_35 to %scan3A_37 step %scan3A_38 iter_args(%scan3A_95 = %scan3A_34) -> (i32)  : i32 {
        %mul3A_96 = arith.constant 16 : i32
        %mul3A_97 = arith.muli %scan3A_94, %mul3A_96 : i32
        %get3A_98 = arith.index_cast %mul3A_97 : i32 to index
        %get3A_99 = tpu.vector_load %arg21[%get3A_98] {strides = array<i32>} : memref<144xi32, #tpu.memory_space<vmem>>, vector<16xi32>,
        %get3A_100 = arith.index_cast %mul3A_97 : i32 to index
        %get3A_101 = tpu.vector_load %arg20[%get3A_100] {strides = array<i32>} : memref<144xi32, #tpu.memory_space<vmem>>, vector<16xi32>,
        %mul3A_102 = arith.constant 81 : i32
        %mul3A_103 = vector.broadcast %mul3A_102 : i32 to vector<16xi32>
        %mul3A_104 = arith.muli %get3A_99, %mul3A_103 : vector<16xi32>
        %add3A_105 = arith.addi %mul3A_104, %get3A_101 : vector<16xi32>
        %add3A_106 = arith.constant 1 : i32
        %add3A_107 = vector.broadcast %add3A_106 : i32 to vector<16xi32>
        %add3A_108 = arith.addi %add3A_105, %add3A_107 : vector<16xi32>
        %swap3A = arith.index_cast %mul3A_97 : i32 to index
        %swap3A_109 = tpu.vector_load %arg22[%swap3A] {strides = array<i32>} : memref<128xi32, #tpu.memory_space<vmem>>, vector<16xi32>,
        tpu.vector_store %arg22[%swap3A], %add3A_108 {strides = array<i32>} : memref<128xi32, #tpu.memory_space<vmem>>, vector<16xi32>,
        %mul3A_110 = arith.constant 4 : i32
        %mul3A_111 = vector.broadcast %mul3A_110 : i32 to vector<16xi32>
        %mul3A_112 = arith.muli %add3A_108, %mul3A_111 : vector<16xi32>
        %add3A_113 = arith.constant 0 : i32
        %add3A_114 = vector.broadcast %add3A_113 : i32 to vector<16xi32>
        %add3A_115 = arith.addi %mul3A_112, %add3A_114 : vector<16xi32>
        %swap3A_116 = arith.index_cast %mul3A_97 : i32 to index
        %swap3A_117 = tpu.vector_load %arg23[%swap3A_116] {strides = array<i32>} : memref<128xi32, #tpu.memory_space<vmem>>, vector<16xi32>,
        tpu.vector_store %arg23[%swap3A_116], %add3A_115 {strides = array<i32>} : memref<128xi32, #tpu.memory_space<vmem>>, vector<16xi32>,
        %mul3A_118 = arith.constant 4 : i32
        %mul3A_119 = vector.broadcast %mul3A_118 : i32 to vector<16xi32>
        %mul3A_120 = arith.muli %add3A_108, %mul3A_119 : vector<16xi32>
        %add3A_121 = arith.constant 1 : i32
        %add3A_122 = vector.broadcast %add3A_121 : i32 to vector<16xi32>
        %add3A_123 = arith.addi %mul3A_120, %add3A_122 : vector<16xi32>
        %swap3A_124 = arith.index_cast %mul3A_97 : i32 to index
        %swap3A_125 = tpu.vector_load %arg24[%swap3A_124] {strides = array<i32>} : memref<128xi32, #tpu.memory_space<vmem>>, vector<16xi32>,
        tpu.vector_store %arg24[%swap3A_124], %add3A_123 {strides = array<i32>} : memref<128xi32, #tpu.memory_space<vmem>>, vector<16xi32>,
        %mul3A_126 = arith.constant 4 : i32
        %mul3A_127 = vector.broadcast %mul3A_126 : i32 to vector<16xi32>
        %mul3A_128 = arith.muli %add3A_108, %mul3A_127 : vector<16xi32>
        %add3A_129 = arith.constant 2 : i32
        %add3A_130 = vector.broadcast %add3A_129 : i32 to vector<16xi32>
        %add3A_131 = arith.addi %mul3A_128, %add3A_130 : vector<16xi32>
        %swap3A_132 = arith.index_cast %mul3A_97 : i32 to index
        %swap3A_133 = tpu.vector_load %arg25[%swap3A_132] {strides = array<i32>} : memref<128xi32, #tpu.memory_space<vmem>>, vector<16xi32>,
        tpu.vector_store %arg25[%swap3A_132], %add3A_131 {strides = array<i32>} : memref<128xi32, #tpu.memory_space<vmem>>, vector<16xi32>,
        %mul3A_134 = arith.constant 4 : i32
        %mul3A_135 = vector.broadcast %mul3A_134 : i32 to vector<16xi32>
        %mul3A_136 = arith.muli %add3A_108, %mul3A_135 : vector<16xi32>
        %add3A_137 = arith.constant 3 : i32
        %add3A_138 = vector.broadcast %add3A_137 : i32 to vector<16xi32>
        %add3A_139 = arith.addi %mul3A_136, %add3A_138 : vector<16xi32>
        %swap3A_140 = arith.index_cast %mul3A_97 : i32 to index
        %swap3A_141 = tpu.vector_load %arg26[%swap3A_140] {strides = array<i32>} : memref<128xi32, #tpu.memory_space<vmem>>, vector<16xi32>,
        tpu.vector_store %arg26[%swap3A_140], %add3A_139 {strides = array<i32>} : memref<128xi32, #tpu.memory_space<vmem>>, vector<16xi32>,
        %mul3A_142 = arith.constant 8 : i32
        %mul3A_143 = vector.broadcast %mul3A_142 : i32 to vector<16xi32>
        %mul3A_144 = arith.muli %add3A_108, %mul3A_143 : vector<16xi32>
        %add3A_145 = arith.constant 0 : i32
        %add3A_146 = vector.broadcast %add3A_145 : i32 to vector<16xi32>
        %add3A_147 = arith.addi %mul3A_144, %add3A_146 : vector<16xi32>
        %swap3A_148 = arith.index_cast %mul3A_97 : i32 to index
        %swap3A_149 = tpu.vector_load %arg27[%swap3A_148] {strides = array<i32>} : memref<128xi32, #tpu.memory_space<vmem>>, vector<16xi32>,
        tpu.vector_store %arg27[%swap3A_148], %add3A_147 {strides = array<i32>} : memref<128xi32, #tpu.memory_space<vmem>>, vector<16xi32>,
        %mul3A_150 = arith.constant 8 : i32
        %mul3A_151 = vector.broadcast %mul3A_150 : i32 to vector<16xi32>
        %mul3A_152 = arith.muli %add3A_108, %mul3A_151 : vector<16xi32>
        %add3A_153 = arith.constant 1 : i32
        %add3A_154 = vector.broadcast %add3A_153 : i32 to vector<16xi32>
        %add3A_155 = arith.addi %mul3A_152, %add3A_154 : vector<16xi32>
        %swap3A_156 = arith.index_cast %mul3A_97 : i32 to index
        %swap3A_157 = tpu.vector_load %arg28[%swap3A_156] {strides = array<i32>} : memref<128xi32, #tpu.memory_space<vmem>>, vector<16xi32>,
        tpu.vector_store %arg28[%swap3A_156], %add3A_155 {strides = array<i32>} : memref<128xi32, #tpu.memory_space<vmem>>, vector<16xi32>,
        %mul3A_158 = arith.constant 8 : i32
        %mul3A_159 = vector.broadcast %mul3A_158 : i32 to vector<16xi32>
        %mul3A_160 = arith.muli %add3A_108, %mul3A_159 : vector<16xi32>
        %add3A_161 = arith.constant 2 : i32
        %add3A_162 = vector.broadcast %add3A_161 : i32 to vector<16xi32>
        %add3A_163 = arith.addi %mul3A_160, %add3A_162 : vector<16xi32>
        %swap3A_164 = arith.index_cast %mul3A_97 : i32 to index
        %swap3A_165 = tpu.vector_load %arg29[%swap3A_164] {strides = array<i32>} : memref<128xi32, #tpu.memory_space<vmem>>, vector<16xi32>,
        tpu.vector_store %arg29[%swap3A_164], %add3A_163 {strides = array<i32>} : memref<128xi32, #tpu.memory_space<vmem>>, vector<16xi32>,
        %mul3A_166 = arith.constant 8 : i32
        %mul3A_167 = vector.broadcast %mul3A_166 : i32 to vector<16xi32>
        %mul3A_168 = arith.muli %add3A_108, %mul3A_167 : vector<16xi32>
        %add3A_169 = arith.constant 3 : i32
        %add3A_170 = vector.broadcast %add3A_169 : i32 to vector<16xi32>
        %add3A_171 = arith.addi %mul3A_168, %add3A_170 : vector<16xi32>
        %swap3A_172 = arith.index_cast %mul3A_97 : i32 to index
        %swap3A_173 = tpu.vector_load %arg30[%swap3A_172] {strides = array<i32>} : memref<128xi32, #tpu.memory_space<vmem>>, vector<16xi32>,
        tpu.vector_store %arg30[%swap3A_172], %add3A_171 {strides = array<i32>} : memref<128xi32, #tpu.memory_space<vmem>>, vector<16xi32>,
        %mul3A_174 = arith.constant 8 : i32
        %mul3A_175 = vector.broadcast %mul3A_174 : i32 to vector<16xi32>
        %mul3A_176 = arith.muli %add3A_108, %mul3A_175 : vector<16xi32>
        %add3A_177 = arith.constant 4 : i32
        %add3A_178 = vector.broadcast %add3A_177 : i32 to vector<16xi32>
        %add3A_179 = arith.addi %mul3A_176, %add3A_178 : vector<16xi32>
        %swap3A_180 = arith.index_cast %mul3A_97 : i32 to index
        %swap3A_181 = tpu.vector_load %arg31[%swap3A_180] {strides = array<i32>} : memref<128xi32, #tpu.memory_space<vmem>>, vector<16xi32>,
        tpu.vector_store %arg31[%swap3A_180], %add3A_179 {strides = array<i32>} : memref<128xi32, #tpu.memory_space<vmem>>, vector<16xi32>,
        %mul3A_182 = arith.constant 8 : i32
        %mul3A_183 = vector.broadcast %mul3A_182 : i32 to vector<16xi32>
        %mul3A_184 = arith.muli %add3A_108, %mul3A_183 : vector<16xi32>
        %add3A_185 = arith.constant 5 : i32
        %add3A_186 = vector.broadcast %add3A_185 : i32 to vector<16xi32>
        %add3A_187 = arith.addi %mul3A_184, %add3A_186 : vector<16xi32>
        %swap3A_188 = arith.index_cast %mul3A_97 : i32 to index
        %swap3A_189 = tpu.vector_load %arg32[%swap3A_188] {strides = array<i32>} : memref<128xi32, #tpu.memory_space<vmem>>, vector<16xi32>,
        tpu.vector_store %arg32[%swap3A_188], %add3A_187 {strides = array<i32>} : memref<128xi32, #tpu.memory_space<vmem>>, vector<16xi32>,
        %mul3A_190 = arith.constant 8 : i32
        %mul3A_191 = vector.broadcast %mul3A_190 : i32 to vector<16xi32>
        %mul3A_192 = arith.muli %add3A_108, %mul3A_191 : vector<16xi32>
        %add3A_193 = arith.constant 6 : i32
        %add3A_194 = vector.broadcast %add3A_193 : i32 to vector<16xi32>
        %add3A_195 = arith.addi %mul3A_192, %add3A_194 : vector<16xi32>
        %swap3A_196 = arith.index_cast %mul3A_97 : i32 to index
        %swap3A_197 = tpu.vector_load %arg33[%swap3A_196] {strides = array<i32>} : memref<128xi32, #tpu.memory_space<vmem>>, vector<16xi32>,
        tpu.vector_store %arg33[%swap3A_196], %add3A_195 {strides = array<i32>} : memref<128xi32, #tpu.memory_space<vmem>>, vector<16xi32>,
        %mul3A_198 = arith.constant 8 : i32
        %mul3A_199 = vector.broadcast %mul3A_198 : i32 to vector<16xi32>
        %mul3A_200 = arith.muli %add3A_108, %mul3A_199 : vector<16xi32>
        %add3A_201 = arith.constant 7 : i32
        %add3A_202 = vector.broadcast %add3A_201 : i32 to vector<16xi32>
        %add3A_203 = arith.addi %mul3A_200, %add3A_202 : vector<16xi32>
        %swap3A_204 = arith.index_cast %mul3A_97 : i32 to index
        %swap3A_205 = tpu.vector_load %arg34[%swap3A_204] {strides = array<i32>} : memref<128xi32, #tpu.memory_space<vmem>>, vector<16xi32>,
        tpu.vector_store %arg34[%swap3A_204], %add3A_203 {strides = array<i32>} : memref<128xi32, #tpu.memory_space<vmem>>, vector<16xi32>,
        %scan3A_206 = arith.constant 0 : i32
        scf.yield %scan3A_206 : i32
      }
      %scan3A_40 = arith.constant 8 : i32
      %dma_start3A = arith.constant 0 : i32
      %dma_start3A_41 = tpu.memref_slice %arg5[%dma_start3A] : memref<1620000xf32, #tpu.memory_space<hbm>> -> memref<1620000xf32, #tpu.memory_space<hbm>>
      tpu.enqueue_indirect_dma source(%dma_start3A_41 : memref<1620000xf32, #tpu.memory_space<hbm>>) target(%arg35 : memref<128xf32, #tpu.memory_space<vmem>>) offsets(%arg23 : memref<128xi32, #tpu.memory_space<vmem>>) semaphore(%arg50 : memref<!tpu.dma_semaphore, #tpu.memory_space<semaphore_mem>>)
      %dma_start3A_42 = arith.constant 0 : i32
      %dma_start3A_43 = tpu.memref_slice %arg5[%dma_start3A_42] : memref<1620000xf32, #tpu.memory_space<hbm>> -> memref<1620000xf32, #tpu.memory_space<hbm>>
      tpu.enqueue_indirect_dma source(%dma_start3A_43 : memref<1620000xf32, #tpu.memory_space<hbm>>) target(%arg36 : memref<128xf32, #tpu.memory_space<vmem>>) offsets(%arg24 : memref<128xi32, #tpu.memory_space<vmem>>) semaphore(%arg50 : memref<!tpu.dma_semaphore, #tpu.memory_space<semaphore_mem>>)
      %dma_start3A_44 = arith.constant 0 : i32
      %dma_start3A_45 = tpu.memref_slice %arg5[%dma_start3A_44] : memref<1620000xf32, #tpu.memory_space<hbm>> -> memref<1620000xf32, #tpu.memory_space<hbm>>
      tpu.enqueue_indirect_dma source(%dma_start3A_45 : memref<1620000xf32, #tpu.memory_space<hbm>>) target(%arg37 : memref<128xf32, #tpu.memory_space<vmem>>) offsets(%arg25 : memref<128xi32, #tpu.memory_space<vmem>>) semaphore(%arg50 : memref<!tpu.dma_semaphore, #tpu.memory_space<semaphore_mem>>)
      %dma_start3A_46 = arith.constant 0 : i32
      %dma_start3A_47 = tpu.memref_slice %arg5[%dma_start3A_46] : memref<1620000xf32, #tpu.memory_space<hbm>> -> memref<1620000xf32, #tpu.memory_space<hbm>>
      tpu.enqueue_indirect_dma source(%dma_start3A_47 : memref<1620000xf32, #tpu.memory_space<hbm>>) target(%arg38 : memref<128xf32, #tpu.memory_space<vmem>>) offsets(%arg26 : memref<128xi32, #tpu.memory_space<vmem>>) semaphore(%arg50 : memref<!tpu.dma_semaphore, #tpu.memory_space<semaphore_mem>>)
      %dma_start3A_48 = arith.constant 0 : i32
      %dma_start3A_49 = tpu.memref_slice %arg6[%dma_start3A_48] : memref<3240000xf32, #tpu.memory_space<hbm>> -> memref<3240000xf32, #tpu.memory_space<hbm>>
      tpu.enqueue_indirect_dma source(%dma_start3A_49 : memref<3240000xf32, #tpu.memory_space<hbm>>) target(%arg39 : memref<128xf32, #tpu.memory_space<vmem>>) offsets(%arg27 : memref<128xi32, #tpu.memory_space<vmem>>) semaphore(%arg50 : memref<!tpu.dma_semaphore, #tpu.memory_space<semaphore_mem>>)
      %dma_start3A_50 = arith.constant 0 : i32
      %dma_start3A_51 = tpu.memref_slice %arg6[%dma_start3A_50] : memref<3240000xf32, #tpu.memory_space<hbm>> -> memref<3240000xf32, #tpu.memory_space<hbm>>
      tpu.enqueue_indirect_dma source(%dma_start3A_51 : memref<3240000xf32, #tpu.memory_space<hbm>>) target(%arg40 : memref<128xf32, #tpu.memory_space<vmem>>) offsets(%arg28 : memref<128xi32, #tpu.memory_space<vmem>>) semaphore(%arg50 : memref<!tpu.dma_semaphore, #tpu.memory_space<semaphore_mem>>)
      %dma_start3A_52 = arith.constant 0 : i32
      %dma_start3A_53 = tpu.memref_slice %arg6[%dma_start3A_52] : memref<3240000xf32, #tpu.memory_space<hbm>> -> memref<3240000xf32, #tpu.memory_space<hbm>>
      tpu.enqueue_indirect_dma source(%dma_start3A_53 : memref<3240000xf32, #tpu.memory_space<hbm>>) target(%arg41 : memref<128xf32, #tpu.memory_space<vmem>>) offsets(%arg29 : memref<128xi32, #tpu.memory_space<vmem>>) semaphore(%arg50 : memref<!tpu.dma_semaphore, #tpu.memory_space<semaphore_mem>>)
      %dma_start3A_54 = arith.constant 0 : i32
      %dma_start3A_55 = tpu.memref_slice %arg6[%dma_start3A_54] : memref<3240000xf32, #tpu.memory_space<hbm>> -> memref<3240000xf32, #tpu.memory_space<hbm>>
      tpu.enqueue_indirect_dma source(%dma_start3A_55 : memref<3240000xf32, #tpu.memory_space<hbm>>) target(%arg42 : memref<128xf32, #tpu.memory_space<vmem>>) offsets(%arg30 : memref<128xi32, #tpu.memory_space<vmem>>) semaphore(%arg50 : memref<!tpu.dma_semaphore, #tpu.memory_space<semaphore_mem>>)
      %dma_start3A_56 = arith.constant 0 : i32
      %dma_start3A_57 = tpu.memref_slice %arg6[%dma_start3A_56] : memref<3240000xf32, #tpu.memory_space<hbm>> -> memref<3240000xf32, #tpu.memory_space<hbm>>
      tpu.enqueue_indirect_dma source(%dma_start3A_57 : memref<3240000xf32, #tpu.memory_space<hbm>>) target(%arg43 : memref<128xf32, #tpu.memory_space<vmem>>) offsets(%arg31 : memref<128xi32, #tpu.memory_space<vmem>>) semaphore(%arg50 : memref<!tpu.dma_semaphore, #tpu.memory_space<semaphore_mem>>)
      %dma_start3A_58 = arith.constant 0 : i32
      %dma_start3A_59 = tpu.memref_slice %arg6[%dma_start3A_58] : memref<3240000xf32, #tpu.memory_space<hbm>> -> memref<3240000xf32, #tpu.memory_space<hbm>>
      tpu.enqueue_indirect_dma source(%dma_start3A_59 : memref<3240000xf32, #tpu.memory_space<hbm>>) target(%arg44 : memref<128xf32, #tpu.memory_space<vmem>>) offsets(%arg32 : memref<128xi32, #tpu.memory_space<vmem>>) semaphore(%arg50 : memref<!tpu.dma_semaphore, #tpu.memory_space<semaphore_mem>>)
      %dma_start3A_60 = arith.constant 0 : i32
      %dma_start3A_61 = tpu.memref_slice %arg6[%dma_start3A_60] : memref<3240000xf32, #tpu.memory_space<hbm>> -> memref<3240000xf32, #tpu.memory_space<hbm>>
      tpu.enqueue_indirect_dma source(%dma_start3A_61 : memref<3240000xf32, #tpu.memory_space<hbm>>) target(%arg45 : memref<128xf32, #tpu.memory_space<vmem>>) offsets(%arg33 : memref<128xi32, #tpu.memory_space<vmem>>) semaphore(%arg50 : memref<!tpu.dma_semaphore, #tpu.memory_space<semaphore_mem>>)
      %dma_start3A_62 = arith.constant 0 : i32
      %dma_start3A_63 = tpu.memref_slice %arg6[%dma_start3A_62] : memref<3240000xf32, #tpu.memory_space<hbm>> -> memref<3240000xf32, #tpu.memory_space<hbm>>
      tpu.enqueue_indirect_dma source(%dma_start3A_63 : memref<3240000xf32, #tpu.memory_space<hbm>>) target(%arg46 : memref<128xf32, #tpu.memory_space<vmem>>) offsets(%arg34 : memref<128xi32, #tpu.memory_space<vmem>>) semaphore(%arg50 : memref<!tpu.dma_semaphore, #tpu.memory_space<semaphore_mem>>)
      %dma_wait3A = arith.constant 0 : i32
      %dma_wait3A_64 = tpu.memref_slice %arg5[%dma_wait3A] : memref<1620000xf32, #tpu.memory_space<hbm>> -> memref<1620000xf32, #tpu.memory_space<hbm>>
      tpu.wait_indirect_dma semaphore(%arg50 : memref<!tpu.dma_semaphore, #tpu.memory_space<semaphore_mem>>) src(%dma_wait3A_64 : memref<1620000xf32, #tpu.memory_space<hbm>>) dst(%arg35 : memref<128xf32, #tpu.memory_space<vmem>>)
      %dma_wait3A_65 = arith.constant 0 : i32
      %dma_wait3A_66 = tpu.memref_slice %arg5[%dma_wait3A_65] : memref<1620000xf32, #tpu.memory_space<hbm>> -> memref<1620000xf32, #tpu.memory_space<hbm>>
      tpu.wait_indirect_dma semaphore(%arg50 : memref<!tpu.dma_semaphore, #tpu.memory_space<semaphore_mem>>) src(%dma_wait3A_66 : memref<1620000xf32, #tpu.memory_space<hbm>>) dst(%arg36 : memref<128xf32, #tpu.memory_space<vmem>>)
      %dma_wait3A_67 = arith.constant 0 : i32
      %dma_wait3A_68 = tpu.memref_slice %arg5[%dma_wait3A_67] : memref<1620000xf32, #tpu.memory_space<hbm>> -> memref<1620000xf32, #tpu.memory_space<hbm>>
      tpu.wait_indirect_dma semaphore(%arg50 : memref<!tpu.dma_semaphore, #tpu.memory_space<semaphore_mem>>) src(%dma_wait3A_68 : memref<1620000xf32, #tpu.memory_space<hbm>>) dst(%arg37 : memref<128xf32, #tpu.memory_space<vmem>>)
      %dma_wait3A_69 = arith.constant 0 : i32
      %dma_wait3A_70 = tpu.memref_slice %arg5[%dma_wait3A_69] : memref<1620000xf32, #tpu.memory_space<hbm>> -> memref<1620000xf32, #tpu.memory_space<hbm>>
      tpu.wait_indirect_dma semaphore(%arg50 : memref<!tpu.dma_semaphore, #tpu.memory_space<semaphore_mem>>) src(%dma_wait3A_70 : memref<1620000xf32, #tpu.memory_space<hbm>>) dst(%arg38 : memref<128xf32, #tpu.memory_space<vmem>>)
      %dma_wait3A_71 = arith.constant 0 : i32
      %dma_wait3A_72 = tpu.memref_slice %arg6[%dma_wait3A_71] : memref<3240000xf32, #tpu.memory_space<hbm>> -> memref<3240000xf32, #tpu.memory_space<hbm>>
      tpu.wait_indirect_dma semaphore(%arg50 : memref<!tpu.dma_semaphore, #tpu.memory_space<semaphore_mem>>) src(%dma_wait3A_72 : memref<3240000xf32, #tpu.memory_space<hbm>>) dst(%arg39 : memref<128xf32, #tpu.memory_space<vmem>>)
      %dma_wait3A_73 = arith.constant 0 : i32
      %dma_wait3A_74 = tpu.memref_slice %arg6[%dma_wait3A_73] : memref<3240000xf32, #tpu.memory_space<hbm>> -> memref<3240000xf32, #tpu.memory_space<hbm>>
      tpu.wait_indirect_dma semaphore(%arg50 : memref<!tpu.dma_semaphore, #tpu.memory_space<semaphore_mem>>) src(%dma_wait3A_74 : memref<3240000xf32, #tpu.memory_space<hbm>>) dst(%arg40 : memref<128xf32, #tpu.memory_space<vmem>>)
      %dma_wait3A_75 = arith.constant 0 : i32
      %dma_wait3A_76 = tpu.memref_slice %arg6[%dma_wait3A_75] : memref<3240000xf32, #tpu.memory_space<hbm>> -> memref<3240000xf32, #tpu.memory_space<hbm>>
      tpu.wait_indirect_dma semaphore(%arg50 : memref<!tpu.dma_semaphore, #tpu.memory_space<semaphore_mem>>) src(%dma_wait3A_76 : memref<3240000xf32, #tpu.memory_space<hbm>>) dst(%arg41 : memref<128xf32, #tpu.memory_space<vmem>>)
      %dma_wait3A_77 = arith.constant 0 : i32
      %dma_wait3A_78 = tpu.memref_slice %arg6[%dma_wait3A_77] : memref<3240000xf32, #tpu.memory_space<hbm>> -> memref<3240000xf32, #tpu.memory_space<hbm>>
      tpu.wait_indirect_dma semaphore(%arg50 : memref<!tpu.dma_semaphore, #tpu.memory_space<semaphore_mem>>) src(%dma_wait3A_78 : memref<3240000xf32, #tpu.memory_space<hbm>>) dst(%arg42 : memref<128xf32, #tpu.memory_space<vmem>>)
      %dma_wait3A_79 = arith.constant 0 : i32
      %dma_wait3A_80 = tpu.memref_slice %arg6[%dma_wait3A_79] : memref<3240000xf32, #tpu.memory_space<hbm>> -> memref<3240000xf32, #tpu.memory_space<hbm>>
      tpu.wait_indirect_dma semaphore(%arg50 : memref<!tpu.dma_semaphore, #tpu.memory_space<semaphore_mem>>) src(%dma_wait3A_80 : memref<3240000xf32, #tpu.memory_space<hbm>>) dst(%arg43 : memref<128xf32, #tpu.memory_space<vmem>>)
      %dma_wait3A_81 = arith.constant 0 : i32
      %dma_wait3A_82 = tpu.memref_slice %arg6[%dma_wait3A_81] : memref<3240000xf32, #tpu.memory_space<hbm>> -> memref<3240000xf32, #tpu.memory_space<hbm>>
      tpu.wait_indirect_dma semaphore(%arg50 : memref<!tpu.dma_semaphore, #tpu.memory_space<semaphore_mem>>) src(%dma_wait3A_82 : memref<3240000xf32, #tpu.memory_space<hbm>>) dst(%arg44 : memref<128xf32, #tpu.memory_space<vmem>>)
      %dma_wait3A_83 = arith.constant 0 : i32
      %dma_wait3A_84 = tpu.memref_slice %arg6[%dma_wait3A_83] : memref<3240000xf32, #tpu.memory_space<hbm>> -> memref<3240000xf32, #tpu.memory_space<hbm>>
      tpu.wait_indirect_dma semaphore(%arg50 : memref<!tpu.dma_semaphore, #tpu.memory_space<semaphore_mem>>) src(%dma_wait3A_84 : memref<3240000xf32, #tpu.memory_space<hbm>>) dst(%arg45 : memref<128xf32, #tpu.memory_space<vmem>>)
      %dma_wait3A_85 = arith.constant 0 : i32
      %dma_wait3A_86 = tpu.memref_slice %arg6[%dma_wait3A_85] : memref<3240000xf32, #tpu.memory_space<hbm>> -> memref<3240000xf32, #tpu.memory_space<hbm>>
      tpu.wait_indirect_dma semaphore(%arg50 : memref<!tpu.dma_semaphore, #tpu.memory_space<semaphore_mem>>) src(%dma_wait3A_86 : memref<3240000xf32, #tpu.memory_space<hbm>>) dst(%arg46 : memref<128xf32, #tpu.memory_space<vmem>>)
      %scan3A_87 = arith.constant 0 : i32
      %scan3A_88 = arith.constant 0 : i32
      %scan3A_89 = arith.constant 7 : i32
      %scan3A_90 = arith.addi %scan3A_88, %scan3A_89 : i32
      %scan3A_91 = arith.constant 1 : i32
      %scan3A_92 = scf.for %scan3A_94 = %scan3A_88 to %scan3A_90 step %scan3A_91 iter_args(%scan3A_95 = %scan3A_87) -> (i32)  : i32 {
        %mul3A_96 = arith.constant 16 : i32
        %mul3A_97 = arith.muli %scan3A_94, %mul3A_96 : i32
        %add3A_98 = vector.broadcast %mul3A_97 : i32 to vector<16xi32>
        %add3A_99 = arith.addi %add3A_98, %iota3A : vector<16xi32>
        %get3A_100 = arith.index_cast %mul3A_97 : i32 to index
        %get3A_101 = tpu.vector_load %arg21[%get3A_100] {strides = array<i32>} : memref<144xi32, #tpu.memory_space<vmem>>, vector<16xi32>,
        %get3A_102 = arith.index_cast %mul3A_97 : i32 to index
        %get3A_103 = tpu.vector_load %arg20[%get3A_102] {strides = array<i32>} : memref<144xi32, #tpu.memory_space<vmem>>, vector<16xi32>,
        %get3A_104 = arith.index_cast %mul3A_97 : i32 to index
        %get3A_105 = tpu.vector_load %arg19[%get3A_104] {strides = array<i32>} : memref<144xf32, #tpu.memory_space<vmem>>, vector<16xf32>,
        %mul3A_106 = arith.constant 4 : i32
        %mul3A_107 = vector.broadcast %mul3A_106 : i32 to vector<16xi32>
        %mul3A_108 = arith.muli %get3A_101, %mul3A_107 : vector<16xi32>
        %gather3A = tpu.vector_load_idx %arg15[%mul3A_108] : memref<20000xf32, #tpu.memory_space<vmem>>[vector<16xi32>], vector<16xf32>,
        %mul3A_109 = arith.constant 4 : i32
        %mul3A_110 = vector.broadcast %mul3A_109 : i32 to vector<16xi32>
        %mul3A_111 = arith.muli %get3A_101, %mul3A_110 : vector<16xi32>
        %add3A_112 = arith.constant 1 : i32
        %add3A_113 = vector.broadcast %add3A_112 : i32 to vector<16xi32>
        %add3A_114 = arith.addi %mul3A_111, %add3A_113 : vector<16xi32>
        %gather3A_115 = tpu.vector_load_idx %arg15[%add3A_114] : memref<20000xf32, #tpu.memory_space<vmem>>[vector<16xi32>], vector<16xf32>,
        %mul3A_116 = arith.constant 4 : i32
        %mul3A_117 = vector.broadcast %mul3A_116 : i32 to vector<16xi32>
        %mul3A_118 = arith.muli %get3A_101, %mul3A_117 : vector<16xi32>
        %add3A_119 = arith.constant 2 : i32
        %add3A_120 = vector.broadcast %add3A_119 : i32 to vector<16xi32>
        %add3A_121 = arith.addi %mul3A_118, %add3A_120 : vector<16xi32>
        %gather3A_122 = tpu.vector_load_idx %arg15[%add3A_121] : memref<20000xf32, #tpu.memory_space<vmem>>[vector<16xi32>], vector<16xf32>,
        %mul3A_123 = arith.constant 4 : i32
        %mul3A_124 = vector.broadcast %mul3A_123 : i32 to vector<16xi32>
        %mul3A_125 = arith.muli %get3A_101, %mul3A_124 : vector<16xi32>
        %add3A_126 = arith.constant 3 : i32
        %add3A_127 = vector.broadcast %add3A_126 : i32 to vector<16xi32>
        %add3A_128 = arith.addi %mul3A_125, %add3A_127 : vector<16xi32>
        %gather3A_129 = tpu.vector_load_idx %arg15[%add3A_128] : memref<20000xf32, #tpu.memory_space<vmem>>[vector<16xi32>], vector<16xf32>,
        %sub3A = arith.subf %gather3A_122, %gather3A : vector<16xf32>
        %add3A_130 = arith.constant 1.000000e+00 : f32
        %add3A_131 = vector.broadcast %add3A_130 : f32 to vector<16xf32>
        %add3A_132 = arith.addf %sub3A, %add3A_131 : vector<16xf32>
        %sub3A_133 = arith.subf %gather3A_129, %gather3A_115 : vector<16xf32>
        %add3A_134 = arith.constant 1.000000e+00 : f32
        %add3A_135 = vector.broadcast %add3A_134 : f32 to vector<16xf32>
        %add3A_136 = arith.addf %sub3A_133, %add3A_135 : vector<16xf32>
        %mul3A_137 = arith.constant 5.000000e-01 : f32
        %mul3A_138 = vector.broadcast %mul3A_137 : f32 to vector<16xf32>
        %mul3A_139 = arith.mulf %mul3A_138, %add3A_132 : vector<16xf32>
        %add3A_140 = arith.addf %gather3A, %mul3A_139 : vector<16xf32>
        %mul3A_141 = arith.constant 5.000000e-01 : f32
        %mul3A_142 = vector.broadcast %mul3A_141 : f32 to vector<16xf32>
        %mul3A_143 = arith.mulf %mul3A_142, %add3A_136 : vector<16xf32>
        %add3A_144 = arith.addf %gather3A_115, %mul3A_143 : vector<16xf32>
        %get3A_145 = arith.index_cast %mul3A_97 : i32 to index
        %get3A_146 = tpu.vector_load %arg35[%get3A_145] {strides = array<i32>} : memref<128xf32, #tpu.memory_space<vmem>>, vector<16xf32>,
        %get3A_147 = arith.index_cast %mul3A_97 : i32 to index
        %get3A_148 = tpu.vector_load %arg36[%get3A_147] {strides = array<i32>} : memref<128xf32, #tpu.memory_space<vmem>>, vector<16xf32>,
        %get3A_149 = arith.index_cast %mul3A_97 : i32 to index
        %get3A_150 = tpu.vector_load %arg37[%get3A_149] {strides = array<i32>} : memref<128xf32, #tpu.memory_space<vmem>>, vector<16xf32>,
        %get3A_151 = arith.index_cast %mul3A_97 : i32 to index
        %get3A_152 = tpu.vector_load %arg38[%get3A_151] {strides = array<i32>} : memref<128xf32, #tpu.memory_space<vmem>>, vector<16xf32>,
        %div3A = arith.constant 1.000000e+01 : f32
        %div3A_153 = vector.broadcast %div3A : f32 to vector<16xf32>
        %div3A_154 = arith.divf %get3A_146, %div3A_153 : vector<16xf32>
        %div3A_155 = arith.constant 1.000000e+01 : f32
        %div3A_156 = vector.broadcast %div3A_155 : f32 to vector<16xf32>
        %div3A_157 = arith.divf %get3A_148, %div3A_156 : vector<16xf32>
        %div3A_158 = arith.constant 5.000000e+00 : f32
        %div3A_159 = vector.broadcast %div3A_158 : f32 to vector<16xf32>
        %div3A_160 = arith.divf %get3A_150, %div3A_159 : vector<16xf32>
        %min3A = arith.constant 4.13516665 : f32
        %min3A_161 = vector.broadcast %min3A : f32 to vector<16xf32>
        %min3A_162 = arith.minimumf %div3A_160, %min3A_161 : vector<16xf32>
        %div3A_163 = arith.constant 5.000000e+00 : f32
        %div3A_164 = vector.broadcast %div3A_163 : f32 to vector<16xf32>
        %div3A_165 = arith.divf %get3A_152, %div3A_164 : vector<16xf32>
        %min3A_166 = arith.constant 4.13516665 : f32
        %min3A_167 = vector.broadcast %min3A_166 : f32 to vector<16xf32>
        %min3A_168 = arith.minimumf %div3A_165, %min3A_167 : vector<16xf32>
        %mul3A_169 = arith.mulf %div3A_154, %add3A_132 : vector<16xf32>
        %add3A_170 = arith.addf %mul3A_169, %add3A_140 : vector<16xf32>
        %mul3A_171 = arith.mulf %div3A_157, %add3A_136 : vector<16xf32>
        %add3A_172 = arith.addf %mul3A_171, %add3A_144 : vector<16xf32>
        %exp3A = math.exp %min3A_162 : vector<16xf32>
        %mul3A_173 = arith.mulf %exp3A, %add3A_132 : vector<16xf32>
        %exp3A_174 = math.exp %min3A_168 : vector<16xf32>
        %mul3A_175 = arith.mulf %exp3A_174, %add3A_136 : vector<16xf32>
        %mul3A_176 = arith.constant 5.000000e-01 : f32
        %mul3A_177 = vector.broadcast %mul3A_176 : f32 to vector<16xf32>
        %mul3A_178 = arith.mulf %mul3A_177, %mul3A_173 : vector<16xf32>
        %sub3A_179 = arith.subf %add3A_170, %mul3A_178 : vector<16xf32>
        %jit3A = arith.constant 0.000000e+00 : f32
        %jit3A_180 = arith.constant 1.332000e+03 : f32
        %max3A = vector.broadcast %jit3A : f32 to vector<16xf32>
        %max3A_181 = arith.maximumf %max3A, %sub3A_179 : vector<16xf32>
        %min3A_182 = vector.broadcast %jit3A_180 : f32 to vector<16xf32>
        %min3A_183 = arith.minimumf %min3A_182, %max3A_181 : vector<16xf32>
        %mul3A_184 = arith.constant 5.000000e-01 : f32
        %mul3A_185 = vector.broadcast %mul3A_184 : f32 to vector<16xf32>
        %mul3A_186 = arith.mulf %mul3A_185, %mul3A_175 : vector<16xf32>
        %sub3A_187 = arith.subf %add3A_172, %mul3A_186 : vector<16xf32>
        %jit3A_188 = arith.constant 0.000000e+00 : f32
        %jit3A_189 = arith.constant 7.990000e+02 : f32
        %max3A_190 = vector.broadcast %jit3A_188 : f32 to vector<16xf32>
        %max3A_191 = arith.maximumf %max3A_190, %sub3A_187 : vector<16xf32>
        %min3A_192 = vector.broadcast %jit3A_189 : f32 to vector<16xf32>
        %min3A_193 = arith.minimumf %min3A_192, %max3A_191 : vector<16xf32>
        %mul3A_194 = arith.constant 5.000000e-01 : f32
        %mul3A_195 = vector.broadcast %mul3A_194 : f32 to vector<16xf32>
        %mul3A_196 = arith.mulf %mul3A_195, %mul3A_173 : vector<16xf32>
        %add3A_197 = arith.addf %add3A_170, %mul3A_196 : vector<16xf32>
        %sub3A_198 = arith.constant 1.000000e+00 : f32
        %sub3A_199 = vector.broadcast %sub3A_198 : f32 to vector<16xf32>
        %sub3A_200 = arith.subf %add3A_197, %sub3A_199 : vector<16xf32>
        %jit3A_201 = arith.constant 0.000000e+00 : f32
        %jit3A_202 = arith.constant 1.332000e+03 : f32
        %max3A_203 = vector.broadcast %jit3A_201 : f32 to vector<16xf32>
        %max3A_204 = arith.maximumf %max3A_203, %sub3A_200 : vector<16xf32>
        %min3A_205 = vector.broadcast %jit3A_202 : f32 to vector<16xf32>
        %min3A_206 = arith.minimumf %min3A_205, %max3A_204 : vector<16xf32>
        %mul3A_207 = arith.constant 5.000000e-01 : f32
        %mul3A_208 = vector.broadcast %mul3A_207 : f32 to vector<16xf32>
        %mul3A_209 = arith.mulf %mul3A_208, %mul3A_175 : vector<16xf32>
        %add3A_210 = arith.addf %add3A_172, %mul3A_209 : vector<16xf32>
        %sub3A_211 = arith.constant 1.000000e+00 : f32
        %sub3A_212 = vector.broadcast %sub3A_211 : f32 to vector<16xf32>
        %sub3A_213 = arith.subf %add3A_210, %sub3A_212 : vector<16xf32>
        %jit3A_214 = arith.constant 0.000000e+00 : f32
        %jit3A_215 = arith.constant 7.990000e+02 : f32
        %max3A_216 = vector.broadcast %jit3A_214 : f32 to vector<16xf32>
        %max3A_217 = arith.maximumf %max3A_216, %sub3A_213 : vector<16xf32>
        %min3A_218 = vector.broadcast %jit3A_215 : f32 to vector<16xf32>
        %min3A_219 = arith.minimumf %min3A_218, %max3A_217 : vector<16xf32>
        %mul3A_220 = arith.constant 8 : i32
        %mul3A_221 = vector.broadcast %mul3A_220 : i32 to vector<16xi32>
        %mul3A_222 = arith.muli %add3A_99, %mul3A_221 : vector<16xi32>
        tpu.vector_store_idx %arg47[%mul3A_222], %min3A_183 : memref<896xf32, #tpu.memory_space<vmem>>[vector<16xi32>], vector<16xf32>,
        %mul3A_223 = arith.constant 8 : i32
        %mul3A_224 = vector.broadcast %mul3A_223 : i32 to vector<16xi32>
        %mul3A_225 = arith.muli %add3A_99, %mul3A_224 : vector<16xi32>
        %add3A_226 = arith.constant 1 : i32
        %add3A_227 = vector.broadcast %add3A_226 : i32 to vector<16xi32>
        %add3A_228 = arith.addi %mul3A_225, %add3A_227 : vector<16xi32>
        tpu.vector_store_idx %arg47[%add3A_228], %min3A_193 : memref<896xf32, #tpu.memory_space<vmem>>[vector<16xi32>], vector<16xf32>,
        %mul3A_229 = arith.constant 8 : i32
        %mul3A_230 = vector.broadcast %mul3A_229 : i32 to vector<16xi32>
        %mul3A_231 = arith.muli %add3A_99, %mul3A_230 : vector<16xi32>
        %add3A_232 = arith.constant 2 : i32
        %add3A_233 = vector.broadcast %add3A_232 : i32 to vector<16xi32>
        %add3A_234 = arith.addi %mul3A_231, %add3A_233 : vector<16xi32>
        tpu.vector_store_idx %arg47[%add3A_234], %min3A_206 : memref<896xf32, #tpu.memory_space<vmem>>[vector<16xi32>], vector<16xf32>,
        %mul3A_235 = arith.constant 8 : i32
        %mul3A_236 = vector.broadcast %mul3A_235 : i32 to vector<16xi32>
        %mul3A_237 = arith.muli %add3A_99, %mul3A_236 : vector<16xi32>
        %add3A_238 = arith.constant 3 : i32
        %add3A_239 = vector.broadcast %add3A_238 : i32 to vector<16xi32>
        %add3A_240 = arith.addi %mul3A_237, %add3A_239 : vector<16xi32>
        tpu.vector_store_idx %arg47[%add3A_240], %min3A_219 : memref<896xf32, #tpu.memory_space<vmem>>[vector<16xi32>], vector<16xf32>,
        %get3A_241 = arith.index_cast %mul3A_97 : i32 to index
        %get3A_242 = tpu.vector_load %arg39[%get3A_241] {strides = array<i32>} : memref<128xf32, #tpu.memory_space<vmem>>, vector<16xf32>,
        %div3A_243 = arith.constant 1.000000e+01 : f32
        %div3A_244 = vector.broadcast %div3A_243 : f32 to vector<16xf32>
        %div3A_245 = arith.divf %get3A_242, %div3A_244 : vector<16xf32>
        %mul3A_246 = arith.mulf %div3A_245, %add3A_132 : vector<16xf32>
        %add3A_247 = arith.addf %mul3A_246, %add3A_140 : vector<16xf32>
        %jit3A_248 = arith.constant 0.000000e+00 : f32
        %jit3A_249 = arith.constant 1.332000e+03 : f32
        %max3A_250 = vector.broadcast %jit3A_248 : f32 to vector<16xf32>
        %max3A_251 = arith.maximumf %max3A_250, %add3A_247 : vector<16xf32>
        %min3A_252 = vector.broadcast %jit3A_249 : f32 to vector<16xf32>
        %min3A_253 = arith.minimumf %min3A_252, %max3A_251 : vector<16xf32>
        %mul3A_254 = arith.constant 8 : i32
        %mul3A_255 = vector.broadcast %mul3A_254 : i32 to vector<16xi32>
        %mul3A_256 = arith.muli %add3A_99, %mul3A_255 : vector<16xi32>
        %add3A_257 = arith.constant 0 : i32
        %add3A_258 = vector.broadcast %add3A_257 : i32 to vector<16xi32>
        %add3A_259 = arith.addi %mul3A_256, %add3A_258 : vector<16xi32>
        tpu.vector_store_idx %arg48[%add3A_259], %min3A_253 : memref<896xf32, #tpu.memory_space<vmem>>[vector<16xi32>], vector<16xf32>,
        %get3A_260 = arith.index_cast %mul3A_97 : i32 to index
        %get3A_261 = tpu.vector_load %arg40[%get3A_260] {strides = array<i32>} : memref<128xf32, #tpu.memory_space<vmem>>, vector<16xf32>,
        %div3A_262 = arith.constant 1.000000e+01 : f32
        %div3A_263 = vector.broadcast %div3A_262 : f32 to vector<16xf32>
        %div3A_264 = arith.divf %get3A_261, %div3A_263 : vector<16xf32>
        %mul3A_265 = arith.mulf %div3A_264, %add3A_136 : vector<16xf32>
        %add3A_266 = arith.addf %mul3A_265, %add3A_144 : vector<16xf32>
        %jit3A_267 = arith.constant 0.000000e+00 : f32
        %jit3A_268 = arith.constant 7.990000e+02 : f32
        %max3A_269 = vector.broadcast %jit3A_267 : f32 to vector<16xf32>
        %max3A_270 = arith.maximumf %max3A_269, %add3A_266 : vector<16xf32>
        %min3A_271 = vector.broadcast %jit3A_268 : f32 to vector<16xf32>
        %min3A_272 = arith.minimumf %min3A_271, %max3A_270 : vector<16xf32>
        %mul3A_273 = arith.constant 8 : i32
        %mul3A_274 = vector.broadcast %mul3A_273 : i32 to vector<16xi32>
        %mul3A_275 = arith.muli %add3A_99, %mul3A_274 : vector<16xi32>
        %add3A_276 = arith.constant 1 : i32
        %add3A_277 = vector.broadcast %add3A_276 : i32 to vector<16xi32>
        %add3A_278 = arith.addi %mul3A_275, %add3A_277 : vector<16xi32>
        tpu.vector_store_idx %arg48[%add3A_278], %min3A_272 : memref<896xf32, #tpu.memory_space<vmem>>[vector<16xi32>], vector<16xf32>,
        %get3A_279 = arith.index_cast %mul3A_97 : i32 to index
        %get3A_280 = tpu.vector_load %arg41[%get3A_279] {strides = array<i32>} : memref<128xf32, #tpu.memory_space<vmem>>, vector<16xf32>,
        %div3A_281 = arith.constant 1.000000e+01 : f32
        %div3A_282 = vector.broadcast %div3A_281 : f32 to vector<16xf32>
        %div3A_283 = arith.divf %get3A_280, %div3A_282 : vector<16xf32>
        %mul3A_284 = arith.mulf %div3A_283, %add3A_132 : vector<16xf32>
        %add3A_285 = arith.addf %mul3A_284, %add3A_140 : vector<16xf32>
        %jit3A_286 = arith.constant 0.000000e+00 : f32
        %jit3A_287 = arith.constant 1.332000e+03 : f32
        %max3A_288 = vector.broadcast %jit3A_286 : f32 to vector<16xf32>
        %max3A_289 = arith.maximumf %max3A_288, %add3A_285 : vector<16xf32>
        %min3A_290 = vector.broadcast %jit3A_287 : f32 to vector<16xf32>
        %min3A_291 = arith.minimumf %min3A_290, %max3A_289 : vector<16xf32>
        %mul3A_292 = arith.constant 8 : i32
        %mul3A_293 = vector.broadcast %mul3A_292 : i32 to vector<16xi32>
        %mul3A_294 = arith.muli %add3A_99, %mul3A_293 : vector<16xi32>
        %add3A_295 = arith.constant 2 : i32
        %add3A_296 = vector.broadcast %add3A_295 : i32 to vector<16xi32>
        %add3A_297 = arith.addi %mul3A_294, %add3A_296 : vector<16xi32>
        tpu.vector_store_idx %arg48[%add3A_297], %min3A_291 : memref<896xf32, #tpu.memory_space<vmem>>[vector<16xi32>], vector<16xf32>,
        %get3A_298 = arith.index_cast %mul3A_97 : i32 to index
        %get3A_299 = tpu.vector_load %arg42[%get3A_298] {strides = array<i32>} : memref<128xf32, #tpu.memory_space<vmem>>, vector<16xf32>,
        %div3A_300 = arith.constant 1.000000e+01 : f32
        %div3A_301 = vector.broadcast %div3A_300 : f32 to vector<16xf32>
        %div3A_302 = arith.divf %get3A_299, %div3A_301 : vector<16xf32>
        %mul3A_303 = arith.mulf %div3A_302, %add3A_136 : vector<16xf32>
        %add3A_304 = arith.addf %mul3A_303, %add3A_144 : vector<16xf32>
        %jit3A_305 = arith.constant 0.000000e+00 : f32
        %jit3A_306 = arith.constant 7.990000e+02 : f32
        %max3A_307 = vector.broadcast %jit3A_305 : f32 to vector<16xf32>
        %max3A_308 = arith.maximumf %max3A_307, %add3A_304 : vector<16xf32>
        %min3A_309 = vector.broadcast %jit3A_306 : f32 to vector<16xf32>
        %min3A_310 = arith.minimumf %min3A_309, %max3A_308 : vector<16xf32>
        %mul3A_311 = arith.constant 8 : i32
        %mul3A_312 = vector.broadcast %mul3A_311 : i32 to vector<16xi32>
        %mul3A_313 = arith.muli %add3A_99, %mul3A_312 : vector<16xi32>
        %add3A_314 = arith.constant 3 : i32
        %add3A_315 = vector.broadcast %add3A_314 : i32 to vector<16xi32>
        %add3A_316 = arith.addi %mul3A_313, %add3A_315 : vector<16xi32>
        tpu.vector_store_idx %arg48[%add3A_316], %min3A_310 : memref<896xf32, #tpu.memory_space<vmem>>[vector<16xi32>], vector<16xf32>,
        %get3A_317 = arith.index_cast %mul3A_97 : i32 to index
        %get3A_318 = tpu.vector_load %arg43[%get3A_317] {strides = array<i32>} : memref<128xf32, #tpu.memory_space<vmem>>, vector<16xf32>,
        %div3A_319 = arith.constant 1.000000e+01 : f32
        %div3A_320 = vector.broadcast %div3A_319 : f32 to vector<16xf32>
        %div3A_321 = arith.divf %get3A_318, %div3A_320 : vector<16xf32>
        %mul3A_322 = arith.mulf %div3A_321, %add3A_132 : vector<16xf32>
        %add3A_323 = arith.addf %mul3A_322, %add3A_140 : vector<16xf32>
        %jit3A_324 = arith.constant 0.000000e+00 : f32
        %jit3A_325 = arith.constant 1.332000e+03 : f32
        %max3A_326 = vector.broadcast %jit3A_324 : f32 to vector<16xf32>
        %max3A_327 = arith.maximumf %max3A_326, %add3A_323 : vector<16xf32>
        %min3A_328 = vector.broadcast %jit3A_325 : f32 to vector<16xf32>
        %min3A_329 = arith.minimumf %min3A_328, %max3A_327 : vector<16xf32>
        %mul3A_330 = arith.constant 8 : i32
        %mul3A_331 = vector.broadcast %mul3A_330 : i32 to vector<16xi32>
        %mul3A_332 = arith.muli %add3A_99, %mul3A_331 : vector<16xi32>
        %add3A_333 = arith.constant 4 : i32
        %add3A_334 = vector.broadcast %add3A_333 : i32 to vector<16xi32>
        %add3A_335 = arith.addi %mul3A_332, %add3A_334 : vector<16xi32>
        tpu.vector_store_idx %arg48[%add3A_335], %min3A_329 : memref<896xf32, #tpu.memory_space<vmem>>[vector<16xi32>], vector<16xf32>,
        %get3A_336 = arith.index_cast %mul3A_97 : i32 to index
        %get3A_337 = tpu.vector_load %arg44[%get3A_336] {strides = array<i32>} : memref<128xf32, #tpu.memory_space<vmem>>, vector<16xf32>,
        %div3A_338 = arith.constant 1.000000e+01 : f32
        %div3A_339 = vector.broadcast %div3A_338 : f32 to vector<16xf32>
        %div3A_340 = arith.divf %get3A_337, %div3A_339 : vector<16xf32>
        %mul3A_341 = arith.mulf %div3A_340, %add3A_136 : vector<16xf32>
        %add3A_342 = arith.addf %mul3A_341, %add3A_144 : vector<16xf32>
        %jit3A_343 = arith.constant 0.000000e+00 : f32
        %jit3A_344 = arith.constant 7.990000e+02 : f32
        %max3A_345 = vector.broadcast %jit3A_343 : f32 to vector<16xf32>
        %max3A_346 = arith.maximumf %max3A_345, %add3A_342 : vector<16xf32>
        %min3A_347 = vector.broadcast %jit3A_344 : f32 to vector<16xf32>
        %min3A_348 = arith.minimumf %min3A_347, %max3A_346 : vector<16xf32>
        %mul3A_349 = arith.constant 8 : i32
        %mul3A_350 = vector.broadcast %mul3A_349 : i32 to vector<16xi32>
        %mul3A_351 = arith.muli %add3A_99, %mul3A_350 : vector<16xi32>
        %add3A_352 = arith.constant 5 : i32
        %add3A_353 = vector.broadcast %add3A_352 : i32 to vector<16xi32>
        %add3A_354 = arith.addi %mul3A_351, %add3A_353 : vector<16xi32>
        tpu.vector_store_idx %arg48[%add3A_354], %min3A_348 : memref<896xf32, #tpu.memory_space<vmem>>[vector<16xi32>], vector<16xf32>,
        %get3A_355 = arith.index_cast %mul3A_97 : i32 to index
        %get3A_356 = tpu.vector_load %arg45[%get3A_355] {strides = array<i32>} : memref<128xf32, #tpu.memory_space<vmem>>, vector<16xf32>,
        %div3A_357 = arith.constant 1.000000e+01 : f32
        %div3A_358 = vector.broadcast %div3A_357 : f32 to vector<16xf32>
        %div3A_359 = arith.divf %get3A_356, %div3A_358 : vector<16xf32>
        %mul3A_360 = arith.mulf %div3A_359, %add3A_132 : vector<16xf32>
        %add3A_361 = arith.addf %mul3A_360, %add3A_140 : vector<16xf32>
        %jit3A_362 = arith.constant 0.000000e+00 : f32
        %jit3A_363 = arith.constant 1.332000e+03 : f32
        %max3A_364 = vector.broadcast %jit3A_362 : f32 to vector<16xf32>
        %max3A_365 = arith.maximumf %max3A_364, %add3A_361 : vector<16xf32>
        %min3A_366 = vector.broadcast %jit3A_363 : f32 to vector<16xf32>
        %min3A_367 = arith.minimumf %min3A_366, %max3A_365 : vector<16xf32>
        %mul3A_368 = arith.constant 8 : i32
        %mul3A_369 = vector.broadcast %mul3A_368 : i32 to vector<16xi32>
        %mul3A_370 = arith.muli %add3A_99, %mul3A_369 : vector<16xi32>
        %add3A_371 = arith.constant 6 : i32
        %add3A_372 = vector.broadcast %add3A_371 : i32 to vector<16xi32>
        %add3A_373 = arith.addi %mul3A_370, %add3A_372 : vector<16xi32>
        tpu.vector_store_idx %arg48[%add3A_373], %min3A_367 : memref<896xf32, #tpu.memory_space<vmem>>[vector<16xi32>], vector<16xf32>,
        %get3A_374 = arith.index_cast %mul3A_97 : i32 to index
        %get3A_375 = tpu.vector_load %arg46[%get3A_374] {strides = array<i32>} : memref<128xf32, #tpu.memory_space<vmem>>, vector<16xf32>,
        %div3A_376 = arith.constant 1.000000e+01 : f32
        %div3A_377 = vector.broadcast %div3A_376 : f32 to vector<16xf32>
        %div3A_378 = arith.divf %get3A_375, %div3A_377 : vector<16xf32>
        %mul3A_379 = arith.mulf %div3A_378, %add3A_136 : vector<16xf32>
        %add3A_380 = arith.addf %mul3A_379, %add3A_144 : vector<16xf32>
        %jit3A_381 = arith.constant 0.000000e+00 : f32
        %jit3A_382 = arith.constant 7.990000e+02 : f32
        %max3A_383 = vector.broadcast %jit3A_381 : f32 to vector<16xf32>
        %max3A_384 = arith.maximumf %max3A_383, %add3A_380 : vector<16xf32>
        %min3A_385 = vector.broadcast %jit3A_382 : f32 to vector<16xf32>
        %min3A_386 = arith.minimumf %min3A_385, %max3A_384 : vector<16xf32>
        %mul3A_387 = arith.constant 8 : i32
        %mul3A_388 = vector.broadcast %mul3A_387 : i32 to vector<16xi32>
        %mul3A_389 = arith.muli %add3A_99, %mul3A_388 : vector<16xi32>
        %add3A_390 = arith.constant 7 : i32
        %add3A_391 = vector.broadcast %add3A_390 : i32 to vector<16xi32>
        %add3A_392 = arith.addi %mul3A_389, %add3A_391 : vector<16xi32>
        tpu.vector_store_idx %arg48[%add3A_392], %min3A_386 : memref<896xf32, #tpu.memory_space<vmem>>[vector<16xi32>], vector<16xf32>,
        %gt3A = arith.constant 0.000000e+00 : f32
        %gt3A_393 = vector.broadcast %gt3A : f32 to vector<16xf32>
        %gt3A_394 = arith.cmpf ogt, %get3A_105, %gt3A_393 : vector<16xf32>
        %add3A_395 = arith.constant 1 : i32
        %add3A_396 = vector.broadcast %add3A_395 : i32 to vector<16xi32>
        %add3A_397 = arith.addi %get3A_103, %add3A_396 : vector<16xi32>
        %jit3A_398 = arith.constant 0 : i32
        %broadcast_in_dim3A = vector.broadcast %jit3A_398 : i32 to vector<16xi32>
        %select_n3A = arith.select %gt3A_394, %add3A_397, %broadcast_in_dim3A : vector<16xi1>, vector<16xi32>
        %swap3A = arith.index_cast %mul3A_97 : i32 to index
        %swap3A_399 = tpu.vector_load %arg49[%swap3A] {strides = array<i32>} : memref<128xi32, #tpu.memory_space<vmem>>, vector<16xi32>,
        tpu.vector_store %arg49[%swap3A], %select_n3A {strides = array<i32>} : memref<128xi32, #tpu.memory_space<vmem>>, vector<16xi32>,
        %scan3A_400 = arith.constant 0 : i32
        scf.yield %scan3A_400 : i32
      }
      %scan3A_93 = arith.constant 7 : i32
      "tpu.region"() ({
        %run_scoped3A = tpu.sem_alloc : memref<!tpu.dma_semaphore, #tpu.memory_space<semaphore_mem>>
        %dma_start3A_94 = arith.constant 0 : i32
        %dma_start3A_95 = tpu.memref_slice %arg47[%dma_start3A_94] : memref<896xf32, #tpu.memory_space<vmem>> -> memref<896xf32, #tpu.memory_space<vmem>>
        %dma_start3A_96 = arith.constant 0 : i32
        %dma_start3A_97 = tpu.memref_slice %arg47[%dma_start3A_96] : memref<896xf32, #tpu.memory_space<vmem>> -> memref<896xf32, #tpu.memory_space<vmem>>
        tpu.enqueue_dma source(%dma_start3A_97 : memref<896xf32, #tpu.memory_space<vmem>>) target(%arg8 : memref<896xf32, #tpu.memory_space<hbm>>) target_semaphore(%run_scoped3A : memref<!tpu.dma_semaphore, #tpu.memory_space<semaphore_mem>>)
        %dma_wait3A_98 = arith.constant 0 : i32
        %dma_wait3A_99 = tpu.memref_slice %arg47[%dma_wait3A_98] : memref<896xf32, #tpu.memory_space<vmem>> -> memref<896xf32, #tpu.memory_space<vmem>>
        %dma_wait3A_100 = arith.constant 0 : i32
        %dma_wait3A_101 = tpu.memref_slice %arg47[%dma_wait3A_100] : memref<896xf32, #tpu.memory_space<vmem>> -> memref<896xf32, #tpu.memory_space<vmem>>
        tpu.wait_dma2 semaphore(%run_scoped3A : memref<!tpu.dma_semaphore, #tpu.memory_space<semaphore_mem>>) src(%dma_wait3A_101 : memref<896xf32, #tpu.memory_space<vmem>>) dst(%arg8 : memref<896xf32, #tpu.memory_space<hbm>>)
        tpu.yield
      }) : () -> ()
      "tpu.region"() ({
        %run_scoped3A = tpu.sem_alloc : memref<!tpu.dma_semaphore, #tpu.memory_space<semaphore_mem>>
        %dma_start3A_94 = arith.constant 0 : i32
        %dma_start3A_95 = tpu.memref_slice %arg48[%dma_start3A_94] : memref<896xf32, #tpu.memory_space<vmem>> -> memref<896xf32, #tpu.memory_space<vmem>>
        %dma_start3A_96 = arith.constant 0 : i32
        %dma_start3A_97 = tpu.memref_slice %arg48[%dma_start3A_96] : memref<896xf32, #tpu.memory_space<vmem>> -> memref<896xf32, #tpu.memory_space<vmem>>
        tpu.enqueue_dma source(%dma_start3A_97 : memref<896xf32, #tpu.memory_space<vmem>>) target(%arg9 : memref<896xf32, #tpu.memory_space<hbm>>) target_semaphore(%run_scoped3A : memref<!tpu.dma_semaphore, #tpu.memory_space<semaphore_mem>>)
        %dma_wait3A_98 = arith.constant 0 : i32
        %dma_wait3A_99 = tpu.memref_slice %arg48[%dma_wait3A_98] : memref<896xf32, #tpu.memory_space<vmem>> -> memref<896xf32, #tpu.memory_space<vmem>>
        %dma_wait3A_100 = arith.constant 0 : i32
        %dma_wait3A_101 = tpu.memref_slice %arg48[%dma_wait3A_100] : memref<896xf32, #tpu.memory_space<vmem>> -> memref<896xf32, #tpu.memory_space<vmem>>
        tpu.wait_dma2 semaphore(%run_scoped3A : memref<!tpu.dma_semaphore, #tpu.memory_space<semaphore_mem>>) src(%dma_wait3A_101 : memref<896xf32, #tpu.memory_space<vmem>>) dst(%arg9 : memref<896xf32, #tpu.memory_space<hbm>>)
        tpu.yield
      }) : () -> ()
      "tpu.region"() ({
        %run_scoped3A = tpu.sem_alloc : memref<!tpu.dma_semaphore, #tpu.memory_space<semaphore_mem>>
        %dma_start3A_94 = arith.constant 0 : i32
        %dma_start3A_95 = tpu.memref_slice %arg19[%dma_start3A_94] : memref<144xf32, #tpu.memory_space<vmem>> -> memref<112xf32, #tpu.memory_space<vmem>>
        %dma_start3A_96 = arith.constant 0 : i32
        %dma_start3A_97 = tpu.memref_slice %arg19[%dma_start3A_96] : memref<144xf32, #tpu.memory_space<vmem>> -> memref<112xf32, #tpu.memory_space<vmem>>
        tpu.enqueue_dma source(%dma_start3A_97 : memref<112xf32, #tpu.memory_space<vmem>>) target(%arg10 : memref<112xf32, #tpu.memory_space<hbm>>) target_semaphore(%run_scoped3A : memref<!tpu.dma_semaphore, #tpu.memory_space<semaphore_mem>>)
        %dma_wait3A_98 = arith.constant 0 : i32
        %dma_wait3A_99 = tpu.memref_slice %arg19[%dma_wait3A_98] : memref<144xf32, #tpu.memory_space<vmem>> -> memref<112xf32, #tpu.memory_space<vmem>>
        %dma_wait3A_100 = arith.constant 0 : i32
        %dma_wait3A_101 = tpu.memref_slice %arg19[%dma_wait3A_100] : memref<144xf32, #tpu.memory_space<vmem>> -> memref<112xf32, #tpu.memory_space<vmem>>
        tpu.wait_dma2 semaphore(%run_scoped3A : memref<!tpu.dma_semaphore, #tpu.memory_space<semaphore_mem>>) src(%dma_wait3A_101 : memref<112xf32, #tpu.memory_space<vmem>>) dst(%arg10 : memref<112xf32, #tpu.memory_space<hbm>>)
        tpu.yield
      }) : () -> ()
      "tpu.region"() ({
        %run_scoped3A = tpu.sem_alloc : memref<!tpu.dma_semaphore, #tpu.memory_space<semaphore_mem>>
        %dma_start3A_94 = arith.constant 0 : i32
        %dma_start3A_95 = tpu.memref_slice %arg49[%dma_start3A_94] : memref<128xi32, #tpu.memory_space<vmem>> -> memref<112xi32, #tpu.memory_space<vmem>>
        %dma_start3A_96 = arith.constant 0 : i32
        %dma_start3A_97 = tpu.memref_slice %arg49[%dma_start3A_96] : memref<128xi32, #tpu.memory_space<vmem>> -> memref<112xi32, #tpu.memory_space<vmem>>
        tpu.enqueue_dma source(%dma_start3A_97 : memref<112xi32, #tpu.memory_space<vmem>>) target(%arg11 : memref<112xi32, #tpu.memory_space<hbm>>) target_semaphore(%run_scoped3A : memref<!tpu.dma_semaphore, #tpu.memory_space<semaphore_mem>>)
        %dma_wait3A_98 = arith.constant 0 : i32
        %dma_wait3A_99 = tpu.memref_slice %arg49[%dma_wait3A_98] : memref<128xi32, #tpu.memory_space<vmem>> -> memref<112xi32, #tpu.memory_space<vmem>>
        %dma_wait3A_100 = arith.constant 0 : i32
        %dma_wait3A_101 = tpu.memref_slice %arg49[%dma_wait3A_100] : memref<128xi32, #tpu.memory_space<vmem>> -> memref<112xi32, #tpu.memory_space<vmem>>
        tpu.wait_dma2 semaphore(%run_scoped3A : memref<!tpu.dma_semaphore, #tpu.memory_space<semaphore_mem>>) src(%dma_wait3A_101 : memref<112xi32, #tpu.memory_space<vmem>>) dst(%arg11 : memref<112xi32, #tpu.memory_space<hbm>>)
        tpu.yield
      }) : () -> ()
    } else {
    }
    return
  }
}

module attributes {stable_mosaic.version = 14 : i64} {
  func.func @_dense_body(%arg0: i32, %arg1: memref<88x1280xf32, #tpu.memory_space<vmem>>, %arg2: memref<80x1280xf32, #tpu.memory_space<vmem>>, %arg3: memref<80x1280xf32, #tpu.memory_space<vmem>>, %arg4: memref<80x1280xf32, #tpu.memory_space<vmem>>, %arg5: memref<80x1280xf32, #tpu.memory_space<vmem>>, %arg6: memref<80x1280xf32, #tpu.memory_space<vmem>>, %arg7: memref<8x1280xf32, #tpu.memory_space<vmem>>, %arg8: memref<80x1280xf32, #tpu.memory_space<vmem>>, %arg9: memref<80x1280xf32, #tpu.memory_space<vmem>>, %arg10: memref<80x1280xf32, #tpu.memory_space<vmem>>, %arg11: memref<80x1280xf32, #tpu.memory_space<vmem>>, %arg12: memref<80x1280xf32, #tpu.memory_space<vmem>>) attributes {dimension_semantics = [#tpu.dimension_semantics<arbitrary>], iteration_bounds = array<i64: 4>, scalar_prefetch = 0 : i64, scratch_operands = 0 : i64, tpu.core_type = #tpu.core_type<tc>, window_params = [{transform_indices = @transform_0, window_bounds = array<i64: 88, 1280>}, {transform_indices = @transform_1, window_bounds = array<i64: 80, 1280>}, {transform_indices = @transform_2, window_bounds = array<i64: 80, 1280>}, {transform_indices = @transform_3, window_bounds = array<i64: 80, 1280>}, {transform_indices = @transform_4, window_bounds = array<i64: 80, 1280>}, {transform_indices = @transform_5, window_bounds = array<i64: 80, 1280>}, {transform_indices = @transform_6, window_bounds = array<i64: 8, 1280>}, {transform_indices = @transform_7, window_bounds = array<i64: 80, 1280>}, {transform_indices = @transform_8, window_bounds = array<i64: 80, 1280>}, {transform_indices = @transform_9, window_bounds = array<i64: 80, 1280>}, {transform_indices = @transform_10, window_bounds = array<i64: 80, 1280>}, {transform_indices = @transform_11, window_bounds = array<i64: 80, 1280>}]} {
    %get3A = arith.constant 0 : index
    %get3A_0 = arith.constant 0 : index
    %get3A_1 = vector.load %arg1[%get3A, %get3A_0] : memref<88x1280xf32, #tpu.memory_space<vmem>>, vector<88x1280xf32>
    %reduce_max3A = arith.constant dense<0xFF800000> : vector<1280xf32>
    %reduce_max3A_2 = vector.multi_reduction <maximumf>, %get3A_1, %reduce_max3A [0] : vector<88x1280xf32> to vector<1280xf32>
    %broadcast_in_dim3A = vector.shape_cast %reduce_max3A_2 : vector<1280xf32> to vector<1x1280xf32>
    %sub3A = vector.broadcast %broadcast_in_dim3A : vector<1x1280xf32> to vector<88x1280xf32>
    %sub3A_3 = arith.subf %get3A_1, %sub3A : vector<88x1280xf32>
    %exp3A = math.exp %sub3A_3 : vector<88x1280xf32>
    %reduce_sum3A = arith.constant dense<0.000000e+00> : vector<1280xf32>
    %reduce_sum3A_4 = vector.multi_reduction <add>, %exp3A, %reduce_sum3A [0] : vector<88x1280xf32> to vector<1280xf32>
    %broadcast_in_dim3A_5 = vector.shape_cast %reduce_sum3A_4 : vector<1280xf32> to vector<1x1280xf32>
    %get3A_6 = arith.constant 0 : index
    %get3A_7 = arith.constant 0 : index
    %get3A_8 = vector.load %arg2[%get3A_6, %get3A_7] : memref<80x1280xf32, #tpu.memory_space<vmem>>, vector<80x1280xf32>
    %sub3A_9 = vector.broadcast %broadcast_in_dim3A : vector<1x1280xf32> to vector<80x1280xf32>
    %sub3A_10 = arith.subf %get3A_8, %sub3A_9 : vector<80x1280xf32>
    %exp3A_11 = math.exp %sub3A_10 : vector<80x1280xf32>
    %div3A = vector.broadcast %broadcast_in_dim3A_5 : vector<1x1280xf32> to vector<80x1280xf32>
    %div3A_12 = arith.divf %exp3A_11, %div3A : vector<80x1280xf32>
    %swap3A = arith.constant 0 : index
    %swap3A_13 = arith.constant 0 : index
    %swap3A_14 = vector.load %arg8[%swap3A, %swap3A_13] : memref<80x1280xf32, #tpu.memory_space<vmem>>, vector<80x1280xf32>
    tpu.vector_store %arg8[%swap3A, %swap3A_13], %div3A_12 {strides = array<i32>} : memref<80x1280xf32, #tpu.memory_space<vmem>>, vector<80x1280xf32>,
    %get3A_15 = arith.constant 0 : index
    %get3A_16 = arith.constant 0 : index
    %get3A_17 = vector.load %arg7[%get3A_15, %get3A_16] : memref<8x1280xf32, #tpu.memory_space<vmem>>, vector<8x1280xf32>
    %slice3A = vector.extract_strided_slice %get3A_17 {offsets = [0, 0], sizes = [1, 1280], strides = [1, 1]} : vector<8x1280xf32> to vector<1x1280xf32>
    %slice3A_18 = vector.extract_strided_slice %get3A_17 {offsets = [1, 0], sizes = [1, 1280], strides = [1, 1]} : vector<8x1280xf32> to vector<1x1280xf32>
    %slice3A_19 = vector.extract_strided_slice %get3A_17 {offsets = [2, 0], sizes = [1, 1280], strides = [1, 1]} : vector<8x1280xf32> to vector<1x1280xf32>
    %slice3A_20 = vector.extract_strided_slice %get3A_17 {offsets = [3, 0], sizes = [1, 1280], strides = [1, 1]} : vector<8x1280xf32> to vector<1x1280xf32>
    %sub3A_21 = arith.subf %slice3A_19, %slice3A : vector<1x1280xf32>
    %add3A = arith.constant 1.000000e+00 : f32
    %add3A_22 = vector.broadcast %add3A : f32 to vector<1x1280xf32>
    %add3A_23 = arith.addf %sub3A_21, %add3A_22 : vector<1x1280xf32>
    %sub3A_24 = arith.subf %slice3A_20, %slice3A_18 : vector<1x1280xf32>
    %add3A_25 = arith.constant 1.000000e+00 : f32
    %add3A_26 = vector.broadcast %add3A_25 : f32 to vector<1x1280xf32>
    %add3A_27 = arith.addf %sub3A_24, %add3A_26 : vector<1x1280xf32>
    %mul3A = arith.constant 5.000000e-01 : f32
    %mul3A_28 = vector.broadcast %mul3A : f32 to vector<1x1280xf32>
    %mul3A_29 = arith.mulf %mul3A_28, %add3A_23 : vector<1x1280xf32>
    %add3A_30 = arith.addf %slice3A, %mul3A_29 : vector<1x1280xf32>
    %mul3A_31 = arith.constant 5.000000e-01 : f32
    %mul3A_32 = vector.broadcast %mul3A_31 : f32 to vector<1x1280xf32>
    %mul3A_33 = arith.mulf %mul3A_32, %add3A_27 : vector<1x1280xf32>
    %add3A_34 = arith.addf %slice3A_18, %mul3A_33 : vector<1x1280xf32>
    %get3A_35 = arith.constant 0 : index
    %get3A_36 = arith.constant 0 : index
    %get3A_37 = vector.load %arg3[%get3A_35, %get3A_36] : memref<80x1280xf32, #tpu.memory_space<vmem>>, vector<80x1280xf32>
    %div3A_38 = arith.constant 1.000000e+01 : f32
    %div3A_39 = vector.broadcast %div3A_38 : f32 to vector<80x1280xf32>
    %div3A_40 = arith.divf %get3A_37, %div3A_39 : vector<80x1280xf32>
    %get3A_41 = arith.constant 0 : index
    %get3A_42 = arith.constant 0 : index
    %get3A_43 = vector.load %arg4[%get3A_41, %get3A_42] : memref<80x1280xf32, #tpu.memory_space<vmem>>, vector<80x1280xf32>
    %div3A_44 = arith.constant 1.000000e+01 : f32
    %div3A_45 = vector.broadcast %div3A_44 : f32 to vector<80x1280xf32>
    %div3A_46 = arith.divf %get3A_43, %div3A_45 : vector<80x1280xf32>
    %get3A_47 = arith.constant 0 : index
    %get3A_48 = arith.constant 0 : index
    %get3A_49 = vector.load %arg5[%get3A_47, %get3A_48] : memref<80x1280xf32, #tpu.memory_space<vmem>>, vector<80x1280xf32>
    %div3A_50 = arith.constant 5.000000e+00 : f32
    %div3A_51 = vector.broadcast %div3A_50 : f32 to vector<80x1280xf32>
    %div3A_52 = arith.divf %get3A_49, %div3A_51 : vector<80x1280xf32>
    %min3A = arith.constant 4.13516665 : f32
    %min3A_53 = vector.broadcast %min3A : f32 to vector<80x1280xf32>
    %min3A_54 = arith.minimumf %div3A_52, %min3A_53 : vector<80x1280xf32>
    %get3A_55 = arith.constant 0 : index
    %get3A_56 = arith.constant 0 : index
    %get3A_57 = vector.load %arg6[%get3A_55, %get3A_56] : memref<80x1280xf32, #tpu.memory_space<vmem>>, vector<80x1280xf32>
    %div3A_58 = arith.constant 5.000000e+00 : f32
    %div3A_59 = vector.broadcast %div3A_58 : f32 to vector<80x1280xf32>
    %div3A_60 = arith.divf %get3A_57, %div3A_59 : vector<80x1280xf32>
    %min3A_61 = arith.constant 4.13516665 : f32
    %min3A_62 = vector.broadcast %min3A_61 : f32 to vector<80x1280xf32>
    %min3A_63 = arith.minimumf %div3A_60, %min3A_62 : vector<80x1280xf32>
    %mul3A_64 = vector.broadcast %add3A_23 : vector<1x1280xf32> to vector<80x1280xf32>
    %mul3A_65 = arith.mulf %div3A_40, %mul3A_64 : vector<80x1280xf32>
    %add3A_66 = vector.broadcast %add3A_30 : vector<1x1280xf32> to vector<80x1280xf32>
    %add3A_67 = arith.addf %mul3A_65, %add3A_66 : vector<80x1280xf32>
    %mul3A_68 = vector.broadcast %add3A_27 : vector<1x1280xf32> to vector<80x1280xf32>
    %mul3A_69 = arith.mulf %div3A_46, %mul3A_68 : vector<80x1280xf32>
    %add3A_70 = vector.broadcast %add3A_34 : vector<1x1280xf32> to vector<80x1280xf32>
    %add3A_71 = arith.addf %mul3A_69, %add3A_70 : vector<80x1280xf32>
    %exp3A_72 = math.exp %min3A_54 : vector<80x1280xf32>
    %mul3A_73 = vector.broadcast %add3A_23 : vector<1x1280xf32> to vector<80x1280xf32>
    %mul3A_74 = arith.mulf %exp3A_72, %mul3A_73 : vector<80x1280xf32>
    %exp3A_75 = math.exp %min3A_63 : vector<80x1280xf32>
    %mul3A_76 = vector.broadcast %add3A_27 : vector<1x1280xf32> to vector<80x1280xf32>
    %mul3A_77 = arith.mulf %exp3A_75, %mul3A_76 : vector<80x1280xf32>
    %mul3A_78 = arith.constant 5.000000e-01 : f32
    %mul3A_79 = vector.broadcast %mul3A_78 : f32 to vector<80x1280xf32>
    %mul3A_80 = arith.mulf %mul3A_79, %mul3A_74 : vector<80x1280xf32>
    %sub3A_81 = arith.subf %add3A_67, %mul3A_80 : vector<80x1280xf32>
    %jit3A = arith.constant 0.000000e+00 : f32
    %jit3A_82 = arith.constant 1.332000e+03 : f32
    %max3A = vector.broadcast %jit3A : f32 to vector<80x1280xf32>
    %max3A_83 = arith.maximumf %max3A, %sub3A_81 : vector<80x1280xf32>
    %min3A_84 = vector.broadcast %jit3A_82 : f32 to vector<80x1280xf32>
    %min3A_85 = arith.minimumf %min3A_84, %max3A_83 : vector<80x1280xf32>
    %swap3A_86 = arith.constant 0 : index
    %swap3A_87 = arith.constant 0 : index
    %swap3A_88 = vector.load %arg9[%swap3A_86, %swap3A_87] : memref<80x1280xf32, #tpu.memory_space<vmem>>, vector<80x1280xf32>
    tpu.vector_store %arg9[%swap3A_86, %swap3A_87], %min3A_85 {strides = array<i32>} : memref<80x1280xf32, #tpu.memory_space<vmem>>, vector<80x1280xf32>,
    %mul3A_89 = arith.constant 5.000000e-01 : f32
    %mul3A_90 = vector.broadcast %mul3A_89 : f32 to vector<80x1280xf32>
    %mul3A_91 = arith.mulf %mul3A_90, %mul3A_77 : vector<80x1280xf32>
    %sub3A_92 = arith.subf %add3A_71, %mul3A_91 : vector<80x1280xf32>
    %jit3A_93 = arith.constant 0.000000e+00 : f32
    %jit3A_94 = arith.constant 7.990000e+02 : f32
    %max3A_95 = vector.broadcast %jit3A_93 : f32 to vector<80x1280xf32>
    %max3A_96 = arith.maximumf %max3A_95, %sub3A_92 : vector<80x1280xf32>
    %min3A_97 = vector.broadcast %jit3A_94 : f32 to vector<80x1280xf32>
    %min3A_98 = arith.minimumf %min3A_97, %max3A_96 : vector<80x1280xf32>
    %swap3A_99 = arith.constant 0 : index
    %swap3A_100 = arith.constant 0 : index
    %swap3A_101 = vector.load %arg10[%swap3A_99, %swap3A_100] : memref<80x1280xf32, #tpu.memory_space<vmem>>, vector<80x1280xf32>
    tpu.vector_store %arg10[%swap3A_99, %swap3A_100], %min3A_98 {strides = array<i32>} : memref<80x1280xf32, #tpu.memory_space<vmem>>, vector<80x1280xf32>,
    %mul3A_102 = arith.constant 5.000000e-01 : f32
    %mul3A_103 = vector.broadcast %mul3A_102 : f32 to vector<80x1280xf32>
    %mul3A_104 = arith.mulf %mul3A_103, %mul3A_74 : vector<80x1280xf32>
    %add3A_105 = arith.addf %add3A_67, %mul3A_104 : vector<80x1280xf32>
    %sub3A_106 = arith.constant 1.000000e+00 : f32
    %sub3A_107 = vector.broadcast %sub3A_106 : f32 to vector<80x1280xf32>
    %sub3A_108 = arith.subf %add3A_105, %sub3A_107 : vector<80x1280xf32>
    %jit3A_109 = arith.constant 0.000000e+00 : f32
    %jit3A_110 = arith.constant 1.332000e+03 : f32
    %max3A_111 = vector.broadcast %jit3A_109 : f32 to vector<80x1280xf32>
    %max3A_112 = arith.maximumf %max3A_111, %sub3A_108 : vector<80x1280xf32>
    %min3A_113 = vector.broadcast %jit3A_110 : f32 to vector<80x1280xf32>
    %min3A_114 = arith.minimumf %min3A_113, %max3A_112 : vector<80x1280xf32>
    %swap3A_115 = arith.constant 0 : index
    %swap3A_116 = arith.constant 0 : index
    %swap3A_117 = vector.load %arg11[%swap3A_115, %swap3A_116] : memref<80x1280xf32, #tpu.memory_space<vmem>>, vector<80x1280xf32>
    tpu.vector_store %arg11[%swap3A_115, %swap3A_116], %min3A_114 {strides = array<i32>} : memref<80x1280xf32, #tpu.memory_space<vmem>>, vector<80x1280xf32>,
    %mul3A_118 = arith.constant 5.000000e-01 : f32
    %mul3A_119 = vector.broadcast %mul3A_118 : f32 to vector<80x1280xf32>
    %mul3A_120 = arith.mulf %mul3A_119, %mul3A_77 : vector<80x1280xf32>
    %add3A_121 = arith.addf %add3A_71, %mul3A_120 : vector<80x1280xf32>
    %sub3A_122 = arith.constant 1.000000e+00 : f32
    %sub3A_123 = vector.broadcast %sub3A_122 : f32 to vector<80x1280xf32>
    %sub3A_124 = arith.subf %add3A_121, %sub3A_123 : vector<80x1280xf32>
    %jit3A_125 = arith.constant 0.000000e+00 : f32
    %jit3A_126 = arith.constant 7.990000e+02 : f32
    %max3A_127 = vector.broadcast %jit3A_125 : f32 to vector<80x1280xf32>
    %max3A_128 = arith.maximumf %max3A_127, %sub3A_124 : vector<80x1280xf32>
    %min3A_129 = vector.broadcast %jit3A_126 : f32 to vector<80x1280xf32>
    %min3A_130 = arith.minimumf %min3A_129, %max3A_128 : vector<80x1280xf32>
    %swap3A_131 = arith.constant 0 : index
    %swap3A_132 = arith.constant 0 : index
    %swap3A_133 = vector.load %arg12[%swap3A_131, %swap3A_132] : memref<80x1280xf32, #tpu.memory_space<vmem>>, vector<80x1280xf32>
    tpu.vector_store %arg12[%swap3A_131, %swap3A_132], %min3A_130 {strides = array<i32>} : memref<80x1280xf32, #tpu.memory_space<vmem>>, vector<80x1280xf32>,
    return
  }
  func.func @transform_0(%arg0: i32) -> (i32, i32) {
    %c0_i32 = arith.constant 0 : i32
    %c0_i32_0 = arith.constant 0 : i32
    return %c0_i32, %arg0 : i32, i32
  }
  func.func @transform_1(%arg0: i32) -> (i32, i32) {
    %c0_i32 = arith.constant 0 : i32
    %c0_i32_0 = arith.constant 0 : i32
    return %c0_i32, %arg0 : i32, i32
  }
  func.func @transform_2(%arg0: i32) -> (i32, i32) {
    %c0_i32 = arith.constant 0 : i32
    %c0_i32_0 = arith.constant 0 : i32
    return %c0_i32, %arg0 : i32, i32
  }
  func.func @transform_3(%arg0: i32) -> (i32, i32) {
    %c0_i32 = arith.constant 0 : i32
    %c0_i32_0 = arith.constant 0 : i32
    return %c0_i32, %arg0 : i32, i32
  }
  func.func @transform_4(%arg0: i32) -> (i32, i32) {
    %c0_i32 = arith.constant 0 : i32
    %c0_i32_0 = arith.constant 0 : i32
    return %c0_i32, %arg0 : i32, i32
  }
  func.func @transform_5(%arg0: i32) -> (i32, i32) {
    %c0_i32 = arith.constant 0 : i32
    %c0_i32_0 = arith.constant 0 : i32
    return %c0_i32, %arg0 : i32, i32
  }
  func.func @transform_6(%arg0: i32) -> (i32, i32) {
    %c0_i32 = arith.constant 0 : i32
    %c0_i32_0 = arith.constant 0 : i32
    return %c0_i32, %arg0 : i32, i32
  }
  func.func @transform_7(%arg0: i32) -> (i32, i32) {
    %c0_i32 = arith.constant 0 : i32
    %c0_i32_0 = arith.constant 0 : i32
    return %c0_i32, %arg0 : i32, i32
  }
  func.func @transform_8(%arg0: i32) -> (i32, i32) {
    %c0_i32 = arith.constant 0 : i32
    %c0_i32_0 = arith.constant 0 : i32
    return %c0_i32, %arg0 : i32, i32
  }
  func.func @transform_9(%arg0: i32) -> (i32, i32) {
    %c0_i32 = arith.constant 0 : i32
    %c0_i32_0 = arith.constant 0 : i32
    return %c0_i32, %arg0 : i32, i32
  }
  func.func @transform_10(%arg0: i32) -> (i32, i32) {
    %c0_i32 = arith.constant 0 : i32
    %c0_i32_0 = arith.constant 0 : i32
    return %c0_i32, %arg0 : i32, i32
  }
  func.func @transform_11(%arg0: i32) -> (i32, i32) {
    %c0_i32 = arith.constant 0 : i32
    %c0_i32_0 = arith.constant 0 : i32
    return %c0_i32, %arg0 : i32, i32
  }
}

module attributes {stable_mosaic.version = 14 : i64} {
  func.func @_nms_body(%arg0: i32, %arg1: memref<8x512xf32, #tpu.memory_space<vmem>>, %arg2: memref<8x512xf32, #tpu.memory_space<vmem>>, %arg3: memref<8x512xf32, #tpu.memory_space<vmem>>, %arg4: memref<8x512xf32, #tpu.memory_space<vmem>>, %arg5: memref<8x512xf32, #tpu.memory_space<vmem>>, %arg6: memref<8x512xf32, #tpu.memory_space<vmem>>) attributes {dimension_semantics = [#tpu.dimension_semantics<arbitrary>], iteration_bounds = array<i64: 10>, scalar_prefetch = 0 : i64, scratch_operands = 0 : i64, tpu.core_type = #tpu.core_type<tc>, window_params = [{transform_indices = @transform_0, window_bounds = array<i64: 8, 512>}, {transform_indices = @transform_1, window_bounds = array<i64: 8, 512>}, {transform_indices = @transform_2, window_bounds = array<i64: 8, 512>}, {transform_indices = @transform_3, window_bounds = array<i64: 8, 512>}, {transform_indices = @transform_4, window_bounds = array<i64: 8, 512>}, {transform_indices = @transform_5, window_bounds = array<i64: 8, 512>}]} {
    %get3A = arith.constant 0 : index
    %get3A_0 = arith.constant 0 : index
    %get3A_1 = vector.load %arg1[%get3A, %get3A_0] : memref<8x512xf32, #tpu.memory_space<vmem>>, vector<8x512xf32>
    %get3A_2 = arith.constant 0 : index
    %get3A_3 = arith.constant 0 : index
    %get3A_4 = vector.load %arg2[%get3A_2, %get3A_3] : memref<8x512xf32, #tpu.memory_space<vmem>>, vector<8x512xf32>
    %get3A_5 = arith.constant 0 : index
    %get3A_6 = arith.constant 0 : index
    %get3A_7 = vector.load %arg3[%get3A_5, %get3A_6] : memref<8x512xf32, #tpu.memory_space<vmem>>, vector<8x512xf32>
    %get3A_8 = arith.constant 0 : index
    %get3A_9 = arith.constant 0 : index
    %get3A_10 = vector.load %arg4[%get3A_8, %get3A_9] : memref<8x512xf32, #tpu.memory_space<vmem>>, vector<8x512xf32>
    %get3A_11 = arith.constant 0 : index
    %get3A_12 = arith.constant 0 : index
    %get3A_13 = vector.load %arg5[%get3A_11, %get3A_12] : memref<8x512xf32, #tpu.memory_space<vmem>>, vector<8x512xf32>
    %gt3A = arith.constant 5.000000e-02 : f32
    %gt3A_14 = vector.broadcast %gt3A : f32 to vector<8x512xf32>
    %gt3A_15 = arith.cmpf ogt, %get3A_1, %gt3A_14 : vector<8x512xf32>
    %sub3A = arith.subf %get3A_10, %get3A_4 : vector<8x512xf32>
    %add3A = arith.constant 1.000000e+00 : f32
    %add3A_16 = vector.broadcast %add3A : f32 to vector<8x512xf32>
    %add3A_17 = arith.addf %sub3A, %add3A_16 : vector<8x512xf32>
    %sub3A_18 = arith.subf %get3A_13, %get3A_7 : vector<8x512xf32>
    %add3A_19 = arith.constant 1.000000e+00 : f32
    %add3A_20 = vector.broadcast %add3A_19 : f32 to vector<8x512xf32>
    %add3A_21 = arith.addf %sub3A_18, %add3A_20 : vector<8x512xf32>
    %mul3A = arith.mulf %add3A_17, %add3A_21 : vector<8x512xf32>
    %broadcast_in_dim3A = vector.shape_cast %get3A_4 : vector<8x512xf32> to vector<8x512x1xf32>
    %broadcast_in_dim3A_22 = vector.shape_cast %get3A_4 : vector<8x512xf32> to vector<8x1x512xf32>
    %max3A = vector.broadcast %broadcast_in_dim3A : vector<8x512x1xf32> to vector<8x512x512xf32>
    %max3A_23 = vector.broadcast %broadcast_in_dim3A_22 : vector<8x1x512xf32> to vector<8x512x512xf32>
    %max3A_24 = arith.maximumf %max3A, %max3A_23 : vector<8x512x512xf32>
    %broadcast_in_dim3A_25 = vector.shape_cast %get3A_7 : vector<8x512xf32> to vector<8x512x1xf32>
    %broadcast_in_dim3A_26 = vector.shape_cast %get3A_7 : vector<8x512xf32> to vector<8x1x512xf32>
    %max3A_27 = vector.broadcast %broadcast_in_dim3A_25 : vector<8x512x1xf32> to vector<8x512x512xf32>
    %max3A_28 = vector.broadcast %broadcast_in_dim3A_26 : vector<8x1x512xf32> to vector<8x512x512xf32>
    %max3A_29 = arith.maximumf %max3A_27, %max3A_28 : vector<8x512x512xf32>
    %broadcast_in_dim3A_30 = vector.shape_cast %get3A_10 : vector<8x512xf32> to vector<8x512x1xf32>
    %broadcast_in_dim3A_31 = vector.shape_cast %get3A_10 : vector<8x512xf32> to vector<8x1x512xf32>
    %min3A = vector.broadcast %broadcast_in_dim3A_30 : vector<8x512x1xf32> to vector<8x512x512xf32>
    %min3A_32 = vector.broadcast %broadcast_in_dim3A_31 : vector<8x1x512xf32> to vector<8x512x512xf32>
    %min3A_33 = arith.minimumf %min3A, %min3A_32 : vector<8x512x512xf32>
    %broadcast_in_dim3A_34 = vector.shape_cast %get3A_13 : vector<8x512xf32> to vector<8x512x1xf32>
    %broadcast_in_dim3A_35 = vector.shape_cast %get3A_13 : vector<8x512xf32> to vector<8x1x512xf32>
    %min3A_36 = vector.broadcast %broadcast_in_dim3A_34 : vector<8x512x1xf32> to vector<8x512x512xf32>
    %min3A_37 = vector.broadcast %broadcast_in_dim3A_35 : vector<8x1x512xf32> to vector<8x512x512xf32>
    %min3A_38 = arith.minimumf %min3A_36, %min3A_37 : vector<8x512x512xf32>
    %sub3A_39 = arith.subf %min3A_33, %max3A_24 : vector<8x512x512xf32>
    %add3A_40 = arith.constant 1.000000e+00 : f32
    %add3A_41 = vector.broadcast %add3A_40 : f32 to vector<8x512x512xf32>
    %add3A_42 = arith.addf %sub3A_39, %add3A_41 : vector<8x512x512xf32>
    %max3A_43 = arith.constant 0.000000e+00 : f32
    %max3A_44 = vector.broadcast %max3A_43 : f32 to vector<8x512x512xf32>
    %max3A_45 = arith.maximumf %add3A_42, %max3A_44 : vector<8x512x512xf32>
    %sub3A_46 = arith.subf %min3A_38, %max3A_29 : vector<8x512x512xf32>
    %add3A_47 = arith.constant 1.000000e+00 : f32
    %add3A_48 = vector.broadcast %add3A_47 : f32 to vector<8x512x512xf32>
    %add3A_49 = arith.addf %sub3A_46, %add3A_48 : vector<8x512x512xf32>
    %max3A_50 = arith.constant 0.000000e+00 : f32
    %max3A_51 = vector.broadcast %max3A_50 : f32 to vector<8x512x512xf32>
    %max3A_52 = arith.maximumf %add3A_49, %max3A_51 : vector<8x512x512xf32>
    %mul3A_53 = arith.mulf %max3A_45, %max3A_52 : vector<8x512x512xf32>
    %broadcast_in_dim3A_54 = vector.shape_cast %mul3A : vector<8x512xf32> to vector<8x512x1xf32>
    %broadcast_in_dim3A_55 = vector.shape_cast %mul3A : vector<8x512xf32> to vector<8x1x512xf32>
    %add3A_56 = vector.broadcast %broadcast_in_dim3A_54 : vector<8x512x1xf32> to vector<8x512x512xf32>
    %add3A_57 = vector.broadcast %broadcast_in_dim3A_55 : vector<8x1x512xf32> to vector<8x512x512xf32>
    %add3A_58 = arith.addf %add3A_56, %add3A_57 : vector<8x512x512xf32>
    %sub3A_59 = arith.subf %add3A_58, %mul3A_53 : vector<8x512x512xf32>
    %div3A = arith.divf %mul3A_53, %sub3A_59 : vector<8x512x512xf32>
    %iota3A = tpu.iota {dimensions = array<i32: 0>} : vector<512x512xi32>
    %iota3A_60 = tpu.iota {dimensions = array<i32: 1>} : vector<512x512xi32>
    %broadcast_in_dim3A_61 = vector.shape_cast %get3A_1 : vector<8x512xf32> to vector<8x1x512xf32>
    %broadcast_in_dim3A_62 = vector.shape_cast %get3A_1 : vector<8x512xf32> to vector<8x512x1xf32>
    %gt3A_63 = vector.broadcast %broadcast_in_dim3A_61 : vector<8x1x512xf32> to vector<8x512x512xf32>
    %gt3A_64 = vector.broadcast %broadcast_in_dim3A_62 : vector<8x512x1xf32> to vector<8x512x512xf32>
    %gt3A_65 = arith.cmpf ogt, %gt3A_63, %gt3A_64 : vector<8x512x512xf32>
    %broadcast_in_dim3A_66 = vector.shape_cast %get3A_1 : vector<8x512xf32> to vector<8x1x512xf32>
    %broadcast_in_dim3A_67 = vector.shape_cast %get3A_1 : vector<8x512xf32> to vector<8x512x1xf32>
    %eq3A = vector.broadcast %broadcast_in_dim3A_66 : vector<8x1x512xf32> to vector<8x512x512xf32>
    %eq3A_68 = vector.broadcast %broadcast_in_dim3A_67 : vector<8x512x1xf32> to vector<8x512x512xf32>
    %eq3A_69 = arith.cmpf oeq, %eq3A, %eq3A_68 : vector<8x512x512xf32>
    %lt3A = arith.cmpi slt, %iota3A_60, %iota3A : vector<512x512xi32>
    %broadcast_in_dim3A_70 = vector.shape_cast %lt3A : vector<512x512xi1> to vector<1x512x512xi1>
    %and3A = vector.broadcast %broadcast_in_dim3A_70 : vector<1x512x512xi1> to vector<8x512x512xi1>
    %and3A_71 = arith.andi %eq3A_69, %and3A : vector<8x512x512xi1>
    %or3A = arith.ori %gt3A_65, %and3A_71 : vector<8x512x512xi1>
    %gt3A_72 = arith.constant 5.000000e-01 : f32
    %gt3A_73 = vector.broadcast %gt3A_72 : f32 to vector<8x512x512xf32>
    %gt3A_74 = arith.cmpf ogt, %div3A, %gt3A_73 : vector<8x512x512xf32>
    %and3A_75 = arith.andi %or3A, %gt3A_74 : vector<8x512x512xi1>
    %jit3A = arith.constant 1.000000e+00 : f32
    %jit3A_76 = arith.constant 0.000000e+00 : f32
    %broadcast_in_dim3A_77 = vector.broadcast %jit3A : f32 to vector<8x512x512xf32>
    %broadcast_in_dim3A_78 = vector.broadcast %jit3A_76 : f32 to vector<8x512x512xf32>
    %select_n3A = arith.select %and3A_75, %broadcast_in_dim3A_77, %broadcast_in_dim3A_78 : vector<8x512x512xi1>, vector<8x512x512xf32>
    %jit3A_79 = arith.constant 1.000000e+00 : f32
    %jit3A_80 = arith.constant 0.000000e+00 : f32
    %broadcast_in_dim3A_81 = vector.broadcast %jit3A_79 : f32 to vector<8x512xf32>
    %broadcast_in_dim3A_82 = vector.broadcast %jit3A_80 : f32 to vector<8x512xf32>
    %select_n3A_83 = arith.select %gt3A_15, %broadcast_in_dim3A_81, %broadcast_in_dim3A_82 : vector<8x512xi1>, vector<8x512xf32>
    %while3A = arith.constant true
    %while3A_84:2 = scf.while (%while3A_93 = %select_n3A_83, %while3A_94 = %while3A) : (vector<8x512xf32>, i1) -> (vector<8x512xf32>, i1) {
      scf.condition(%while3A_94) %while3A_93, %while3A_94 : vector<8x512xf32>, i1
    } do {
    ^bb0(%while3A_93: vector<8x512xf32>, %while3A_94: i1):
      %dot_general3A = arith.constant dense<0.000000e+00> : vector<8x512xf32>
      %dot_general3A_95 = tpu.matmul %select_n3A, %while3A_93, %dot_general3A {dimension_numbers = #tpu.dot_dimension_numbers<[2], [1], [1], [], [0, 0, 0, 1], [0], [0]>, transpose_lhs_hint = false} : vector<8x512x512xf32>, vector<8x512xf32>, vector<8x512xf32> -> vector<8x512xf32>
      %lt3A_96 = arith.constant 5.000000e-01 : f32
      %lt3A_97 = vector.broadcast %lt3A_96 : f32 to vector<8x512xf32>
      %lt3A_98 = arith.cmpf olt, %dot_general3A_95, %lt3A_97 : vector<8x512xf32>
      %and3A_99 = arith.andi %gt3A_15, %lt3A_98 : vector<8x512xi1>
      %jit3A_100 = arith.constant 1.000000e+00 : f32
      %jit3A_101 = arith.constant 0.000000e+00 : f32
      %broadcast_in_dim3A_102 = vector.broadcast %jit3A_100 : f32 to vector<8x512xf32>
      %broadcast_in_dim3A_103 = vector.broadcast %jit3A_101 : f32 to vector<8x512xf32>
      %select_n3A_104 = arith.select %and3A_99, %broadcast_in_dim3A_102, %broadcast_in_dim3A_103 : vector<8x512xi1>, vector<8x512xf32>
      %ne3A = arith.cmpf one, %select_n3A_104, %while3A_93 : vector<8x512xf32>
      %reduce_or3A = arith.constant 1.000000e+00 : f32
      %reduce_or3A_105 = arith.constant 0.000000e+00 : f32
      %reduce_or3A_106 = vector.broadcast %reduce_or3A : f32 to vector<8x512xf32>
      %reduce_or3A_107 = vector.broadcast %reduce_or3A_105 : f32 to vector<8x512xf32>
      %reduce_or3A_108 = arith.select %ne3A, %reduce_or3A_106, %reduce_or3A_107 : vector<8x512xi1>, vector<8x512xf32>
      %reduce_or3A_109 = vector.shape_cast %reduce_or3A_108 : vector<8x512xf32> to vector<1x8x512xf32>
      %reduce_or3A_110 = arith.constant dense<0xFF800000> : vector<1xf32>
      %reduce_or3A_111 = vector.multi_reduction <maximumf>, %reduce_or3A_109, %reduce_or3A_110 [1, 2] : vector<1x8x512xf32> to vector<1xf32>
      %reduce_or3A_112 = vector.shape_cast %reduce_or3A_111 : vector<1xf32> to vector<1x1x1xf32>
      %reduce_or3A_113 = vector.extract %reduce_or3A_112[0, 0, 0] : f32 from vector<1x1x1xf32>
      %reduce_or3A_114 = arith.constant 0.000000e+00 : f32
      %reduce_or3A_115 = arith.cmpf ogt, %reduce_or3A_113, %reduce_or3A_114 : f32
      scf.yield %select_n3A_104, %reduce_or3A_115 : vector<8x512xf32>, i1
    }
    %gt3A_85 = arith.constant 5.000000e-01 : f32
    %gt3A_86 = vector.broadcast %gt3A_85 : f32 to vector<8x512xf32>
    %gt3A_87 = arith.cmpf ogt, %while3A_84#0, %gt3A_86 : vector<8x512xf32>
    %jit3A_88 = arith.constant -1.000000e+00 : f32
    %broadcast_in_dim3A_89 = vector.broadcast %jit3A_88 : f32 to vector<8x512xf32>
    %select_n3A_90 = arith.select %gt3A_87, %get3A_1, %broadcast_in_dim3A_89 : vector<8x512xi1>, vector<8x512xf32>
    %swap3A = arith.constant 0 : index
    %swap3A_91 = arith.constant 0 : index
    %swap3A_92 = vector.load %arg6[%swap3A, %swap3A_91] : memref<8x512xf32, #tpu.memory_space<vmem>>, vector<8x512xf32>
    tpu.vector_store %arg6[%swap3A, %swap3A_91], %select_n3A_90 {strides = array<i32>} : memref<8x512xf32, #tpu.memory_space<vmem>>, vector<8x512xf32>,
    return
  }
  func.func @transform_0(%arg0: i32) -> (i32, i32) {
    %c0_i32 = arith.constant 0 : i32
    %c0_i32_0 = arith.constant 0 : i32
    return %arg0, %c0_i32 : i32, i32
  }
  func.func @transform_1(%arg0: i32) -> (i32, i32) {
    %c0_i32 = arith.constant 0 : i32
    %c0_i32_0 = arith.constant 0 : i32
    return %arg0, %c0_i32 : i32, i32
  }
  func.func @transform_2(%arg0: i32) -> (i32, i32) {
    %c0_i32 = arith.constant 0 : i32
    %c0_i32_0 = arith.constant 0 : i32
    return %arg0, %c0_i32 : i32, i32
  }
  func.func @transform_3(%arg0: i32) -> (i32, i32) {
    %c0_i32 = arith.constant 0 : i32
    %c0_i32_0 = arith.constant 0 : i32
    return %arg0, %c0_i32 : i32, i32
  }
  func.func @transform_4(%arg0: i32) -> (i32, i32) {
    %c0_i32 = arith.constant 0 : i32
    %c0_i32_0 = arith.constant 0 : i32
    return %arg0, %c0_i32 : i32, i32
  }
  func.func @transform_5(%arg0: i32) -> (i32, i32) {
    %c0_i32 = arith.constant 0 : i32
    %c0_i32_0 = arith.constant 0 : i32
    return %arg0, %c0_i32 : i32, i32
  }
}

module attributes {stable_mosaic.version = 14 : i64} {
  func.func @_kth_body(%arg0: memref<80x512xf32, #tpu.memory_space<vmem>>, %arg1: memref<8x128xf32, #tpu.memory_space<vmem>>) attributes {dimension_semantics = [], scalar_prefetch = 0 : i64, scratch_operands = 0 : i64, tpu.core_type = #tpu.core_type<tc>} {
    %get3A = arith.constant 0 : index
    %get3A_0 = arith.constant 0 : index
    %get3A_1 = vector.load %arg0[%get3A, %get3A_0] : memref<80x512xf32, #tpu.memory_space<vmem>>, vector<80x512xf32>
    %scan3A = arith.constant 0.000000e+00 : f32
    %scan3A_2 = arith.constant 1.010000e+00 : f32
    %scan3A_3 = arith.constant 0 : i32
    %scan3A_4 = arith.constant 48 : i32
    %scan3A_5 = arith.addi %scan3A_3, %scan3A_4 : i32
    %scan3A_6 = arith.constant 1 : i32
    %scan3A_7:2 = scf.for %scan3A_10 = %scan3A_3 to %scan3A_5 step %scan3A_6 iter_args(%scan3A_11 = %scan3A, %scan3A_12 = %scan3A_2) -> (f32, f32)  : i32 {
      %add3A = arith.addf %scan3A_11, %scan3A_12 : f32
      %mul3A = arith.constant 5.000000e-01 : f32
      %mul3A_13 = arith.mulf %add3A, %mul3A : f32
      %gt3A = vector.broadcast %mul3A_13 : f32 to vector<80x512xf32>
      %gt3A_14 = arith.cmpf ogt, %get3A_1, %gt3A : vector<80x512xf32>
      %jit3A = arith.constant 1 : i32
      %jit3A_15 = arith.constant 0 : i32
      %broadcast_in_dim3A_16 = vector.broadcast %jit3A : i32 to vector<80x512xi32>
      %broadcast_in_dim3A_17 = vector.broadcast %jit3A_15 : i32 to vector<80x512xi32>
      %select_n3A = arith.select %gt3A_14, %broadcast_in_dim3A_16, %broadcast_in_dim3A_17 : vector<80x512xi1>, vector<80x512xi32>
      %reduce_sum3A = vector.shape_cast %select_n3A : vector<80x512xi32> to vector<1x80x512xi32>
      %reduce_sum3A_18 = arith.constant dense<0> : vector<1xi32>
      %reduce_sum3A_19 = vector.multi_reduction <add>, %reduce_sum3A, %reduce_sum3A_18 [1, 2] : vector<1x80x512xi32> to vector<1xi32>
      %reduce_sum3A_20 = vector.shape_cast %reduce_sum3A_19 : vector<1xi32> to vector<1x1x1xi32>
      %reduce_sum3A_21 = vector.extract %reduce_sum3A_20[0, 0, 0] : i32 from vector<1x1x1xi32>
      %ge3A = arith.constant 100 : i32
      %ge3A_22 = arith.cmpi sge, %reduce_sum3A_21, %ge3A : i32
      %select_n3A_23 = arith.select %ge3A_22, %mul3A_13, %scan3A_11 : f32
      %select_n3A_24 = arith.select %ge3A_22, %scan3A_12, %mul3A_13 : f32
      scf.yield %select_n3A_23, %select_n3A_24 : f32, f32
    }
    %broadcast_in_dim3A = vector.broadcast %scan3A_7#0 : f32 to vector<8x128xf32>
    %swap3A = arith.constant 0 : index
    %swap3A_8 = arith.constant 0 : index
    %swap3A_9 = vector.load %arg1[%swap3A, %swap3A_8] : memref<8x128xf32, #tpu.memory_space<vmem>>, vector<8x128xf32>
    tpu.vector_store %arg1[%swap3A, %swap3A_8], %broadcast_in_dim3A {strides = array<i32>} : memref<8x128xf32, #tpu.memory_space<vmem>>, vector<8x128xf32>,
    return
  }
}

</mosaic_0001>

<sc_bundles>
// kernel: kernel.10.cloned.1.call-start
scs
__scs_entry_jumppad:
0x0: {  	(pc) =	sbr.rel $0x88, $3  }
0x1: {  	(tag) =	ssettag $0x0;
	lr =	simm.s32 $0x1  }
0x2: {  	[smem:$0x3F9D] =	sst lr;
	_ =	strace $0xD0000000  }
0x3: {  	_ = 	snop  }
0x4: {  	_ = 	snop  }
0x5: {  	_ = 	snop  }
0x6: {  	_ = 	snop  }
0x7: {  	_ = 	snop  }
__scs_overlays_trampoline_lowered:
0x8: {  	[smem:$0x3FAC] =	sst s0  }
0x9: {  	[smem:$0x3FAD] =	sst s1  }
0xa: {  	[smem:$0x3FAE] =	sst s2  }
0xb: {  	[smem:$0x3FAF] =	sst s3  }
0xc: {  	[smem:$0x3FB0] =	sst s4  }
0xd: {  	[smem:$0x3FB1] =	sst s5  }
0xe: {  	[smem:$0x3FB2] =	sst s6  }
0xf: {  	[smem:$0x3FB3] =	sst s7  }
0x10: {  	[smem:$0x3FB4] =	sst s8  }
0x11: {  	[smem:$0x3FB5] =	sst s9;
	s0 =	simm.s32 @!p0 $0x0  }
0x12: {  	s1 =	sld [smem:$0x3F9B];
	s0 =	simm.s32 @p0 $0x1  }
0x13: {  	[smem:$0x3FB6] =	sst s0;
	s0 =	simm.s32 @!p1 $0x0  }
0x14: {  	s2 =	sld [smem:$0x3F9A];
	s0 =	simm.s32 @p1 $0x1  }
0x15: {  	[smem:$0x3FB7] =	sst s0;
	s0 =	simm.s32 @!p2 $0x0  }
0x16: {  	s3 =	sld [smem:$0x3FDB];
	s0 =	simm.s32 @p2 $0x1  }
0x17: {  	s4 =	simm.s32 $0x1BF5;
	[smem:$0x3FB9] =	sst s0  }
0x18: {  	s0 =	sld [smem:$0x3F9C];
	_ =	swait.ge [sflag:s4], $0x0  }
0x19: {  	s7 =	sld [smem:$0x3F9D]  }
0x1a: {  	s8 =	sadd.s32 $0xFFFFE003, lr  }
0x1b: {  	s9 =	sadd.s32 $0xFFFFFEF7, lr;
	s5 =	simm.s32 $0xFFFFFFFF;
	p2 =	slt.u32 s8, $0xFFFFF086  }
0x1c: {  	p1 =	slt.u32 s9, $0xF7A;
	s5 =	simm.s32 @!p2 $0x0  }
0x1d: {  	s5 =	simm.s32 @p1 $0x1;
	p0 =	seq.s32 s7, s2  }
0x1e: {  	s7 =	smul.u32 @!p0 $0xF7A, s2;
	p2 =	seq.s32 @!p0 s5, $0x0  }
0x1f: {  	s9 =	smul.u32 $0xF7A, s1;
	s8 =	simm.s32 @!p0 $0x1BF5;
	p2 =	por !p2, p0  }
0x20: {  	[sflag:s8] =	ssyncset.s32 @!p0 $0xFFFFF086;
	s6 =	sadd.s32 @!p0 s3, s7;
	s7 =	simm.s32 @!p0 $0x108  }
0x21: {  	s3 =	sadd.s32 s3, s9;
	s6 =	sadd.s32 @!p0 $0x88, s6;
	s7 =	simm.s32 @p2 $0x1082  }
0x22: {  	[simem:s7], [sflag:s8] =	dma.local @!p0 [hbm:s6], $0xF7A  }
0x23: {  	s9 =	sor.u32 $0xD0000000, s2;
	s6 =	simm.s32 $0x108;
	_ =	swait.ge @!p0 [sflag:s8], $0x0  }
0x24: {  	s3 =	sadd.s32 $0x88, s3;
	s6 =	simm.s32 @!p1 $0x1082;
	[sflag:s4] =	ssyncset.s32 $0xFFFFF086  }
0x25: {  	[simem:s6], [sflag:s4] =	dma.local [hbm:s3], $0xF7A  }
0x26: {  	[smem:$0x3F9D] =	sst s1;
	(tag) =	ssettag s2;
	_ =	strace s9  }
0x27: {  	s1 =	sld [smem:$0x3FAD]  }
0x28: {  	s2 =	sld [smem:$0x3FAE]  }
0x29: {  	s4 =	sld [smem:$0x3FB0]  }
0x2a: {  	p0 =	seq.s32 s5, $0x0;
	s5 =	sld [smem:$0x3FB1]  }
0x2b: {  	s6 =	sld [smem:$0x3FB2]  }
0x2c: {  	s7 =	sld [smem:$0x3FB3]  }
0x2d: {  	s3 =	simm.s32 $0x108;
	s8 =	sld [smem:$0x3FB4]  }
0x2e: {  	s3 =	simm.s32 @!p0 $0x1082;
	s9 =	sld [smem:$0x3FB5]  }
0x2f: {  	lr =	sadd.s32 s0, s3;
	s0 =	sld [smem:$0x3FAC]  }
0x30: {  	s3 =	sld [smem:$0x3FAF]  }
0x31: {  	[smem:$0x3FB8] =	sst s10  }
0x32: {  	s10 =	sld [smem:$0x3FB6];
	_ =	sdelay $0x3  }
0x33: {  	p0 =	seq.s32 s10, $0x1;
	s10 =	sld [smem:$0x3FB8];
	_ =	sdelay $0x3  }
0x34: {  	[smem:$0x3FB8] =	sst s10  }
0x35: {  	s10 =	sld [smem:$0x3FB7];
	_ =	sdelay $0x3  }
0x36: {  	p1 =	seq.s32 s10, $0x1;
	s10 =	sld [smem:$0x3FB8];
	_ =	sdelay $0x3  }
0x37: {  	[smem:$0x3FB8] =	sst s10  }
0x38: {  	s10 =	sld [smem:$0x3FB9]  }
0x39: {  	_ = 	snop;
	(pc) =	sbr.ind lr, $3  }
0x3a: {  	_ = 	snop  }
0x3b: {  	_ = 	snop  }
0x3c: {  	p2 =	seq.s32 s10, $0x1;
	s10 =	sld [smem:$0x3FB8]  }
0x3d: {  	_ =	shalt  }
0x3e: {  	_ =	shalt  }
0x3f: {  	_ =	shalt  }
0x40: {  	_ =	shalt  }
0x41: {  	_ =	shalt  }
0x42: {  	_ =	shalt  }
0x43: {  	_ =	shalt  }
0x44: {  	_ =	shalt  }
0x45: {  	_ =	shalt  }
0x46: {  	_ =	shalt  }
0x47: {  	_ =	shalt  }
0x48: {  	_ =	shalt  }
0x49: {  	_ =	shalt  }
0x4a: {  	_ =	shalt  }
0x4b: {  	_ =	shalt  }
0x4c: {  	_ =	shalt  }
0x4d: {  	_ =	shalt  }
0x4e: {  	_ =	shalt  }
0x4f: {  	_ =	shalt  }
0x50: {  	_ =	shalt  }
0x51: {  	_ =	shalt  }
0x52: {  	_ =	shalt  }
0x53: {  	_ =	shalt  }
0x54: {  	_ =	shalt  }
0x55: {  	_ =	shalt  }
0x56: {  	_ =	shalt  }
0x57: {  	_ =	shalt  }
0x58: {  	_ =	shalt  }
0x59: {  	_ =	shalt  }
0x5a: {  	_ =	shalt  }
0x5b: {  	_ =	shalt  }
0x5c: {  	_ =	shalt  }
0x5d: {  	_ =	shalt  }
0x5e: {  	_ =	shalt  }
0x5f: {  	_ =	shalt  }
0x60: {  	_ =	shalt  }
0x61: {  	_ =	shalt  }
0x62: {  	_ =	shalt  }
0x63: {  	_ =	shalt  }
0x64: {  	_ =	shalt  }
0x65: {  	_ =	shalt  }
0x66: {  	_ =	shalt  }
0x67: {  	_ =	shalt  }
0x68: {  	_ =	shalt  }
0x69: {  	_ =	shalt  }
0x6a: {  	_ =	shalt  }
0x6b: {  	_ =	shalt  }
0x6c: {  	_ =	shalt  }
0x6d: {  	_ =	shalt  }
0x6e: {  	_ =	shalt  }
0x6f: {  	_ =	shalt  }
0x70: {  	_ =	shalt  }
0x71: {  	_ =	shalt  }
0x72: {  	_ =	shalt  }
0x73: {  	_ =	shalt  }
0x74: {  	_ =	shalt  }
0x75: {  	_ =	shalt  }
0x76: {  	_ =	shalt  }
0x77: {  	_ =	shalt  }
0x78: {  	_ =	shalt  }
0x79: {  	_ =	shalt  }
0x7a: {  	_ =	shalt  }
0x7b: {  	_ =	shalt  }
0x7c: {  	_ =	shalt  }
0x7d: {  	_ =	shalt  }
0x7e: {  	_ =	shalt  }
0x7f: {  	_ =	shalt  }
0x80: {  	_ =	shalt  }
0x81: {  	_ =	shalt  }
0x82: {  	_ =	shalt  }
0x83: {  	_ =	shalt  }
0x84: {  	_ =	shalt  }
0x85: {  	_ =	shalt  }
0x86: {  	_ =	shalt  }
0x87: {  	_ =	shalt  }
.Lfunc_end0:
.L_simem_size_0:
called_computation.1_lowered:
.L_overlay_start_0:
0x88: {  	s2 =	sld [smem:$0x3FD9]  }
0x89: {  	s3 =	sld [smem:$0x3FFE];
	_ =	sdelay $0x1  }
0x8a: {  	s1 =	srdreg.scid  }
0x8b: {  	s0 =	sand.u32 $0x1, s1  }
0x8c: {  	s14 =	sshll.u32 s0, $0xA;
	s2 =	sadd.s32 s3, s2  }
0x8d: {  	s2 =	sadd.s32 s2, s14  }
0x8e: {  	[smem:$0x3FC4] =	sst s2  }
0x8f: {  	_ = 	snop  }
0x90: {  	s2 =	sld [smem:$0x3FD0];
	_ =	sdelay $0x2  }
0x91: {  	s15 =	simm.s32 $0xA;
	s4 =	simm.s32 $0x10  }
0x92: {  	[smem:s4], [sflag:s15] =	dma.local [hbm:s2], $0x1  }
0x93: {  	_ =	swait.eq [sflag:s15], $0x1  }
0x94: {  	s16 =	sld [smem:$0x11];
	[sflag:s15] =	ssyncset.done $0x0  }
0x95: {  	s17 =	sld [smem:$0x12];
	[sflag:s15] =	ssyncadd.s32 $0xFFFFFFFF  }
0x96: {  	s18 =	sld [smem:$0x13];
	(tm) =	ssettm $0x1  }
0x97: {  	s5 =	sld [smem:$0x3FFB];
	_ =	sdelay $0x3  }
0x98: {  	_ =	strace s5  }
0x99: {  	s5 =	sld [smem:$0x3FFC];
	_ =	sdelay $0x3  }
0x9a: {  	_ =	strace s5  }
0x9b: {  	s5 =	sld [smem:$0x3FFD];
	_ =	sdelay $0x3  }
0x9c: {  	_ =	strace s5  }
0x9d: {  	_ =	strace $0x8FFFFFFF  }
0x9e: {  	s19 =	sld [smem:$0x3FDB];
	_ =	sdelay $0x1  }
0x9f: {  	s6 =	simm.s32 $_scs_section_size  }
0xa0: {  	s7 =	simm.s32 $_size__tile_overlayer_lowered;
	s8 =	simm.s32 $_tile_overlayer_lowered  }
0xa1: {  	s22 =	simm.s32 $0x1BFF;
	s21 =	sshll.u32 s8, $0x1;
	s5 =	sadd.s32 s6, s19  }
0xa2: {  	s9 =	simm.s32 $0x0;
	s20 =	sshll.u32 s7, $0x1;
	s7 =	sadd.s32 s21, s5  }
0xa3: {  	[timem:s9], [sflag:s22] =	dma.local [hbm:s7], s20  }
0xa4: {  	_ =	swait.ge [sflag:s22], s20  }
0xa5: {  	s6 =	ssub.s32 $0x0, s20;
	[sflag:s22] =	ssyncset.done $0x0  }
0xa6: {  	[sflag:s22] =	ssyncadd.s32 s6;
	_ =	sdelay $0x1  }
0xa7: {  	s23 =	simm.s32 $0x1B8B  }
0xa8: {  	_ =	swait.ge [sflag:s23], $0x1  }
0xa9: {  	[sflag:s23] =	ssyncset.done $0x0  }
0xaa: {  	s25 =	simm.s32 $0x1B8E;
	s24 =	sld [smem:$0x3FFE];
	[sflag:s23] =	ssyncadd.s32 $0xFFFFFFFF  }
0xab: {  	s26 =	simm.s32 $execute0_lowered;
	[smem:$0x3FD2] =	sst s25  }
0xac: {  	s7 =	sshll.u32 s26, $0x1;
	_ =	strace $0x80000049;
	[dreg:$0x1] =	wrdreg $0xFFFFFFFF  }
0xad: {  	s28 =	simm.s32 $_size_execute0_lowered;
	s5 =	sadd.s32 s5, s7;
	[dreg:$0x0] =	wrdreg $0x0  }
0xae: {  	s7 =	sshll.u32 s28, $0x1;
	[dreg:$0x2] =	wrdreg s5  }
0xaf: {  	[dreg:$0x3] =	wrdreg s7  }
0xb0: {  	[dreg:$0x4] =	wrdreg $0xC0  }
0xb1: {  	_ =	task [dreg:s9], $0x5FFFF  }
0xb2: {  	[dreg:$0x1] =	wrdreg $0xFFFFFFFF  }
0xb3: {  	[dreg:$0x0] =	wrdreg $0x60  }
0xb4: {  	[dreg:$0x2] =	wrdreg s24  }
0xb5: {  	[dreg:$0x3] =	wrdreg s16  }
0xb6: {  	[dreg:$0x4] =	wrdreg s17  }
0xb7: {  	[dreg:$0x5] =	wrdreg s18  }
0xb8: {  	[dreg:$0x6] =	wrdreg $0x9  }
0xb9: {  	_ =	task.clear_ibuf [dreg:s9], $0x7FFFF;
	_ =	strace $0x90000049  }
0xba: {  	s29 =	simm.s32 $0x9;
	_ =	strace $0x8000004B  }
0xbb: {  	_ =	swait.ge [sflag:s29], $0x1  }
0xbc: {  	[sflag:s29] =	ssyncadd.s32 $0xFFFFFFFF  }
0xbd: {  	_ =	strace $0x9000004B  }
0xbe: {  	_ =	sfence  }
0xbf: {  	s30 =	sld [smem:$0x0];
	_ =	sdelay $0x2  }
0xc0: {  	s31 =	sshll.u32 s1, $0xD;
	s1 =	sshrl.u32 s1, $0x2  }
0xc1: {  	s3 =	sand.u32 $0x4000, s31;
	s1 =	sadd.s32 s1, s30  }
0xc2: {  	s0 =	sor.u32 s3, s0;
	s1 =	sshll.u32 s1, $0x11  }
0xc3: {  	s0 =	sor.u32 s1, s0  }
0xc4: {  	s0 =	sadd.s32 $0x8F2B, s0  }
0xc5: {  	[sflag:s0] =	ssyncadd.remote.s32 $0x1  }
0xc6: {  	_ =	sfence.sel $0xFFFF  }
0xc7: {  	[dreg:$0x0] =	wrdreg $0xFFFFFFFF;
	(pc) =	sbr.abs _section_cstart, $3  }
0xc8: {  	[dreg:$0x1] =	wrdreg $0xFFFFFFFF  }
0xc9: {  	_ =	task.clear_ibuf [dreg:s9], $0x2FFFF;
	_ =	strace $0x9FFFFFFF  }
0xca: {  	(tm) =	ssettm $0x7FFFFFFF  }
0xcb: {  	_ =	shalt  }
tec
execute0_lowered:
.L_overlay_start_1:
0x0: {  	(tag) =	ssettag $0x1  }
0x1: {  	s0 =	rddreg [dreg:$0x0];
	_ =	strace $0x8000004A;
	v0 =	vimm.f32 $1.000000000e+01  }
0x2: {  	(erf) = vrcp.f32 v0;
	v0 =	vimm.f32 $5.000000000e+00  }
0x3: {  	(erf) = vrcp.f32 v0  }
0x4: {  	s1 =	srdreg.scid  }
0x5: {  	s2 =	stileid.u32;
	s1 =	sand.u32 $0x1, s1  }
0x6: {  	s2 =	sshll.u32 s2, $0x1;
	s3 =	ssub.s32 $0x0, s1  }
0x7: {  	p0 =	sne.s32 s2, s3  }
.Ltmp0:
0x8: {  	_ = 	snop;
	(pc) =	sbr.rel @p0 .LBB2_9-.Ltmp0, $3  }
0x9: {  	_ =	sdelay $0x1  }
0xa: {  	v0 =	vpop (erf)  }
0xb: {  	v1 =	vpop (erf)  }
0xc: {  	s5 =	sadd.s32 $0x2600, s0  }
0xd: {  	s6 =	sadd.s32 $0x47200, s0;
	s7 =	sadd.s32 $0xAB600, s0;
	s1 =	ssub.s32 $0x2, s1  }
0xe: {  	s8 =	sadd.s32 $0x48600, s0;
	s9 =	sadd.s32 $0xDCE00, s0;
	s10 =	sadd.s32 $0x3A00, s0  }
0xf: {  	s11 =	sadd.s32 $0x3C00, s0;
	s13 =	simm.s32 $0x0;
	s14 =	simm.s32 $0x2  }
0x10: {  	s17 =	simm.s32 $0x14010;
	s18 =	simm.s32 $0x18E30;
	s19 =	simm.s32 $0x18ED0  }
0x11: {  	s20 =	simm.s32 $0x18F70;
	s21 =	simm.s32 $0x19010;
	s22 =	simm.s32 $0x190A0;
	v2 =	vimm.f32 $-1.000000020e+30  }
0x12: {  	s23 =	simm.s32 $0x19130;
	s24 =	simm.s32 $0x80;
	v3 =	vimm.f32 $0.0e+00;
	v4 =	vimm.s32 $0x0;
	v5 =	vlaneseq.u32;
	s16 =	simm.s32 $0x197C0  }
0x13: {  	s25 =	simm.s32 $0x19DC0;
	s26 =	simm.s32 $0x1;
	s2 =	sshrl.u32 s1, $0x1;
	v6 =	vor.u32 $0x90, v5;
	v7 =	vor.u32 $0x10, v5;
	v8 =	vor.u32 $0x20, v5  }
0x14: {  	s28 =	simm.s32 $0x19E40;
	s29 =	simm.s32 $0x1A540;
	v9 =	vor.u32 $0x30, v5;
	v10 =	vor.u32 $0x40, v5;
	v11 =	vor.u32 $0x50, v5;
	s31 =	ssub.s32 s1, s2  }
0x15: {  	v12 =	vor.u32 $0x60, v5;
	v13 =	vor.u32 $0x70, v5;
	v14 =	vor.u32 $0x80, v5;
	s1 =	simm.s32 $0x1A1C0;
	s2 =	simm.s32 $0x0;
	s12 =	smax.u32 s31, $0x1  }
.LBB2_2:
0x16: {  	[tilespmem:s13], [sflag:$0x2] =	stream.linear.gather [hbm4b:s5+s13], $0xA000, $0x38;
	[tilespmem:$0x1A5C0] =	vst v63  }
0x17: {  	_ =	swait.ge [sflag:s14], $0xA000  }
0x18: {  	[sflag:s14] =	ssyncset.done $0x0  }
0x19: {  	s0 =	simm.s32 $0xA000;
	[sflag:s14] =	ssyncadd.s32 $0xFFFF6000  }
0x1a: {  	[tilespmem:s0], [sflag:$0x2] =	stream.linear.gather [hbm4b:s6+s13], $0xA000, $0x38;
	[tilespmem:$0x1A5C0] =	vst v63  }
0x1b: {  	_ =	swait.ge [sflag:s14], $0xA000  }
0x1c: {  	[sflag:s14] =	ssyncset.done $0x0  }
0x1d: {  	[sflag:s14] =	ssyncadd.s32 $0xFFFF6000  }
0x1e: {  	s3 =	simm.s32 $0x14000;
	s15 =	rddreg [dreg:$0x1]  }
0x1f: {  	[tilespmem:s3], [sflag:$0x2] =	stream.linear.gather [hbm4b:s15+s13], $0x10, $0x38;
	[tilespmem:$0x1A5C0] =	vst v63  }
0x20: {  	_ =	swait.ge [sflag:s14], $0x10  }
0x21: {  	[sflag:s14] =	ssyncset.done $0x0  }
0x22: {  	[sflag:s14] =	ssyncadd.s32 $0xFFFFFFF0  }
0x23: {  	[tilespmem:s17], [sflag:$0x2] =	stream.linear.gather [hbm4b:s9+s13], $0x4E20, $0x38;
	[tilespmem:$0x1A5C0] =	vst v63  }
0x24: {  	_ =	swait.ge [sflag:s14], $0x4E20  }
0x25: {  	[sflag:s14] =	ssyncset.done $0x0  }
0x26: {  	[sflag:s14] =	ssyncadd.s32 $0xFFFFB1E0  }
0x27: {  	[tilespmem:$0x18E30] =	vst v2  }
0x28: {  	[tilespmem:$0x18E40] =	vst v2  }
0x29: {  	[tilespmem:$0x18E50] =	vst v2  }
0x2a: {  	[tilespmem:$0x18E60] =	vst v2  }
0x2b: {  	[tilespmem:$0x18E70] =	vst v2  }
0x2c: {  	[tilespmem:$0x18E80] =	vst v2  }
0x2d: {  	[tilespmem:$0x18E90] =	vst v2  }
0x2e: {  	[tilespmem:$0x18EA0] =	vst v2  }
0x2f: {  	[tilespmem:$0x18EB0] =	vst v2  }
0x30: {  	[tilespmem:$0x18EC0] =	vst v2  }
0x31: {  	[tilespmem:$0x19010] =	vst v3  }
0x32: {  	[tilespmem:$0x190A0] =	vst v4  }
0x33: {  	[tilespmem:$0x19130] =	vst v4  }
0x34: {  	[tilespmem:$0x19020] =	vst v3  }
0x35: {  	[tilespmem:$0x190B0] =	vst v4  }
0x36: {  	[tilespmem:$0x19140] =	vst v4  }
0x37: {  	[tilespmem:$0x19030] =	vst v3  }
0x38: {  	[tilespmem:$0x190C0] =	vst v4  }
0x39: {  	[tilespmem:$0x19150] =	vst v4  }
0x3a: {  	[tilespmem:$0x19040] =	vst v3  }
0x3b: {  	[tilespmem:$0x190D0] =	vst v4  }
0x3c: {  	[tilespmem:$0x19160] =	vst v4  }
0x3d: {  	[tilespmem:$0x19050] =	vst v3  }
0x3e: {  	[tilespmem:$0x190E0] =	vst v4  }
0x3f: {  	[tilespmem:$0x19170] =	vst v4  }
0x40: {  	[tilespmem:$0x19060] =	vst v3  }
0x41: {  	[tilespmem:$0x190F0] =	vst v4  }
0x42: {  	[tilespmem:$0x19180] =	vst v4  }
0x43: {  	v15 =	vld [tilespmem:$0x14000];
	[tilespmem:$0x19070] =	vst v3  }
0x44: {  	[tilespmem:$0x19100] =	vst v4  }
0x45: {  	[tilespmem:$0x19190] =	vst v4  }
0x46: {  	[tilespmem:$0x19080] =	vst v3  }
0x47: {  	[tilespmem:$0x19110] =	vst v4  }
0x48: {  	[tilespmem:$0x191A0] =	vst v4;
	(xrf0) =	vmax.scan.msk.f32 $0xffff, v15  }
0x49: {  	[tilespmem:$0x19090] =	vst v3  }
0x4a: {  	s4 =	sand.u32 $0x1F0, s13;
	s15 =	simm.s32 $0x0;
	[tilespmem:$0x19120] =	vst v4  }
0x4b: {  	s0 =	sor.u32 s4, s15;
	[tilespmem:$0x191B0] =	vst v4  }
0x4c: {  	v18 =	vld [tilespmem:s0+$0x0];
	_ =	sdelay $0x1  }
0x4d: {  	v15, _, _ =	vpop (xrf0)  }
0x4e: {  	v15 =	vbroadcast v15, $0xF;
	_ =	sdelay $0x1  }
0x4f: {  	vm0 =	vgt.f32 v18, v15  }
0x50: {  	v16 =	vsel vm0, $0x1, v4  }
0x51: {  	(xrf0) =	vadd.scan.msk.s32 $0xffff, v16;
	_ =	sdelay $0x4  }
0x52: {  	p0 =	por $0x1, $0x1;
	s3 =	simm.s32 $0x0  }
0x53: {  	s3 =	simm.s32 @!p0 $0x80;
	v17, _, _ =	vpop (xrf0)  }
0x54: {  	v16 =	vmov s3;
	v19 =	vxor.u32 $0x80000000, v17  }
0x55: {  	v16 =	vadd.s32 $0xFFFFFFFF, v16;
	(xrf0) =	vmax.scan.msk.u32 $0xffff, v19  }
0x56: {  	v16 =	vbroadcast v16, $0x0;
	_ =	sdelay $0x1  }
0x57: {  	v16 =	vadd.s32 v17, v16  }
0x58: {  	v17 =	vsel vm0, v16, v6;
	_ =	sdelay $0x1  }
0x59: {  	v16 =	vld [tilespmem:s0+$0xA000];
	v19, _, _ =	vpop (xrf0)  }
0x5a: {  	(v2sf) =	vpush v19, $0xF  }
0x5b: {  	s4 =	simm.s32 $0x0  }
0x5c: {  	s31 =	simm.s32 $0x0;
	s30 =	simm.s32 $0x2;
	s3 =	simm.s32 $0x10;
	[tilespmem:v17+s18+$0x0] =	vst.idx.msk $0xffff, v18;
	v18 =	vmov s4  }
0x5d: {  	s15 =	sand.u32 $0x1F0, s3;
	s0 =	simm.s32 $0x0;
	s4 =	simm.s32 $0x0;
	[tilespmem:v17+s19+$0x0] =	vst.idx.msk $0xffff, v18  }
.LBB2_3:
0x5e: {  	p0 =	sne.s32 s30, $0x9FF;
	s15 =	sor.u32 s15, s31;
	[tilespmem:v17+s20+$0x0] =	vst.idx.msk $0xffff, v16  }
0x5f: {  	v16 =	vld [tilespmem:s15+$0xA000]  }
0x60: {  	v18 =	vld [tilespmem:s15+$0x0];
	_ =	sdelay $0x4  }
0x61: {  	vm0 =	vgt.f32 v18, v15  }
0x62: {  	v17 =	vsel vm0, $0x1, v4  }
0x63: {  	(xrf0) =	vadd.scan.msk.s32 $0xffff, v17;
	_ =	sdelay $0x1  }
0x64: {  	s15 =	spop (v2sf)  }
0x65: {  	s4 =	sadd.s32 s15, s4  }
0x66: {  	s4 =	sadd.s32 $0x80000000, s4  }
0x67: {  	p1 =	slt.s32 s4, $0x80;
	s15 =	smov.u32 s4  }
0x68: {  	s15 =	simm.s32 @!p1 $0x80;
	v17, _, _ =	vpop (xrf0)  }
0x69: {  	v19 =	vmov s15;
	v20 =	vxor.u32 $0x80000000, v17  }
0x6a: {  	v19 =	vadd.s32 $0xFFFFFFFF, v19;
	(xrf0) =	vmax.scan.msk.u32 $0xffff, v20  }
0x6b: {  	v19 =	vbroadcast v19, $0x0;
	_ =	sdelay $0x1  }
0x6c: {  	v17 =	vadd.s32 v17, v19  }
0x6d: {  	v17 =	vsel vm0, v17, v6;
	_ =	sdelay $0x1  }
.Ltmp1:
0x6e: {  	v19, _, _ =	vpop (xrf0);
	(pc) =	sbr.rel @p0 .LBB2_3-.Ltmp1, $3  }
0x6f: {  	(v2sf) =	vpush v19, $0xF;
	_ =	sdelay $0x1  }
0x70: {  	s3 =	sadd.s32 $0x10, s3;
	[tilespmem:v17+s18+$0x0] =	vst.idx.msk $0xffff, v18;
	v18 =	vmov s0;
	s0 =	sshrl.u32 s30, $0x5  }
0x71: {  	s15 =	sand.u32 $0x1F0, s3;
	s30 =	sadd.s32 $0x1, s30;
	s31 =	sshll.u32 s0, $0x9;
	[tilespmem:v17+s19+$0x0] =	vst.idx.msk $0xffff, v18  }
0x72: {  	_ =	sdelay $0x3  }
0x73: {  	s3 =	sor.u32 s15, s31;
	[tilespmem:v17+s20+$0x0] =	vst.idx.msk $0xffff, v16  }
0x74: {  	v16 =	vld [tilespmem:s3+$0x0];
	_ =	sdelay $0x4  }
0x75: {  	vm0 =	vgt.f32 v16, v15  }
0x76: {  	v15 =	vsel vm0, $0x1, v4  }
0x77: {  	(xrf0) =	vadd.scan.msk.s32 $0xffff, v15;
	_ =	sdelay $0x5  }
0x78: {  	s31 =	spop (v2sf);
	v15, _, _ =	vpop (xrf0)  }
0x79: {  	s4 =	sadd.s32 s31, s4;
	v17 =	vxor.u32 $0x80000000, v15  }
0x7a: {  	s4 =	sadd.s32 $0x80000000, s4;
	(xrf0) =	vmax.scan.msk.u32 $0xffff, v17  }
0x7b: {  	p0 =	slt.s32 s4, $0x80  }
0x7c: {  	s4 =	simm.s32 @!p0 $0x80  }
0x7d: {  	v17 =	vmov s4  }
0x7e: {  	v17 =	vadd.s32 $0xFFFFFFFF, v17  }
0x7f: {  	v17 =	vbroadcast v17, $0x0  }
0x80: {  	v18, _, _ =	vpop (xrf0)  }
0x81: {  	v15 =	vadd.s32 v15, v17;
	(v2sf) =	vpush v18, $0xF  }
0x82: {  	v15 =	vsel vm0, v15, v6;
	_ =	sdelay $0x1  }
0x83: {  	v17 =	vld [tilespmem:s3+$0xA000];
	_ =	sdelay $0x2  }
0x84: {  	[tilespmem:v15+s18+$0x0] =	vst.idx.msk $0xffff, v16;
	v16 =	vmov s0  }
0x85: {  	s0 =	simm.s32 $0x0;
	[tilespmem:v15+s19+$0x0] =	vst.idx.msk $0xffff, v16  }
0x86: {  	s15 =	sand.u32 $0x70, s0;
	[tilespmem:v15+s20+$0x0] =	vst.idx.msk $0xffff, v17  }
0x87: {  	v17 =	vld [tilespmem:s15+$0x18E30]  }
0x88: {  	v16 =	vld [tilespmem:s15+$0x18ED0]  }
0x89: {  	s30 =	sand.u32 $0xF, s0;
	v15 =	vld [tilespmem:s15+$0x18F70]  }
0x8a: {  	v18 =	vmov s30;
	v19 =	vld [tilespmem:$0x18E40]  }
0x8b: {  	vm4 =	veq.s32 v18, v5;
	v21 =	vld [tilespmem:$0x18E30]  }
0x8c: {  	v18 =	vld [tilespmem:$0x18E50];
	v17 =	vnsel vm4, $0xF149F2CA, v17  }
0x8d: {  	s3 =	simm.s32 $0x1;
	v20 =	vld [tilespmem:$0x18E60];
	(xrf0) =	vmax.scan.msk.f32 $0xffff, v17;
	s31 =	spop (v2sf)  }
.LBB2_5:
0x8e: {  	_ = 	snop  }
0x8f: {  	v17 =	vimm.s32 $0x0  }
0x90: {  	v17 =	vsel vm4, $0xFFFFFFFF, v17  }
0x91: {  	v26 =	vmov s0  }
0x92: {  	v28 =	vimm.s32 $0x0;
	vm0 =	vgt.u32 v26, v13  }
0x93: {  	v59 =	vimm.s32 $0x0;
	vm15 =	vgt.u32 v26, v11;
	[tilespmem:$0x1FFF0] =	vst v17;
	v27 =	vsel vm0, $0xFFFFFFFF, v28;
	v17, _, _ =	vpop (xrf0)  }
0x94: {  	v60 =	vimm.s32 $0x0;
	[tilespmem:$0x1FFC0] =	vst v27;
	v27 =	vsel vm15, $0xFFFFFFFF, v59;
	v17 =	vbroadcast v17, $0xF  }
0x95: {  	v25 =	vld [tilespmem:$0x18EA0];
	v61 =	vimm.s32 $0x0;
	v62 =	vimm.s32 $0x0;
	vm8 =	vgt.u32 v26, v12;
	[tilespmem:$0x1FF90] =	vst v27  }
0x96: {  	vm13 =	vgt.u32 v26, v8;
	vm5 =	vgt.f32 v20, v17;
	vm3 =	veq.f32 v20, v17;
	v20 =	vld [tilespmem:$0x1FF90]  }
0x97: {  	v24 =	vld [tilespmem:$0x18E90];
	vm10 =	vgt.u32 v26, v9;
	vm14 =	vgt.u32 v26, v5;
	vm0 =	veq.f32 v21, v17  }
0x98: {  	vm15 =	vgt.u32 v26, v7;
	vm1 =	vmand vm14, vm0;
	vm0 =	veq.f32 v19, v17  }
0x99: {  	v27 =	vsel vm8, $0xFFFFFFFF, v60;
	vm0 =	vmand vm15, vm0;
	vm15 =	veq.f32 v18, v17  }
0x9a: {  	vm8 =	vgt.u32 v26, v10;
	[tilespmem:$0x1FFA0] =	vst v27;
	vm13 =	vmand vm13, vm15;
	vm15 =	vmand vm10, vm3  }
0x9b: {  	vm9 =	vgt.f32 v25, v17;
	vm10 =	vmor vm5, vm15;
	vm15 =	vnez.u8 v20;
	v20 =	vld [tilespmem:$0x1FFA0]  }
0x9c: {  	vm11 =	vgt.f32 v24, v17;
	vm4 =	vgt.f32 v18, v17;
	vm2 =	vgt.f32 v21, v17  }
0x9d: {  	v26 =	vsel vm9, $0xFFFFFFFF, v61;
	vm14 =	vgt.f32 v19, v17;
	vm1 =	vmor vm2, vm1  }
0x9e: {  	v22 =	vld [tilespmem:$0x18E70];
	[tilespmem:$0x1FFE0] =	vst v26;
	v26 =	vsel vm11, $0xFFFFFFFF, v62;
	v18 =	vsel vm1, $0x1, v4;
	vm0 =	vmor vm14, vm0  }
0x9f: {  	[tilespmem:$0x1FFB0] =	vst v26;
	v19 =	vsel vm0, $0x1, v4;
	(xrf0) =	vadd.scan.msk.s32 $0xffff, v18  }
0xa0: {  	(xrf0) =	vadd.scan.msk.s32 $0xffff, v19;
	v19 =	vsel vm10, $0x1, v4;
	vm10 =	vnez.u8 v20;
	v20 =	vld [tilespmem:$0x1FFB0];
	_ =	sdelay $0x2  }
0xa1: {  	vm6 =	veq.f32 v22, v17  }
0xa2: {  	v23 =	vld [tilespmem:$0x18E80];
	vm11 =	vgt.f32 v22, v17;
	vm14 =	vmor vm4, vm13;
	vm13 =	vmand vm8, vm6  }
0xa3: {  	v18 =	vsel vm14, $0x1, v4;
	vm14 =	vmor vm11, vm13;
	vm11 =	vnez.u8 v20;
	v20 =	vld [tilespmem:$0x1FFC0];
	_ =	sdelay $0x1  }
0xa4: {  	v63 =	vimm.s32 $0x0;
	vm12 =	veq.f32 v25, v17  }
0xa5: {  	v25 =	vsel vm12, $0xFFFFFFFF, v63  }
0xa6: {  	vm12 =	veq.f32 v23, v17;
	[tilespmem:$0x1FFD0] =	vst v25  }
0xa7: {  	vm1 =	vmand vm15, vm12;
	vm12 =	vnez.u8 v20;
	v20 =	vld [tilespmem:$0x1FFD0];
	_ =	sdelay $0x4  }
0xa8: {  	vm13 =	vnez.u8 v20;
	v20 =	vld [tilespmem:$0x1FFE0];
	_ =	sdelay $0x1  }
0xa9: {  	vm7 =	vgt.f32 v23, v17  }
0xaa: {  	vm9 =	veq.f32 v24, v17;
	(xrf0) =	vadd.scan.msk.s32 $0xffff, v18;
	vm8 =	vmor vm7, vm1  }
0xab: {  	v18 =	vsel vm14, $0x1, v4;
	(xrf0) =	vadd.scan.msk.s32 $0xffff, v19;
	v19 =	vsel vm8, $0x1, v4;
	vm1 =	vmand vm10, vm9  }
0xac: {  	(xrf0) =	vadd.scan.msk.s32 $0xffff, v18;
	vm0 =	vmor vm11, vm1;
	vm1 =	vmand vm12, vm13;
	vm14 =	vnez.u8 v20  }
0xad: {  	(xrf0) =	vadd.scan.msk.s32 $0xffff, v19;
	v18 =	vsel vm0, $0x1, v4;
	vm0 =	vmor vm14, vm1  }
0xae: {  	v20, _, _ =	vpop (xrf0);
	(xrf0) =	vadd.scan.msk.s32 $0xffff, v18;
	v19 =	vsel vm0, $0x1, v4  }
0xaf: {  	v21 =	vxor.u32 $0x80000000, v20;
	v20, _, _ =	vpop (xrf0);
	(xrf0) =	vadd.scan.msk.s32 $0xffff, v19  }
0xb0: {  	v20 =	vxor.u32 $0x80000000, v20;
	v18, _, _ =	vpop (xrf0);
	(xrf0) =	vmax.scan.msk.u32 $0xffff, v21  }
0xb1: {  	v21 =	vxor.u32 $0x80000000, v18;
	(xrf0) =	vmax.scan.msk.u32 $0xffff, v20;
	v19, _, _ =	vpop (xrf0)  }
0xb2: {  	v20 =	vxor.u32 $0x80000000, v19;
	(xrf0) =	vmax.scan.msk.u32 $0xffff, v21;
	v18, _, _ =	vpop (xrf0)  }
0xb3: {  	v21 =	vxor.u32 $0x80000000, v18;
	(xrf0) =	vmax.scan.msk.u32 $0xffff, v20;
	v19, _, _ =	vpop (xrf0)  }
0xb4: {  	v22 =	vxor.u32 $0x80000000, v19;
	(xrf0) =	vmax.scan.msk.u32 $0xffff, v21;
	v18, _, _ =	vpop (xrf0)  }
0xb5: {  	v21 =	vxor.u32 $0x80000000, v18;
	(xrf0) =	vmax.scan.msk.u32 $0xffff, v22;
	v19, _, _ =	vpop (xrf0)  }
0xb6: {  	v19 =	vxor.u32 $0x80000000, v19;
	v20, _, _ =	vpop (xrf0);
	(xrf0) =	vmax.scan.msk.u32 $0xffff, v21  }
0xb7: {  	(v2sf) =	vpush v20, $0xF;
	v18, _, _ =	vpop (xrf0);
	(xrf0) =	vmax.scan.msk.u32 $0xffff, v19;
	v19 =	vld [tilespmem:$0x1FFF0]  }
0xb8: {  	(v2sf) =	vpush v18, $0xF;
	v18, _, _ =	vpop (xrf0)  }
0xb9: {  	(v2sf) =	vpush v18, $0xF;
	v18, _, _ =	vpop (xrf0)  }
0xba: {  	(v2sf) =	vpush v18, $0xF;
	v18, _, _ =	vpop (xrf0)  }
0xbb: {  	(v2sf) =	vpush v18, $0xF;
	v18, _, _ =	vpop (xrf0)  }
0xbc: {  	v16 =	vxor.u32 $0x80000000, v16;
	(v2sf) =	vpush v18, $0xF;
	v18, _, _ =	vpop (xrf0);
	vm15 =	vnez.u8 v19  }
0xbd: {  	v15 =	vxor.u32 $0x80000000, v15;
	v16 =	vnsel vm15, $0x80000000, v16;
	(v2sf) =	vpush v18, $0xF;
	v18, _, _ =	vpop (xrf0)  }
0xbe: {  	v15 =	vnsel vm15, $0x80000000, v15;
	(v2sf) =	vpush v18, $0xF;
	(xrf0) =	vmax.scan.msk.u32 $0xffff, v16  }
0xbf: {  	(xrf0) =	vmax.scan.msk.u32 $0xffff, v15;
	_ =	sdelay $0x4  }
0xc0: {  	v15, _, _ =	vpop (xrf0)  }
0xc1: {  	(v2sf) =	vpush v15, $0xF;
	v15, _, _ =	vpop (xrf0)  }
0xc2: {  	s4 =	spop (v2sf);
	(v2sf) =	vpush v15, $0xF  }
0xc3: {  	s15 =	spop (v2sf)  }
0xc4: {  	s4 =	sadd.s32 s15, s4;
	s30 =	spop (v2sf)  }
0xc5: {  	s4 =	sadd.s32 s30, s4;
	s31 =	spop (v2sf)  }
0xc6: {  	s4 =	sadd.s32 s31, s4;
	s30 =	spop (v2sf)  }
0xc7: {  	s4 =	sadd.s32 s30, s4;
	s31 =	spop (v2sf)  }
0xc8: {  	s4 =	sadd.s32 s31, s4;
	s30 =	spop (v2sf)  }
0xc9: {  	s4 =	sadd.s32 s30, s4;
	s31 =	spop (v2sf)  }
0xca: {  	s4 =	sadd.s32 s31, s4  }
0xcb: {  	p1 =	slt.s32 s4, $0x7F  }
0xcc: {  	s4 =	simm.s32 @!p1 $0x7F  }
0xcd: {  	v15 =	vsel vm15, s4, v14;
	_ =	sdelay $0x2  }
0xce: {  	s30 =	spop (v2sf)  }
0xcf: {  	s4 =	sxor.u32 $0x80000000, s30;
	s31 =	spop (v2sf)  }
0xd0: {  	s15 =	sxor.u32 $0x80000000, s31;
	[tilespmem:v15+s21+$0x0] =	vst.idx.msk $0xffff, v17;
	v16 =	vmov s4  }
0xd1: {  	[tilespmem:v15+s22+$0x0] =	vst.idx.msk $0xffff, v16;
	v16 =	vmov s15  }
0xd2: {  	s30 =	sand.u32 $0x70, s3;
	[tilespmem:v15+s23+$0x0] =	vst.idx.msk $0xffff, v16  }
0xd3: {  	v17 =	vld [tilespmem:s30+$0x18E30]  }
0xd4: {  	p0 =	sne.s32 s3, $0x7F;
	v16 =	vld [tilespmem:s30+$0x18ED0]  }
.Ltmp2:
0xd5: {  	s31 =	sand.u32 $0xF, s3;
	v15 =	vld [tilespmem:s30+$0x18F70];
	(pc) =	sbr.rel @p0 .LBB2_5-.Ltmp2, $4  }
0xd6: {  	v18 =	vmov s31;
	v19 =	vld [tilespmem:$0x18E40]  }
0xd7: {  	vm4 =	veq.s32 v18, v5;
	v21 =	vld [tilespmem:$0x18E30]  }
0xd8: {  	v18 =	vld [tilespmem:$0x18E50];
	v17 =	vnsel vm4, $0xF149F2CA, v17  }
0xd9: {  	s0 =	smov.u32 s3;
	s3 =	sadd.s32 $0x1, s3;
	v20 =	vld [tilespmem:$0x18E60];
	(xrf0) =	vmax.scan.msk.f32 $0xffff, v17  }
0xda: {  	_ =	sdelay $0x4  }
0xdb: {  	v17, _, _ =	vpop (xrf0)  }
0xdc: {  	v22 =	vmov s0;
	v17 =	vbroadcast v17, $0xF  }
0xdd: {  	vm0 =	vgt.u32 v22, v5;
	vm1 =	vgt.u32 v22, v7;
	vm15 =	vgt.u32 v22, v8  }
0xde: {  	v23 =	vld [tilespmem:$0x18E80];
	vm8 =	vgt.u32 v22, v9;
	vm11 =	vgt.u32 v22, v10;
	vm2 =	veq.f32 v21, v17  }
0xdf: {  	vm3 =	vgt.f32 v21, v17;
	vm14 =	veq.f32 v19, v17;
	vm6 =	vgt.f32 v19, v17  }
0xe0: {  	v24 =	vld [tilespmem:$0x18E90];
	vm7 =	veq.f32 v18, v17;
	vm9 =	vgt.f32 v18, v17;
	vm10 =	veq.f32 v20, v17  }
0xe1: {  	v25 =	vld [tilespmem:$0x18EA0];
	vm12 =	vgt.f32 v20, v17;
	vm0 =	vmand vm0, vm2;
	vm1 =	vmand vm1, vm14  }
0xe2: {  	v21 =	vld [tilespmem:$0x18E70];
	vm14 =	vgt.u32 v22, v11;
	vm0 =	vmor vm3, vm0;
	vm1 =	vmor vm6, vm1  }
0xe3: {  	vm6 =	veq.f32 v23, v17;
	v19 =	vsel vm0, $0x1, v4;
	vm0 =	vmand vm15, vm7  }
0xe4: {  	v18 =	vsel vm1, $0x1, v4;
	vm1 =	vmand vm8, vm10;
	vm7 =	vgt.u32 v22, v12  }
0xe5: {  	vm8 =	vgt.f32 v23, v17;
	vm10 =	vgt.u32 v22, v13;
	vm0 =	vmor vm9, vm0  }
0xe6: {  	vm1 =	vmor vm12, vm1;
	(xrf0) =	vadd.scan.msk.s32 $0xffff, v19;
	vm9 =	veq.f32 v24, v17;
	vm12 =	veq.f32 v25, v17  }
0xe7: {  	v20 =	vsel vm0, $0x1, v4;
	vm13 =	veq.f32 v21, v17;
	vm15 =	vgt.f32 v21, v17;
	(xrf0) =	vadd.scan.msk.s32 $0xffff, v18  }
0xe8: {  	v21 =	vsel vm1, $0x1, v4;
	vm1 =	vmand vm14, vm6;
	vm0 =	vmand vm11, vm13  }
0xe9: {  	vm1 =	vmor vm8, vm1;
	(xrf0) =	vadd.scan.msk.s32 $0xffff, v20;
	vm11 =	vgt.f32 v24, v17;
	vm0 =	vmor vm15, vm0  }
0xea: {  	vm13 =	vgt.f32 v25, v17;
	(xrf0) =	vadd.scan.msk.s32 $0xffff, v21;
	v19 =	vsel vm0, $0x1, v4;
	vm0 =	vmand vm7, vm9  }
0xeb: {  	v18 =	vsel vm1, $0x1, v4;
	vm1 =	vmand vm10, vm12;
	vm0 =	vmor vm11, vm0;
	(xrf0) =	vadd.scan.msk.s32 $0xffff, v19  }
0xec: {  	vm14 =	vmor vm13, vm1;
	v19 =	vsel vm0, $0x1, v4;
	(xrf0) =	vadd.scan.msk.s32 $0xffff, v18;
	v20, _, _ =	vpop (xrf0)  }
0xed: {  	v18 =	vsel vm14, $0x1, v4;
	(xrf0) =	vadd.scan.msk.s32 $0xffff, v19;
	v19 =	vxor.u32 $0x80000000, v20;
	v20, _, _ =	vpop (xrf0)  }
0xee: {  	(xrf0) =	vadd.scan.msk.s32 $0xffff, v18;
	v18 =	vxor.u32 $0x80000000, v20;
	_ =	sdelay $0x1  }
0xef: {  	(xrf0) =	vmax.scan.msk.u32 $0xffff, v19;
	v19, _, _ =	vpop (xrf0)  }
0xf0: {  	(xrf0) =	vmax.scan.msk.u32 $0xffff, v18;
	v19 =	vxor.u32 $0x80000000, v19;
	v18, _, _ =	vpop (xrf0)  }
0xf1: {  	v18 =	vxor.u32 $0x80000000, v18;
	_ =	sdelay $0x1  }
0xf2: {  	(xrf0) =	vmax.scan.msk.u32 $0xffff, v19;
	v19, _, _ =	vpop (xrf0)  }
0xf3: {  	(xrf0) =	vmax.scan.msk.u32 $0xffff, v18;
	v19 =	vxor.u32 $0x80000000, v19;
	v18, _, _ =	vpop (xrf0)  }
0xf4: {  	v18 =	vxor.u32 $0x80000000, v18;
	_ =	sdelay $0x1  }
0xf5: {  	(xrf0) =	vmax.scan.msk.u32 $0xffff, v19;
	v19, _, _ =	vpop (xrf0)  }
0xf6: {  	(xrf0) =	vmax.scan.msk.u32 $0xffff, v18;
	v19 =	vxor.u32 $0x80000000, v19;
	v18, _, _ =	vpop (xrf0)  }
0xf7: {  	v18 =	vxor.u32 $0x80000000, v18  }
0xf8: {  	v20, _, _ =	vpop (xrf0);
	(xrf0) =	vmax.scan.msk.u32 $0xffff, v19  }
0xf9: {  	(v2sf) =	vpush v20, $0xF;
	v19, _, _ =	vpop (xrf0);
	(xrf0) =	vmax.scan.msk.u32 $0xffff, v18  }
0xfa: {  	(v2sf) =	vpush v19, $0xF;
	v18, _, _ =	vpop (xrf0)  }
0xfb: {  	(v2sf) =	vpush v18, $0xF;
	v18, _, _ =	vpop (xrf0)  }
0xfc: {  	(v2sf) =	vpush v18, $0xF;
	v18, _, _ =	vpop (xrf0)  }
0xfd: {  	(v2sf) =	vpush v18, $0xF;
	v18, _, _ =	vpop (xrf0)  }
0xfe: {  	v16 =	vxor.u32 $0x80000000, v16;
	(v2sf) =	vpush v18, $0xF;
	v18, _, _ =	vpop (xrf0)  }
0xff: {  	v15 =	vxor.u32 $0x80000000, v15;
	v16 =	vnsel vm4, $0x80000000, v16;
	(v2sf) =	vpush v18, $0xF;
	v18, _, _ =	vpop (xrf0)  }
0x100: {  	v15 =	vnsel vm4, $0x80000000, v15;
	(xrf0) =	vmax.scan.msk.u32 $0xffff, v16;
	(v2sf) =	vpush v18, $0xF  }
0x101: {  	(xrf0) =	vmax.scan.msk.u32 $0xffff, v15;
	_ =	sdelay $0x4  }
0x102: {  	v15, _, _ =	vpop (xrf0)  }
0x103: {  	(v2sf) =	vpush v15, $0xF;
	v15, _, _ =	vpop (xrf0)  }
0x104: {  	s15 =	spop (v2sf);
	(v2sf) =	vpush v15, $0xF  }
0x105: {  	s3 =	spop (v2sf)  }
0x106: {  	s0 =	sadd.s32 s3, s15;
	s4 =	spop (v2sf)  }
0x107: {  	s0 =	sadd.s32 s4, s0;
	s15 =	spop (v2sf)  }
0x108: {  	s0 =	sadd.s32 s15, s0;
	s4 =	spop (v2sf)  }
0x109: {  	s0 =	sadd.s32 s4, s0;
	s15 =	spop (v2sf)  }
0x10a: {  	s0 =	sadd.s32 s15, s0;
	s4 =	spop (v2sf)  }
0x10b: {  	s0 =	sadd.s32 s4, s0;
	s15 =	spop (v2sf)  }
0x10c: {  	s0 =	sadd.s32 s15, s0  }
0x10d: {  	p0 =	slt.s32 s0, $0x7F  }
0x10e: {  	s0 =	simm.s32 @!p0 $0x7F  }
0x10f: {  	v15 =	vsel vm4, s0, v14;
	_ =	sdelay $0x2  }
0x110: {  	s4 =	spop (v2sf)  }
0x111: {  	s0 =	sxor.u32 $0x80000000, s4;
	s15 =	spop (v2sf)  }
0x112: {  	v16 =	vmov s0;
	s3 =	sxor.u32 $0x80000000, s15;
	[tilespmem:v15+s21+$0x0] =	vst.idx.msk $0xffff, v17  }
0x113: {  	[tilespmem:v15+s22+$0x0] =	vst.idx.msk $0xffff, v16;
	v16 =	vmov s3  }
0x114: {  	[tilespmem:v15+s23+$0x0] =	vst.idx.msk $0xffff, v16  }
0x115: {  	v15 =	vld [tilespmem:$0x19130];
	_ =	sdelay $0x1  }
0x116: {  	v16 =	vld [tilespmem:$0x190A0];
	_ =	sdelay $0x2  }
0x117: {  	v15 =	vmul.u32 $0x51, v15;
	_ =	sdelay $0x1  }
0x118: {  	v15 =	vadd.s32 v15, v16  }
0x119: {  	v15 =	vadd.s32 $0x1, v15  }
0x11a: {  	[tilespmem:$0x191C0] =	vst v15;
	v16 =	vshll.u32 v15, $0x2  }
0x11b: {  	v15 =	vshll.u32 v15, $0x3;
	[tilespmem:$0x19240] =	vst v16  }
0x11c: {  	v17 =	vor.u32 $0x1, v16;
	[tilespmem:$0x19440] =	vst v15  }
0x11d: {  	[tilespmem:$0x192C0] =	vst v17;
	v17 =	vor.u32 $0x2, v16;
	v16 =	vor.u32 $0x3, v16  }
0x11e: {  	[tilespmem:$0x193C0] =	vst v16;
	v16 =	vld [tilespmem:$0x19140]  }
0x11f: {  	[tilespmem:$0x19340] =	vst v17;
	v17 =	vor.u32 $0x1, v15  }
0x120: {  	v18 =	vld [tilespmem:$0x190B0];
	[tilespmem:$0x194C0] =	vst v17;
	v17 =	vor.u32 $0x2, v15  }
0x121: {  	[tilespmem:$0x19540] =	vst v17;
	v17 =	vor.u32 $0x3, v15  }
0x122: {  	[tilespmem:$0x195C0] =	vst v17;
	v17 =	vor.u32 $0x4, v15  }
0x123: {  	[tilespmem:$0x19640] =	vst v17;
	v17 =	vor.u32 $0x5, v15;
	v16 =	vmul.u32 $0x51, v16  }
0x124: {  	[tilespmem:$0x196C0] =	vst v17;
	v17 =	vor.u32 $0x6, v15  }
0x125: {  	v15 =	vor.u32 $0x7, v15;
	[tilespmem:$0x19740] =	vst v17;
	v16 =	vadd.s32 v16, v18  }
0x126: {  	[tilespmem:$0x197C0] =	vst v15;
	v15 =	vadd.s32 $0x1, v16  }
0x127: {  	[tilespmem:$0x191D0] =	vst v15;
	v16 =	vshll.u32 v15, $0x2  }
0x128: {  	v15 =	vshll.u32 v15, $0x3;
	[tilespmem:$0x19250] =	vst v16  }
0x129: {  	v17 =	vor.u32 $0x1, v16;
	[tilespmem:$0x19450] =	vst v15  }
0x12a: {  	[tilespmem:$0x192D0] =	vst v17;
	v17 =	vor.u32 $0x2, v16;
	v16 =	vor.u32 $0x3, v16  }
0x12b: {  	[tilespmem:$0x193D0] =	vst v16;
	v16 =	vld [tilespmem:$0x19150]  }
0x12c: {  	[tilespmem:$0x19350] =	vst v17;
	v17 =	vor.u32 $0x1, v15  }
0x12d: {  	v18 =	vld [tilespmem:$0x190C0];
	[tilespmem:$0x194D0] =	vst v17;
	v17 =	vor.u32 $0x2, v15  }
0x12e: {  	[tilespmem:$0x19550] =	vst v17;
	v17 =	vor.u32 $0x3, v15  }
0x12f: {  	[tilespmem:$0x195D0] =	vst v17;
	v17 =	vor.u32 $0x4, v15  }
0x130: {  	[tilespmem:$0x19650] =	vst v17;
	v17 =	vor.u32 $0x5, v15;
	v16 =	vmul.u32 $0x51, v16  }
0x131: {  	[tilespmem:$0x196D0] =	vst v17;
	v17 =	vor.u32 $0x6, v15  }
0x132: {  	v15 =	vor.u32 $0x7, v15;
	[tilespmem:$0x19750] =	vst v17;
	v16 =	vadd.s32 v16, v18  }
0x133: {  	[tilespmem:$0x197D0] =	vst v15;
	v15 =	vadd.s32 $0x1, v16  }
0x134: {  	[tilespmem:$0x191E0] =	vst v15;
	v16 =	vshll.u32 v15, $0x2  }
0x135: {  	v15 =	vshll.u32 v15, $0x3;
	[tilespmem:$0x19260] =	vst v16  }
0x136: {  	v17 =	vor.u32 $0x1, v16;
	[tilespmem:$0x19460] =	vst v15  }
0x137: {  	[tilespmem:$0x192E0] =	vst v17;
	v17 =	vor.u32 $0x2, v16;
	v16 =	vor.u32 $0x3, v16  }
0x138: {  	[tilespmem:$0x193E0] =	vst v16;
	v16 =	vld [tilespmem:$0x19160]  }
0x139: {  	[tilespmem:$0x19360] =	vst v17;
	v17 =	vor.u32 $0x1, v15  }
0x13a: {  	v18 =	vld [tilespmem:$0x190D0];
	[tilespmem:$0x194E0] =	vst v17;
	v17 =	vor.u32 $0x2, v15  }
0x13b: {  	[tilespmem:$0x19560] =	vst v17;
	v17 =	vor.u32 $0x3, v15  }
0x13c: {  	[tilespmem:$0x195E0] =	vst v17;
	v17 =	vor.u32 $0x4, v15  }
0x13d: {  	[tilespmem:$0x19660] =	vst v17;
	v17 =	vor.u32 $0x5, v15;
	v16 =	vmul.u32 $0x51, v16  }
0x13e: {  	[tilespmem:$0x196E0] =	vst v17;
	v17 =	vor.u32 $0x6, v15  }
0x13f: {  	v15 =	vor.u32 $0x7, v15;
	[tilespmem:$0x19760] =	vst v17;
	v16 =	vadd.s32 v16, v18  }
0x140: {  	[tilespmem:$0x197E0] =	vst v15;
	v15 =	vadd.s32 $0x1, v16  }
0x141: {  	[tilespmem:$0x191F0] =	vst v15;
	v16 =	vshll.u32 v15, $0x2  }
0x142: {  	v15 =	vshll.u32 v15, $0x3;
	[tilespmem:$0x19270] =	vst v16  }
0x143: {  	v17 =	vor.u32 $0x1, v16;
	[tilespmem:$0x19470] =	vst v15  }
0x144: {  	[tilespmem:$0x192F0] =	vst v17;
	v17 =	vor.u32 $0x2, v16;
	v16 =	vor.u32 $0x3, v16  }
0x145: {  	[tilespmem:$0x193F0] =	vst v16;
	v16 =	vld [tilespmem:$0x19170]  }
0x146: {  	[tilespmem:$0x19370] =	vst v17;
	v17 =	vor.u32 $0x1, v15  }
0x147: {  	v18 =	vld [tilespmem:$0x190E0];
	[tilespmem:$0x194F0] =	vst v17;
	v17 =	vor.u32 $0x2, v15  }
0x148: {  	[tilespmem:$0x19570] =	vst v17;
	v17 =	vor.u32 $0x3, v15  }
0x149: {  	[tilespmem:$0x195F0] =	vst v17;
	v17 =	vor.u32 $0x4, v15  }
0x14a: {  	[tilespmem:$0x19670] =	vst v17;
	v17 =	vor.u32 $0x5, v15;
	v16 =	vmul.u32 $0x51, v16  }
0x14b: {  	[tilespmem:$0x196F0] =	vst v17;
	v17 =	vor.u32 $0x6, v15  }
0x14c: {  	v15 =	vor.u32 $0x7, v15;
	[tilespmem:$0x19770] =	vst v17;
	v16 =	vadd.s32 v16, v18  }
0x14d: {  	[tilespmem:$0x197F0] =	vst v15;
	v15 =	vadd.s32 $0x1, v16  }
0x14e: {  	[tilespmem:$0x19200] =	vst v15;
	v16 =	vshll.u32 v15, $0x2  }
0x14f: {  	v15 =	vshll.u32 v15, $0x3;
	[tilespmem:$0x19280] =	vst v16  }
0x150: {  	v17 =	vor.u32 $0x1, v16;
	[tilespmem:$0x19480] =	vst v15  }
0x151: {  	[tilespmem:$0x19300] =	vst v17;
	v17 =	vor.u32 $0x2, v16;
	v16 =	vor.u32 $0x3, v16  }
0x152: {  	[tilespmem:$0x19400] =	vst v16;
	v16 =	vld [tilespmem:$0x19180]  }
0x153: {  	[tilespmem:$0x19380] =	vst v17;
	v17 =	vor.u32 $0x1, v15  }
0x154: {  	v18 =	vld [tilespmem:$0x190F0];
	[tilespmem:$0x19500] =	vst v17;
	v17 =	vor.u32 $0x2, v15  }
0x155: {  	[tilespmem:$0x19580] =	vst v17;
	v17 =	vor.u32 $0x3, v15  }
0x156: {  	[tilespmem:$0x19600] =	vst v17;
	v17 =	vor.u32 $0x4, v15  }
0x157: {  	[tilespmem:$0x19680] =	vst v17;
	v17 =	vor.u32 $0x5, v15;
	v16 =	vmul.u32 $0x51, v16  }
0x158: {  	[tilespmem:$0x19700] =	vst v17;
	v17 =	vor.u32 $0x6, v15  }
0x159: {  	v15 =	vor.u32 $0x7, v15;
	[tilespmem:$0x19780] =	vst v17;
	v16 =	vadd.s32 v16, v18  }
0x15a: {  	[tilespmem:$0x19800] =	vst v15;
	v15 =	vadd.s32 $0x1, v16  }
0x15b: {  	[tilespmem:$0x19210] =	vst v15;
	v16 =	vshll.u32 v15, $0x2  }
0x15c: {  	v15 =	vshll.u32 v15, $0x3;
	[tilespmem:$0x19290] =	vst v16  }
0x15d: {  	v17 =	vor.u32 $0x1, v16;
	[tilespmem:$0x19490] =	vst v15  }
0x15e: {  	[tilespmem:$0x19310] =	vst v17;
	v17 =	vor.u32 $0x2, v16;
	v16 =	vor.u32 $0x3, v16  }
0x15f: {  	[tilespmem:$0x19410] =	vst v16;
	v16 =	vld [tilespmem:$0x19190]  }
0x160: {  	[tilespmem:$0x19390] =	vst v17;
	v17 =	vor.u32 $0x1, v15  }
0x161: {  	v18 =	vld [tilespmem:$0x19100];
	[tilespmem:$0x19510] =	vst v17;
	v17 =	vor.u32 $0x2, v15  }
0x162: {  	[tilespmem:$0x19590] =	vst v17;
	v17 =	vor.u32 $0x3, v15  }
0x163: {  	[tilespmem:$0x19610] =	vst v17;
	v17 =	vor.u32 $0x4, v15  }
0x164: {  	[tilespmem:$0x19690] =	vst v17;
	v17 =	vor.u32 $0x5, v15;
	v16 =	vmul.u32 $0x51, v16  }
0x165: {  	[tilespmem:$0x19710] =	vst v17;
	v17 =	vor.u32 $0x6, v15  }
0x166: {  	v15 =	vor.u32 $0x7, v15;
	[tilespmem:$0x19790] =	vst v17;
	v16 =	vadd.s32 v16, v18  }
0x167: {  	[tilespmem:$0x19810] =	vst v15;
	v15 =	vadd.s32 $0x1, v16  }
0x168: {  	[tilespmem:$0x19220] =	vst v15;
	v16 =	vshll.u32 v15, $0x2  }
0x169: {  	v15 =	vshll.u32 v15, $0x3;
	[tilespmem:$0x192A0] =	vst v16  }
0x16a: {  	v17 =	vor.u32 $0x1, v16;
	[tilespmem:$0x194A0] =	vst v15  }
0x16b: {  	[tilespmem:$0x19320] =	vst v17;
	v17 =	vor.u32 $0x2, v16;
	v16 =	vor.u32 $0x3, v16  }
0x16c: {  	[tilespmem:$0x19420] =	vst v16;
	v16 =	vld [tilespmem:$0x191A0]  }
0x16d: {  	[tilespmem:$0x193A0] =	vst v17;
	v17 =	vor.u32 $0x1, v15  }
0x16e: {  	v18 =	vld [tilespmem:$0x19110];
	[tilespmem:$0x19520] =	vst v17;
	v17 =	vor.u32 $0x2, v15  }
0x16f: {  	[tilespmem:$0x195A0] =	vst v17;
	v17 =	vor.u32 $0x3, v15  }
0x170: {  	[tilespmem:$0x19620] =	vst v17;
	v17 =	vor.u32 $0x4, v15  }
0x171: {  	[tilespmem:$0x196A0] =	vst v17;
	v17 =	vor.u32 $0x5, v15;
	v16 =	vmul.u32 $0x51, v16  }
0x172: {  	[tilespmem:$0x19720] =	vst v17;
	v17 =	vor.u32 $0x6, v15  }
0x173: {  	v15 =	vor.u32 $0x7, v15;
	[tilespmem:$0x197A0] =	vst v17;
	v16 =	vadd.s32 v16, v18  }
0x174: {  	[tilespmem:$0x19820] =	vst v15;
	v15 =	vadd.s32 $0x1, v16  }
0x175: {  	[tilespmem:$0x19230] =	vst v15;
	v16 =	vshll.u32 v15, $0x2  }
0x176: {  	v15 =	vshll.u32 v15, $0x3;
	[tilespmem:$0x192B0] =	vst v16  }
0x177: {  	v17 =	vor.u32 $0x1, v16;
	[tilespmem:$0x194B0] =	vst v15  }
0x178: {  	[tilespmem:$0x19330] =	vst v17;
	v17 =	vor.u32 $0x2, v16  }
0x179: {  	v16 =	vor.u32 $0x3, v16;
	[tilespmem:$0x193B0] =	vst v17  }
0x17a: {  	[tilespmem:$0x19430] =	vst v16;
	v16 =	vor.u32 $0x1, v15  }
0x17b: {  	[tilespmem:$0x19530] =	vst v16;
	v16 =	vor.u32 $0x2, v15  }
0x17c: {  	[tilespmem:$0x195B0] =	vst v16;
	v16 =	vor.u32 $0x3, v15  }
0x17d: {  	[tilespmem:$0x19630] =	vst v16;
	v16 =	vor.u32 $0x4, v15  }
0x17e: {  	[tilespmem:$0x196B0] =	vst v16;
	v16 =	vor.u32 $0x5, v15  }
0x17f: {  	[tilespmem:$0x19730] =	vst v16;
	v16 =	vor.u32 $0x6, v15  }
0x180: {  	v15 =	vor.u32 $0x7, v15;
	[tilespmem:$0x197B0] =	vst v16  }
0x181: {  	s4 =	simm.s32 $0x19240;
	s15 =	simm.s32 $0x19840;
	[tilespmem:$0x19830] =	vst v15  }
0x182: {  	[tilespmem:s15], [sflag:$0x1] =	stream.indirect.gather [hbm4b:s7+s24], $0x1, s4, s24, $0xb8;
	[tilespmem:$0x1A5C0] =	vst v63  }
0x183: {  	s4 =	simm.s32 $0x192C0;
	s15 =	simm.s32 $0x198C0  }
0x184: {  	[tilespmem:s15], [sflag:$0x1] =	stream.indirect.gather [hbm4b:s7+s24], $0x1, s4, s24, $0xb8;
	[tilespmem:$0x1A5C0] =	vst v63  }
0x185: {  	s4 =	simm.s32 $0x19340;
	s15 =	simm.s32 $0x19940  }
0x186: {  	[tilespmem:s15], [sflag:$0x1] =	stream.indirect.gather [hbm4b:s7+s24], $0x1, s4, s24, $0xb8;
	[tilespmem:$0x1A5C0] =	vst v63  }
0x187: {  	s4 =	simm.s32 $0x193C0;
	s15 =	simm.s32 $0x199C0  }
0x188: {  	[tilespmem:s15], [sflag:$0x1] =	stream.indirect.gather [hbm4b:s7+s24], $0x1, s4, s24, $0xb8;
	[tilespmem:$0x1A5C0] =	vst v63  }
0x189: {  	s4 =	simm.s32 $0x19440;
	s15 =	simm.s32 $0x19A40  }
0x18a: {  	[tilespmem:s15], [sflag:$0x1] =	stream.indirect.gather [hbm4b:s8+s24], $0x1, s4, s24, $0xb8;
	[tilespmem:$0x1A5C0] =	vst v63  }
0x18b: {  	s4 =	simm.s32 $0x194C0;
	s15 =	simm.s32 $0x19AC0  }
0x18c: {  	[tilespmem:s15], [sflag:$0x1] =	stream.indirect.gather [hbm4b:s8+s24], $0x1, s4, s24, $0xb8;
	[tilespmem:$0x1A5C0] =	vst v63  }
0x18d: {  	s4 =	simm.s32 $0x19540;
	s15 =	simm.s32 $0x19B40  }
0x18e: {  	[tilespmem:s15], [sflag:$0x1] =	stream.indirect.gather [hbm4b:s8+s24], $0x1, s4, s24, $0xb8;
	[tilespmem:$0x1A5C0] =	vst v63  }
0x18f: {  	s4 =	simm.s32 $0x195C0;
	s15 =	simm.s32 $0x19BC0  }
0x190: {  	[tilespmem:s15], [sflag:$0x1] =	stream.indirect.gather [hbm4b:s8+s24], $0x1, s4, s24, $0xb8;
	[tilespmem:$0x1A5C0] =	vst v63  }
0x191: {  	s4 =	simm.s32 $0x19640;
	s15 =	simm.s32 $0x19C40  }
0x192: {  	[tilespmem:s15], [sflag:$0x1] =	stream.indirect.gather [hbm4b:s8+s24], $0x1, s4, s24, $0xb8;
	[tilespmem:$0x1A5C0] =	vst v63  }
0x193: {  	s4 =	simm.s32 $0x196C0;
	s15 =	simm.s32 $0x19CC0  }
0x194: {  	[tilespmem:s15], [sflag:$0x1] =	stream.indirect.gather [hbm4b:s8+s24], $0x1, s4, s24, $0xb8;
	[tilespmem:$0x1A5C0] =	vst v63  }
0x195: {  	s4 =	simm.s32 $0x19740;
	s15 =	simm.s32 $0x19D40  }
0x196: {  	[tilespmem:s15], [sflag:$0x1] =	stream.indirect.gather [hbm4b:s8+s24], $0x1, s4, s24, $0xb8;
	[tilespmem:$0x1A5C0] =	vst v63  }
0x197: {  	_ = 	snop  }
0x198: {  	[tilespmem:s25], [sflag:$0x1] =	stream.indirect.gather [hbm4b:s8+s24], $0x1, s16, s24, $0xb8;
	[tilespmem:$0x1A5C0] =	vst v63  }
0x199: {  	_ =	swait.ge [sflag:s26], $0x80  }
0x19a: {  	[sflag:s26] =	ssyncset.done $0x0  }
0x19b: {  	[sflag:s26] =	ssyncadd.s32 $0xFFFFFF80  }
0x19c: {  	_ =	swait.ge [sflag:s26], $0x80  }
0x19d: {  	[sflag:s26] =	ssyncset.done $0x0  }
0x19e: {  	[sflag:s26] =	ssyncadd.s32 $0xFFFFFF80  }
0x19f: {  	_ =	swait.ge [sflag:s26], $0x80  }
0x1a0: {  	[sflag:s26] =	ssyncset.done $0x0  }
0x1a1: {  	[sflag:s26] =	ssyncadd.s32 $0xFFFFFF80  }
0x1a2: {  	_ =	swait.ge [sflag:s26], $0x80  }
0x1a3: {  	[sflag:s26] =	ssyncset.done $0x0  }
0x1a4: {  	[sflag:s26] =	ssyncadd.s32 $0xFFFFFF80  }
0x1a5: {  	_ =	swait.ge [sflag:s26], $0x80  }
0x1a6: {  	[sflag:s26] =	ssyncset.done $0x0  }
0x1a7: {  	[sflag:s26] =	ssyncadd.s32 $0xFFFFFF80  }
0x1a8: {  	_ =	swait.ge [sflag:s26], $0x80  }
0x1a9: {  	[sflag:s26] =	ssyncset.done $0x0  }
0x1aa: {  	[sflag:s26] =	ssyncadd.s32 $0xFFFFFF80  }
0x1ab: {  	_ =	swait.ge [sflag:s26], $0x80  }
0x1ac: {  	[sflag:s26] =	ssyncset.done $0x0  }
0x1ad: {  	[sflag:s26] =	ssyncadd.s32 $0xFFFFFF80  }
0x1ae: {  	_ =	swait.ge [sflag:s26], $0x80  }
0x1af: {  	[sflag:s26] =	ssyncset.done $0x0  }
0x1b0: {  	[sflag:s26] =	ssyncadd.s32 $0xFFFFFF80  }
0x1b1: {  	_ =	swait.ge [sflag:s26], $0x80  }
0x1b2: {  	[sflag:s26] =	ssyncset.done $0x0  }
0x1b3: {  	[sflag:s26] =	ssyncadd.s32 $0xFFFFFF80  }
0x1b4: {  	_ =	swait.ge [sflag:s26], $0x80  }
0x1b5: {  	[sflag:s26] =	ssyncset.done $0x0  }
0x1b6: {  	[sflag:s26] =	ssyncadd.s32 $0xFFFFFF80  }
0x1b7: {  	_ =	swait.ge [sflag:s26], $0x80  }
0x1b8: {  	[sflag:s26] =	ssyncset.done $0x0  }
0x1b9: {  	[sflag:s26] =	ssyncadd.s32 $0xFFFFFF80  }
0x1ba: {  	_ =	swait.ge [sflag:s26], $0x80  }
0x1bb: {  	[sflag:s26] =	ssyncset.done $0x0  }
0x1bc: {  	s30 =	simm.s32 $0x0;
	[sflag:s26] =	ssyncadd.s32 $0xFFFFFF80  }
0x1bd: {  	v15 =	vld [tilespmem:s30+$0x19130];
	_ =	sdelay $0x2  }
0x1be: {  	v16 =	vld [tilespmem:s30+$0x19940]  }
0x1bf: {  	v17 =	vld [tilespmem:s30+$0x199C0]  }
0x1c0: {  	v15 =	vshll.u32 v15, $0x2  }
0x1c1: {  	v18 =	vor.u32 $0x2, v15  }
0x1c2: {  	v19 =	vor.u32 $0x1, v15  }
0x1c3: {  	v16 =	vmul.f32 v16, v1;
	v20 =	vor.u32 $0x3, v15  }
0x1c4: {  	v21 =	vld [tilespmem:s30+$0x190A0];
	v17 =	vmul.f32 v17, v1  }
0x1c5: {  	v16 =	vmin.f32 v16, $4.135166650e+00;
	v22 =	vld.idx.msk [tilespmem:v15+s17+$0x0], $0xffff  }
0x1c6: {  	v15 =	vmul.f32 $1.442695020e+00, v16;
	v16 =	vmin.f32 v17, $4.135166650e+00;
	v17 =	vld.idx.msk [tilespmem:v18+s17+$0x0], $0xffff  }
0x1c7: {  	v16 =	vmul.f32 $1.442695020e+00, v16;
	v18 =	vld.idx.msk [tilespmem:v19+s17+$0x0], $0xffff  }
0x1c8: {  	(erf) = vpow2.f32 v15;
	v15 =	vld.idx.msk [tilespmem:v20+s17+$0x0], $0xffff  }
0x1c9: {  	v19 =	vld [tilespmem:s30+$0x19010];
	(erf) = vpow2.f32 v16;
	_ =	sdelay $0x1  }
0x1ca: {  	v20 =	vld [tilespmem:s30+$0x19840]  }
0x1cb: {  	v23 =	vld [tilespmem:s30+$0x198C0];
	v16 =	vsub.f32 v17, v22  }
0x1cc: {  	v15 =	vsub.f32 v15, v18  }
0x1cd: {  	v17 =	vadd.s32 $0x1, v21;
	vm15 =	vgt.f32 v19, $0.0e+00;
	v19 =	vadd.f32 $1.000000000e+00, v16  }
0x1ce: {  	s3 =	simm.s32 $0x0;
	v16 =	vnsel vm15, $0x0, v17;
	v17 =	vadd.f32 $1.000000000e+00, v15  }
0x1cf: {  	v24 =	vmov s3;
	v20 =	vmul.f32 v20, v0;
	v21 =	vmul.f32 $5.000000000e-01, v19  }
0x1d0: {  	v23 =	vmul.f32 v23, v0;
	v15 =	vmul.u32 $0x8, v5;
	v25 =	vpop (erf);
	v26 =	vmul.f32 $5.000000000e-01, v17  }
0x1d1: {  	v20 =	vmul.f32 v20, v19;
	v27 =	vpop (erf);
	v21 =	vadd.f32 v21, v22;
	v22 =	vmul.f32 v25, v19  }
0x1d2: {  	v23 =	vmul.f32 v23, v17;
	v18 =	vadd.f32 v26, v18;
	v25 =	vmul.f32 v27, v17  }
0x1d3: {  	v24 =	vshll.u32 v24, $0x3;
	v26 =	vadd.f32 v21, v20;
	v22 =	vmul.f32 $5.000000000e-01, v22  }
0x1d4: {  	v20 =	vor.u32 v15, v24;
	v23 =	vadd.f32 v18, v23;
	v27 =	vmul.f32 $5.000000000e-01, v25  }
0x1d5: {  	v24 =	vor.u32 $0x1, v20;
	v28 =	vsub.f32 v26, v22;
	v22 =	vadd.f32 v22, v26  }
0x1d6: {  	v25 =	vsub.f32 v23, v27;
	v26 =	vadd.f32 v27, v23;
	v23 =	vor.u32 $0x2, v20  }
0x1d7: {  	s31 =	simm.s32 $0x40;
	s0 =	simm.s32 $0x80;
	v28 =	vmax.f32 v28, $0.0e+00;
	v27 =	vadd.f32 $-1.000000000e+00, v22;
	v22 =	vor.u32 $0x3, v20  }
.LBB2_7:
0x1d8: {  	s4 =	sshra.s32 s31, $0x2  }
0x1d9: {  	v28 =	vmin.f32 v28, $1.332000000e+03;
	v25 =	vmax.f32 v25, $0.0e+00;
	v26 =	vadd.f32 $-1.000000000e+00, v26;
	s3 =	sadd.s32 $0x10, s3;
	s31 =	smov.u32 s0;
	s15 =	sadd.s32 $0x40, s0  }
0x1da: {  	p0 =	sne.s32 s0, $0x180;
	v25 =	vmin.f32 v25, $7.990000000e+02;
	v27 =	vmax.f32 v27, $0.0e+00;
	[tilespmem:v20+s28+$0x0] =	vst.idx.msk $0xffff, v28  }
0x1db: {  	v27 =	vmin.f32 v27, $1.332000000e+03;
	v26 =	vmax.f32 v26, $0.0e+00;
	[tilespmem:v24+s28+$0x0] =	vst.idx.msk $0xffff, v25  }
0x1dc: {  	v25 =	vmin.f32 v26, $7.990000000e+02;
	[tilespmem:v23+s28+$0x0] =	vst.idx.msk $0xffff, v27  }
0x1dd: {  	[tilespmem:v22+s28+$0x0] =	vst.idx.msk $0xffff, v25  }
0x1de: {  	v25 =	vld [tilespmem:s30+$0x19A40];
	_ =	sdelay $0x4  }
0x1df: {  	v25 =	vmul.f32 v25, v0;
	_ =	sdelay $0x1  }
0x1e0: {  	v25 =	vmul.f32 v25, v19;
	_ =	sdelay $0x1  }
0x1e1: {  	v25 =	vadd.f32 v25, v21;
	_ =	sdelay $0x1  }
0x1e2: {  	v25 =	vmax.f32 v25, $0.0e+00  }
0x1e3: {  	v25 =	vmin.f32 v25, $1.332000000e+03  }
0x1e4: {  	[tilespmem:v20+s1+$0x0] =	vst.idx.msk $0xffff, v25  }
0x1e5: {  	v25 =	vld [tilespmem:s30+$0x19AC0];
	_ =	sdelay $0x4  }
0x1e6: {  	v25 =	vmul.f32 v25, v0;
	_ =	sdelay $0x1  }
0x1e7: {  	v25 =	vmul.f32 v25, v17;
	_ =	sdelay $0x1  }
0x1e8: {  	v25 =	vadd.f32 v25, v18;
	_ =	sdelay $0x1  }
0x1e9: {  	v25 =	vmax.f32 v25, $0.0e+00  }
0x1ea: {  	v25 =	vmin.f32 v25, $7.990000000e+02  }
0x1eb: {  	[tilespmem:v24+s1+$0x0] =	vst.idx.msk $0xffff, v25  }
0x1ec: {  	v24 =	vld [tilespmem:s30+$0x19B40];
	_ =	sdelay $0x4  }
0x1ed: {  	v24 =	vmul.f32 v24, v0;
	_ =	sdelay $0x1  }
0x1ee: {  	v24 =	vmul.f32 v24, v19;
	_ =	sdelay $0x1  }
0x1ef: {  	v24 =	vadd.f32 v24, v21;
	_ =	sdelay $0x1  }
0x1f0: {  	v24 =	vmax.f32 v24, $0.0e+00  }
0x1f1: {  	v24 =	vmin.f32 v24, $1.332000000e+03  }
0x1f2: {  	[tilespmem:v23+s1+$0x0] =	vst.idx.msk $0xffff, v24  }
0x1f3: {  	v23 =	vld [tilespmem:s30+$0x19BC0];
	_ =	sdelay $0x4  }
0x1f4: {  	v23 =	vmul.f32 v23, v0;
	_ =	sdelay $0x1  }
0x1f5: {  	v23 =	vmul.f32 v23, v17;
	_ =	sdelay $0x1  }
0x1f6: {  	v23 =	vadd.f32 v23, v18;
	_ =	sdelay $0x1  }
0x1f7: {  	v23 =	vmax.f32 v23, $0.0e+00  }
0x1f8: {  	v23 =	vmin.f32 v23, $7.990000000e+02  }
0x1f9: {  	[tilespmem:v22+s1+$0x0] =	vst.idx.msk $0xffff, v23  }
0x1fa: {  	v22 =	vld [tilespmem:s30+$0x19C40];
	_ =	sdelay $0x4  }
0x1fb: {  	v22 =	vmul.f32 v22, v0;
	_ =	sdelay $0x1  }
0x1fc: {  	v22 =	vmul.f32 v22, v19  }
0x1fd: {  	v23 =	vor.u32 $0x4, v20  }
0x1fe: {  	v22 =	vadd.f32 v22, v21;
	_ =	sdelay $0x1  }
0x1ff: {  	v22 =	vmax.f32 v22, $0.0e+00  }
0x200: {  	v22 =	vmin.f32 v22, $1.332000000e+03  }
0x201: {  	[tilespmem:v23+s1+$0x0] =	vst.idx.msk $0xffff, v22  }
0x202: {  	v22 =	vld [tilespmem:s30+$0x19CC0];
	_ =	sdelay $0x4  }
0x203: {  	v22 =	vmul.f32 v22, v0;
	_ =	sdelay $0x1  }
0x204: {  	v22 =	vmul.f32 v22, v17  }
0x205: {  	v23 =	vor.u32 $0x5, v20  }
0x206: {  	v22 =	vadd.f32 v22, v18;
	_ =	sdelay $0x1  }
0x207: {  	v22 =	vmax.f32 v22, $0.0e+00  }
0x208: {  	v22 =	vmin.f32 v22, $7.990000000e+02  }
0x209: {  	[tilespmem:v23+s1+$0x0] =	vst.idx.msk $0xffff, v22  }
0x20a: {  	v22 =	vld [tilespmem:s30+$0x19D40];
	_ =	sdelay $0x4  }
0x20b: {  	v22 =	vmul.f32 v22, v0;
	_ =	sdelay $0x1  }
0x20c: {  	v19 =	vmul.f32 v22, v19  }
0x20d: {  	v22 =	vor.u32 $0x6, v20  }
0x20e: {  	v19 =	vadd.f32 v19, v21;
	_ =	sdelay $0x1  }
0x20f: {  	v19 =	vmax.f32 v19, $0.0e+00  }
0x210: {  	v19 =	vmin.f32 v19, $1.332000000e+03  }
0x211: {  	[tilespmem:v22+s1+$0x0] =	vst.idx.msk $0xffff, v19  }
0x212: {  	v19 =	vld [tilespmem:s30+$0x19DC0];
	_ =	sdelay $0x4  }
0x213: {  	v19 =	vmul.f32 v19, v0;
	_ =	sdelay $0x1  }
0x214: {  	v17 =	vmul.f32 v19, v17  }
0x215: {  	v19 =	vor.u32 $0x7, v20  }
0x216: {  	v17 =	vadd.f32 v17, v18;
	_ =	sdelay $0x1  }
0x217: {  	v17 =	vmax.f32 v17, $0.0e+00  }
0x218: {  	v17 =	vmin.f32 v17, $7.990000000e+02  }
0x219: {  	[tilespmem:v19+s1+$0x0] =	vst.idx.msk $0xffff, v17  }
0x21a: {  	v17 =	vld [tilespmem:s4+$0x19130];
	[tilespmem:s30+$0x1A540] =	vst v16;
	s30 =	smov.u32 s4  }
0x21b: {  	v16 =	vld [tilespmem:s30+$0x19940]  }
0x21c: {  	v18 =	vld [tilespmem:s30+$0x190A0]  }
0x21d: {  	v19 =	vld [tilespmem:s30+$0x199C0]  }
0x21e: {  	v20 =	vld [tilespmem:s30+$0x19010]  }
0x21f: {  	v17 =	vshll.u32 v17, $0x2  }
0x220: {  	v21 =	vor.u32 $0x2, v17;
	v22 =	vor.u32 $0x3, v17;
	v16 =	vmul.f32 v16, v1  }
0x221: {  	v23 =	vor.u32 $0x1, v17;
	v18 =	vadd.s32 $0x1, v18  }
0x222: {  	v16 =	vmin.f32 v16, $4.135166650e+00;
	v19 =	vmul.f32 v19, v1  }
0x223: {  	v24 =	vmul.f32 $1.442695020e+00, v16;
	vm0 =	vgt.f32 v20, $0.0e+00  }
0x224: {  	v20 =	vld.idx.msk [tilespmem:v17+s17+$0x0], $0xffff;
	v17 =	vmin.f32 v19, $4.135166650e+00;
	v16 =	vnsel vm0, $0x0, v18  }
0x225: {  	v18 =	vld.idx.msk [tilespmem:v21+s17+$0x0], $0xffff;
	v17 =	vmul.f32 $1.442695020e+00, v17  }
0x226: {  	v23 =	vld.idx.msk [tilespmem:v23+s17+$0x0], $0xffff;
	(erf) = vpow2.f32 v24  }
0x227: {  	v19 =	vld.idx.msk [tilespmem:v22+s17+$0x0], $0xffff;
	(erf) = vpow2.f32 v17;
	_ =	sdelay $0x3  }
0x228: {  	v17 =	vsub.f32 v18, v20;
	v18 =	vld [tilespmem:s30+$0x19840]  }
0x229: {  	v21 =	vld [tilespmem:s30+$0x198C0]  }
0x22a: {  	v24 =	vsub.f32 v19, v23  }
0x22b: {  	v19 =	vadd.f32 $1.000000000e+00, v17  }
0x22c: {  	v17 =	vadd.f32 $1.000000000e+00, v24;
	v22 =	vpop (erf)  }
0x22d: {  	v24 =	vmov s3;
	v25 =	vmul.f32 $5.000000000e-01, v19;
	v18 =	vmul.f32 v18, v0;
	v26 =	vpop (erf)  }
0x22e: {  	v27 =	vmul.f32 $5.000000000e-01, v17;
	v28 =	vmul.f32 v21, v0  }
0x22f: {  	v22 =	vmul.f32 v22, v19;
	v21 =	vadd.f32 v25, v20;
	v20 =	vmul.f32 v18, v19  }
0x230: {  	v25 =	vmul.f32 v26, v17;
	v18 =	vadd.f32 v27, v23;
	v23 =	vmul.f32 v28, v17  }
.Ltmp3:
0x231: {  	v24 =	vshll.u32 v24, $0x3;
	v22 =	vmul.f32 $5.000000000e-01, v22;
	v26 =	vadd.f32 v21, v20;
	(pc) =	sbr.rel @p0 .LBB2_7-.Ltmp3, $4  }
0x232: {  	v27 =	vmul.f32 $5.000000000e-01, v25;
	v20 =	vor.u32 v15, v24;
	v23 =	vadd.f32 v18, v23  }
0x233: {  	v24 =	vor.u32 $0x1, v20;
	v28 =	vsub.f32 v26, v22;
	v22 =	vadd.f32 v22, v26  }
0x234: {  	v25 =	vsub.f32 v23, v27;
	v26 =	vadd.f32 v27, v23;
	v23 =	vor.u32 $0x2, v20  }
0x235: {  	s0 =	smov.u32 s15;
	v28 =	vmax.f32 v28, $0.0e+00;
	v27 =	vadd.f32 $-1.000000000e+00, v22;
	v22 =	vor.u32 $0x3, v20  }
0x236: {  	_ =	sdelay $0x2  }
0x237: {  	v28 =	vmin.f32 v28, $1.332000000e+03;
	v25 =	vmax.f32 v25, $0.0e+00;
	v26 =	vadd.f32 $-1.000000000e+00, v26  }
0x238: {  	v25 =	vmin.f32 v25, $7.990000000e+02;
	v27 =	vmax.f32 v27, $0.0e+00;
	[tilespmem:v20+s28+$0x0] =	vst.idx.msk $0xffff, v28  }
0x239: {  	v27 =	vmin.f32 v27, $1.332000000e+03;
	v26 =	vmax.f32 v26, $0.0e+00;
	[tilespmem:v24+s28+$0x0] =	vst.idx.msk $0xffff, v25  }
0x23a: {  	v33 =	vmin.f32 v26, $7.990000000e+02;
	[tilespmem:v23+s28+$0x0] =	vst.idx.msk $0xffff, v27  }
0x23b: {  	[tilespmem:v22+s28+$0x0] =	vst.idx.msk $0xffff, v33  }
0x23c: {  	v25 =	vld [tilespmem:s30+$0x19A40];
	_ =	sdelay $0x4  }
0x23d: {  	v25 =	vmul.f32 v25, v0;
	_ =	sdelay $0x1  }
0x23e: {  	v25 =	vmul.f32 v25, v19;
	_ =	sdelay $0x1  }
0x23f: {  	v25 =	vadd.f32 v25, v21;
	_ =	sdelay $0x1  }
0x240: {  	v25 =	vmax.f32 v25, $0.0e+00  }
0x241: {  	v25 =	vmin.f32 v25, $1.332000000e+03  }
0x242: {  	[tilespmem:v20+s1+$0x0] =	vst.idx.msk $0xffff, v25  }
0x243: {  	v25 =	vld [tilespmem:s30+$0x19AC0];
	_ =	sdelay $0x4  }
0x244: {  	v25 =	vmul.f32 v25, v0;
	_ =	sdelay $0x1  }
0x245: {  	v25 =	vmul.f32 v25, v17;
	_ =	sdelay $0x1  }
0x246: {  	v25 =	vadd.f32 v25, v18;
	_ =	sdelay $0x1  }
0x247: {  	v25 =	vmax.f32 v25, $0.0e+00  }
0x248: {  	v25 =	vmin.f32 v25, $7.990000000e+02  }
0x249: {  	[tilespmem:v24+s1+$0x0] =	vst.idx.msk $0xffff, v25  }
0x24a: {  	v24 =	vld [tilespmem:s30+$0x19B40];
	_ =	sdelay $0x4  }
0x24b: {  	v24 =	vmul.f32 v24, v0;
	_ =	sdelay $0x1  }
0x24c: {  	v24 =	vmul.f32 v24, v19;
	_ =	sdelay $0x1  }
0x24d: {  	v24 =	vadd.f32 v24, v21;
	_ =	sdelay $0x1  }
0x24e: {  	v24 =	vmax.f32 v24, $0.0e+00  }
0x24f: {  	v24 =	vmin.f32 v24, $1.332000000e+03  }
0x250: {  	[tilespmem:v23+s1+$0x0] =	vst.idx.msk $0xffff, v24  }
0x251: {  	v23 =	vld [tilespmem:s30+$0x19BC0];
	_ =	sdelay $0x4  }
0x252: {  	v23 =	vmul.f32 v23, v0;
	_ =	sdelay $0x1  }
0x253: {  	v23 =	vmul.f32 v23, v17;
	_ =	sdelay $0x1  }
0x254: {  	v23 =	vadd.f32 v23, v18;
	_ =	sdelay $0x1  }
0x255: {  	v23 =	vmax.f32 v23, $0.0e+00  }
0x256: {  	v23 =	vmin.f32 v23, $7.990000000e+02  }
0x257: {  	[tilespmem:v22+s1+$0x0] =	vst.idx.msk $0xffff, v23  }
0x258: {  	v22 =	vld [tilespmem:s30+$0x19C40];
	_ =	sdelay $0x4  }
0x259: {  	v22 =	vmul.f32 v22, v0;
	_ =	sdelay $0x1  }
0x25a: {  	v22 =	vmul.f32 v22, v19  }
0x25b: {  	v34 =	vor.u32 $0x4, v20  }
0x25c: {  	v22 =	vadd.f32 v22, v21;
	_ =	sdelay $0x1  }
0x25d: {  	v22 =	vmax.f32 v22, $0.0e+00  }
0x25e: {  	v22 =	vmin.f32 v22, $1.332000000e+03  }
0x25f: {  	[tilespmem:v34+s1+$0x0] =	vst.idx.msk $0xffff, v22  }
0x260: {  	v22 =	vld [tilespmem:s30+$0x19CC0];
	_ =	sdelay $0x4  }
0x261: {  	v22 =	vmul.f32 v22, v0;
	_ =	sdelay $0x1  }
0x262: {  	v22 =	vmul.f32 v22, v17  }
0x263: {  	v35 =	vor.u32 $0x5, v20  }
0x264: {  	v22 =	vadd.f32 v22, v18;
	_ =	sdelay $0x1  }
0x265: {  	v22 =	vmax.f32 v22, $0.0e+00  }
0x266: {  	v22 =	vmin.f32 v22, $7.990000000e+02  }
0x267: {  	[tilespmem:v35+s1+$0x0] =	vst.idx.msk $0xffff, v22  }
0x268: {  	v22 =	vld [tilespmem:s30+$0x19D40];
	_ =	sdelay $0x4  }
0x269: {  	v22 =	vmul.f32 v22, v0;
	_ =	sdelay $0x1  }
0x26a: {  	v36 =	vmul.f32 v22, v19  }
0x26b: {  	v37 =	vor.u32 $0x6, v20  }
0x26c: {  	v19 =	vadd.f32 v36, v21;
	_ =	sdelay $0x1  }
0x26d: {  	v19 =	vmax.f32 v19, $0.0e+00  }
0x26e: {  	v19 =	vmin.f32 v19, $1.332000000e+03  }
0x26f: {  	[tilespmem:v37+s1+$0x0] =	vst.idx.msk $0xffff, v19  }
0x270: {  	v19 =	vld [tilespmem:s30+$0x19DC0];
	_ =	sdelay $0x4  }
0x271: {  	v19 =	vmul.f32 v19, v0;
	_ =	sdelay $0x1  }
0x272: {  	v38 =	vmul.f32 v19, v17  }
0x273: {  	v39 =	vor.u32 $0x7, v20  }
0x274: {  	v17 =	vadd.f32 v38, v18;
	_ =	sdelay $0x1  }
0x275: {  	v17 =	vmax.f32 v17, $0.0e+00  }
0x276: {  	v17 =	vmin.f32 v17, $7.990000000e+02  }
0x277: {  	s0 =	sshra.s32 s31, $0x2;
	[tilespmem:v39+s1+$0x0] =	vst.idx.msk $0xffff, v17  }
0x278: {  	v17 =	vld [tilespmem:s0+$0x19130];
	_ =	sdelay $0x1  }
0x279: {  	[tilespmem:s30+$0x1A540] =	vst v16  }
0x27a: {  	v16 =	vld [tilespmem:s0+$0x19940]  }
0x27b: {  	v40 =	vld [tilespmem:s0+$0x199C0]  }
0x27c: {  	v17 =	vshll.u32 v17, $0x2  }
0x27d: {  	v41 =	vor.u32 $0x2, v17  }
0x27e: {  	v42 =	vor.u32 $0x1, v17  }
0x27f: {  	v43 =	vor.u32 $0x3, v17;
	v16 =	vmul.f32 v16, v1  }
0x280: {  	v18 =	vmul.f32 v40, v1  }
0x281: {  	v16 =	vmin.f32 v16, $4.135166650e+00;
	v17 =	vld.idx.msk [tilespmem:v17+s17+$0x0], $0xffff  }
0x282: {  	v18 =	vmin.f32 v18, $4.135166650e+00;
	v16 =	vmul.f32 $1.442695020e+00, v16;
	v19 =	vld.idx.msk [tilespmem:v41+s17+$0x0], $0xffff  }
0x283: {  	v18 =	vmul.f32 $1.442695020e+00, v18;
	v20 =	vld.idx.msk [tilespmem:v42+s17+$0x0], $0xffff  }
0x284: {  	(erf) = vpow2.f32 v16;
	v44 =	vld.idx.msk [tilespmem:v43+s17+$0x0], $0xffff  }
0x285: {  	(erf) = vpow2.f32 v18;
	_ =	sdelay $0x1  }
0x286: {  	v45 =	vld [tilespmem:s0+$0x19840]  }
0x287: {  	v46 =	vld [tilespmem:s0+$0x198C0];
	v19 =	vsub.f32 v19, v17  }
0x288: {  	v16 =	vsub.f32 v44, v20  }
0x289: {  	v19 =	vadd.f32 $1.000000000e+00, v19  }
0x28a: {  	v16 =	vadd.f32 $1.000000000e+00, v16  }
0x28b: {  	s3 =	sadd.s32 $0x10, s3;
	v18 =	vmul.f32 v45, v0;
	v47 =	vmul.f32 $5.000000000e-01, v19  }
0x28c: {  	v49 =	vmov s3;
	v21 =	vmul.f32 v46, v0;
	v48 =	vpop (erf);
	v50 =	vmul.f32 $5.000000000e-01, v16  }
0x28d: {  	v18 =	vmul.f32 v18, v19;
	v51 =	vpop (erf);
	v52 =	vmul.f32 v48, v19;
	v17 =	vadd.f32 v47, v17  }
0x28e: {  	v21 =	vmul.f32 v21, v16;
	v20 =	vadd.f32 v50, v20;
	v53 =	vmul.f32 v51, v16  }
0x28f: {  	v24 =	vshll.u32 v49, $0x3;
	v22 =	vmul.f32 $5.000000000e-01, v52;
	v18 =	vadd.f32 v17, v18  }
0x290: {  	v15 =	vor.u32 v15, v24;
	v21 =	vadd.f32 v20, v21;
	v23 =	vmul.f32 $5.000000000e-01, v53  }
0x291: {  	v55 =	vor.u32 $0x1, v15;
	v54 =	vsub.f32 v18, v22;
	v18 =	vadd.f32 v22, v18  }
0x292: {  	v57 =	vor.u32 $0x2, v15;
	v56 =	vsub.f32 v21, v23;
	v21 =	vadd.f32 v23, v21  }
0x293: {  	v59 =	vor.u32 $0x3, v15;
	v24 =	vmax.f32 v54, $0.0e+00;
	v18 =	vadd.f32 $-1.000000000e+00, v18  }
0x294: {  	v58 =	vld [tilespmem:s0+$0x190A0];
	v25 =	vmax.f32 v56, $0.0e+00;
	v21 =	vadd.f32 $-1.000000000e+00, v21;
	v24 =	vmin.f32 v24, $1.332000000e+03  }
0x295: {  	v28 =	vld [tilespmem:s0+$0x19010];
	v25 =	vmin.f32 v25, $7.990000000e+02;
	v18 =	vmax.f32 v18, $0.0e+00;
	[tilespmem:v15+s28+$0x0] =	vst.idx.msk $0xffff, v24  }
0x296: {  	v21 =	vmax.f32 v21, $0.0e+00;
	v18 =	vmin.f32 v18, $1.332000000e+03;
	[tilespmem:v55+s28+$0x0] =	vst.idx.msk $0xffff, v25  }
0x297: {  	v21 =	vmin.f32 v21, $7.990000000e+02;
	[tilespmem:v57+s28+$0x0] =	vst.idx.msk $0xffff, v18  }
0x298: {  	[tilespmem:v59+s28+$0x0] =	vst.idx.msk $0xffff, v21  }
0x299: {  	v18 =	vld [tilespmem:s0+$0x19A40];
	_ =	sdelay $0x4  }
0x29a: {  	v18 =	vmul.f32 v18, v0;
	_ =	sdelay $0x1  }
0x29b: {  	v18 =	vmul.f32 v18, v19;
	_ =	sdelay $0x1  }
0x29c: {  	v18 =	vadd.f32 v18, v17;
	_ =	sdelay $0x1  }
0x29d: {  	v18 =	vmax.f32 v18, $0.0e+00  }
0x29e: {  	v18 =	vmin.f32 v18, $1.332000000e+03  }
0x29f: {  	[tilespmem:v15+s1+$0x0] =	vst.idx.msk $0xffff, v18  }
0x2a0: {  	v18 =	vld [tilespmem:s0+$0x19AC0];
	_ =	sdelay $0x4  }
0x2a1: {  	v18 =	vmul.f32 v18, v0;
	_ =	sdelay $0x1  }
0x2a2: {  	v18 =	vmul.f32 v18, v16;
	_ =	sdelay $0x1  }
0x2a3: {  	v18 =	vadd.f32 v18, v20;
	_ =	sdelay $0x1  }
0x2a4: {  	v18 =	vmax.f32 v18, $0.0e+00  }
0x2a5: {  	v18 =	vmin.f32 v18, $7.990000000e+02  }
0x2a6: {  	[tilespmem:v55+s1+$0x0] =	vst.idx.msk $0xffff, v18  }
0x2a7: {  	v18 =	vld [tilespmem:s0+$0x19B40];
	_ =	sdelay $0x4  }
0x2a8: {  	v18 =	vmul.f32 v18, v0;
	_ =	sdelay $0x1  }
0x2a9: {  	v18 =	vmul.f32 v18, v19;
	_ =	sdelay $0x1  }
0x2aa: {  	v18 =	vadd.f32 v18, v17;
	_ =	sdelay $0x1  }
0x2ab: {  	v18 =	vmax.f32 v18, $0.0e+00  }
0x2ac: {  	v18 =	vmin.f32 v18, $1.332000000e+03  }
0x2ad: {  	[tilespmem:v57+s1+$0x0] =	vst.idx.msk $0xffff, v18  }
0x2ae: {  	v18 =	vld [tilespmem:s0+$0x19BC0];
	_ =	sdelay $0x4  }
0x2af: {  	v18 =	vmul.f32 v18, v0;
	_ =	sdelay $0x1  }
0x2b0: {  	v18 =	vmul.f32 v18, v16;
	_ =	sdelay $0x1  }
0x2b1: {  	v18 =	vadd.f32 v18, v20;
	_ =	sdelay $0x1  }
0x2b2: {  	v18 =	vmax.f32 v18, $0.0e+00  }
0x2b3: {  	v18 =	vmin.f32 v18, $7.990000000e+02  }
0x2b4: {  	[tilespmem:v59+s1+$0x0] =	vst.idx.msk $0xffff, v18  }
0x2b5: {  	v18 =	vld [tilespmem:s0+$0x19C40];
	_ =	sdelay $0x4  }
0x2b6: {  	v18 =	vmul.f32 v18, v0;
	_ =	sdelay $0x1  }
0x2b7: {  	v18 =	vmul.f32 v18, v19  }
0x2b8: {  	v60 =	vor.u32 $0x4, v15  }
0x2b9: {  	v18 =	vadd.f32 v18, v17;
	_ =	sdelay $0x1  }
0x2ba: {  	v18 =	vmax.f32 v18, $0.0e+00  }
0x2bb: {  	v18 =	vmin.f32 v18, $1.332000000e+03  }
0x2bc: {  	[tilespmem:v60+s1+$0x0] =	vst.idx.msk $0xffff, v18  }
0x2bd: {  	v18 =	vld [tilespmem:s0+$0x19CC0];
	_ =	sdelay $0x4  }
0x2be: {  	v18 =	vmul.f32 v18, v0;
	_ =	sdelay $0x1  }
0x2bf: {  	v18 =	vmul.f32 v18, v16  }
0x2c0: {  	v61 =	vor.u32 $0x5, v15  }
0x2c1: {  	v18 =	vadd.f32 v18, v20;
	_ =	sdelay $0x1  }
0x2c2: {  	v18 =	vmax.f32 v18, $0.0e+00  }
0x2c3: {  	v18 =	vmin.f32 v18, $7.990000000e+02  }
0x2c4: {  	[tilespmem:v61+s1+$0x0] =	vst.idx.msk $0xffff, v18  }
0x2c5: {  	v18 =	vld [tilespmem:s0+$0x19D40];
	_ =	sdelay $0x4  }
0x2c6: {  	v18 =	vmul.f32 v18, v0;
	_ =	sdelay $0x1  }
0x2c7: {  	v18 =	vmul.f32 v18, v19  }
0x2c8: {  	v62 =	vor.u32 $0x6, v15  }
0x2c9: {  	v17 =	vadd.f32 v18, v17;
	_ =	sdelay $0x1  }
0x2ca: {  	v17 =	vmax.f32 v17, $0.0e+00  }
0x2cb: {  	v17 =	vmin.f32 v17, $1.332000000e+03  }
0x2cc: {  	[tilespmem:v62+s1+$0x0] =	vst.idx.msk $0xffff, v17  }
0x2cd: {  	v17 =	vld [tilespmem:s0+$0x19DC0];
	_ =	sdelay $0x4  }
0x2ce: {  	v17 =	vmul.f32 v17, v0;
	_ =	sdelay $0x1  }
0x2cf: {  	v16 =	vmul.f32 v17, v16  }
0x2d0: {  	v15 =	vor.u32 $0x7, v15  }
0x2d1: {  	v16 =	vadd.f32 v16, v20;
	_ =	sdelay $0x1  }
0x2d2: {  	v16 =	vmax.f32 v16, $0.0e+00  }
0x2d3: {  	v63 =	vadd.s32 $0x1, v58;
	vm0 =	vgt.f32 v28, $0.0e+00;
	v16 =	vmin.f32 v16, $7.990000000e+02  }
0x2d4: {  	v17 =	vnsel vm0, $0x0, v63;
	[tilespmem:v15+s1+$0x0] =	vst.idx.msk $0xffff, v16  }
0x2d5: {  	[tilespmem:s0+$0x1A540] =	vst v17  }
0x2d6: {  	[hbm4b:s10+s13] =	stream.linear.scatter [tilespmem:s28], [sflag:$0x2], $0x380, $0x38;
	[tilespmem:$0x1A5C0] =	vst v63  }
0x2d7: {  	_ =	swait.ge [sflag:s14], $0x380  }
0x2d8: {  	[sflag:s14] =	ssyncset.done $0x0  }
0x2d9: {  	[sflag:s14] =	ssyncadd.s32 $0xFFFFFC80  }
0x2da: {  	[hbm4b:s11+s13] =	stream.linear.scatter [tilespmem:s1], [sflag:$0x2], $0x380, $0x38;
	[tilespmem:$0x1A5C0] =	vst v63  }
0x2db: {  	_ =	swait.ge [sflag:s14], $0x380  }
0x2dc: {  	[sflag:s14] =	ssyncset.done $0x0  }
0x2dd: {  	[sflag:s14] =	ssyncadd.s32 $0xFFFFFC80  }
0x2de: {  	s30 =	rddreg [dreg:$0x2]  }
0x2df: {  	[hbm4b:s30+s13] =	stream.linear.scatter [tilespmem:s21], [sflag:$0x2], $0x70, $0x38;
	[tilespmem:$0x1A5C0] =	vst v63  }
0x2e0: {  	_ =	swait.ge [sflag:s14], $0x70  }
0x2e1: {  	s2 =	sadd.s32 $0x1, s2;
	[sflag:s14] =	ssyncset.done $0x0  }
0x2e2: {  	p0 =	sne.s32 s2, s12;
	[sflag:s14] =	ssyncadd.s32 $0xFFFFFF90  }
.Ltmp4:
0x2e3: {  	s31 =	rddreg [dreg:$0x3];
	(pc) =	sbr.rel @p0 .LBB2_2-.Ltmp4, $4  }
0x2e4: {  	[hbm4b:s31+s13] =	stream.linear.scatter [tilespmem:s29], [sflag:$0x2], $0x70, $0x38;
	[tilespmem:$0x1A5C0] =	vst v63  }
0x2e5: {  	_ =	swait.ge [sflag:s14], $0x70  }
0x2e6: {  	[sflag:s14] =	ssyncset.done $0x0  }
0x2e7: {  	[sflag:s14] =	ssyncadd.s32 $0xFFFFFF90  }
.LBB2_9:
0x2e8: {  	_ =	sfence.sel $0x180000  }
0x2e9: {  	[bflag:$0x0] =	sbarrier.arrive $0xFFFF  }
0x2ea: {  	_ =	strace $0x9000004A  }
0x2eb: {  	s0 =	stileid.u32;
	[bflag:$0x2] =	sbarrier.arrive $0xFFFF  }
0x2ec: {  	p0 =	sne.s32 s0, $0x0;
	s0 =	rddreg [dreg:$0x4]  }
0x2ed: {  	s0 =	sadd.s32 @!p0 $0x100000, s0  }
0x2ee: {  	[sflag:s0] =	ssyncadd.tile.s32 @!p0 $0x1;
	_ =	shalt  }
.Lfunc_end2:
_tile_overlayer_lowered:
.L_overlay_start_2:
0x2ef: {  	(tag) =	ssettag $0x2  }
0x2f0: {  	s0 =	rddreg [dreg:$0x0];
	s2 =	stileid.u32  }
0x2f1: {  	s1 =	rddreg [dreg:$0x1];
	p0 =	sne.s32 s2, $0x0  }
0x2f2: {  	s3 =	rddreg [dreg:$0x2];
	[bflag:$0x3] =	sbarrier.arrive $0xFFFF;
	s2 =	simm.s32 @!p0 $0x1C02  }
0x2f3: {  	[timem:s3], [sflag:s2] =	dma.local @!p0 [hbm:s0], s1  }
0x2f4: {  	s0 =	simm.s32 @!p0 $0x2  }
0x2f5: {  	_ =	swait.ge @!p0 [sflag:s0], s1  }
0x2f6: {  	s1 =	ssub.s32 @!p0 $0x0, s1;
	[sflag:s0] =	ssyncset.done @!p0 $0x0  }
0x2f7: {  	[sflag:s0] =	ssyncadd.s32 @!p0 s1  }
0x2f8: {  	[bflag:$0x3] =	sbarrier.arrive $0xFFFF  }
0x2f9: {  	_ =	shalt  }

// kernel: kernel.7.cloned.1.call-start
scs
__scs_entry_jumppad:
0x0: {  	(pc) =	sbr.rel $0x88, $3  }
0x1: {  	(tag) =	ssettag $0x0;
	lr =	simm.s32 $0x1  }
0x2: {  	[smem:$0x3F9D] =	sst lr;
	_ =	strace $0xD0000000  }
0x3: {  	_ = 	snop  }
0x4: {  	_ = 	snop  }
0x5: {  	_ = 	snop  }
0x6: {  	_ = 	snop  }
0x7: {  	_ = 	snop  }
__scs_overlays_trampoline_lowered:
0x8: {  	[smem:$0x3FAC] =	sst s0  }
0x9: {  	[smem:$0x3FAD] =	sst s1  }
0xa: {  	[smem:$0x3FAE] =	sst s2  }
0xb: {  	[smem:$0x3FAF] =	sst s3  }
0xc: {  	[smem:$0x3FB0] =	sst s4  }
0xd: {  	[smem:$0x3FB1] =	sst s5  }
0xe: {  	[smem:$0x3FB2] =	sst s6  }
0xf: {  	[smem:$0x3FB3] =	sst s7  }
0x10: {  	[smem:$0x3FB4] =	sst s8  }
0x11: {  	[smem:$0x3FB5] =	sst s9;
	s0 =	simm.s32 @!p0 $0x0  }
0x12: {  	s1 =	sld [smem:$0x3F9B];
	s0 =	simm.s32 @p0 $0x1  }
0x13: {  	[smem:$0x3FB6] =	sst s0;
	s0 =	simm.s32 @!p1 $0x0  }
0x14: {  	s2 =	sld [smem:$0x3F9A];
	s0 =	simm.s32 @p1 $0x1  }
0x15: {  	[smem:$0x3FB7] =	sst s0;
	s0 =	simm.s32 @!p2 $0x0  }
0x16: {  	s3 =	sld [smem:$0x3FDB];
	s0 =	simm.s32 @p2 $0x1  }
0x17: {  	s4 =	simm.s32 $0x1BF5;
	[smem:$0x3FB9] =	sst s0  }
0x18: {  	s0 =	sld [smem:$0x3F9C];
	_ =	swait.ge [sflag:s4], $0x0  }
0x19: {  	s7 =	sld [smem:$0x3F9D]  }
0x1a: {  	s8 =	sadd.s32 $0xFFFFE003, lr  }
0x1b: {  	s9 =	sadd.s32 $0xFFFFFEF7, lr;
	s5 =	simm.s32 $0xFFFFFFFF;
	p2 =	slt.u32 s8, $0xFFFFF086  }
0x1c: {  	p1 =	slt.u32 s9, $0xF7A;
	s5 =	simm.s32 @!p2 $0x0  }
0x1d: {  	s5 =	simm.s32 @p1 $0x1;
	p0 =	seq.s32 s7, s2  }
0x1e: {  	s7 =	smul.u32 @!p0 $0xF7A, s2;
	p2 =	seq.s32 @!p0 s5, $0x0  }
0x1f: {  	s9 =	smul.u32 $0xF7A, s1;
	s8 =	simm.s32 @!p0 $0x1BF5;
	p2 =	por !p2, p0  }
0x20: {  	[sflag:s8] =	ssyncset.s32 @!p0 $0xFFFFF086;
	s6 =	sadd.s32 @!p0 s3, s7;
	s7 =	simm.s32 @!p0 $0x108  }
0x21: {  	s3 =	sadd.s32 s3, s9;
	s6 =	sadd.s32 @!p0 $0x88, s6;
	s7 =	simm.s32 @p2 $0x1082  }
0x22: {  	[simem:s7], [sflag:s8] =	dma.local @!p0 [hbm:s6], $0xF7A  }
0x23: {  	s9 =	sor.u32 $0xD0000000, s2;
	s6 =	simm.s32 $0x108;
	_ =	swait.ge @!p0 [sflag:s8], $0x0  }
0x24: {  	s3 =	sadd.s32 $0x88, s3;
	s6 =	simm.s32 @!p1 $0x1082;
	[sflag:s4] =	ssyncset.s32 $0xFFFFF086  }
0x25: {  	[simem:s6], [sflag:s4] =	dma.local [hbm:s3], $0xF7A  }
0x26: {  	[smem:$0x3F9D] =	sst s1;
	(tag) =	ssettag s2;
	_ =	strace s9  }
0x27: {  	s1 =	sld [smem:$0x3FAD]  }
0x28: {  	s2 =	sld [smem:$0x3FAE]  }
0x29: {  	s4 =	sld [smem:$0x3FB0]  }
0x2a: {  	p0 =	seq.s32 s5, $0x0;
	s5 =	sld [smem:$0x3FB1]  }
0x2b: {  	s6 =	sld [smem:$0x3FB2]  }
0x2c: {  	s7 =	sld [smem:$0x3FB3]  }
0x2d: {  	s3 =	simm.s32 $0x108;
	s8 =	sld [smem:$0x3FB4]  }
0x2e: {  	s3 =	simm.s32 @!p0 $0x1082;
	s9 =	sld [smem:$0x3FB5]  }
0x2f: {  	lr =	sadd.s32 s0, s3;
	s0 =	sld [smem:$0x3FAC]  }
0x30: {  	s3 =	sld [smem:$0x3FAF]  }
0x31: {  	[smem:$0x3FB8] =	sst s10  }
0x32: {  	s10 =	sld [smem:$0x3FB6];
	_ =	sdelay $0x3  }
0x33: {  	p0 =	seq.s32 s10, $0x1;
	s10 =	sld [smem:$0x3FB8];
	_ =	sdelay $0x3  }
0x34: {  	[smem:$0x3FB8] =	sst s10  }
0x35: {  	s10 =	sld [smem:$0x3FB7];
	_ =	sdelay $0x3  }
0x36: {  	p1 =	seq.s32 s10, $0x1;
	s10 =	sld [smem:$0x3FB8];
	_ =	sdelay $0x3  }
0x37: {  	[smem:$0x3FB8] =	sst s10  }
0x38: {  	s10 =	sld [smem:$0x3FB9]  }
0x39: {  	_ = 	snop;
	(pc) =	sbr.ind lr, $3  }
0x3a: {  	_ = 	snop  }
0x3b: {  	_ = 	snop  }
0x3c: {  	p2 =	seq.s32 s10, $0x1;
	s10 =	sld [smem:$0x3FB8]  }
0x3d: {  	_ =	shalt  }
0x3e: {  	_ =	shalt  }
0x3f: {  	_ =	shalt  }
0x40: {  	_ =	shalt  }
0x41: {  	_ =	shalt  }
0x42: {  	_ =	shalt  }
0x43: {  	_ =	shalt  }
0x44: {  	_ =	shalt  }
0x45: {  	_ =	shalt  }
0x46: {  	_ =	shalt  }
0x47: {  	_ =	shalt  }
0x48: {  	_ =	shalt  }
0x49: {  	_ =	shalt  }
0x4a: {  	_ =	shalt  }
0x4b: {  	_ =	shalt  }
0x4c: {  	_ =	shalt  }
0x4d: {  	_ =	shalt  }
0x4e: {  	_ =	shalt  }
0x4f: {  	_ =	shalt  }
0x50: {  	_ =	shalt  }
0x51: {  	_ =	shalt  }
0x52: {  	_ =	shalt  }
0x53: {  	_ =	shalt  }
0x54: {  	_ =	shalt  }
0x55: {  	_ =	shalt  }
0x56: {  	_ =	shalt  }
0x57: {  	_ =	shalt  }
0x58: {  	_ =	shalt  }
0x59: {  	_ =	shalt  }
0x5a: {  	_ =	shalt  }
0x5b: {  	_ =	shalt  }
0x5c: {  	_ =	shalt  }
0x5d: {  	_ =	shalt  }
0x5e: {  	_ =	shalt  }
0x5f: {  	_ =	shalt  }
0x60: {  	_ =	shalt  }
0x61: {  	_ =	shalt  }
0x62: {  	_ =	shalt  }
0x63: {  	_ =	shalt  }
0x64: {  	_ =	shalt  }
0x65: {  	_ =	shalt  }
0x66: {  	_ =	shalt  }
0x67: {  	_ =	shalt  }
0x68: {  	_ =	shalt  }
0x69: {  	_ =	shalt  }
0x6a: {  	_ =	shalt  }
0x6b: {  	_ =	shalt  }
0x6c: {  	_ =	shalt  }
0x6d: {  	_ =	shalt  }
0x6e: {  	_ =	shalt  }
0x6f: {  	_ =	shalt  }
0x70: {  	_ =	shalt  }
0x71: {  	_ =	shalt  }
0x72: {  	_ =	shalt  }
0x73: {  	_ =	shalt  }
0x74: {  	_ =	shalt  }
0x75: {  	_ =	shalt  }
0x76: {  	_ =	shalt  }
0x77: {  	_ =	shalt  }
0x78: {  	_ =	shalt  }
0x79: {  	_ =	shalt  }
0x7a: {  	_ =	shalt  }
0x7b: {  	_ =	shalt  }
0x7c: {  	_ =	shalt  }
0x7d: {  	_ =	shalt  }
0x7e: {  	_ =	shalt  }
0x7f: {  	_ =	shalt  }
0x80: {  	_ =	shalt  }
0x81: {  	_ =	shalt  }
0x82: {  	_ =	shalt  }
0x83: {  	_ =	shalt  }
0x84: {  	_ =	shalt  }
0x85: {  	_ =	shalt  }
0x86: {  	_ =	shalt  }
0x87: {  	_ =	shalt  }
.Lfunc_end0:
.L_simem_size_0:
called_computation_lowered:
.L_overlay_start_0:
0x88: {  	s2 =	sld [smem:$0x3FD9]  }
0x89: {  	s3 =	sld [smem:$0x3FFE];
	_ =	sdelay $0x1  }
0x8a: {  	s1 =	srdreg.scid  }
0x8b: {  	s0 =	sand.u32 $0x1, s1  }
0x8c: {  	s16 =	sshll.u32 s0, $0xA;
	s2 =	sadd.s32 s3, s2  }
0x8d: {  	s2 =	sadd.s32 s2, s16  }
0x8e: {  	[smem:$0x3FC4] =	sst s2  }
0x8f: {  	_ = 	snop  }
0x90: {  	(tm) =	ssettm $0x1  }
0x91: {  	s17 =	sld [smem:$0x3FFB];
	_ =	sdelay $0x3  }
0x92: {  	_ =	strace s17  }
0x93: {  	s2 =	sld [smem:$0x3FFC];
	_ =	sdelay $0x3  }
0x94: {  	_ =	strace s2  }
0x95: {  	s2 =	sld [smem:$0x3FFD];
	_ =	sdelay $0x3  }
0x96: {  	_ =	strace s2  }
0x97: {  	_ =	strace $0x8FFFFFFF  }
0x98: {  	s18 =	sld [smem:$0x3FDB];
	_ =	sdelay $0x1  }
0x99: {  	s19 =	simm.s32 $_scs_section_size  }
0x9a: {  	s4 =	simm.s32 $_size__tile_overlayer_lowered;
	s5 =	simm.s32 $_tile_overlayer_lowered  }
0x9b: {  	s22 =	simm.s32 $0x1BFF;
	s21 =	sshll.u32 s5, $0x1;
	s2 =	sadd.s32 s19, s18  }
0x9c: {  	s6 =	simm.s32 $0x0;
	s20 =	sshll.u32 s4, $0x1;
	s4 =	sadd.s32 s21, s2  }
0x9d: {  	[timem:s6], [sflag:s22] =	dma.local [hbm:s4], s20  }
0x9e: {  	_ =	swait.ge [sflag:s22], s20  }
0x9f: {  	s3 =	ssub.s32 $0x0, s20;
	[sflag:s22] =	ssyncset.done $0x0  }
0xa0: {  	[sflag:s22] =	ssyncadd.s32 s3;
	_ =	sdelay $0x1  }
0xa1: {  	s23 =	simm.s32 $0x1B8B  }
0xa2: {  	_ =	swait.ge [sflag:s23], $0x1  }
0xa3: {  	[sflag:s23] =	ssyncset.done $0x0  }
0xa4: {  	s25 =	simm.s32 $0x1B8E;
	s24 =	sld [smem:$0x3FFE];
	[sflag:s23] =	ssyncadd.s32 $0xFFFFFFFF  }
0xa5: {  	s26 =	simm.s32 $execute0_lowered;
	[smem:$0x3FD2] =	sst s25  }
0xa6: {  	s4 =	sshll.u32 s26, $0x1;
	_ =	strace $0x80000046;
	[dreg:$0x1] =	wrdreg $0xFFFFFFFF  }
0xa7: {  	s28 =	simm.s32 $_size_execute0_lowered;
	s2 =	sadd.s32 s2, s4;
	[dreg:$0x0] =	wrdreg $0x0  }
0xa8: {  	s4 =	sshll.u32 s28, $0x1;
	[dreg:$0x2] =	wrdreg s2  }
0xa9: {  	[dreg:$0x3] =	wrdreg s4  }
0xaa: {  	[dreg:$0x4] =	wrdreg $0xC0  }
0xab: {  	_ =	task [dreg:s6], $0x5FFFF  }
0xac: {  	[dreg:$0x1] =	wrdreg $0xFFFFFFFF  }
0xad: {  	[dreg:$0x0] =	wrdreg $0x60  }
0xae: {  	[dreg:$0x2] =	wrdreg s24  }
0xaf: {  	[dreg:$0x3] =	wrdreg $0x9  }
0xb0: {  	_ =	task.clear_ibuf [dreg:s6], $0x4FFFF;
	_ =	strace $0x90000046  }
0xb1: {  	s29 =	simm.s32 $0x9;
	_ =	strace $0x80000048  }
0xb2: {  	_ =	swait.ge [sflag:s29], $0x1  }
0xb3: {  	[sflag:s29] =	ssyncadd.s32 $0xFFFFFFFF  }
0xb4: {  	_ =	strace $0x90000048  }
0xb5: {  	_ =	sfence  }
0xb6: {  	s30 =	sld [smem:$0x0];
	_ =	sdelay $0x2  }
0xb7: {  	s31 =	sshll.u32 s1, $0xD;
	s1 =	sshrl.u32 s1, $0x2  }
0xb8: {  	s3 =	sand.u32 $0x4000, s31;
	s1 =	sadd.s32 s1, s30  }
0xb9: {  	s0 =	sor.u32 s3, s0;
	s1 =	sshll.u32 s1, $0x11  }
0xba: {  	s0 =	sor.u32 s1, s0  }
0xbb: {  	s0 =	sadd.s32 $0x8F2B, s0  }
0xbc: {  	[sflag:s0] =	ssyncadd.remote.s32 $0x1  }
0xbd: {  	_ =	sfence.sel $0xFFFF  }
0xbe: {  	[dreg:$0x0] =	wrdreg $0xFFFFFFFF;
	(pc) =	sbr.abs _section_cstart, $3  }
0xbf: {  	[dreg:$0x1] =	wrdreg $0xFFFFFFFF  }
0xc0: {  	_ =	task.clear_ibuf [dreg:s6], $0x2FFFF;
	_ =	strace $0x9FFFFFFF  }
0xc1: {  	(tm) =	ssettm $0x7FFFFFFF  }
tec
execute0_lowered:
.L_overlay_start_1:
0x0: {  	(tag) =	ssettag $0x1  }
0x1: {  	s6 =	srdreg.scid;
	s30 =	stileid.u32  }
0x2: {  	s1 =	rddreg [dreg:$0x0];
	s6 =	sand.u32 $0x1, s6;
	s8 =	sshll.u32 s30, $0x1  }
0x3: {  	s0 =	simm.s32 $0x0;
	s10 =	ssub.s32 $0x2, s6;
	s6 =	sor.u32 s6, s8  }
0x4: {  	s31 =	simm.s32 $0x6400;
	[smem:$0x7FF] =	sst s0;
	s12 =	smul.u32 $0x280, s6  }
0x5: {  	s2 =	sadd.s32 $0x34600, s1;
	s3 =	sadd.s32 $0x27E00, s1;
	s4 =	sadd.s32 $0x1B600, s1  }
0x6: {  	s5 =	sadd.s32 $0xEE00, s1;
	s7 =	sadd.s32 $0x2600, s1;
	s24 =	sadd.s32 s2, s12  }
0x7: {  	s9 =	sadd.s32 $0x45E00, s1;
	s25 =	sadd.s32 s3, s12;
	[dreg:$0x2] =	wrdreg s24  }
0x8: {  	s15 =	sor.u32 $0x20, s6;
	s17 =	sadd.s32 s4, s12;
	[dreg:$0x3] =	wrdreg s25  }
0x9: {  	s26 =	smul.u32 $0x280, s15;
	s18 =	sadd.s32 s5, s12;
	[dreg:$0x4] =	wrdreg s17  }
0xa: {  	s13 =	sadd.s32 $0x43600, s1;
	s19 =	sadd.s32 s7, s12;
	[dreg:$0x5] =	wrdreg s18  }
0xb: {  	p0 =	sgt.u32 s30, $0x7;
	[dreg:$0x6] =	wrdreg s19;
	s20 =	sadd.s32 s2, s26  }
0xc: {  	s16 =	sor.u32 $0x40, s6;
	s22 =	sadd.s32 s3, s26;
	[dreg:$0x7] =	wrdreg s20  }
0xd: {  	s21 =	smul.u32 $0x280, s16;
	s23 =	sadd.s32 s4, s26;
	[dreg:$0x8] =	wrdreg s22  }
0xe: {  	s30 =	simm.s32 $0x6630;
	s24 =	sadd.s32 s5, s26;
	[dreg:$0x9] =	wrdreg s23  }
0xf: {  	s11 =	sshrl.u32 s10, $0x1;
	s2 =	sadd.s32 s2, s21;
	[dreg:$0xa] =	wrdreg s24  }
0x10: {  	s14 =	ssub.s32 s10, s11;
	s25 =	sadd.s32 s3, s21;
	[dreg:$0xb] =	wrdreg s2  }
0x11: {  	s11 =	sadd.s32 s7, s26;
	s26 =	sadd.s32 s4, s21;
	[dreg:$0xc] =	wrdreg s25  }
0x12: {  	s8 =	sadd.s32 $0x44A00, s1;
	s3 =	sadd.s32 s5, s21;
	[dreg:$0xd] =	wrdreg s26  }
0x13: {  	s4 =	sadd.s32 s7, s21;
	s5 =	sshll.u32 s6, $0x6;
	[dreg:$0xe] =	wrdreg s3  }
0x14: {  	s6 =	sshll.u32 s15, $0x6;
	s7 =	sshll.u32 s16, $0x6;
	[dreg:$0xf] =	wrdreg s4  }
0x15: {  	s2 =	sadd.s32 $0x42200, s1;
	s4 =	sadd.s32 $0x40E00, s1;
	s1 =	sadd.s32 $0x47200, s1  }
0x16: {  	s17 =	sadd.s32 s9, s5;
	s18 =	sadd.s32 s8, s5;
	s19 =	sadd.s32 s13, s5  }
0x17: {  	s23 =	sadd.s32 s9, s6;
	s24 =	sadd.s32 s8, s6;
	s25 =	sadd.s32 s13, s6  }
0x18: {  	s10 =	sadd.s32 s9, s7;
	s12 =	sadd.s32 s8, s7;
	s15 =	sadd.s32 s13, s7  }
0x19: {  	s13 =	simm.s32 $0x6CC0;
	s20 =	sadd.s32 s2, s5;
	s21 =	sadd.s32 s4, s5  }
0x1a: {  	s22 =	sadd.s32 s1, s5;
	s26 =	sadd.s32 s2, s6;
	[dreg:$0x10] =	wrdreg s10  }
0x1b: {  	s28 =	sadd.s32 s4, s6;
	s29 =	sadd.s32 s1, s6;
	[dreg:$0x11] =	wrdreg s12  }
.Ltmp0:
0x1c: {  	[dreg:$0x12] =	wrdreg s15;
	s2 =	sadd.s32 s2, s7;
	(pc) =	sbr.rel .LBB2_1-.Ltmp0, $4  }
0x1d: {  	s16 =	sadd.s32 s4, s7;
	s1 =	sadd.s32 s1, s7;
	[dreg:$0x13] =	wrdreg s2  }
0x1e: {  	s15 =	smax.u32 s14, $0x1;
	s12 =	simm.s32 $0x6A90;
	[dreg:$0x14] =	wrdreg s16  }
0x1f: {  	v0 =	vlaneseq.u32;
	s14 =	simm.s32 $0x6EF0;
	[dreg:$0x15] =	wrdreg s1;
	s16 =	simm.s32 $0x1  }
0x20: {  	v1 =	vimm.f32 $-1.000000000e+00;
	v2 =	vimm.s32 $0x0;
	v3 =	vor.u32 $0x220, v0;
	s1 =	simm.s32 $0x6860;
	s2 =	simm.s32 $0x0;
	_ =	strace $0x80000047  }
.LBB2_8:
0x21: {  	_ =	sdelay $0x3  }
0x22: {  	[tilespmem:v5+s14+$0x0] =	vst.idx.msk $0xffff, v4;
	s3 =	rddreg [dreg:$0x10]  }
0x23: {  	[hbm4b:s3+s0] =	stream.linear.scatter [tilespmem:s31], [sflag:$0x1], $0x200, $0x38;
	[tilespmem:$0x7120] =	vst v63  }
0x24: {  	_ =	swait.ge [sflag:s16], $0x200  }
0x25: {  	[sflag:s16] =	ssyncset.done $0x0  }
0x26: {  	s6 =	rddreg [dreg:$0x11];
	[sflag:s16] =	ssyncadd.s32 $0xFFFFFE00  }
0x27: {  	[hbm4b:s6+s0] =	stream.linear.scatter [tilespmem:s30], [sflag:$0x1], $0x200, $0x38;
	[tilespmem:$0x7120] =	vst v63  }
0x28: {  	_ =	swait.ge [sflag:s16], $0x200  }
0x29: {  	[sflag:s16] =	ssyncset.done $0x0  }
0x2a: {  	s7 =	rddreg [dreg:$0x12];
	[sflag:s16] =	ssyncadd.s32 $0xFFFFFE00  }
0x2b: {  	[hbm4b:s7+s0] =	stream.linear.scatter [tilespmem:s1], [sflag:$0x1], $0x200, $0x38;
	[tilespmem:$0x7120] =	vst v63  }
0x2c: {  	_ =	swait.ge [sflag:s16], $0x200  }
0x2d: {  	[sflag:s16] =	ssyncset.done $0x0  }
0x2e: {  	s8 =	rddreg [dreg:$0x13];
	[sflag:s16] =	ssyncadd.s32 $0xFFFFFE00  }
0x2f: {  	[hbm4b:s8+s0] =	stream.linear.scatter [tilespmem:s12], [sflag:$0x1], $0x200, $0x38;
	[tilespmem:$0x7120] =	vst v63  }
0x30: {  	_ =	swait.ge [sflag:s16], $0x200  }
0x31: {  	[sflag:s16] =	ssyncset.done $0x0  }
0x32: {  	s9 =	rddreg [dreg:$0x14];
	[sflag:s16] =	ssyncadd.s32 $0xFFFFFE00  }
0x33: {  	[hbm4b:s9+s0] =	stream.linear.scatter [tilespmem:s13], [sflag:$0x1], $0x200, $0x38;
	[tilespmem:$0x7120] =	vst v63  }
0x34: {  	_ =	swait.ge [sflag:s16], $0x200  }
0x35: {  	[sflag:s16] =	ssyncset.done $0x0  }
0x36: {  	s10 =	rddreg [dreg:$0x15];
	[sflag:s16] =	ssyncadd.s32 $0xFFFFFE00  }
0x37: {  	[hbm4b:s10+s0] =	stream.linear.scatter [tilespmem:s14], [sflag:$0x1], $0x200, $0x38;
	[tilespmem:$0x7120] =	vst v63  }
0x38: {  	_ =	swait.ge [sflag:s16], $0x200  }
0x39: {  	[sflag:s16] =	ssyncset.done $0x0  }
0x3a: {  	[sflag:s16] =	ssyncadd.s32 $0xFFFFFE00  }
.LBB2_9:
0x3b: {  	s2 =	sadd.s32 $0x1, s2  }
0x3c: {  	p1 =	sne.s32 s2, s15  }
.Ltmp1:
0x3d: {  	_ = 	snop;
	(pc) =	sbr.rel @!p1 .LBB2_10-.Ltmp1, $1  }
0x3e: {  	_ =	sdelay $0x3  }
.LBB2_1:
0x3f: {  	s3 =	rddreg [dreg:$0x2]  }
0x40: {  	[tilespmem:s0], [sflag:$0x1] =	stream.linear.gather [hbm4b:s3+s0], $0x1400, $0x38;
	[tilespmem:$0x7120] =	vst v63  }
0x41: {  	_ =	swait.ge [sflag:s16], $0x1400  }
0x42: {  	[sflag:s16] =	ssyncset.done $0x0  }
0x43: {  	s3 =	simm.s32 $0x1400;
	s4 =	rddreg [dreg:$0x3];
	[sflag:s16] =	ssyncadd.s32 $0xFFFFEC00  }
0x44: {  	[tilespmem:s3], [sflag:$0x1] =	stream.linear.gather [hbm4b:s4+s0], $0x1400, $0x38;
	[tilespmem:$0x7120] =	vst v63  }
0x45: {  	_ =	swait.ge [sflag:s16], $0x1400  }
0x46: {  	[sflag:s16] =	ssyncset.done $0x0  }
0x47: {  	s4 =	simm.s32 $0x2800;
	s5 =	rddreg [dreg:$0x4];
	[sflag:s16] =	ssyncadd.s32 $0xFFFFEC00  }
0x48: {  	[tilespmem:s4], [sflag:$0x1] =	stream.linear.gather [hbm4b:s5+s0], $0x1400, $0x38;
	[tilespmem:$0x7120] =	vst v63  }
0x49: {  	_ =	swait.ge [sflag:s16], $0x1400  }
0x4a: {  	[sflag:s16] =	ssyncset.done $0x0  }
0x4b: {  	s10 =	simm.s32 $0x3C00;
	s6 =	rddreg [dreg:$0x5];
	[sflag:s16] =	ssyncadd.s32 $0xFFFFEC00  }
0x4c: {  	[tilespmem:s10], [sflag:$0x1] =	stream.linear.gather [hbm4b:s6+s0], $0x1400, $0x38;
	[tilespmem:$0x7120] =	vst v63  }
0x4d: {  	_ =	swait.ge [sflag:s16], $0x1400  }
0x4e: {  	[sflag:s16] =	ssyncset.done $0x0  }
0x4f: {  	s8 =	simm.s32 $0x5000;
	s7 =	rddreg [dreg:$0x6];
	[sflag:s16] =	ssyncadd.s32 $0xFFFFEC00  }
0x50: {  	[tilespmem:s8], [sflag:$0x1] =	stream.linear.gather [hbm4b:s7+s0], $0x1400, $0x38;
	[tilespmem:$0x7120] =	vst v63  }
0x51: {  	_ =	swait.ge [sflag:s16], $0x1400  }
0x52: {  	[sflag:s16] =	ssyncset.done $0x0  }
0x53: {  	[sflag:s16] =	ssyncadd.s32 $0xFFFFEC00  }
0x54: {  	[tilespmem:$0x6400] =	vst v1  }
0x55: {  	[tilespmem:$0x6410] =	vst v1  }
0x56: {  	[tilespmem:$0x6420] =	vst v1  }
0x57: {  	[tilespmem:$0x6430] =	vst v1  }
0x58: {  	[tilespmem:$0x6440] =	vst v1  }
0x59: {  	[tilespmem:$0x6450] =	vst v1  }
0x5a: {  	[tilespmem:$0x6460] =	vst v1  }
0x5b: {  	[tilespmem:$0x6470] =	vst v1  }
0x5c: {  	[tilespmem:$0x6480] =	vst v1  }
0x5d: {  	[tilespmem:$0x6490] =	vst v1  }
0x5e: {  	[tilespmem:$0x64A0] =	vst v1  }
0x5f: {  	[tilespmem:$0x64B0] =	vst v1  }
0x60: {  	[tilespmem:$0x64C0] =	vst v1  }
0x61: {  	[tilespmem:$0x64D0] =	vst v1  }
0x62: {  	[tilespmem:$0x64E0] =	vst v1  }
0x63: {  	[tilespmem:$0x64F0] =	vst v1  }
0x64: {  	[tilespmem:$0x6500] =	vst v1  }
0x65: {  	[tilespmem:$0x6510] =	vst v1  }
0x66: {  	[tilespmem:$0x6520] =	vst v1  }
0x67: {  	[tilespmem:$0x6530] =	vst v1  }
0x68: {  	[tilespmem:$0x6540] =	vst v1  }
0x69: {  	[tilespmem:$0x6550] =	vst v1  }
0x6a: {  	[tilespmem:$0x6560] =	vst v1  }
0x6b: {  	[tilespmem:$0x6570] =	vst v1  }
0x6c: {  	[tilespmem:$0x6580] =	vst v1  }
0x6d: {  	[tilespmem:$0x6590] =	vst v1  }
0x6e: {  	[tilespmem:$0x65A0] =	vst v1  }
0x6f: {  	[tilespmem:$0x65B0] =	vst v1  }
0x70: {  	[tilespmem:$0x65C0] =	vst v1  }
0x71: {  	[tilespmem:$0x65D0] =	vst v1  }
0x72: {  	[tilespmem:$0x65E0] =	vst v1  }
0x73: {  	[tilespmem:$0x65F0] =	vst v1  }
0x74: {  	[tilespmem:$0x6600] =	vst v1  }
0x75: {  	[tilespmem:$0x6610] =	vst v1  }
0x76: {  	[tilespmem:$0x6620] =	vst v1  }
0x77: {  	v6 =	vld [tilespmem:s0+$0x0];
	_ =	sdelay $0x3  }
0x78: {  	v4 =	vor.u32 s0, v0  }
0x79: {  	vm1 =	vlt.u32 v4, $0x1388;
	vm0 =	vgt.f32 v6, $5.000000070e-02  }
0x7a: {  	vm0 =	vmand vm1, vm0  }
0x7b: {  	v5 =	vsel vm0, $0x1, v2  }
0x7c: {  	(xrf0) =	vadd.scan.msk.s32 $0xffff, v5  }
0x7d: {  	p1 =	por $0x1, $0x1;
	s7 =	simm.s32 $0x0  }
0x7e: {  	s7 =	simm.s32 @!p1 $0x200  }
0x7f: {  	v5 =	vmov s7  }
0x80: {  	v5 =	vadd.s32 $0xFFFFFFFF, v5  }
0x81: {  	v5 =	vbroadcast v5, $0x0  }
0x82: {  	v7, _, _ =	vpop (xrf0)  }
0x83: {  	v5 =	vadd.s32 v7, v5  }
0x84: {  	v5 =	vsel vm0, v5, v3;
	_ =	sdelay $0x3  }
0x85: {  	v7 =	vxor.u32 $0x80000000, v7  }
0x86: {  	(xrf0) =	vmax.scan.msk.u32 $0xffff, v7;
	[tilespmem:v5+s31+$0x0] =	vst.idx.msk $0xffff, v6  }
0x87: {  	v6 =	vld [tilespmem:s3+$0x0];
	_ =	sdelay $0x4  }
0x88: {  	v7, _, _ =	vpop (xrf0);
	[tilespmem:v5+s30+$0x0] =	vst.idx.msk $0xffff, v6  }
0x89: {  	(v2sf) =	vpush v7, $0xF;
	v6 =	vld [tilespmem:s4+$0x0];
	_ =	sdelay $0x4  }
0x8a: {  	[tilespmem:v5+s1+$0x0] =	vst.idx.msk $0xffff, v6  }
0x8b: {  	v6 =	vld [tilespmem:s10+$0x0];
	_ =	sdelay $0x4  }
0x8c: {  	[tilespmem:v5+s12+$0x0] =	vst.idx.msk $0xffff, v6  }
0x8d: {  	v6 =	vld [tilespmem:s8+$0x0];
	_ =	sdelay $0x2  }
0x8e: {  	s9 =	spop (v2sf)  }
0x8f: {  	s5 =	simm.s32 $0x10;
	s6 =	simm.s32 $0x3C10;
	s10 =	sadd.s32 $0x0, s9  }
0x90: {  	s9 =	simm.s32 $0x0;
	s7 =	sadd.s32 $0x80000000, s10;
	s8 =	simm.s32 $0x5010;
	[tilespmem:v5+s13+$0x0] =	vst.idx.msk $0xffff, v6  }
.LBB2_2:
0x91: {  	[tilespmem:v5+s14+$0x0] =	vst.idx.msk $0xffff, v4;
	s9 =	sadd.s32 $0x10, s9;
	s3 =	sadd.s32 $0x10, s3;
	s4 =	sadd.s32 $0x10, s4  }
0x92: {  	p1 =	sne.s32 s5, $0x1380;
	s10 =	smov.u32 s5;
	s5 =	sadd.s32 $0x10, s5;
	v6 =	vld [tilespmem:s9+$0x0]  }
0x93: {  	_ =	sdelay $0x2  }
0x94: {  	v4 =	vor.u32 s10, v0  }
0x95: {  	vm1 =	vlt.u32 v4, $0x1388;
	vm0 =	vgt.f32 v6, $5.000000070e-02  }
0x96: {  	vm0 =	vmand vm1, vm0  }
0x97: {  	v5 =	vsel vm0, $0x1, v2  }
0x98: {  	(xrf0) =	vadd.scan.msk.s32 $0xffff, v5  }
0x99: {  	p2 =	slt.s32 s7, $0x200;
	s10 =	smov.u32 s7  }
0x9a: {  	s10 =	simm.s32 @!p2 $0x200  }
0x9b: {  	v5 =	vmov s10  }
0x9c: {  	v5 =	vadd.s32 $0xFFFFFFFF, v5  }
0x9d: {  	v5 =	vbroadcast v5, $0x0  }
0x9e: {  	v7, _, _ =	vpop (xrf0)  }
0x9f: {  	v5 =	vadd.s32 v7, v5;
	v7 =	vxor.u32 $0x80000000, v7  }
0xa0: {  	v5 =	vsel vm0, v5, v3;
	(xrf0) =	vmax.scan.msk.u32 $0xffff, v7;
	_ =	sdelay $0x4  }
0xa1: {  	[tilespmem:v5+s31+$0x0] =	vst.idx.msk $0xffff, v6  }
0xa2: {  	v6 =	vld [tilespmem:s3+$0x0];
	v7, _, _ =	vpop (xrf0)  }
0xa3: {  	(v2sf) =	vpush v7, $0xF;
	_ =	sdelay $0x3  }
0xa4: {  	[tilespmem:v5+s30+$0x0] =	vst.idx.msk $0xffff, v6  }
0xa5: {  	v6 =	vld [tilespmem:s4+$0x0];
	_ =	sdelay $0x4  }
0xa6: {  	[tilespmem:v5+s1+$0x0] =	vst.idx.msk $0xffff, v6  }
0xa7: {  	v6 =	vld [tilespmem:s6+$0x0];
	_ =	sdelay $0x3  }
0xa8: {  	s10 =	spop (v2sf)  }
0xa9: {  	[tilespmem:v5+s12+$0x0] =	vst.idx.msk $0xffff, v6;
	s7 =	sadd.s32 s10, s7  }
0xaa: {  	v6 =	vld [tilespmem:s8+$0x0];
	s7 =	sadd.s32 $0x80000000, s7  }
.Ltmp2:
0xab: {  	(pc) =	sbr.rel @p1 .LBB2_2-.Ltmp2, $2  }
0xac: {  	_ =	sdelay $0x2  }
0xad: {  	s6 =	sadd.s32 $0x10, s6;
	s8 =	sadd.s32 $0x10, s8;
	[tilespmem:v5+s13+$0x0] =	vst.idx.msk $0xffff, v6  }
0xae: {  	_ =	sdelay $0x3  }
0xaf: {  	[tilespmem:v5+s14+$0x0] =	vst.idx.msk $0xffff, v4;
	s3 =	simm.s32 $0x0  }
0xb0: {  	[hbm4b:s17+s3] =	stream.linear.scatter [tilespmem:s31], [sflag:$0x1], $0x200, $0x38;
	[tilespmem:$0x7120] =	vst v63  }
0xb1: {  	_ =	swait.ge [sflag:s16], $0x200  }
0xb2: {  	[sflag:s16] =	ssyncset.done $0x0  }
0xb3: {  	[sflag:s16] =	ssyncadd.s32 $0xFFFFFE00  }
0xb4: {  	[hbm4b:s18+s3] =	stream.linear.scatter [tilespmem:s30], [sflag:$0x1], $0x200, $0x38;
	[tilespmem:$0x7120] =	vst v63  }
0xb5: {  	_ =	swait.ge [sflag:s16], $0x200  }
0xb6: {  	[sflag:s16] =	ssyncset.done $0x0  }
0xb7: {  	[sflag:s16] =	ssyncadd.s32 $0xFFFFFE00  }
0xb8: {  	[hbm4b:s19+s3] =	stream.linear.scatter [tilespmem:s1], [sflag:$0x1], $0x200, $0x38;
	[tilespmem:$0x7120] =	vst v63  }
0xb9: {  	_ =	swait.ge [sflag:s16], $0x200  }
0xba: {  	[sflag:s16] =	ssyncset.done $0x0  }
0xbb: {  	[sflag:s16] =	ssyncadd.s32 $0xFFFFFE00  }
0xbc: {  	[hbm4b:s20+s3] =	stream.linear.scatter [tilespmem:s12], [sflag:$0x1], $0x200, $0x38;
	[tilespmem:$0x7120] =	vst v63  }
0xbd: {  	_ =	swait.ge [sflag:s16], $0x200  }
0xbe: {  	[sflag:s16] =	ssyncset.done $0x0  }
0xbf: {  	[sflag:s16] =	ssyncadd.s32 $0xFFFFFE00  }
0xc0: {  	[hbm4b:s21+s3] =	stream.linear.scatter [tilespmem:s13], [sflag:$0x1], $0x200, $0x38;
	[tilespmem:$0x7120] =	vst v63  }
0xc1: {  	_ =	swait.ge [sflag:s16], $0x200  }
0xc2: {  	[sflag:s16] =	ssyncset.done $0x0  }
0xc3: {  	[sflag:s16] =	ssyncadd.s32 $0xFFFFFE00  }
0xc4: {  	[hbm4b:s22+s3] =	stream.linear.scatter [tilespmem:s14], [sflag:$0x1], $0x200, $0x38;
	[tilespmem:$0x7120] =	vst v63  }
0xc5: {  	_ =	swait.ge [sflag:s16], $0x200  }
0xc6: {  	[sflag:s16] =	ssyncset.done $0x0  }
0xc7: {  	s4 =	rddreg [dreg:$0x7];
	[sflag:s16] =	ssyncadd.s32 $0xFFFFFE00  }
0xc8: {  	[tilespmem:s3], [sflag:$0x1] =	stream.linear.gather [hbm4b:s4+s3], $0x1400, $0x38;
	[tilespmem:$0x7120] =	vst v63  }
0xc9: {  	_ =	swait.ge [sflag:s16], $0x1400  }
0xca: {  	[sflag:s16] =	ssyncset.done $0x0  }
0xcb: {  	s4 =	simm.s32 $0x1400;
	s5 =	rddreg [dreg:$0x8];
	[sflag:s16] =	ssyncadd.s32 $0xFFFFEC00  }
0xcc: {  	[tilespmem:s4], [sflag:$0x1] =	stream.linear.gather [hbm4b:s5+s3], $0x1400, $0x38;
	[tilespmem:$0x7120] =	vst v63  }
0xcd: {  	_ =	swait.ge [sflag:s16], $0x1400  }
0xce: {  	[sflag:s16] =	ssyncset.done $0x0  }
0xcf: {  	s5 =	simm.s32 $0x2800;
	s6 =	rddreg [dreg:$0x9];
	[sflag:s16] =	ssyncadd.s32 $0xFFFFEC00  }
0xd0: {  	[tilespmem:s5], [sflag:$0x1] =	stream.linear.gather [hbm4b:s6+s3], $0x1400, $0x38;
	[tilespmem:$0x7120] =	vst v63  }
0xd1: {  	_ =	swait.ge [sflag:s16], $0x1400  }
0xd2: {  	[sflag:s16] =	ssyncset.done $0x0  }
0xd3: {  	s10 =	simm.s32 $0x3C00;
	s7 =	rddreg [dreg:$0xa];
	[sflag:s16] =	ssyncadd.s32 $0xFFFFEC00  }
0xd4: {  	[tilespmem:s10], [sflag:$0x1] =	stream.linear.gather [hbm4b:s7+s3], $0x1400, $0x38;
	[tilespmem:$0x7120] =	vst v63  }
0xd5: {  	_ =	swait.ge [sflag:s16], $0x1400  }
0xd6: {  	[sflag:s16] =	ssyncset.done $0x0  }
0xd7: {  	s9 =	simm.s32 $0x5000;
	[sflag:s16] =	ssyncadd.s32 $0xFFFFEC00  }
0xd8: {  	[tilespmem:s9], [sflag:$0x1] =	stream.linear.gather [hbm4b:s11+s3], $0x1400, $0x38;
	[tilespmem:$0x7120] =	vst v63  }
0xd9: {  	_ =	swait.ge [sflag:s16], $0x1400  }
0xda: {  	[sflag:s16] =	ssyncset.done $0x0  }
0xdb: {  	[sflag:s16] =	ssyncadd.s32 $0xFFFFEC00  }
0xdc: {  	[tilespmem:$0x6400] =	vst v1  }
0xdd: {  	[tilespmem:$0x6410] =	vst v1  }
0xde: {  	[tilespmem:$0x6420] =	vst v1  }
0xdf: {  	[tilespmem:$0x6430] =	vst v1  }
0xe0: {  	[tilespmem:$0x6440] =	vst v1  }
0xe1: {  	[tilespmem:$0x6450] =	vst v1  }
0xe2: {  	[tilespmem:$0x6460] =	vst v1  }
0xe3: {  	[tilespmem:$0x6470] =	vst v1  }
0xe4: {  	[tilespmem:$0x6480] =	vst v1  }
0xe5: {  	[tilespmem:$0x6490] =	vst v1  }
0xe6: {  	[tilespmem:$0x64A0] =	vst v1  }
0xe7: {  	[tilespmem:$0x64B0] =	vst v1  }
0xe8: {  	[tilespmem:$0x64C0] =	vst v1  }
0xe9: {  	[tilespmem:$0x64D0] =	vst v1  }
0xea: {  	[tilespmem:$0x64E0] =	vst v1  }
0xeb: {  	[tilespmem:$0x64F0] =	vst v1  }
0xec: {  	[tilespmem:$0x6500] =	vst v1  }
0xed: {  	[tilespmem:$0x6510] =	vst v1  }
0xee: {  	[tilespmem:$0x6520] =	vst v1  }
0xef: {  	[tilespmem:$0x6530] =	vst v1  }
0xf0: {  	[tilespmem:$0x6540] =	vst v1  }
0xf1: {  	[tilespmem:$0x6550] =	vst v1  }
0xf2: {  	[tilespmem:$0x6560] =	vst v1  }
0xf3: {  	[tilespmem:$0x6570] =	vst v1  }
0xf4: {  	[tilespmem:$0x6580] =	vst v1  }
0xf5: {  	[tilespmem:$0x6590] =	vst v1  }
0xf6: {  	[tilespmem:$0x65A0] =	vst v1  }
0xf7: {  	[tilespmem:$0x65B0] =	vst v1  }
0xf8: {  	[tilespmem:$0x65C0] =	vst v1  }
0xf9: {  	[tilespmem:$0x65D0] =	vst v1  }
0xfa: {  	[tilespmem:$0x65E0] =	vst v1  }
0xfb: {  	[tilespmem:$0x65F0] =	vst v1  }
0xfc: {  	[tilespmem:$0x6600] =	vst v1  }
0xfd: {  	[tilespmem:$0x6610] =	vst v1  }
0xfe: {  	[tilespmem:$0x6620] =	vst v1  }
0xff: {  	v6 =	vld [tilespmem:s3+$0x0];
	_ =	sdelay $0x3  }
0x100: {  	v4 =	vor.u32 s3, v0  }
0x101: {  	vm1 =	vlt.u32 v4, $0x1388;
	vm0 =	vgt.f32 v6, $5.000000070e-02  }
0x102: {  	vm0 =	vmand vm1, vm0  }
0x103: {  	v5 =	vsel vm0, $0x1, v2  }
0x104: {  	(xrf0) =	vadd.scan.msk.s32 $0xffff, v5  }
0x105: {  	p1 =	por $0x1, $0x1;
	s8 =	simm.s32 $0x0  }
0x106: {  	s8 =	simm.s32 @!p1 $0x200  }
0x107: {  	v5 =	vmov s8  }
0x108: {  	v5 =	vadd.s32 $0xFFFFFFFF, v5  }
0x109: {  	v5 =	vbroadcast v5, $0x0  }
0x10a: {  	v7, _, _ =	vpop (xrf0)  }
0x10b: {  	v5 =	vadd.s32 v7, v5  }
0x10c: {  	v5 =	vsel vm0, v5, v3;
	_ =	sdelay $0x3  }
0x10d: {  	v7 =	vxor.u32 $0x80000000, v7  }
0x10e: {  	(xrf0) =	vmax.scan.msk.u32 $0xffff, v7;
	[tilespmem:v5+s31+$0x0] =	vst.idx.msk $0xffff, v6  }
0x10f: {  	v6 =	vld [tilespmem:s4+$0x0];
	_ =	sdelay $0x4  }
0x110: {  	v7, _, _ =	vpop (xrf0);
	[tilespmem:v5+s30+$0x0] =	vst.idx.msk $0xffff, v6  }
0x111: {  	(v2sf) =	vpush v7, $0xF;
	v6 =	vld [tilespmem:s5+$0x0];
	_ =	sdelay $0x4  }
0x112: {  	[tilespmem:v5+s1+$0x0] =	vst.idx.msk $0xffff, v6  }
0x113: {  	v6 =	vld [tilespmem:s10+$0x0];
	_ =	sdelay $0x4  }
0x114: {  	[tilespmem:v5+s12+$0x0] =	vst.idx.msk $0xffff, v6  }
0x115: {  	v6 =	vld [tilespmem:s9+$0x0];
	_ =	sdelay $0x2  }
0x116: {  	s10 =	spop (v2sf)  }
0x117: {  	s6 =	simm.s32 $0x10;
	s7 =	sadd.s32 $0x0, s10  }
0x118: {  	s8 =	sadd.s32 $0x80000000, s7;
	s7 =	simm.s32 $0x3C10;
	s9 =	simm.s32 $0x5010;
	[tilespmem:v5+s13+$0x0] =	vst.idx.msk $0xffff, v6  }
.LBB2_4:
0x119: {  	[tilespmem:v5+s14+$0x0] =	vst.idx.msk $0xffff, v4;
	s3 =	sadd.s32 $0x10, s3;
	s4 =	sadd.s32 $0x10, s4;
	s5 =	sadd.s32 $0x10, s5  }
0x11a: {  	p1 =	sne.s32 s6, $0x1380;
	s10 =	smov.u32 s6;
	s6 =	sadd.s32 $0x10, s6;
	v6 =	vld [tilespmem:s3+$0x0]  }
0x11b: {  	_ =	sdelay $0x2  }
0x11c: {  	v4 =	vor.u32 s10, v0  }
0x11d: {  	vm1 =	vlt.u32 v4, $0x1388;
	vm0 =	vgt.f32 v6, $5.000000070e-02  }
0x11e: {  	vm0 =	vmand vm1, vm0  }
0x11f: {  	v5 =	vsel vm0, $0x1, v2  }
0x120: {  	(xrf0) =	vadd.scan.msk.s32 $0xffff, v5  }
0x121: {  	p2 =	slt.s32 s8, $0x200;
	s10 =	smov.u32 s8  }
0x122: {  	s10 =	simm.s32 @!p2 $0x200  }
0x123: {  	v5 =	vmov s10  }
0x124: {  	v5 =	vadd.s32 $0xFFFFFFFF, v5  }
0x125: {  	v5 =	vbroadcast v5, $0x0  }
0x126: {  	v7, _, _ =	vpop (xrf0)  }
0x127: {  	v5 =	vadd.s32 v7, v5;
	v7 =	vxor.u32 $0x80000000, v7  }
0x128: {  	v5 =	vsel vm0, v5, v3;
	(xrf0) =	vmax.scan.msk.u32 $0xffff, v7;
	_ =	sdelay $0x4  }
0x129: {  	[tilespmem:v5+s31+$0x0] =	vst.idx.msk $0xffff, v6  }
0x12a: {  	v6 =	vld [tilespmem:s4+$0x0];
	v7, _, _ =	vpop (xrf0)  }
0x12b: {  	(v2sf) =	vpush v7, $0xF;
	_ =	sdelay $0x3  }
0x12c: {  	[tilespmem:v5+s30+$0x0] =	vst.idx.msk $0xffff, v6  }
0x12d: {  	v6 =	vld [tilespmem:s5+$0x0];
	_ =	sdelay $0x4  }
0x12e: {  	[tilespmem:v5+s1+$0x0] =	vst.idx.msk $0xffff, v6  }
0x12f: {  	v6 =	vld [tilespmem:s7+$0x0];
	_ =	sdelay $0x3  }
0x130: {  	s10 =	spop (v2sf)  }
0x131: {  	[tilespmem:v5+s12+$0x0] =	vst.idx.msk $0xffff, v6;
	s8 =	sadd.s32 s10, s8  }
0x132: {  	v6 =	vld [tilespmem:s9+$0x0];
	s8 =	sadd.s32 $0x80000000, s8  }
.Ltmp3:
0x133: {  	(pc) =	sbr.rel @p1 .LBB2_4-.Ltmp3, $2  }
0x134: {  	_ =	sdelay $0x2  }
0x135: {  	s7 =	sadd.s32 $0x10, s7;
	s9 =	sadd.s32 $0x10, s9;
	[tilespmem:v5+s13+$0x0] =	vst.idx.msk $0xffff, v6  }
0x136: {  	_ =	sdelay $0x3  }
0x137: {  	[tilespmem:v5+s14+$0x0] =	vst.idx.msk $0xffff, v4  }
0x138: {  	[hbm4b:s23+s0] =	stream.linear.scatter [tilespmem:s31], [sflag:$0x1], $0x200, $0x38;
	[tilespmem:$0x7120] =	vst v63  }
0x139: {  	_ =	swait.ge [sflag:s16], $0x200  }
0x13a: {  	[sflag:s16] =	ssyncset.done $0x0  }
0x13b: {  	[sflag:s16] =	ssyncadd.s32 $0xFFFFFE00  }
0x13c: {  	[hbm4b:s24+s0] =	stream.linear.scatter [tilespmem:s30], [sflag:$0x1], $0x200, $0x38;
	[tilespmem:$0x7120] =	vst v63  }
0x13d: {  	_ =	swait.ge [sflag:s16], $0x200  }
0x13e: {  	[sflag:s16] =	ssyncset.done $0x0  }
0x13f: {  	[sflag:s16] =	ssyncadd.s32 $0xFFFFFE00  }
0x140: {  	[hbm4b:s25+s0] =	stream.linear.scatter [tilespmem:s1], [sflag:$0x1], $0x200, $0x38;
	[tilespmem:$0x7120] =	vst v63  }
0x141: {  	_ =	swait.ge [sflag:s16], $0x200  }
0x142: {  	[sflag:s16] =	ssyncset.done $0x0  }
0x143: {  	[sflag:s16] =	ssyncadd.s32 $0xFFFFFE00  }
0x144: {  	[hbm4b:s26+s0] =	stream.linear.scatter [tilespmem:s12], [sflag:$0x1], $0x200, $0x38;
	[tilespmem:$0x7120] =	vst v63  }
0x145: {  	_ =	swait.ge [sflag:s16], $0x200  }
0x146: {  	[sflag:s16] =	ssyncset.done $0x0  }
0x147: {  	[sflag:s16] =	ssyncadd.s32 $0xFFFFFE00  }
0x148: {  	[hbm4b:s28+s0] =	stream.linear.scatter [tilespmem:s13], [sflag:$0x1], $0x200, $0x38;
	[tilespmem:$0x7120] =	vst v63  }
0x149: {  	_ =	swait.ge [sflag:s16], $0x200  }
0x14a: {  	[sflag:s16] =	ssyncset.done $0x0  }
.Ltmp4:
0x14b: {  	[sflag:s16] =	ssyncadd.s32 $0xFFFFFE00;
	(pc) =	sbr.rel @p0 .LBB2_9-.Ltmp4, $4  }
0x14c: {  	[hbm4b:s29+s0] =	stream.linear.scatter [tilespmem:s14], [sflag:$0x1], $0x200, $0x38;
	[tilespmem:$0x7120] =	vst v63  }
0x14d: {  	_ =	swait.ge [sflag:s16], $0x200  }
0x14e: {  	[sflag:s16] =	ssyncset.done $0x0  }
0x14f: {  	[sflag:s16] =	ssyncadd.s32 $0xFFFFFE00  }
0x150: {  	s3 =	simm.s32 $0x0;
	s4 =	rddreg [dreg:$0xb]  }
0x151: {  	[tilespmem:s3], [sflag:$0x1] =	stream.linear.gather [hbm4b:s4+s3], $0x1400, $0x38;
	[tilespmem:$0x7120] =	vst v63  }
0x152: {  	_ =	swait.ge [sflag:s16], $0x1400  }
0x153: {  	[sflag:s16] =	ssyncset.done $0x0  }
0x154: {  	s4 =	simm.s32 $0x1400;
	s5 =	rddreg [dreg:$0xc];
	[sflag:s16] =	ssyncadd.s32 $0xFFFFEC00  }
0x155: {  	[tilespmem:s4], [sflag:$0x1] =	stream.linear.gather [hbm4b:s5+s3], $0x1400, $0x38;
	[tilespmem:$0x7120] =	vst v63  }
0x156: {  	_ =	swait.ge [sflag:s16], $0x1400  }
0x157: {  	[sflag:s16] =	ssyncset.done $0x0  }
0x158: {  	s5 =	simm.s32 $0x2800;
	s6 =	rddreg [dreg:$0xd];
	[sflag:s16] =	ssyncadd.s32 $0xFFFFEC00  }
0x159: {  	[tilespmem:s5], [sflag:$0x1] =	stream.linear.gather [hbm4b:s6+s3], $0x1400, $0x38;
	[tilespmem:$0x7120] =	vst v63  }
0x15a: {  	_ =	swait.ge [sflag:s16], $0x1400  }
0x15b: {  	[sflag:s16] =	ssyncset.done $0x0  }
0x15c: {  	s10 =	simm.s32 $0x3C00;
	s7 =	rddreg [dreg:$0xe];
	[sflag:s16] =	ssyncadd.s32 $0xFFFFEC00  }
0x15d: {  	[tilespmem:s10], [sflag:$0x1] =	stream.linear.gather [hbm4b:s7+s3], $0x1400, $0x38;
	[tilespmem:$0x7120] =	vst v63  }
0x15e: {  	_ =	swait.ge [sflag:s16], $0x1400  }
0x15f: {  	[sflag:s16] =	ssyncset.done $0x0  }
0x160: {  	s9 =	simm.s32 $0x5000;
	s8 =	rddreg [dreg:$0xf];
	[sflag:s16] =	ssyncadd.s32 $0xFFFFEC00  }
0x161: {  	[tilespmem:s9], [sflag:$0x1] =	stream.linear.gather [hbm4b:s8+s3], $0x1400, $0x38;
	[tilespmem:$0x7120] =	vst v63  }
0x162: {  	_ =	swait.ge [sflag:s16], $0x1400  }
0x163: {  	[sflag:s16] =	ssyncset.done $0x0  }
0x164: {  	[sflag:s16] =	ssyncadd.s32 $0xFFFFEC00  }
0x165: {  	[tilespmem:$0x6400] =	vst v1  }
0x166: {  	[tilespmem:$0x6410] =	vst v1  }
0x167: {  	[tilespmem:$0x6420] =	vst v1  }
0x168: {  	[tilespmem:$0x6430] =	vst v1  }
0x169: {  	[tilespmem:$0x6440] =	vst v1  }
0x16a: {  	[tilespmem:$0x6450] =	vst v1  }
0x16b: {  	[tilespmem:$0x6460] =	vst v1  }
0x16c: {  	[tilespmem:$0x6470] =	vst v1  }
0x16d: {  	[tilespmem:$0x6480] =	vst v1  }
0x16e: {  	[tilespmem:$0x6490] =	vst v1  }
0x16f: {  	[tilespmem:$0x64A0] =	vst v1  }
0x170: {  	[tilespmem:$0x64B0] =	vst v1  }
0x171: {  	[tilespmem:$0x64C0] =	vst v1  }
0x172: {  	[tilespmem:$0x64D0] =	vst v1  }
0x173: {  	[tilespmem:$0x64E0] =	vst v1  }
0x174: {  	[tilespmem:$0x64F0] =	vst v1  }
0x175: {  	[tilespmem:$0x6500] =	vst v1  }
0x176: {  	[tilespmem:$0x6510] =	vst v1  }
0x177: {  	[tilespmem:$0x6520] =	vst v1  }
0x178: {  	[tilespmem:$0x6530] =	vst v1  }
0x179: {  	[tilespmem:$0x6540] =	vst v1  }
0x17a: {  	[tilespmem:$0x6550] =	vst v1  }
0x17b: {  	[tilespmem:$0x6560] =	vst v1  }
0x17c: {  	[tilespmem:$0x6570] =	vst v1  }
0x17d: {  	[tilespmem:$0x6580] =	vst v1  }
0x17e: {  	[tilespmem:$0x6590] =	vst v1  }
0x17f: {  	[tilespmem:$0x65A0] =	vst v1  }
0x180: {  	[tilespmem:$0x65B0] =	vst v1  }
0x181: {  	[tilespmem:$0x65C0] =	vst v1  }
0x182: {  	[tilespmem:$0x65D0] =	vst v1  }
0x183: {  	[tilespmem:$0x65E0] =	vst v1  }
0x184: {  	[tilespmem:$0x65F0] =	vst v1  }
0x185: {  	[tilespmem:$0x6600] =	vst v1  }
0x186: {  	[tilespmem:$0x6610] =	vst v1  }
0x187: {  	[tilespmem:$0x6620] =	vst v1  }
0x188: {  	v6 =	vld [tilespmem:s3+$0x0];
	_ =	sdelay $0x3  }
0x189: {  	v4 =	vor.u32 s3, v0  }
0x18a: {  	vm1 =	vlt.u32 v4, $0x1388;
	vm0 =	vgt.f32 v6, $5.000000070e-02  }
0x18b: {  	vm0 =	vmand vm1, vm0  }
0x18c: {  	v5 =	vsel vm0, $0x1, v2  }
0x18d: {  	(xrf0) =	vadd.scan.msk.s32 $0xffff, v5  }
0x18e: {  	p1 =	por $0x1, $0x1;
	s8 =	simm.s32 $0x0  }
0x18f: {  	s8 =	simm.s32 @!p1 $0x200  }
0x190: {  	v5 =	vmov s8  }
0x191: {  	v5 =	vadd.s32 $0xFFFFFFFF, v5  }
0x192: {  	v5 =	vbroadcast v5, $0x0  }
0x193: {  	v7, _, _ =	vpop (xrf0)  }
0x194: {  	v5 =	vadd.s32 v7, v5  }
0x195: {  	v5 =	vsel vm0, v5, v3;
	_ =	sdelay $0x3  }
0x196: {  	v7 =	vxor.u32 $0x80000000, v7  }
0x197: {  	(xrf0) =	vmax.scan.msk.u32 $0xffff, v7;
	[tilespmem:v5+s31+$0x0] =	vst.idx.msk $0xffff, v6  }
0x198: {  	v6 =	vld [tilespmem:s4+$0x0];
	_ =	sdelay $0x4  }
0x199: {  	v7, _, _ =	vpop (xrf0);
	[tilespmem:v5+s30+$0x0] =	vst.idx.msk $0xffff, v6  }
0x19a: {  	(v2sf) =	vpush v7, $0xF;
	v6 =	vld [tilespmem:s5+$0x0];
	_ =	sdelay $0x4  }
0x19b: {  	[tilespmem:v5+s1+$0x0] =	vst.idx.msk $0xffff, v6  }
0x19c: {  	v6 =	vld [tilespmem:s10+$0x0];
	_ =	sdelay $0x4  }
0x19d: {  	[tilespmem:v5+s12+$0x0] =	vst.idx.msk $0xffff, v6  }
0x19e: {  	v6 =	vld [tilespmem:s9+$0x0];
	_ =	sdelay $0x2  }
0x19f: {  	s10 =	spop (v2sf)  }
0x1a0: {  	s6 =	simm.s32 $0x10;
	s7 =	sadd.s32 $0x0, s10  }
0x1a1: {  	s8 =	sadd.s32 $0x80000000, s7;
	s7 =	simm.s32 $0x3C10;
	s9 =	simm.s32 $0x5010;
	[tilespmem:v5+s13+$0x0] =	vst.idx.msk $0xffff, v6  }
.LBB2_7:
0x1a2: {  	[tilespmem:v5+s14+$0x0] =	vst.idx.msk $0xffff, v4;
	s3 =	sadd.s32 $0x10, s3;
	s4 =	sadd.s32 $0x10, s4;
	s5 =	sadd.s32 $0x10, s5  }
0x1a3: {  	p1 =	sne.s32 s6, $0x1380;
	s10 =	smov.u32 s6;
	s6 =	sadd.s32 $0x10, s6;
	v6 =	vld [tilespmem:s3+$0x0]  }
0x1a4: {  	_ =	sdelay $0x2  }
0x1a5: {  	v4 =	vor.u32 s10, v0  }
0x1a6: {  	vm1 =	vlt.u32 v4, $0x1388;
	vm0 =	vgt.f32 v6, $5.000000070e-02  }
0x1a7: {  	vm0 =	vmand vm1, vm0  }
0x1a8: {  	v5 =	vsel vm0, $0x1, v2  }
0x1a9: {  	(xrf0) =	vadd.scan.msk.s32 $0xffff, v5  }
0x1aa: {  	p2 =	slt.s32 s8, $0x200;
	s10 =	smov.u32 s8  }
0x1ab: {  	s10 =	simm.s32 @!p2 $0x200  }
0x1ac: {  	v5 =	vmov s10  }
0x1ad: {  	v5 =	vadd.s32 $0xFFFFFFFF, v5  }
0x1ae: {  	v5 =	vbroadcast v5, $0x0  }
0x1af: {  	v7, _, _ =	vpop (xrf0)  }
0x1b0: {  	v5 =	vadd.s32 v7, v5;
	v7 =	vxor.u32 $0x80000000, v7  }
0x1b1: {  	v5 =	vsel vm0, v5, v3;
	(xrf0) =	vmax.scan.msk.u32 $0xffff, v7;
	_ =	sdelay $0x4  }
0x1b2: {  	[tilespmem:v5+s31+$0x0] =	vst.idx.msk $0xffff, v6  }
0x1b3: {  	v6 =	vld [tilespmem:s4+$0x0];
	v7, _, _ =	vpop (xrf0)  }
0x1b4: {  	(v2sf) =	vpush v7, $0xF;
	_ =	sdelay $0x3  }
0x1b5: {  	[tilespmem:v5+s30+$0x0] =	vst.idx.msk $0xffff, v6  }
0x1b6: {  	v6 =	vld [tilespmem:s5+$0x0];
	_ =	sdelay $0x4  }
0x1b7: {  	[tilespmem:v5+s1+$0x0] =	vst.idx.msk $0xffff, v6  }
0x1b8: {  	v6 =	vld [tilespmem:s7+$0x0];
	_ =	sdelay $0x3  }
0x1b9: {  	s10 =	spop (v2sf)  }
0x1ba: {  	[tilespmem:v5+s12+$0x0] =	vst.idx.msk $0xffff, v6;
	s8 =	sadd.s32 s10, s8  }
0x1bb: {  	v6 =	vld [tilespmem:s9+$0x0];
	s8 =	sadd.s32 $0x80000000, s8  }
.Ltmp5:
0x1bc: {  	(pc) =	sbr.rel @p1 .LBB2_7-.Ltmp5, $2  }
0x1bd: {  	_ =	sdelay $0x2  }
0x1be: {  	s7 =	sadd.s32 $0x10, s7;
	s9 =	sadd.s32 $0x10, s9;
	[tilespmem:v5+s13+$0x0] =	vst.idx.msk $0xffff, v6  }
.Ltmp6:
0x1bf: {  	_ = 	snop;
	(pc) =	sbr.rel .LBB2_8-.Ltmp6, $1  }
0x1c0: {  	_ =	sdelay $0x3  }
.LBB2_10:
0x1c1: {  	_ =	sfence.sel $0x180000  }
0x1c2: {  	[bflag:$0x0] =	sbarrier.arrive $0xFFFF  }
0x1c3: {  	_ =	strace $0x90000047  }
0x1c4: {  	s0 =	stileid.u32;
	[bflag:$0x2] =	sbarrier.arrive $0xFFFF  }
0x1c5: {  	p0 =	sne.s32 s0, $0x0;
	s0 =	rddreg [dreg:$0x1]  }
0x1c6: {  	s0 =	sadd.s32 @!p0 $0x100000, s0  }
0x1c7: {  	[sflag:s0] =	ssyncadd.tile.s32 @!p0 $0x1;
	_ =	shalt  }
.Lfunc_end2:
_tile_overlayer_lowered:
.L_overlay_start_2:
0x1c8: {  	(tag) =	ssettag $0x2  }
0x1c9: {  	s0 =	rddreg [dreg:$0x0];
	s2 =	stileid.u32  }
0x1ca: {  	s1 =	rddreg [dreg:$0x1];
	p0 =	sne.s32 s2, $0x0  }
0x1cb: {  	s3 =	rddreg [dreg:$0x2];
	[bflag:$0x3] =	sbarrier.arrive $0xFFFF;
	s2 =	simm.s32 @!p0 $0x1C01  }
0x1cc: {  	[timem:s3], [sflag:s2] =	dma.local @!p0 [hbm:s0], s1  }
0x1cd: {  	s0 =	simm.s32 @!p0 $0x1  }
0x1ce: {  	_ =	swait.ge @!p0 [sflag:s0], s1  }
0x1cf: {  	s1 =	ssub.s32 @!p0 $0x0, s1;
	[sflag:s0] =	ssyncset.done @!p0 $0x0  }
0x1d0: {  	[sflag:s0] =	ssyncadd.s32 @!p0 s1  }
0x1d1: {  	[bflag:$0x3] =	sbarrier.arrive $0xFFFF  }
0x1d2: {  	_ =	shalt  }

</sc_bundles>
